<compile_context>
chip_gen: v7x
topology: tpu7x:2x2x1
jax: 0.10.2.dev20260603
libtpu: 0.0.44.dev20260713+nightly
codegen_flags: <defaults>
</compile_context>

<pallas_src>
import functools

import jax
import jax.numpy as jnp
from jax import lax
from jax.experimental import pallas as pl
from jax.experimental.pallas import tpu as pltpu
from jax.experimental.pallas import tpu_sc as plsc

N_NODES = 10000
N_EDGES = 320000
IN_DIM = 128
HID_DIM = 64
OUT_DIM = 128

NC = 2
NS = 16
NW = NC * NS
EPW = N_EDGES // NW
B = 125
NB = EPW // B
NBUF = 8
NPAD = 10240
RPS = NPAD // NS
DEG_W = 8

@functools.lru_cache(maxsize=None)
def _mesh():
    return plsc.VectorSubcoreMesh(
        core_axis_name="c", subcore_axis_name="s", num_cores=NC, num_subcores=NS
    )


def _deg_body(dst_hbm, ones_hbm, zeros_hbm, out_hbm,
              didx, ones_v, ssem, acc_sh, psem):
    c = lax.axis_index("c")
    s = lax.axis_index("s")
    wid = c * NS + s
    zdesc = pltpu.make_async_copy(
        zeros_hbm.at[pl.ds(s * RPS, RPS)], acc_sh.at[pl.ds(s * RPS, RPS)], psem
    )
    zdesc.start()
    pltpu.sync_copy(dst_hbm.at[wid], didx)
    pltpu.sync_copy(ones_hbm, ones_v)
    zdesc.wait()
    plsc.subcore_barrier()

    def scat(b, k):
        return pltpu.make_async_copy(ones_v, acc_sh.at[didx.at[b]], ssem[k])

    for k in range(NBUF):
        scat(k, k).start(add=True)

    def body(g, carry):
        for k in range(NBUF):
            b = g * NBUF + k
            scat(b, k).wait()
            scat(b + NBUF, k).start(add=True)
        return carry

    lax.fori_loop(0, NB // NBUF - 1, body, 0)
    for k in range(NBUF):
        scat(NB - NBUF + k, k).wait()
    plsc.subcore_barrier()
    pltpu.sync_copy(
        acc_sh.at[pl.ds(s * RPS, RPS)], out_hbm.at[c, pl.ds(s * RPS, RPS)]
    )


@functools.lru_cache(maxsize=None)
def _deg_kernel():
    return pl.kernel(
        _deg_body,
        out_type=jax.ShapeDtypeStruct((NC, NPAD, DEG_W), jnp.float32),
        mesh=_mesh(),
        scratch_types=[
            pltpu.VMEM((NB, B), jnp.int32),
            pltpu.VMEM((B, DEG_W), jnp.float32),
            tuple(pltpu.SemaphoreType.DMA for _ in range(NBUF)),
            pltpu.VMEM_SHARED((NPAD, DEG_W), jnp.float32),
            pltpu.SemaphoreType.DMA,
        ],
        compiler_params=pltpu.CompilerParams(use_tc_tiling_on_sc=False),
    )


def _make_agg(feat):
    def _agg_body(h_hbm, src_hbm, dst_hbm, zeros_hbm, out_hbm,
                  sidx, didx, rows, gsem, ssem, acc_sh, psem):
        c = lax.axis_index("c")
        s = lax.axis_index("s")
        wid = c * NS + s
        zdesc = pltpu.make_async_copy(
            zeros_hbm.at[pl.ds(s * RPS, RPS)],
            acc_sh.at[pl.ds(s * RPS, RPS)], psem
        )
        zdesc.start()
        pltpu.sync_copy(src_hbm.at[wid], sidx)
        pltpu.sync_copy(dst_hbm.at[wid], didx)
        zdesc.wait()
        plsc.subcore_barrier()

        def gat(b, k):
            return pltpu.make_async_copy(h_hbm.at[sidx.at[b]], rows[k], gsem[k])

        def scat(b, k):
            return pltpu.make_async_copy(rows[k], acc_sh.at[didx.at[b]], ssem[k])

        for k in range(NBUF):
            gat(k, k).start()

        def body(g, carry):
            for k in range(NBUF):
                b = g * NBUF + k
                gat(b, k).wait()
                scat(b, k).start(add=True)
            for k in range(NBUF):
                b = g * NBUF + k
                scat(b, k).wait()

                @pl.when(b + NBUF < NB)
                def _():
                    gat(b + NBUF, k).start()
            return carry

        lax.fori_loop(0, NB // NBUF, body, 0)
        plsc.subcore_barrier()
        pltpu.sync_copy(
            acc_sh.at[pl.ds(s * RPS, RPS)],
            out_hbm.at[c, pl.ds(s * RPS, RPS), pl.ds(0, feat)],
        )

    return pl.kernel(
        _agg_body,
        out_type=jax.ShapeDtypeStruct((NC, NPAD, 2 * feat), jnp.float32),
        mesh=_mesh(),
        scratch_types=[
            pltpu.VMEM((NB, B), jnp.int32),
            pltpu.VMEM((NB, B), jnp.int32),
            tuple(pltpu.VMEM((B, feat), jnp.float32) for _ in range(NBUF)),
            tuple(pltpu.SemaphoreType.DMA for _ in range(NBUF)),
            tuple(pltpu.SemaphoreType.DMA for _ in range(NBUF)),
            pltpu.VMEM_SHARED((NPAD, feat), jnp.float32),
            pltpu.SemaphoreType.DMA,
        ],
        compiler_params=pltpu.CompilerParams(use_tc_tiling_on_sc=False),
    )


_make_agg = functools.lru_cache(maxsize=None)(_make_agg)


def _mm_scale_body(x_ref, w_ref, dp_ref, o_ref, d_ref):
    dp = dp_ref[...]
    deg = dp[0, :N_NODES, :1] + dp[1, :N_NODES, :1] + 1.0
    dinv = lax.rsqrt(deg)
    h = jnp.dot(x_ref[...], w_ref[...], preferred_element_type=jnp.float32)
    h1s = h * dinv
    o_ref[...] = jnp.concatenate([h1s, jnp.zeros_like(h1s)], axis=1)
    d_ref[...] = jnp.broadcast_to(dinv, (N_NODES, OUT_DIM))


def _mid_body(agg_ref, hs_ref, dv_ref, b_ref, g_ref, bt_ref, w_ref, o_ref):
    dinv = dv_ref[:, :1]
    agg = agg_ref[...]
    acc = (agg[0, :N_NODES, :HID_DIM] + agg[1, :N_NODES, :HID_DIM]
           + hs_ref[:, :HID_DIM])
    pre = acc * dinv + b_ref[...]
    mu = jnp.mean(pre, axis=0, keepdims=True)
    var = jnp.mean((pre - mu) ** 2, axis=0, keepdims=True)
    bn = (pre - mu) * lax.rsqrt(var + 1e-5) * g_ref[...] + bt_ref[...]
    r = jnp.maximum(bn, 0.0)
    h2 = jnp.dot(r, w_ref[...], preferred_element_type=jnp.float32)
    o_ref[...] = h2 * dinv


def _final_body(agga_ref, aggb_ref, hs_ref, dv_ref,
                b_ref, g_ref, bt_ref, o_ref):
    dinv = dv_ref[:, :1]
    acc = jnp.concatenate(
        [agga_ref[0, :N_NODES, :HID_DIM] + agga_ref[1, :N_NODES, :HID_DIM],
         aggb_ref[0, :N_NODES, :HID_DIM] + aggb_ref[1, :N_NODES, :HID_DIM]],
        axis=1,
    ) + hs_ref[...]
    pre = acc * dinv + b_ref[...]
    mu = jnp.mean(pre, axis=0, keepdims=True)
    var = jnp.mean((pre - mu) ** 2, axis=0, keepdims=True)
    o_ref[...] = (pre - mu) * lax.rsqrt(var + 1e-5) * g_ref[...] + bt_ref[...]


def kernel(x, edge_index, W1, b1, g1, bt1, W2, b2, g2, bt2):
    dst = edge_index[1].reshape(NW, NB, B)
    src_a = (2 * edge_index[0]).reshape(NW, NB, B)
    src_b = src_a + 1
    ones8 = jnp.ones((B, DEG_W), jnp.float32)
    zeros8 = jnp.zeros((NPAD, DEG_W), jnp.float32)
    zeros64 = jnp.zeros((NPAD, HID_DIM), jnp.float32)

    deg_parts = _deg_kernel()(dst, ones8, zeros8)

    h1s, dinv_b = pl.pallas_call(
        _mm_scale_body,
        out_shape=(jax.ShapeDtypeStruct((N_NODES, OUT_DIM), jnp.float32),
                   jax.ShapeDtypeStruct((N_NODES, OUT_DIM), jnp.float32)),
    )(x, W1, deg_parts)

    agg = _make_agg(HID_DIM)
    agg1 = agg(h1s.reshape(2 * N_NODES, HID_DIM), src_a, dst, zeros64)

    h2s = pl.pallas_call(
        _mid_body,
        out_shape=jax.ShapeDtypeStruct((N_NODES, OUT_DIM), jnp.float32),
    )(agg1, h1s, dinv_b, b1.reshape(1, -1), g1.reshape(1, -1),
      bt1.reshape(1, -1), W2)

    h2v = h2s.reshape(2 * N_NODES, HID_DIM)
    agg2a = agg(h2v, src_a, dst, zeros64)
    agg2b = agg(h2v, src_b, dst, zeros64)

    out = pl.pallas_call(
        _final_body,
        out_shape=jax.ShapeDtypeStruct((N_NODES, OUT_DIM), jnp.float32),
    )(agg2a, agg2b, h2s, dinv_b, b2.reshape(1, -1),
      g2.reshape(1, -1), bt2.reshape(1, -1))

    return out

# --- scband reference (transcript-rebuilt; emitter-appended) ---
"""Pipeline reference for scband-gnnencoder-47090021433539 (READ-ONLY COPY).

The authoritative reference and input builder live on the scoring server;
editing this copy changes nothing except your own understanding.
"""

import jax, jax.numpy as jnp
import numpy as np

N_NODES = 10000
N_EDGES = 320000
IN_DIM = 128
HID_DIM = 64
OUT_DIM = 128


def setup_inputs(seed: int = 0) -> dict:
    key = jax.random.key(seed)
    ks = jax.random.split(key, 8)
    x = jax.random.normal(ks[0], (N_NODES, IN_DIM), dtype=jnp.float32)
    edge_index = jax.random.randint(ks[1], (2, N_EDGES), 0, N_NODES, dtype=jnp.int64 if jax.config.jax_enable_x64 else jnp.int32).astype(jnp.int32)
    W1 = jax.random.normal(ks[2], (IN_DIM, HID_DIM), dtype=jnp.float32) * 0.05
    b1 = jnp.zeros((HID_DIM,), dtype=jnp.float32)
    g1 = jnp.ones((HID_DIM,), dtype=jnp.float32)
    bt1 = jnp.zeros((HID_DIM,), dtype=jnp.float32)
    W2 = jax.random.normal(ks[3], (HID_DIM, OUT_DIM), dtype=jnp.float32) * 0.05
    b2 = jnp.zeros((OUT_DIM,), dtype=jnp.float32)
    g2 = jnp.ones((OUT_DIM,), dtype=jnp.float32)
    bt2 = jnp.zeros((OUT_DIM,), dtype=jnp.float32)
    return {"x": x, "edge_index": edge_index, "W1": W1, "b1": b1, "g1": g1, "bt1": bt1, "W2": W2, "b2": b2, "g2": g2, "bt2": bt2}


def _gcn_conv(x, edge_index, W, b):
    # PyG GCNConv: x' = W x; add self-loops; sym-normalized scatter-add aggregation; + bias
    h = x @ W
    loop = jnp.arange(N_NODES, dtype=edge_index.dtype)
    src = jnp.concatenate([edge_index[0], loop])
    dst = jnp.concatenate([edge_index[1], loop])
    deg = jnp.zeros((N_NODES,), dtype=h.dtype).at[dst].add(1.0)
    dinv = jnp.where(deg > 0, 1.0 / jnp.sqrt(deg), 0.0)
    norm = dinv[src] * dinv[dst]
    msg = h[src] * norm[:, None]
    out = jnp.zeros((N_NODES, h.shape[1]), dtype=h.dtype).at[dst].add(msg)
    return out + b


def _batchnorm(x, g, bt, eps=1e-5):
    # BatchNorm1d in training mode: batch stats with biased variance
    mu = jnp.mean(x, axis=0)
    var = jnp.var(x, axis=0)
    return (x - mu) / jnp.sqrt(var + eps) * g + bt


def reference(x, edge_index, W1, b1, g1, bt1, W2, b2, g2, bt2):
    h = _gcn_conv(x, edge_index, W1, b1)
    h = _batchnorm(h, g1, bt1)
    h = jax.nn.relu(h)  # dropout p=0.0 is identity
    h = _gcn_conv(h, edge_index, W2, b2)
    h = _batchnorm(h, g2, bt2)
    return h

if __name__ == "__main__":
    import jax
    _d = setup_inputs()
    print(jax.jit(kernel)(*tuple(_d.values())))

</pallas_src>

<mosaic_0001>
#map = affine_map<(d0, d1) -> (0, 0, 0)>
#map1 = affine_map<(d0, d1) -> (0, 0)>
module attributes {stable_mosaic.version = 14 : i64} {
  func.func @_deg_body(%arg0: i32, %arg1: i32, %arg2: memref<32x80x125xi32, #tpu.memory_space<hbm>>, %arg3: memref<125x8xf32, #tpu.memory_space<hbm>>, %arg4: memref<10240x8xf32, #tpu.memory_space<hbm>>, %arg5: memref<2x10240x8xf32, #tpu.memory_space<hbm>>, %arg6: memref<80x125xi32, #tpu.memory_space<vmem>>, %arg7: memref<125x8xf32, #tpu.memory_space<vmem>>, %arg8: memref<!tpu.dma_semaphore, #tpu.memory_space<semaphore_mem>>, %arg9: memref<!tpu.dma_semaphore, #tpu.memory_space<semaphore_mem>>, %arg10: memref<!tpu.dma_semaphore, #tpu.memory_space<semaphore_mem>>, %arg11: memref<!tpu.dma_semaphore, #tpu.memory_space<semaphore_mem>>, %arg12: memref<!tpu.dma_semaphore, #tpu.memory_space<semaphore_mem>>, %arg13: memref<!tpu.dma_semaphore, #tpu.memory_space<semaphore_mem>>, %arg14: memref<!tpu.dma_semaphore, #tpu.memory_space<semaphore_mem>>, %arg15: memref<!tpu.dma_semaphore, #tpu.memory_space<semaphore_mem>>, %arg16: memref<10240x8xf32, #tpu.memory_space<vmem_shared>>, %arg17: memref<!tpu.dma_semaphore, #tpu.memory_space<semaphore_mem>>) attributes {dimension_semantics = [#tpu.dimension_semantics<core_parallel>, #tpu.dimension_semantics<subcore_parallel>], iteration_bounds = array<i64: 2, 16>, scalar_prefetch = 0 : i64, scratch_operands = 12 : i64, tpu.core_type = #tpu.core_type<sc_vector_subcore>, window_params = [{transform_indices = #map}, {transform_indices = #map1}, {transform_indices = #map1}, {transform_indices = #map}]} {
    %mul3A = arith.constant 16 : i32
    %mul3A_0 = arith.muli %arg0, %mul3A : i32
    %add3A = arith.addi %mul3A_0, %arg1 : i32
    %mul3A_1 = arith.constant 640 : i32
    %mul3A_2 = arith.muli %arg1, %mul3A_1 : i32
    %mul3A_3 = arith.constant 640 : i32
    %mul3A_4 = arith.muli %arg1, %mul3A_3 : i32
    %dma_start3A = arith.constant 0 : i32
    %dma_start3A_5 = tpu.memref_slice %arg16[%mul3A_4, %dma_start3A] : memref<10240x8xf32, #tpu.memory_space<vmem_shared>> -> memref<640x8xf32, #tpu.memory_space<vmem_shared>>
    %dma_start3A_6 = arith.constant 0 : i32
    %dma_start3A_7 = tpu.memref_slice %arg4[%mul3A_2, %dma_start3A_6] : memref<10240x8xf32, #tpu.memory_space<hbm>> -> memref<640x8xf32, #tpu.memory_space<hbm>>
    tpu.enqueue_dma source(%dma_start3A_7 : memref<640x8xf32, #tpu.memory_space<hbm>>) target(%dma_start3A_5 : memref<640x8xf32, #tpu.memory_space<vmem_shared>>) target_semaphore(%arg17 : memref<!tpu.dma_semaphore, #tpu.memory_space<semaphore_mem>>)
    "tpu.region"() ({
      %run_scoped3A = tpu.sem_alloc : memref<!tpu.dma_semaphore, #tpu.memory_space<semaphore_mem>>
      %dma_start3A_133 = arith.constant 0 : i32
      %dma_start3A_134 = arith.constant 0 : i32
      %dma_start3A_135 = tpu.memref_slice %arg2[%add3A, %dma_start3A_133, %dma_start3A_134] : memref<32x80x125xi32, #tpu.memory_space<hbm>> -> memref<1x80x125xi32, #tpu.memory_space<hbm>>
      %dma_start3A_136 = tpu.memref_squeeze %dma_start3A_135 : memref<1x80x125xi32, #tpu.memory_space<hbm>> -> memref<80x125xi32, #tpu.memory_space<hbm>>
      %dma_start3A_137 = arith.constant 0 : i32
      %dma_start3A_138 = arith.constant 0 : i32
      %dma_start3A_139 = tpu.memref_slice %arg2[%add3A, %dma_start3A_137, %dma_start3A_138] : memref<32x80x125xi32, #tpu.memory_space<hbm>> -> memref<1x80x125xi32, #tpu.memory_space<hbm>>
      %dma_start3A_140 = tpu.memref_squeeze %dma_start3A_139 : memref<1x80x125xi32, #tpu.memory_space<hbm>> -> memref<80x125xi32, #tpu.memory_space<hbm>>
      tpu.enqueue_dma source(%dma_start3A_140 : memref<80x125xi32, #tpu.memory_space<hbm>>) target(%arg6 : memref<80x125xi32, #tpu.memory_space<vmem>>) target_semaphore(%run_scoped3A : memref<!tpu.dma_semaphore, #tpu.memory_space<semaphore_mem>>)
      %dma_wait3A_141 = arith.constant 0 : i32
      %dma_wait3A_142 = arith.constant 0 : i32
      %dma_wait3A_143 = tpu.memref_slice %arg2[%add3A, %dma_wait3A_141, %dma_wait3A_142] : memref<32x80x125xi32, #tpu.memory_space<hbm>> -> memref<1x80x125xi32, #tpu.memory_space<hbm>>
      %dma_wait3A_144 = tpu.memref_squeeze %dma_wait3A_143 : memref<1x80x125xi32, #tpu.memory_space<hbm>> -> memref<80x125xi32, #tpu.memory_space<hbm>>
      %dma_wait3A_145 = arith.constant 0 : i32
      %dma_wait3A_146 = arith.constant 0 : i32
      %dma_wait3A_147 = tpu.memref_slice %arg2[%add3A, %dma_wait3A_145, %dma_wait3A_146] : memref<32x80x125xi32, #tpu.memory_space<hbm>> -> memref<1x80x125xi32, #tpu.memory_space<hbm>>
      %dma_wait3A_148 = tpu.memref_squeeze %dma_wait3A_147 : memref<1x80x125xi32, #tpu.memory_space<hbm>> -> memref<80x125xi32, #tpu.memory_space<hbm>>
      tpu.wait_dma2 semaphore(%run_scoped3A : memref<!tpu.dma_semaphore, #tpu.memory_space<semaphore_mem>>) src(%dma_wait3A_148 : memref<80x125xi32, #tpu.memory_space<hbm>>) dst(%arg6 : memref<80x125xi32, #tpu.memory_space<vmem>>)
      tpu.yield
    }) : () -> ()
    "tpu.region"() ({
      %run_scoped3A = tpu.sem_alloc : memref<!tpu.dma_semaphore, #tpu.memory_space<semaphore_mem>>
      tpu.enqueue_dma source(%arg3 : memref<125x8xf32, #tpu.memory_space<hbm>>) target(%arg7 : memref<125x8xf32, #tpu.memory_space<vmem>>) target_semaphore(%run_scoped3A : memref<!tpu.dma_semaphore, #tpu.memory_space<semaphore_mem>>)
      tpu.wait_dma2 semaphore(%run_scoped3A : memref<!tpu.dma_semaphore, #tpu.memory_space<semaphore_mem>>) src(%arg3 : memref<125x8xf32, #tpu.memory_space<hbm>>) dst(%arg7 : memref<125x8xf32, #tpu.memory_space<vmem>>)
      tpu.yield
    }) : () -> ()
    %dma_wait3A = arith.constant 0 : i32
    %dma_wait3A_8 = tpu.memref_slice %arg16[%mul3A_4, %dma_wait3A] : memref<10240x8xf32, #tpu.memory_space<vmem_shared>> -> memref<640x8xf32, #tpu.memory_space<vmem_shared>>
    %dma_wait3A_9 = arith.constant 0 : i32
    %dma_wait3A_10 = tpu.memref_slice %arg4[%mul3A_2, %dma_wait3A_9] : memref<10240x8xf32, #tpu.memory_space<hbm>> -> memref<640x8xf32, #tpu.memory_space<hbm>>
    tpu.wait_dma2 semaphore(%arg17 : memref<!tpu.dma_semaphore, #tpu.memory_space<semaphore_mem>>) src(%dma_wait3A_10 : memref<640x8xf32, #tpu.memory_space<hbm>>) dst(%dma_wait3A_8 : memref<640x8xf32, #tpu.memory_space<vmem_shared>>)
    %barrier3A = arith.constant 0 : index
    tpu.barrier barrier_id(%barrier3A)
    %dma_start3A_11 = arith.constant 0 : i32
    %dma_start3A_12 = arith.constant 0 : i32
    %dma_start3A_13 = tpu.memref_slice %arg6[%dma_start3A_11, %dma_start3A_12] : memref<80x125xi32, #tpu.memory_space<vmem>> -> memref<1x125xi32, #tpu.memory_space<vmem>>
    %dma_start3A_14 = tpu.memref_squeeze %dma_start3A_13 : memref<1x125xi32, #tpu.memory_space<vmem>> -> memref<125xi32, #tpu.memory_space<vmem>>
    %dma_start3A_15 = arith.constant 0 : i32
    %dma_start3A_16 = arith.constant 0 : i32
    %dma_start3A_17 = tpu.memref_slice %arg16[%dma_start3A_15, %dma_start3A_16] : memref<10240x8xf32, #tpu.memory_space<vmem_shared>> -> memref<10240x8xf32, #tpu.memory_space<vmem_shared>>
    tpu.enqueue_indirect_dma source(%arg7 : memref<125x8xf32, #tpu.memory_space<vmem>>) target(%dma_start3A_17 : memref<10240x8xf32, #tpu.memory_space<vmem_shared>>) offsets(%dma_start3A_14 : memref<125xi32, #tpu.memory_space<vmem>>) semaphore(%arg8 : memref<!tpu.dma_semaphore, #tpu.memory_space<semaphore_mem>>) {add = true}
    %dma_start3A_18 = arith.constant 1 : i32
    %dma_start3A_19 = arith.constant 0 : i32
    %dma_start3A_20 = tpu.memref_slice %arg6[%dma_start3A_18, %dma_start3A_19] : memref<80x125xi32, #tpu.memory_space<vmem>> -> memref<1x125xi32, #tpu.memory_space<vmem>>
    %dma_start3A_21 = tpu.memref_squeeze %dma_start3A_20 : memref<1x125xi32, #tpu.memory_space<vmem>> -> memref<125xi32, #tpu.memory_space<vmem>>
    %dma_start3A_22 = arith.constant 0 : i32
    %dma_start3A_23 = arith.constant 0 : i32
    %dma_start3A_24 = tpu.memref_slice %arg16[%dma_start3A_22, %dma_start3A_23] : memref<10240x8xf32, #tpu.memory_space<vmem_shared>> -> memref<10240x8xf32, #tpu.memory_space<vmem_shared>>
    tpu.enqueue_indirect_dma source(%arg7 : memref<125x8xf32, #tpu.memory_space<vmem>>) target(%dma_start3A_24 : memref<10240x8xf32, #tpu.memory_space<vmem_shared>>) offsets(%dma_start3A_21 : memref<125xi32, #tpu.memory_space<vmem>>) semaphore(%arg9 : memref<!tpu.dma_semaphore, #tpu.memory_space<semaphore_mem>>) {add = true}
    %dma_start3A_25 = arith.constant 2 : i32
    %dma_start3A_26 = arith.constant 0 : i32
    %dma_start3A_27 = tpu.memref_slice %arg6[%dma_start3A_25, %dma_start3A_26] : memref<80x125xi32, #tpu.memory_space<vmem>> -> memref<1x125xi32, #tpu.memory_space<vmem>>
    %dma_start3A_28 = tpu.memref_squeeze %dma_start3A_27 : memref<1x125xi32, #tpu.memory_space<vmem>> -> memref<125xi32, #tpu.memory_space<vmem>>
    %dma_start3A_29 = arith.constant 0 : i32
    %dma_start3A_30 = arith.constant 0 : i32
    %dma_start3A_31 = tpu.memref_slice %arg16[%dma_start3A_29, %dma_start3A_30] : memref<10240x8xf32, #tpu.memory_space<vmem_shared>> -> memref<10240x8xf32, #tpu.memory_space<vmem_shared>>
    tpu.enqueue_indirect_dma source(%arg7 : memref<125x8xf32, #tpu.memory_space<vmem>>) target(%dma_start3A_31 : memref<10240x8xf32, #tpu.memory_space<vmem_shared>>) offsets(%dma_start3A_28 : memref<125xi32, #tpu.memory_space<vmem>>) semaphore(%arg10 : memref<!tpu.dma_semaphore, #tpu.memory_space<semaphore_mem>>) {add = true}
    %dma_start3A_32 = arith.constant 3 : i32
    %dma_start3A_33 = arith.constant 0 : i32
    %dma_start3A_34 = tpu.memref_slice %arg6[%dma_start3A_32, %dma_start3A_33] : memref<80x125xi32, #tpu.memory_space<vmem>> -> memref<1x125xi32, #tpu.memory_space<vmem>>
    %dma_start3A_35 = tpu.memref_squeeze %dma_start3A_34 : memref<1x125xi32, #tpu.memory_space<vmem>> -> memref<125xi32, #tpu.memory_space<vmem>>
    %dma_start3A_36 = arith.constant 0 : i32
    %dma_start3A_37 = arith.constant 0 : i32
    %dma_start3A_38 = tpu.memref_slice %arg16[%dma_start3A_36, %dma_start3A_37] : memref<10240x8xf32, #tpu.memory_space<vmem_shared>> -> memref<10240x8xf32, #tpu.memory_space<vmem_shared>>
    tpu.enqueue_indirect_dma source(%arg7 : memref<125x8xf32, #tpu.memory_space<vmem>>) target(%dma_start3A_38 : memref<10240x8xf32, #tpu.memory_space<vmem_shared>>) offsets(%dma_start3A_35 : memref<125xi32, #tpu.memory_space<vmem>>) semaphore(%arg11 : memref<!tpu.dma_semaphore, #tpu.memory_space<semaphore_mem>>) {add = true}
    %dma_start3A_39 = arith.constant 4 : i32
    %dma_start3A_40 = arith.constant 0 : i32
    %dma_start3A_41 = tpu.memref_slice %arg6[%dma_start3A_39, %dma_start3A_40] : memref<80x125xi32, #tpu.memory_space<vmem>> -> memref<1x125xi32, #tpu.memory_space<vmem>>
    %dma_start3A_42 = tpu.memref_squeeze %dma_start3A_41 : memref<1x125xi32, #tpu.memory_space<vmem>> -> memref<125xi32, #tpu.memory_space<vmem>>
    %dma_start3A_43 = arith.constant 0 : i32
    %dma_start3A_44 = arith.constant 0 : i32
    %dma_start3A_45 = tpu.memref_slice %arg16[%dma_start3A_43, %dma_start3A_44] : memref<10240x8xf32, #tpu.memory_space<vmem_shared>> -> memref<10240x8xf32, #tpu.memory_space<vmem_shared>>
    tpu.enqueue_indirect_dma source(%arg7 : memref<125x8xf32, #tpu.memory_space<vmem>>) target(%dma_start3A_45 : memref<10240x8xf32, #tpu.memory_space<vmem_shared>>) offsets(%dma_start3A_42 : memref<125xi32, #tpu.memory_space<vmem>>) semaphore(%arg12 : memref<!tpu.dma_semaphore, #tpu.memory_space<semaphore_mem>>) {add = true}
    %dma_start3A_46 = arith.constant 5 : i32
    %dma_start3A_47 = arith.constant 0 : i32
    %dma_start3A_48 = tpu.memref_slice %arg6[%dma_start3A_46, %dma_start3A_47] : memref<80x125xi32, #tpu.memory_space<vmem>> -> memref<1x125xi32, #tpu.memory_space<vmem>>
    %dma_start3A_49 = tpu.memref_squeeze %dma_start3A_48 : memref<1x125xi32, #tpu.memory_space<vmem>> -> memref<125xi32, #tpu.memory_space<vmem>>
    %dma_start3A_50 = arith.constant 0 : i32
    %dma_start3A_51 = arith.constant 0 : i32
    %dma_start3A_52 = tpu.memref_slice %arg16[%dma_start3A_50, %dma_start3A_51] : memref<10240x8xf32, #tpu.memory_space<vmem_shared>> -> memref<10240x8xf32, #tpu.memory_space<vmem_shared>>
    tpu.enqueue_indirect_dma source(%arg7 : memref<125x8xf32, #tpu.memory_space<vmem>>) target(%dma_start3A_52 : memref<10240x8xf32, #tpu.memory_space<vmem_shared>>) offsets(%dma_start3A_49 : memref<125xi32, #tpu.memory_space<vmem>>) semaphore(%arg13 : memref<!tpu.dma_semaphore, #tpu.memory_space<semaphore_mem>>) {add = true}
    %dma_start3A_53 = arith.constant 6 : i32
    %dma_start3A_54 = arith.constant 0 : i32
    %dma_start3A_55 = tpu.memref_slice %arg6[%dma_start3A_53, %dma_start3A_54] : memref<80x125xi32, #tpu.memory_space<vmem>> -> memref<1x125xi32, #tpu.memory_space<vmem>>
    %dma_start3A_56 = tpu.memref_squeeze %dma_start3A_55 : memref<1x125xi32, #tpu.memory_space<vmem>> -> memref<125xi32, #tpu.memory_space<vmem>>
    %dma_start3A_57 = arith.constant 0 : i32
    %dma_start3A_58 = arith.constant 0 : i32
    %dma_start3A_59 = tpu.memref_slice %arg16[%dma_start3A_57, %dma_start3A_58] : memref<10240x8xf32, #tpu.memory_space<vmem_shared>> -> memref<10240x8xf32, #tpu.memory_space<vmem_shared>>
    tpu.enqueue_indirect_dma source(%arg7 : memref<125x8xf32, #tpu.memory_space<vmem>>) target(%dma_start3A_59 : memref<10240x8xf32, #tpu.memory_space<vmem_shared>>) offsets(%dma_start3A_56 : memref<125xi32, #tpu.memory_space<vmem>>) semaphore(%arg14 : memref<!tpu.dma_semaphore, #tpu.memory_space<semaphore_mem>>) {add = true}
    %dma_start3A_60 = arith.constant 7 : i32
    %dma_start3A_61 = arith.constant 0 : i32
    %dma_start3A_62 = tpu.memref_slice %arg6[%dma_start3A_60, %dma_start3A_61] : memref<80x125xi32, #tpu.memory_space<vmem>> -> memref<1x125xi32, #tpu.memory_space<vmem>>
    %dma_start3A_63 = tpu.memref_squeeze %dma_start3A_62 : memref<1x125xi32, #tpu.memory_space<vmem>> -> memref<125xi32, #tpu.memory_space<vmem>>
    %dma_start3A_64 = arith.constant 0 : i32
    %dma_start3A_65 = arith.constant 0 : i32
    %dma_start3A_66 = tpu.memref_slice %arg16[%dma_start3A_64, %dma_start3A_65] : memref<10240x8xf32, #tpu.memory_space<vmem_shared>> -> memref<10240x8xf32, #tpu.memory_space<vmem_shared>>
    tpu.enqueue_indirect_dma source(%arg7 : memref<125x8xf32, #tpu.memory_space<vmem>>) target(%dma_start3A_66 : memref<10240x8xf32, #tpu.memory_space<vmem_shared>>) offsets(%dma_start3A_63 : memref<125xi32, #tpu.memory_space<vmem>>) semaphore(%arg15 : memref<!tpu.dma_semaphore, #tpu.memory_space<semaphore_mem>>) {add = true}
    %scan3A = arith.constant 0 : i32
    %scan3A_67 = arith.constant 0 : i32
    %scan3A_68 = arith.constant 9 : i32
    %scan3A_69 = arith.addi %scan3A_67, %scan3A_68 : i32
    %scan3A_70 = arith.constant 1 : i32
    scf.for %scan3A_133 = %scan3A_67 to %scan3A_69 step %scan3A_70  : i32 {
      %mul3A_134 = arith.constant 8 : i32
      %mul3A_135 = arith.muli %scan3A_133, %mul3A_134 : i32
      %add3A_136 = arith.constant 0 : i32
      %add3A_137 = arith.addi %mul3A_135, %add3A_136 : i32
      %dma_wait3A_138 = arith.constant 0 : i32
      %dma_wait3A_139 = tpu.memref_slice %arg6[%add3A_137, %dma_wait3A_138] : memref<80x125xi32, #tpu.memory_space<vmem>> -> memref<1x125xi32, #tpu.memory_space<vmem>>
      %dma_wait3A_140 = tpu.memref_squeeze %dma_wait3A_139 : memref<1x125xi32, #tpu.memory_space<vmem>> -> memref<125xi32, #tpu.memory_space<vmem>>
      %dma_wait3A_141 = arith.constant 0 : i32
      %dma_wait3A_142 = arith.constant 0 : i32
      %dma_wait3A_143 = tpu.memref_slice %arg16[%dma_wait3A_141, %dma_wait3A_142] : memref<10240x8xf32, #tpu.memory_space<vmem_shared>> -> memref<10240x8xf32, #tpu.memory_space<vmem_shared>>
      tpu.wait_indirect_dma semaphore(%arg8 : memref<!tpu.dma_semaphore, #tpu.memory_space<semaphore_mem>>) src(%arg7 : memref<125x8xf32, #tpu.memory_space<vmem>>) dst(%dma_wait3A_143 : memref<10240x8xf32, #tpu.memory_space<vmem_shared>>)
      %add3A_144 = arith.constant 8 : i32
      %add3A_145 = arith.addi %add3A_137, %add3A_144 : i32
      %dma_start3A_146 = arith.constant 0 : i32
      %dma_start3A_147 = tpu.memref_slice %arg6[%add3A_145, %dma_start3A_146] : memref<80x125xi32, #tpu.memory_space<vmem>> -> memref<1x125xi32, #tpu.memory_space<vmem>>
      %dma_start3A_148 = tpu.memref_squeeze %dma_start3A_147 : memref<1x125xi32, #tpu.memory_space<vmem>> -> memref<125xi32, #tpu.memory_space<vmem>>
      %dma_start3A_149 = arith.constant 0 : i32
      %dma_start3A_150 = arith.constant 0 : i32
      %dma_start3A_151 = tpu.memref_slice %arg16[%dma_start3A_149, %dma_start3A_150] : memref<10240x8xf32, #tpu.memory_space<vmem_shared>> -> memref<10240x8xf32, #tpu.memory_space<vmem_shared>>
      tpu.enqueue_indirect_dma source(%arg7 : memref<125x8xf32, #tpu.memory_space<vmem>>) target(%dma_start3A_151 : memref<10240x8xf32, #tpu.memory_space<vmem_shared>>) offsets(%dma_start3A_148 : memref<125xi32, #tpu.memory_space<vmem>>) semaphore(%arg8 : memref<!tpu.dma_semaphore, #tpu.memory_space<semaphore_mem>>) {add = true}
      %mul3A_152 = arith.constant 8 : i32
      %mul3A_153 = arith.muli %scan3A_133, %mul3A_152 : i32
      %add3A_154 = arith.constant 1 : i32
      %add3A_155 = arith.addi %mul3A_153, %add3A_154 : i32
      %dma_wait3A_156 = arith.constant 0 : i32
      %dma_wait3A_157 = tpu.memref_slice %arg6[%add3A_155, %dma_wait3A_156] : memref<80x125xi32, #tpu.memory_space<vmem>> -> memref<1x125xi32, #tpu.memory_space<vmem>>
      %dma_wait3A_158 = tpu.memref_squeeze %dma_wait3A_157 : memref<1x125xi32, #tpu.memory_space<vmem>> -> memref<125xi32, #tpu.memory_space<vmem>>
      %dma_wait3A_159 = arith.constant 0 : i32
      %dma_wait3A_160 = arith.constant 0 : i32
      %dma_wait3A_161 = tpu.memref_slice %arg16[%dma_wait3A_159, %dma_wait3A_160] : memref<10240x8xf32, #tpu.memory_space<vmem_shared>> -> memref<10240x8xf32, #tpu.memory_space<vmem_shared>>
      tpu.wait_indirect_dma semaphore(%arg9 : memref<!tpu.dma_semaphore, #tpu.memory_space<semaphore_mem>>) src(%arg7 : memref<125x8xf32, #tpu.memory_space<vmem>>) dst(%dma_wait3A_161 : memref<10240x8xf32, #tpu.memory_space<vmem_shared>>)
      %add3A_162 = arith.constant 8 : i32
      %add3A_163 = arith.addi %add3A_155, %add3A_162 : i32
      %dma_start3A_164 = arith.constant 0 : i32
      %dma_start3A_165 = tpu.memref_slice %arg6[%add3A_163, %dma_start3A_164] : memref<80x125xi32, #tpu.memory_space<vmem>> -> memref<1x125xi32, #tpu.memory_space<vmem>>
      %dma_start3A_166 = tpu.memref_squeeze %dma_start3A_165 : memref<1x125xi32, #tpu.memory_space<vmem>> -> memref<125xi32, #tpu.memory_space<vmem>>
      %dma_start3A_167 = arith.constant 0 : i32
      %dma_start3A_168 = arith.constant 0 : i32
      %dma_start3A_169 = tpu.memref_slice %arg16[%dma_start3A_167, %dma_start3A_168] : memref<10240x8xf32, #tpu.memory_space<vmem_shared>> -> memref<10240x8xf32, #tpu.memory_space<vmem_shared>>
      tpu.enqueue_indirect_dma source(%arg7 : memref<125x8xf32, #tpu.memory_space<vmem>>) target(%dma_start3A_169 : memref<10240x8xf32, #tpu.memory_space<vmem_shared>>) offsets(%dma_start3A_166 : memref<125xi32, #tpu.memory_space<vmem>>) semaphore(%arg9 : memref<!tpu.dma_semaphore, #tpu.memory_space<semaphore_mem>>) {add = true}
      %mul3A_170 = arith.constant 8 : i32
      %mul3A_171 = arith.muli %scan3A_133, %mul3A_170 : i32
      %add3A_172 = arith.constant 2 : i32
      %add3A_173 = arith.addi %mul3A_171, %add3A_172 : i32
      %dma_wait3A_174 = arith.constant 0 : i32
      %dma_wait3A_175 = tpu.memref_slice %arg6[%add3A_173, %dma_wait3A_174] : memref<80x125xi32, #tpu.memory_space<vmem>> -> memref<1x125xi32, #tpu.memory_space<vmem>>
      %dma_wait3A_176 = tpu.memref_squeeze %dma_wait3A_175 : memref<1x125xi32, #tpu.memory_space<vmem>> -> memref<125xi32, #tpu.memory_space<vmem>>
      %dma_wait3A_177 = arith.constant 0 : i32
      %dma_wait3A_178 = arith.constant 0 : i32
      %dma_wait3A_179 = tpu.memref_slice %arg16[%dma_wait3A_177, %dma_wait3A_178] : memref<10240x8xf32, #tpu.memory_space<vmem_shared>> -> memref<10240x8xf32, #tpu.memory_space<vmem_shared>>
      tpu.wait_indirect_dma semaphore(%arg10 : memref<!tpu.dma_semaphore, #tpu.memory_space<semaphore_mem>>) src(%arg7 : memref<125x8xf32, #tpu.memory_space<vmem>>) dst(%dma_wait3A_179 : memref<10240x8xf32, #tpu.memory_space<vmem_shared>>)
      %add3A_180 = arith.constant 8 : i32
      %add3A_181 = arith.addi %add3A_173, %add3A_180 : i32
      %dma_start3A_182 = arith.constant 0 : i32
      %dma_start3A_183 = tpu.memref_slice %arg6[%add3A_181, %dma_start3A_182] : memref<80x125xi32, #tpu.memory_space<vmem>> -> memref<1x125xi32, #tpu.memory_space<vmem>>
      %dma_start3A_184 = tpu.memref_squeeze %dma_start3A_183 : memref<1x125xi32, #tpu.memory_space<vmem>> -> memref<125xi32, #tpu.memory_space<vmem>>
      %dma_start3A_185 = arith.constant 0 : i32
      %dma_start3A_186 = arith.constant 0 : i32
      %dma_start3A_187 = tpu.memref_slice %arg16[%dma_start3A_185, %dma_start3A_186] : memref<10240x8xf32, #tpu.memory_space<vmem_shared>> -> memref<10240x8xf32, #tpu.memory_space<vmem_shared>>
      tpu.enqueue_indirect_dma source(%arg7 : memref<125x8xf32, #tpu.memory_space<vmem>>) target(%dma_start3A_187 : memref<10240x8xf32, #tpu.memory_space<vmem_shared>>) offsets(%dma_start3A_184 : memref<125xi32, #tpu.memory_space<vmem>>) semaphore(%arg10 : memref<!tpu.dma_semaphore, #tpu.memory_space<semaphore_mem>>) {add = true}
      %mul3A_188 = arith.constant 8 : i32
      %mul3A_189 = arith.muli %scan3A_133, %mul3A_188 : i32
      %add3A_190 = arith.constant 3 : i32
      %add3A_191 = arith.addi %mul3A_189, %add3A_190 : i32
      %dma_wait3A_192 = arith.constant 0 : i32
      %dma_wait3A_193 = tpu.memref_slice %arg6[%add3A_191, %dma_wait3A_192] : memref<80x125xi32, #tpu.memory_space<vmem>> -> memref<1x125xi32, #tpu.memory_space<vmem>>
      %dma_wait3A_194 = tpu.memref_squeeze %dma_wait3A_193 : memref<1x125xi32, #tpu.memory_space<vmem>> -> memref<125xi32, #tpu.memory_space<vmem>>
      %dma_wait3A_195 = arith.constant 0 : i32
      %dma_wait3A_196 = arith.constant 0 : i32
      %dma_wait3A_197 = tpu.memref_slice %arg16[%dma_wait3A_195, %dma_wait3A_196] : memref<10240x8xf32, #tpu.memory_space<vmem_shared>> -> memref<10240x8xf32, #tpu.memory_space<vmem_shared>>
      tpu.wait_indirect_dma semaphore(%arg11 : memref<!tpu.dma_semaphore, #tpu.memory_space<semaphore_mem>>) src(%arg7 : memref<125x8xf32, #tpu.memory_space<vmem>>) dst(%dma_wait3A_197 : memref<10240x8xf32, #tpu.memory_space<vmem_shared>>)
      %add3A_198 = arith.constant 8 : i32
      %add3A_199 = arith.addi %add3A_191, %add3A_198 : i32
      %dma_start3A_200 = arith.constant 0 : i32
      %dma_start3A_201 = tpu.memref_slice %arg6[%add3A_199, %dma_start3A_200] : memref<80x125xi32, #tpu.memory_space<vmem>> -> memref<1x125xi32, #tpu.memory_space<vmem>>
      %dma_start3A_202 = tpu.memref_squeeze %dma_start3A_201 : memref<1x125xi32, #tpu.memory_space<vmem>> -> memref<125xi32, #tpu.memory_space<vmem>>
      %dma_start3A_203 = arith.constant 0 : i32
      %dma_start3A_204 = arith.constant 0 : i32
      %dma_start3A_205 = tpu.memref_slice %arg16[%dma_start3A_203, %dma_start3A_204] : memref<10240x8xf32, #tpu.memory_space<vmem_shared>> -> memref<10240x8xf32, #tpu.memory_space<vmem_shared>>
      tpu.enqueue_indirect_dma source(%arg7 : memref<125x8xf32, #tpu.memory_space<vmem>>) target(%dma_start3A_205 : memref<10240x8xf32, #tpu.memory_space<vmem_shared>>) offsets(%dma_start3A_202 : memref<125xi32, #tpu.memory_space<vmem>>) semaphore(%arg11 : memref<!tpu.dma_semaphore, #tpu.memory_space<semaphore_mem>>) {add = true}
      %mul3A_206 = arith.constant 8 : i32
      %mul3A_207 = arith.muli %scan3A_133, %mul3A_206 : i32
      %add3A_208 = arith.constant 4 : i32
      %add3A_209 = arith.addi %mul3A_207, %add3A_208 : i32
      %dma_wait3A_210 = arith.constant 0 : i32
      %dma_wait3A_211 = tpu.memref_slice %arg6[%add3A_209, %dma_wait3A_210] : memref<80x125xi32, #tpu.memory_space<vmem>> -> memref<1x125xi32, #tpu.memory_space<vmem>>
      %dma_wait3A_212 = tpu.memref_squeeze %dma_wait3A_211 : memref<1x125xi32, #tpu.memory_space<vmem>> -> memref<125xi32, #tpu.memory_space<vmem>>
      %dma_wait3A_213 = arith.constant 0 : i32
      %dma_wait3A_214 = arith.constant 0 : i32
      %dma_wait3A_215 = tpu.memref_slice %arg16[%dma_wait3A_213, %dma_wait3A_214] : memref<10240x8xf32, #tpu.memory_space<vmem_shared>> -> memref<10240x8xf32, #tpu.memory_space<vmem_shared>>
      tpu.wait_indirect_dma semaphore(%arg12 : memref<!tpu.dma_semaphore, #tpu.memory_space<semaphore_mem>>) src(%arg7 : memref<125x8xf32, #tpu.memory_space<vmem>>) dst(%dma_wait3A_215 : memref<10240x8xf32, #tpu.memory_space<vmem_shared>>)
      %add3A_216 = arith.constant 8 : i32
      %add3A_217 = arith.addi %add3A_209, %add3A_216 : i32
      %dma_start3A_218 = arith.constant 0 : i32
      %dma_start3A_219 = tpu.memref_slice %arg6[%add3A_217, %dma_start3A_218] : memref<80x125xi32, #tpu.memory_space<vmem>> -> memref<1x125xi32, #tpu.memory_space<vmem>>
      %dma_start3A_220 = tpu.memref_squeeze %dma_start3A_219 : memref<1x125xi32, #tpu.memory_space<vmem>> -> memref<125xi32, #tpu.memory_space<vmem>>
      %dma_start3A_221 = arith.constant 0 : i32
      %dma_start3A_222 = arith.constant 0 : i32
      %dma_start3A_223 = tpu.memref_slice %arg16[%dma_start3A_221, %dma_start3A_222] : memref<10240x8xf32, #tpu.memory_space<vmem_shared>> -> memref<10240x8xf32, #tpu.memory_space<vmem_shared>>
      tpu.enqueue_indirect_dma source(%arg7 : memref<125x8xf32, #tpu.memory_space<vmem>>) target(%dma_start3A_223 : memref<10240x8xf32, #tpu.memory_space<vmem_shared>>) offsets(%dma_start3A_220 : memref<125xi32, #tpu.memory_space<vmem>>) semaphore(%arg12 : memref<!tpu.dma_semaphore, #tpu.memory_space<semaphore_mem>>) {add = true}
      %mul3A_224 = arith.constant 8 : i32
      %mul3A_225 = arith.muli %scan3A_133, %mul3A_224 : i32
      %add3A_226 = arith.constant 5 : i32
      %add3A_227 = arith.addi %mul3A_225, %add3A_226 : i32
      %dma_wait3A_228 = arith.constant 0 : i32
      %dma_wait3A_229 = tpu.memref_slice %arg6[%add3A_227, %dma_wait3A_228] : memref<80x125xi32, #tpu.memory_space<vmem>> -> memref<1x125xi32, #tpu.memory_space<vmem>>
      %dma_wait3A_230 = tpu.memref_squeeze %dma_wait3A_229 : memref<1x125xi32, #tpu.memory_space<vmem>> -> memref<125xi32, #tpu.memory_space<vmem>>
      %dma_wait3A_231 = arith.constant 0 : i32
      %dma_wait3A_232 = arith.constant 0 : i32
      %dma_wait3A_233 = tpu.memref_slice %arg16[%dma_wait3A_231, %dma_wait3A_232] : memref<10240x8xf32, #tpu.memory_space<vmem_shared>> -> memref<10240x8xf32, #tpu.memory_space<vmem_shared>>
      tpu.wait_indirect_dma semaphore(%arg13 : memref<!tpu.dma_semaphore, #tpu.memory_space<semaphore_mem>>) src(%arg7 : memref<125x8xf32, #tpu.memory_space<vmem>>) dst(%dma_wait3A_233 : memref<10240x8xf32, #tpu.memory_space<vmem_shared>>)
      %add3A_234 = arith.constant 8 : i32
      %add3A_235 = arith.addi %add3A_227, %add3A_234 : i32
      %dma_start3A_236 = arith.constant 0 : i32
      %dma_start3A_237 = tpu.memref_slice %arg6[%add3A_235, %dma_start3A_236] : memref<80x125xi32, #tpu.memory_space<vmem>> -> memref<1x125xi32, #tpu.memory_space<vmem>>
      %dma_start3A_238 = tpu.memref_squeeze %dma_start3A_237 : memref<1x125xi32, #tpu.memory_space<vmem>> -> memref<125xi32, #tpu.memory_space<vmem>>
      %dma_start3A_239 = arith.constant 0 : i32
      %dma_start3A_240 = arith.constant 0 : i32
      %dma_start3A_241 = tpu.memref_slice %arg16[%dma_start3A_239, %dma_start3A_240] : memref<10240x8xf32, #tpu.memory_space<vmem_shared>> -> memref<10240x8xf32, #tpu.memory_space<vmem_shared>>
      tpu.enqueue_indirect_dma source(%arg7 : memref<125x8xf32, #tpu.memory_space<vmem>>) target(%dma_start3A_241 : memref<10240x8xf32, #tpu.memory_space<vmem_shared>>) offsets(%dma_start3A_238 : memref<125xi32, #tpu.memory_space<vmem>>) semaphore(%arg13 : memref<!tpu.dma_semaphore, #tpu.memory_space<semaphore_mem>>) {add = true}
      %mul3A_242 = arith.constant 8 : i32
      %mul3A_243 = arith.muli %scan3A_133, %mul3A_242 : i32
      %add3A_244 = arith.constant 6 : i32
      %add3A_245 = arith.addi %mul3A_243, %add3A_244 : i32
      %dma_wait3A_246 = arith.constant 0 : i32
      %dma_wait3A_247 = tpu.memref_slice %arg6[%add3A_245, %dma_wait3A_246] : memref<80x125xi32, #tpu.memory_space<vmem>> -> memref<1x125xi32, #tpu.memory_space<vmem>>
      %dma_wait3A_248 = tpu.memref_squeeze %dma_wait3A_247 : memref<1x125xi32, #tpu.memory_space<vmem>> -> memref<125xi32, #tpu.memory_space<vmem>>
      %dma_wait3A_249 = arith.constant 0 : i32
      %dma_wait3A_250 = arith.constant 0 : i32
      %dma_wait3A_251 = tpu.memref_slice %arg16[%dma_wait3A_249, %dma_wait3A_250] : memref<10240x8xf32, #tpu.memory_space<vmem_shared>> -> memref<10240x8xf32, #tpu.memory_space<vmem_shared>>
      tpu.wait_indirect_dma semaphore(%arg14 : memref<!tpu.dma_semaphore, #tpu.memory_space<semaphore_mem>>) src(%arg7 : memref<125x8xf32, #tpu.memory_space<vmem>>) dst(%dma_wait3A_251 : memref<10240x8xf32, #tpu.memory_space<vmem_shared>>)
      %add3A_252 = arith.constant 8 : i32
      %add3A_253 = arith.addi %add3A_245, %add3A_252 : i32
      %dma_start3A_254 = arith.constant 0 : i32
      %dma_start3A_255 = tpu.memref_slice %arg6[%add3A_253, %dma_start3A_254] : memref<80x125xi32, #tpu.memory_space<vmem>> -> memref<1x125xi32, #tpu.memory_space<vmem>>
      %dma_start3A_256 = tpu.memref_squeeze %dma_start3A_255 : memref<1x125xi32, #tpu.memory_space<vmem>> -> memref<125xi32, #tpu.memory_space<vmem>>
      %dma_start3A_257 = arith.constant 0 : i32
      %dma_start3A_258 = arith.constant 0 : i32
      %dma_start3A_259 = tpu.memref_slice %arg16[%dma_start3A_257, %dma_start3A_258] : memref<10240x8xf32, #tpu.memory_space<vmem_shared>> -> memref<10240x8xf32, #tpu.memory_space<vmem_shared>>
      tpu.enqueue_indirect_dma source(%arg7 : memref<125x8xf32, #tpu.memory_space<vmem>>) target(%dma_start3A_259 : memref<10240x8xf32, #tpu.memory_space<vmem_shared>>) offsets(%dma_start3A_256 : memref<125xi32, #tpu.memory_space<vmem>>) semaphore(%arg14 : memref<!tpu.dma_semaphore, #tpu.memory_space<semaphore_mem>>) {add = true}
      %mul3A_260 = arith.constant 8 : i32
      %mul3A_261 = arith.muli %scan3A_133, %mul3A_260 : i32
      %add3A_262 = arith.constant 7 : i32
      %add3A_263 = arith.addi %mul3A_261, %add3A_262 : i32
      %dma_wait3A_264 = arith.constant 0 : i32
      %dma_wait3A_265 = tpu.memref_slice %arg6[%add3A_263, %dma_wait3A_264] : memref<80x125xi32, #tpu.memory_space<vmem>> -> memref<1x125xi32, #tpu.memory_space<vmem>>
      %dma_wait3A_266 = tpu.memref_squeeze %dma_wait3A_265 : memref<1x125xi32, #tpu.memory_space<vmem>> -> memref<125xi32, #tpu.memory_space<vmem>>
      %dma_wait3A_267 = arith.constant 0 : i32
      %dma_wait3A_268 = arith.constant 0 : i32
      %dma_wait3A_269 = tpu.memref_slice %arg16[%dma_wait3A_267, %dma_wait3A_268] : memref<10240x8xf32, #tpu.memory_space<vmem_shared>> -> memref<10240x8xf32, #tpu.memory_space<vmem_shared>>
      tpu.wait_indirect_dma semaphore(%arg15 : memref<!tpu.dma_semaphore, #tpu.memory_space<semaphore_mem>>) src(%arg7 : memref<125x8xf32, #tpu.memory_space<vmem>>) dst(%dma_wait3A_269 : memref<10240x8xf32, #tpu.memory_space<vmem_shared>>)
      %add3A_270 = arith.constant 8 : i32
      %add3A_271 = arith.addi %add3A_263, %add3A_270 : i32
      %dma_start3A_272 = arith.constant 0 : i32
      %dma_start3A_273 = tpu.memref_slice %arg6[%add3A_271, %dma_start3A_272] : memref<80x125xi32, #tpu.memory_space<vmem>> -> memref<1x125xi32, #tpu.memory_space<vmem>>
      %dma_start3A_274 = tpu.memref_squeeze %dma_start3A_273 : memref<1x125xi32, #tpu.memory_space<vmem>> -> memref<125xi32, #tpu.memory_space<vmem>>
      %dma_start3A_275 = arith.constant 0 : i32
      %dma_start3A_276 = arith.constant 0 : i32
      %dma_start3A_277 = tpu.memref_slice %arg16[%dma_start3A_275, %dma_start3A_276] : memref<10240x8xf32, #tpu.memory_space<vmem_shared>> -> memref<10240x8xf32, #tpu.memory_space<vmem_shared>>
      tpu.enqueue_indirect_dma source(%arg7 : memref<125x8xf32, #tpu.memory_space<vmem>>) target(%dma_start3A_277 : memref<10240x8xf32, #tpu.memory_space<vmem_shared>>) offsets(%dma_start3A_274 : memref<125xi32, #tpu.memory_space<vmem>>) semaphore(%arg15 : memref<!tpu.dma_semaphore, #tpu.memory_space<semaphore_mem>>) {add = true}
    }
    %scan3A_71 = arith.constant 9 : i32
    %dma_wait3A_72 = arith.constant 72 : i32
    %dma_wait3A_73 = arith.constant 0 : i32
    %dma_wait3A_74 = tpu.memref_slice %arg6[%dma_wait3A_72, %dma_wait3A_73] : memref<80x125xi32, #tpu.memory_space<vmem>> -> memref<1x125xi32, #tpu.memory_space<vmem>>
    %dma_wait3A_75 = tpu.memref_squeeze %dma_wait3A_74 : memref<1x125xi32, #tpu.memory_space<vmem>> -> memref<125xi32, #tpu.memory_space<vmem>>
    %dma_wait3A_76 = arith.constant 0 : i32
    %dma_wait3A_77 = arith.constant 0 : i32
    %dma_wait3A_78 = tpu.memref_slice %arg16[%dma_wait3A_76, %dma_wait3A_77] : memref<10240x8xf32, #tpu.memory_space<vmem_shared>> -> memref<10240x8xf32, #tpu.memory_space<vmem_shared>>
    tpu.wait_indirect_dma semaphore(%arg8 : memref<!tpu.dma_semaphore, #tpu.memory_space<semaphore_mem>>) src(%arg7 : memref<125x8xf32, #tpu.memory_space<vmem>>) dst(%dma_wait3A_78 : memref<10240x8xf32, #tpu.memory_space<vmem_shared>>)
    %dma_wait3A_79 = arith.constant 73 : i32
    %dma_wait3A_80 = arith.constant 0 : i32
    %dma_wait3A_81 = tpu.memref_slice %arg6[%dma_wait3A_79, %dma_wait3A_80] : memref<80x125xi32, #tpu.memory_space<vmem>> -> memref<1x125xi32, #tpu.memory_space<vmem>>
    %dma_wait3A_82 = tpu.memref_squeeze %dma_wait3A_81 : memref<1x125xi32, #tpu.memory_space<vmem>> -> memref<125xi32, #tpu.memory_space<vmem>>
    %dma_wait3A_83 = arith.constant 0 : i32
    %dma_wait3A_84 = arith.constant 0 : i32
    %dma_wait3A_85 = tpu.memref_slice %arg16[%dma_wait3A_83, %dma_wait3A_84] : memref<10240x8xf32, #tpu.memory_space<vmem_shared>> -> memref<10240x8xf32, #tpu.memory_space<vmem_shared>>
    tpu.wait_indirect_dma semaphore(%arg9 : memref<!tpu.dma_semaphore, #tpu.memory_space<semaphore_mem>>) src(%arg7 : memref<125x8xf32, #tpu.memory_space<vmem>>) dst(%dma_wait3A_85 : memref<10240x8xf32, #tpu.memory_space<vmem_shared>>)
    %dma_wait3A_86 = arith.constant 74 : i32
    %dma_wait3A_87 = arith.constant 0 : i32
    %dma_wait3A_88 = tpu.memref_slice %arg6[%dma_wait3A_86, %dma_wait3A_87] : memref<80x125xi32, #tpu.memory_space<vmem>> -> memref<1x125xi32, #tpu.memory_space<vmem>>
    %dma_wait3A_89 = tpu.memref_squeeze %dma_wait3A_88 : memref<1x125xi32, #tpu.memory_space<vmem>> -> memref<125xi32, #tpu.memory_space<vmem>>
    %dma_wait3A_90 = arith.constant 0 : i32
    %dma_wait3A_91 = arith.constant 0 : i32
    %dma_wait3A_92 = tpu.memref_slice %arg16[%dma_wait3A_90, %dma_wait3A_91] : memref<10240x8xf32, #tpu.memory_space<vmem_shared>> -> memref<10240x8xf32, #tpu.memory_space<vmem_shared>>
    tpu.wait_indirect_dma semaphore(%arg10 : memref<!tpu.dma_semaphore, #tpu.memory_space<semaphore_mem>>) src(%arg7 : memref<125x8xf32, #tpu.memory_space<vmem>>) dst(%dma_wait3A_92 : memref<10240x8xf32, #tpu.memory_space<vmem_shared>>)
    %dma_wait3A_93 = arith.constant 75 : i32
    %dma_wait3A_94 = arith.constant 0 : i32
    %dma_wait3A_95 = tpu.memref_slice %arg6[%dma_wait3A_93, %dma_wait3A_94] : memref<80x125xi32, #tpu.memory_space<vmem>> -> memref<1x125xi32, #tpu.memory_space<vmem>>
    %dma_wait3A_96 = tpu.memref_squeeze %dma_wait3A_95 : memref<1x125xi32, #tpu.memory_space<vmem>> -> memref<125xi32, #tpu.memory_space<vmem>>
    %dma_wait3A_97 = arith.constant 0 : i32
    %dma_wait3A_98 = arith.constant 0 : i32
    %dma_wait3A_99 = tpu.memref_slice %arg16[%dma_wait3A_97, %dma_wait3A_98] : memref<10240x8xf32, #tpu.memory_space<vmem_shared>> -> memref<10240x8xf32, #tpu.memory_space<vmem_shared>>
    tpu.wait_indirect_dma semaphore(%arg11 : memref<!tpu.dma_semaphore, #tpu.memory_space<semaphore_mem>>) src(%arg7 : memref<125x8xf32, #tpu.memory_space<vmem>>) dst(%dma_wait3A_99 : memref<10240x8xf32, #tpu.memory_space<vmem_shared>>)
    %dma_wait3A_100 = arith.constant 76 : i32
    %dma_wait3A_101 = arith.constant 0 : i32
    %dma_wait3A_102 = tpu.memref_slice %arg6[%dma_wait3A_100, %dma_wait3A_101] : memref<80x125xi32, #tpu.memory_space<vmem>> -> memref<1x125xi32, #tpu.memory_space<vmem>>
    %dma_wait3A_103 = tpu.memref_squeeze %dma_wait3A_102 : memref<1x125xi32, #tpu.memory_space<vmem>> -> memref<125xi32, #tpu.memory_space<vmem>>
    %dma_wait3A_104 = arith.constant 0 : i32
    %dma_wait3A_105 = arith.constant 0 : i32
    %dma_wait3A_106 = tpu.memref_slice %arg16[%dma_wait3A_104, %dma_wait3A_105] : memref<10240x8xf32, #tpu.memory_space<vmem_shared>> -> memref<10240x8xf32, #tpu.memory_space<vmem_shared>>
    tpu.wait_indirect_dma semaphore(%arg12 : memref<!tpu.dma_semaphore, #tpu.memory_space<semaphore_mem>>) src(%arg7 : memref<125x8xf32, #tpu.memory_space<vmem>>) dst(%dma_wait3A_106 : memref<10240x8xf32, #tpu.memory_space<vmem_shared>>)
    %dma_wait3A_107 = arith.constant 77 : i32
    %dma_wait3A_108 = arith.constant 0 : i32
    %dma_wait3A_109 = tpu.memref_slice %arg6[%dma_wait3A_107, %dma_wait3A_108] : memref<80x125xi32, #tpu.memory_space<vmem>> -> memref<1x125xi32, #tpu.memory_space<vmem>>
    %dma_wait3A_110 = tpu.memref_squeeze %dma_wait3A_109 : memref<1x125xi32, #tpu.memory_space<vmem>> -> memref<125xi32, #tpu.memory_space<vmem>>
    %dma_wait3A_111 = arith.constant 0 : i32
    %dma_wait3A_112 = arith.constant 0 : i32
    %dma_wait3A_113 = tpu.memref_slice %arg16[%dma_wait3A_111, %dma_wait3A_112] : memref<10240x8xf32, #tpu.memory_space<vmem_shared>> -> memref<10240x8xf32, #tpu.memory_space<vmem_shared>>
    tpu.wait_indirect_dma semaphore(%arg13 : memref<!tpu.dma_semaphore, #tpu.memory_space<semaphore_mem>>) src(%arg7 : memref<125x8xf32, #tpu.memory_space<vmem>>) dst(%dma_wait3A_113 : memref<10240x8xf32, #tpu.memory_space<vmem_shared>>)
    %dma_wait3A_114 = arith.constant 78 : i32
    %dma_wait3A_115 = arith.constant 0 : i32
    %dma_wait3A_116 = tpu.memref_slice %arg6[%dma_wait3A_114, %dma_wait3A_115] : memref<80x125xi32, #tpu.memory_space<vmem>> -> memref<1x125xi32, #tpu.memory_space<vmem>>
    %dma_wait3A_117 = tpu.memref_squeeze %dma_wait3A_116 : memref<1x125xi32, #tpu.memory_space<vmem>> -> memref<125xi32, #tpu.memory_space<vmem>>
    %dma_wait3A_118 = arith.constant 0 : i32
    %dma_wait3A_119 = arith.constant 0 : i32
    %dma_wait3A_120 = tpu.memref_slice %arg16[%dma_wait3A_118, %dma_wait3A_119] : memref<10240x8xf32, #tpu.memory_space<vmem_shared>> -> memref<10240x8xf32, #tpu.memory_space<vmem_shared>>
    tpu.wait_indirect_dma semaphore(%arg14 : memref<!tpu.dma_semaphore, #tpu.memory_space<semaphore_mem>>) src(%arg7 : memref<125x8xf32, #tpu.memory_space<vmem>>) dst(%dma_wait3A_120 : memref<10240x8xf32, #tpu.memory_space<vmem_shared>>)
    %dma_wait3A_121 = arith.constant 79 : i32
    %dma_wait3A_122 = arith.constant 0 : i32
    %dma_wait3A_123 = tpu.memref_slice %arg6[%dma_wait3A_121, %dma_wait3A_122] : memref<80x125xi32, #tpu.memory_space<vmem>> -> memref<1x125xi32, #tpu.memory_space<vmem>>
    %dma_wait3A_124 = tpu.memref_squeeze %dma_wait3A_123 : memref<1x125xi32, #tpu.memory_space<vmem>> -> memref<125xi32, #tpu.memory_space<vmem>>
    %dma_wait3A_125 = arith.constant 0 : i32
    %dma_wait3A_126 = arith.constant 0 : i32
    %dma_wait3A_127 = tpu.memref_slice %arg16[%dma_wait3A_125, %dma_wait3A_126] : memref<10240x8xf32, #tpu.memory_space<vmem_shared>> -> memref<10240x8xf32, #tpu.memory_space<vmem_shared>>
    tpu.wait_indirect_dma semaphore(%arg15 : memref<!tpu.dma_semaphore, #tpu.memory_space<semaphore_mem>>) src(%arg7 : memref<125x8xf32, #tpu.memory_space<vmem>>) dst(%dma_wait3A_127 : memref<10240x8xf32, #tpu.memory_space<vmem_shared>>)
    %barrier3A_128 = arith.constant 0 : index
    tpu.barrier barrier_id(%barrier3A_128)
    %mul3A_129 = arith.constant 640 : i32
    %mul3A_130 = arith.muli %arg1, %mul3A_129 : i32
    %mul3A_131 = arith.constant 640 : i32
    %mul3A_132 = arith.muli %arg1, %mul3A_131 : i32
    "tpu.region"() ({
      %run_scoped3A = tpu.sem_alloc : memref<!tpu.dma_semaphore, #tpu.memory_space<semaphore_mem>>
      %dma_start3A_133 = arith.constant 0 : i32
      %dma_start3A_134 = tpu.memref_slice %arg5[%arg0, %mul3A_132, %dma_start3A_133] : memref<2x10240x8xf32, #tpu.memory_space<hbm>> -> memref<1x640x8xf32, #tpu.memory_space<hbm>>
      %dma_start3A_135 = tpu.memref_squeeze %dma_start3A_134 : memref<1x640x8xf32, #tpu.memory_space<hbm>> -> memref<640x8xf32, #tpu.memory_space<hbm>>
      %dma_start3A_136 = arith.constant 0 : i32
      %dma_start3A_137 = tpu.memref_slice %arg16[%mul3A_130, %dma_start3A_136] : memref<10240x8xf32, #tpu.memory_space<vmem_shared>> -> memref<640x8xf32, #tpu.memory_space<vmem_shared>>
      tpu.enqueue_dma source(%dma_start3A_137 : memref<640x8xf32, #tpu.memory_space<vmem_shared>>) target(%dma_start3A_135 : memref<640x8xf32, #tpu.memory_space<hbm>>) target_semaphore(%run_scoped3A : memref<!tpu.dma_semaphore, #tpu.memory_space<semaphore_mem>>)
      %dma_wait3A_138 = arith.constant 0 : i32
      %dma_wait3A_139 = tpu.memref_slice %arg5[%arg0, %mul3A_132, %dma_wait3A_138] : memref<2x10240x8xf32, #tpu.memory_space<hbm>> -> memref<1x640x8xf32, #tpu.memory_space<hbm>>
      %dma_wait3A_140 = tpu.memref_squeeze %dma_wait3A_139 : memref<1x640x8xf32, #tpu.memory_space<hbm>> -> memref<640x8xf32, #tpu.memory_space<hbm>>
      %dma_wait3A_141 = arith.constant 0 : i32
      %dma_wait3A_142 = tpu.memref_slice %arg16[%mul3A_130, %dma_wait3A_141] : memref<10240x8xf32, #tpu.memory_space<vmem_shared>> -> memref<640x8xf32, #tpu.memory_space<vmem_shared>>
      tpu.wait_dma2 semaphore(%run_scoped3A : memref<!tpu.dma_semaphore, #tpu.memory_space<semaphore_mem>>) src(%dma_wait3A_142 : memref<640x8xf32, #tpu.memory_space<vmem_shared>>) dst(%dma_wait3A_140 : memref<640x8xf32, #tpu.memory_space<hbm>>)
      tpu.yield
    }) : () -> ()
    return
  }
}

#map = affine_map<(d0, d1) -> (0, 0)>
#map1 = affine_map<(d0, d1) -> (0, 0, 0)>
module attributes {stable_mosaic.version = 14 : i64} {
  func.func @_agg_body(%arg0: i32, %arg1: i32, %arg2: memref<20000x64xf32, #tpu.memory_space<hbm>>, %arg3: memref<32x80x125xi32, #tpu.memory_space<hbm>>, %arg4: memref<32x80x125xi32, #tpu.memory_space<hbm>>, %arg5: memref<10240x64xf32, #tpu.memory_space<hbm>>, %arg6: memref<2x10240x128xf32, #tpu.memory_space<hbm>>, %arg7: memref<80x125xi32, #tpu.memory_space<vmem>>, %arg8: memref<80x125xi32, #tpu.memory_space<vmem>>, %arg9: memref<125x64xf32, #tpu.memory_space<vmem>>, %arg10: memref<125x64xf32, #tpu.memory_space<vmem>>, %arg11: memref<125x64xf32, #tpu.memory_space<vmem>>, %arg12: memref<125x64xf32, #tpu.memory_space<vmem>>, %arg13: memref<125x64xf32, #tpu.memory_space<vmem>>, %arg14: memref<125x64xf32, #tpu.memory_space<vmem>>, %arg15: memref<125x64xf32, #tpu.memory_space<vmem>>, %arg16: memref<125x64xf32, #tpu.memory_space<vmem>>, %arg17: memref<!tpu.dma_semaphore, #tpu.memory_space<semaphore_mem>>, %arg18: memref<!tpu.dma_semaphore, #tpu.memory_space<semaphore_mem>>, %arg19: memref<!tpu.dma_semaphore, #tpu.memory_space<semaphore_mem>>, %arg20: memref<!tpu.dma_semaphore, #tpu.memory_space<semaphore_mem>>, %arg21: memref<!tpu.dma_semaphore, #tpu.memory_space<semaphore_mem>>, %arg22: memref<!tpu.dma_semaphore, #tpu.memory_space<semaphore_mem>>, %arg23: memref<!tpu.dma_semaphore, #tpu.memory_space<semaphore_mem>>, %arg24: memref<!tpu.dma_semaphore, #tpu.memory_space<semaphore_mem>>, %arg25: memref<!tpu.dma_semaphore, #tpu.memory_space<semaphore_mem>>, %arg26: memref<!tpu.dma_semaphore, #tpu.memory_space<semaphore_mem>>, %arg27: memref<!tpu.dma_semaphore, #tpu.memory_space<semaphore_mem>>, %arg28: memref<!tpu.dma_semaphore, #tpu.memory_space<semaphore_mem>>, %arg29: memref<!tpu.dma_semaphore, #tpu.memory_space<semaphore_mem>>, %arg30: memref<!tpu.dma_semaphore, #tpu.memory_space<semaphore_mem>>, %arg31: memref<!tpu.dma_semaphore, #tpu.memory_space<semaphore_mem>>, %arg32: memref<!tpu.dma_semaphore, #tpu.memory_space<semaphore_mem>>, %arg33: memref<10240x64xf32, #tpu.memory_space<vmem_shared>>, %arg34: memref<!tpu.dma_semaphore, #tpu.memory_space<semaphore_mem>>) attributes {dimension_semantics = [#tpu.dimension_semantics<core_parallel>, #tpu.dimension_semantics<subcore_parallel>], iteration_bounds = array<i64: 2, 16>, scalar_prefetch = 0 : i64, scratch_operands = 28 : i64, tpu.core_type = #tpu.core_type<sc_vector_subcore>, window_params = [{transform_indices = #map}, {transform_indices = #map1}, {transform_indices = #map1}, {transform_indices = #map}, {transform_indices = #map1}]} {
    %mul3A = arith.constant 16 : i32
    %mul3A_0 = arith.muli %arg0, %mul3A : i32
    %add3A = arith.addi %mul3A_0, %arg1 : i32
    %mul3A_1 = arith.constant 640 : i32
    %mul3A_2 = arith.muli %arg1, %mul3A_1 : i32
    %mul3A_3 = arith.constant 640 : i32
    %mul3A_4 = arith.muli %arg1, %mul3A_3 : i32
    %dma_start3A = arith.constant 0 : i32
    %dma_start3A_5 = tpu.memref_slice %arg33[%mul3A_4, %dma_start3A] : memref<10240x64xf32, #tpu.memory_space<vmem_shared>> -> memref<640x64xf32, #tpu.memory_space<vmem_shared>>
    %dma_start3A_6 = arith.constant 0 : i32
    %dma_start3A_7 = tpu.memref_slice %arg5[%mul3A_2, %dma_start3A_6] : memref<10240x64xf32, #tpu.memory_space<hbm>> -> memref<640x64xf32, #tpu.memory_space<hbm>>
    tpu.enqueue_dma source(%dma_start3A_7 : memref<640x64xf32, #tpu.memory_space<hbm>>) target(%dma_start3A_5 : memref<640x64xf32, #tpu.memory_space<vmem_shared>>) target_semaphore(%arg34 : memref<!tpu.dma_semaphore, #tpu.memory_space<semaphore_mem>>)
    "tpu.region"() ({
      %run_scoped3A = tpu.sem_alloc : memref<!tpu.dma_semaphore, #tpu.memory_space<semaphore_mem>>
      %dma_start3A_77 = arith.constant 0 : i32
      %dma_start3A_78 = arith.constant 0 : i32
      %dma_start3A_79 = tpu.memref_slice %arg3[%add3A, %dma_start3A_77, %dma_start3A_78] : memref<32x80x125xi32, #tpu.memory_space<hbm>> -> memref<1x80x125xi32, #tpu.memory_space<hbm>>
      %dma_start3A_80 = tpu.memref_squeeze %dma_start3A_79 : memref<1x80x125xi32, #tpu.memory_space<hbm>> -> memref<80x125xi32, #tpu.memory_space<hbm>>
      %dma_start3A_81 = arith.constant 0 : i32
      %dma_start3A_82 = arith.constant 0 : i32
      %dma_start3A_83 = tpu.memref_slice %arg3[%add3A, %dma_start3A_81, %dma_start3A_82] : memref<32x80x125xi32, #tpu.memory_space<hbm>> -> memref<1x80x125xi32, #tpu.memory_space<hbm>>
      %dma_start3A_84 = tpu.memref_squeeze %dma_start3A_83 : memref<1x80x125xi32, #tpu.memory_space<hbm>> -> memref<80x125xi32, #tpu.memory_space<hbm>>
      tpu.enqueue_dma source(%dma_start3A_84 : memref<80x125xi32, #tpu.memory_space<hbm>>) target(%arg7 : memref<80x125xi32, #tpu.memory_space<vmem>>) target_semaphore(%run_scoped3A : memref<!tpu.dma_semaphore, #tpu.memory_space<semaphore_mem>>)
      %dma_wait3A_85 = arith.constant 0 : i32
      %dma_wait3A_86 = arith.constant 0 : i32
      %dma_wait3A_87 = tpu.memref_slice %arg3[%add3A, %dma_wait3A_85, %dma_wait3A_86] : memref<32x80x125xi32, #tpu.memory_space<hbm>> -> memref<1x80x125xi32, #tpu.memory_space<hbm>>
      %dma_wait3A_88 = tpu.memref_squeeze %dma_wait3A_87 : memref<1x80x125xi32, #tpu.memory_space<hbm>> -> memref<80x125xi32, #tpu.memory_space<hbm>>
      %dma_wait3A_89 = arith.constant 0 : i32
      %dma_wait3A_90 = arith.constant 0 : i32
      %dma_wait3A_91 = tpu.memref_slice %arg3[%add3A, %dma_wait3A_89, %dma_wait3A_90] : memref<32x80x125xi32, #tpu.memory_space<hbm>> -> memref<1x80x125xi32, #tpu.memory_space<hbm>>
      %dma_wait3A_92 = tpu.memref_squeeze %dma_wait3A_91 : memref<1x80x125xi32, #tpu.memory_space<hbm>> -> memref<80x125xi32, #tpu.memory_space<hbm>>
      tpu.wait_dma2 semaphore(%run_scoped3A : memref<!tpu.dma_semaphore, #tpu.memory_space<semaphore_mem>>) src(%dma_wait3A_92 : memref<80x125xi32, #tpu.memory_space<hbm>>) dst(%arg7 : memref<80x125xi32, #tpu.memory_space<vmem>>)
      tpu.yield
    }) : () -> ()
    "tpu.region"() ({
      %run_scoped3A = tpu.sem_alloc : memref<!tpu.dma_semaphore, #tpu.memory_space<semaphore_mem>>
      %dma_start3A_77 = arith.constant 0 : i32
      %dma_start3A_78 = arith.constant 0 : i32
      %dma_start3A_79 = tpu.memref_slice %arg4[%add3A, %dma_start3A_77, %dma_start3A_78] : memref<32x80x125xi32, #tpu.memory_space<hbm>> -> memref<1x80x125xi32, #tpu.memory_space<hbm>>
      %dma_start3A_80 = tpu.memref_squeeze %dma_start3A_79 : memref<1x80x125xi32, #tpu.memory_space<hbm>> -> memref<80x125xi32, #tpu.memory_space<hbm>>
      %dma_start3A_81 = arith.constant 0 : i32
      %dma_start3A_82 = arith.constant 0 : i32
      %dma_start3A_83 = tpu.memref_slice %arg4[%add3A, %dma_start3A_81, %dma_start3A_82] : memref<32x80x125xi32, #tpu.memory_space<hbm>> -> memref<1x80x125xi32, #tpu.memory_space<hbm>>
      %dma_start3A_84 = tpu.memref_squeeze %dma_start3A_83 : memref<1x80x125xi32, #tpu.memory_space<hbm>> -> memref<80x125xi32, #tpu.memory_space<hbm>>
      tpu.enqueue_dma source(%dma_start3A_84 : memref<80x125xi32, #tpu.memory_space<hbm>>) target(%arg8 : memref<80x125xi32, #tpu.memory_space<vmem>>) target_semaphore(%run_scoped3A : memref<!tpu.dma_semaphore, #tpu.memory_space<semaphore_mem>>)
      %dma_wait3A_85 = arith.constant 0 : i32
      %dma_wait3A_86 = arith.constant 0 : i32
      %dma_wait3A_87 = tpu.memref_slice %arg4[%add3A, %dma_wait3A_85, %dma_wait3A_86] : memref<32x80x125xi32, #tpu.memory_space<hbm>> -> memref<1x80x125xi32, #tpu.memory_space<hbm>>
      %dma_wait3A_88 = tpu.memref_squeeze %dma_wait3A_87 : memref<1x80x125xi32, #tpu.memory_space<hbm>> -> memref<80x125xi32, #tpu.memory_space<hbm>>
      %dma_wait3A_89 = arith.constant 0 : i32
      %dma_wait3A_90 = arith.constant 0 : i32
      %dma_wait3A_91 = tpu.memref_slice %arg4[%add3A, %dma_wait3A_89, %dma_wait3A_90] : memref<32x80x125xi32, #tpu.memory_space<hbm>> -> memref<1x80x125xi32, #tpu.memory_space<hbm>>
      %dma_wait3A_92 = tpu.memref_squeeze %dma_wait3A_91 : memref<1x80x125xi32, #tpu.memory_space<hbm>> -> memref<80x125xi32, #tpu.memory_space<hbm>>
      tpu.wait_dma2 semaphore(%run_scoped3A : memref<!tpu.dma_semaphore, #tpu.memory_space<semaphore_mem>>) src(%dma_wait3A_92 : memref<80x125xi32, #tpu.memory_space<hbm>>) dst(%arg8 : memref<80x125xi32, #tpu.memory_space<vmem>>)
      tpu.yield
    }) : () -> ()
    %dma_wait3A = arith.constant 0 : i32
    %dma_wait3A_8 = tpu.memref_slice %arg33[%mul3A_4, %dma_wait3A] : memref<10240x64xf32, #tpu.memory_space<vmem_shared>> -> memref<640x64xf32, #tpu.memory_space<vmem_shared>>
    %dma_wait3A_9 = arith.constant 0 : i32
    %dma_wait3A_10 = tpu.memref_slice %arg5[%mul3A_2, %dma_wait3A_9] : memref<10240x64xf32, #tpu.memory_space<hbm>> -> memref<640x64xf32, #tpu.memory_space<hbm>>
    tpu.wait_dma2 semaphore(%arg34 : memref<!tpu.dma_semaphore, #tpu.memory_space<semaphore_mem>>) src(%dma_wait3A_10 : memref<640x64xf32, #tpu.memory_space<hbm>>) dst(%dma_wait3A_8 : memref<640x64xf32, #tpu.memory_space<vmem_shared>>)
    %barrier3A = arith.constant 0 : index
    tpu.barrier barrier_id(%barrier3A)
    %dma_start3A_11 = arith.constant 0 : i32
    %dma_start3A_12 = arith.constant 0 : i32
    %dma_start3A_13 = tpu.memref_slice %arg7[%dma_start3A_11, %dma_start3A_12] : memref<80x125xi32, #tpu.memory_space<vmem>> -> memref<1x125xi32, #tpu.memory_space<vmem>>
    %dma_start3A_14 = tpu.memref_squeeze %dma_start3A_13 : memref<1x125xi32, #tpu.memory_space<vmem>> -> memref<125xi32, #tpu.memory_space<vmem>>
    %dma_start3A_15 = arith.constant 0 : i32
    %dma_start3A_16 = arith.constant 0 : i32
    %dma_start3A_17 = tpu.memref_slice %arg2[%dma_start3A_15, %dma_start3A_16] : memref<20000x64xf32, #tpu.memory_space<hbm>> -> memref<20000x64xf32, #tpu.memory_space<hbm>>
    tpu.enqueue_indirect_dma source(%dma_start3A_17 : memref<20000x64xf32, #tpu.memory_space<hbm>>) target(%arg9 : memref<125x64xf32, #tpu.memory_space<vmem>>) offsets(%dma_start3A_14 : memref<125xi32, #tpu.memory_space<vmem>>) semaphore(%arg17 : memref<!tpu.dma_semaphore, #tpu.memory_space<semaphore_mem>>)
    %dma_start3A_18 = arith.constant 1 : i32
    %dma_start3A_19 = arith.constant 0 : i32
    %dma_start3A_20 = tpu.memref_slice %arg7[%dma_start3A_18, %dma_start3A_19] : memref<80x125xi32, #tpu.memory_space<vmem>> -> memref<1x125xi32, #tpu.memory_space<vmem>>
    %dma_start3A_21 = tpu.memref_squeeze %dma_start3A_20 : memref<1x125xi32, #tpu.memory_space<vmem>> -> memref<125xi32, #tpu.memory_space<vmem>>
    %dma_start3A_22 = arith.constant 0 : i32
    %dma_start3A_23 = arith.constant 0 : i32
    %dma_start3A_24 = tpu.memref_slice %arg2[%dma_start3A_22, %dma_start3A_23] : memref<20000x64xf32, #tpu.memory_space<hbm>> -> memref<20000x64xf32, #tpu.memory_space<hbm>>
    tpu.enqueue_indirect_dma source(%dma_start3A_24 : memref<20000x64xf32, #tpu.memory_space<hbm>>) target(%arg10 : memref<125x64xf32, #tpu.memory_space<vmem>>) offsets(%dma_start3A_21 : memref<125xi32, #tpu.memory_space<vmem>>) semaphore(%arg18 : memref<!tpu.dma_semaphore, #tpu.memory_space<semaphore_mem>>)
    %dma_start3A_25 = arith.constant 2 : i32
    %dma_start3A_26 = arith.constant 0 : i32
    %dma_start3A_27 = tpu.memref_slice %arg7[%dma_start3A_25, %dma_start3A_26] : memref<80x125xi32, #tpu.memory_space<vmem>> -> memref<1x125xi32, #tpu.memory_space<vmem>>
    %dma_start3A_28 = tpu.memref_squeeze %dma_start3A_27 : memref<1x125xi32, #tpu.memory_space<vmem>> -> memref<125xi32, #tpu.memory_space<vmem>>
    %dma_start3A_29 = arith.constant 0 : i32
    %dma_start3A_30 = arith.constant 0 : i32
    %dma_start3A_31 = tpu.memref_slice %arg2[%dma_start3A_29, %dma_start3A_30] : memref<20000x64xf32, #tpu.memory_space<hbm>> -> memref<20000x64xf32, #tpu.memory_space<hbm>>
    tpu.enqueue_indirect_dma source(%dma_start3A_31 : memref<20000x64xf32, #tpu.memory_space<hbm>>) target(%arg11 : memref<125x64xf32, #tpu.memory_space<vmem>>) offsets(%dma_start3A_28 : memref<125xi32, #tpu.memory_space<vmem>>) semaphore(%arg19 : memref<!tpu.dma_semaphore, #tpu.memory_space<semaphore_mem>>)
    %dma_start3A_32 = arith.constant 3 : i32
    %dma_start3A_33 = arith.constant 0 : i32
    %dma_start3A_34 = tpu.memref_slice %arg7[%dma_start3A_32, %dma_start3A_33] : memref<80x125xi32, #tpu.memory_space<vmem>> -> memref<1x125xi32, #tpu.memory_space<vmem>>
    %dma_start3A_35 = tpu.memref_squeeze %dma_start3A_34 : memref<1x125xi32, #tpu.memory_space<vmem>> -> memref<125xi32, #tpu.memory_space<vmem>>
    %dma_start3A_36 = arith.constant 0 : i32
    %dma_start3A_37 = arith.constant 0 : i32
    %dma_start3A_38 = tpu.memref_slice %arg2[%dma_start3A_36, %dma_start3A_37] : memref<20000x64xf32, #tpu.memory_space<hbm>> -> memref<20000x64xf32, #tpu.memory_space<hbm>>
    tpu.enqueue_indirect_dma source(%dma_start3A_38 : memref<20000x64xf32, #tpu.memory_space<hbm>>) target(%arg12 : memref<125x64xf32, #tpu.memory_space<vmem>>) offsets(%dma_start3A_35 : memref<125xi32, #tpu.memory_space<vmem>>) semaphore(%arg20 : memref<!tpu.dma_semaphore, #tpu.memory_space<semaphore_mem>>)
    %dma_start3A_39 = arith.constant 4 : i32
    %dma_start3A_40 = arith.constant 0 : i32
    %dma_start3A_41 = tpu.memref_slice %arg7[%dma_start3A_39, %dma_start3A_40] : memref<80x125xi32, #tpu.memory_space<vmem>> -> memref<1x125xi32, #tpu.memory_space<vmem>>
    %dma_start3A_42 = tpu.memref_squeeze %dma_start3A_41 : memref<1x125xi32, #tpu.memory_space<vmem>> -> memref<125xi32, #tpu.memory_space<vmem>>
    %dma_start3A_43 = arith.constant 0 : i32
    %dma_start3A_44 = arith.constant 0 : i32
    %dma_start3A_45 = tpu.memref_slice %arg2[%dma_start3A_43, %dma_start3A_44] : memref<20000x64xf32, #tpu.memory_space<hbm>> -> memref<20000x64xf32, #tpu.memory_space<hbm>>
    tpu.enqueue_indirect_dma source(%dma_start3A_45 : memref<20000x64xf32, #tpu.memory_space<hbm>>) target(%arg13 : memref<125x64xf32, #tpu.memory_space<vmem>>) offsets(%dma_start3A_42 : memref<125xi32, #tpu.memory_space<vmem>>) semaphore(%arg21 : memref<!tpu.dma_semaphore, #tpu.memory_space<semaphore_mem>>)
    %dma_start3A_46 = arith.constant 5 : i32
    %dma_start3A_47 = arith.constant 0 : i32
    %dma_start3A_48 = tpu.memref_slice %arg7[%dma_start3A_46, %dma_start3A_47] : memref<80x125xi32, #tpu.memory_space<vmem>> -> memref<1x125xi32, #tpu.memory_space<vmem>>
    %dma_start3A_49 = tpu.memref_squeeze %dma_start3A_48 : memref<1x125xi32, #tpu.memory_space<vmem>> -> memref<125xi32, #tpu.memory_space<vmem>>
    %dma_start3A_50 = arith.constant 0 : i32
    %dma_start3A_51 = arith.constant 0 : i32
    %dma_start3A_52 = tpu.memref_slice %arg2[%dma_start3A_50, %dma_start3A_51] : memref<20000x64xf32, #tpu.memory_space<hbm>> -> memref<20000x64xf32, #tpu.memory_space<hbm>>
    tpu.enqueue_indirect_dma source(%dma_start3A_52 : memref<20000x64xf32, #tpu.memory_space<hbm>>) target(%arg14 : memref<125x64xf32, #tpu.memory_space<vmem>>) offsets(%dma_start3A_49 : memref<125xi32, #tpu.memory_space<vmem>>) semaphore(%arg22 : memref<!tpu.dma_semaphore, #tpu.memory_space<semaphore_mem>>)
    %dma_start3A_53 = arith.constant 6 : i32
    %dma_start3A_54 = arith.constant 0 : i32
    %dma_start3A_55 = tpu.memref_slice %arg7[%dma_start3A_53, %dma_start3A_54] : memref<80x125xi32, #tpu.memory_space<vmem>> -> memref<1x125xi32, #tpu.memory_space<vmem>>
    %dma_start3A_56 = tpu.memref_squeeze %dma_start3A_55 : memref<1x125xi32, #tpu.memory_space<vmem>> -> memref<125xi32, #tpu.memory_space<vmem>>
    %dma_start3A_57 = arith.constant 0 : i32
    %dma_start3A_58 = arith.constant 0 : i32
    %dma_start3A_59 = tpu.memref_slice %arg2[%dma_start3A_57, %dma_start3A_58] : memref<20000x64xf32, #tpu.memory_space<hbm>> -> memref<20000x64xf32, #tpu.memory_space<hbm>>
    tpu.enqueue_indirect_dma source(%dma_start3A_59 : memref<20000x64xf32, #tpu.memory_space<hbm>>) target(%arg15 : memref<125x64xf32, #tpu.memory_space<vmem>>) offsets(%dma_start3A_56 : memref<125xi32, #tpu.memory_space<vmem>>) semaphore(%arg23 : memref<!tpu.dma_semaphore, #tpu.memory_space<semaphore_mem>>)
    %dma_start3A_60 = arith.constant 7 : i32
    %dma_start3A_61 = arith.constant 0 : i32
    %dma_start3A_62 = tpu.memref_slice %arg7[%dma_start3A_60, %dma_start3A_61] : memref<80x125xi32, #tpu.memory_space<vmem>> -> memref<1x125xi32, #tpu.memory_space<vmem>>
    %dma_start3A_63 = tpu.memref_squeeze %dma_start3A_62 : memref<1x125xi32, #tpu.memory_space<vmem>> -> memref<125xi32, #tpu.memory_space<vmem>>
    %dma_start3A_64 = arith.constant 0 : i32
    %dma_start3A_65 = arith.constant 0 : i32
    %dma_start3A_66 = tpu.memref_slice %arg2[%dma_start3A_64, %dma_start3A_65] : memref<20000x64xf32, #tpu.memory_space<hbm>> -> memref<20000x64xf32, #tpu.memory_space<hbm>>
    tpu.enqueue_indirect_dma source(%dma_start3A_66 : memref<20000x64xf32, #tpu.memory_space<hbm>>) target(%arg16 : memref<125x64xf32, #tpu.memory_space<vmem>>) offsets(%dma_start3A_63 : memref<125xi32, #tpu.memory_space<vmem>>) semaphore(%arg24 : memref<!tpu.dma_semaphore, #tpu.memory_space<semaphore_mem>>)
    %scan3A = arith.constant 0 : i32
    %scan3A_67 = arith.constant 0 : i32
    %scan3A_68 = arith.constant 10 : i32
    %scan3A_69 = arith.addi %scan3A_67, %scan3A_68 : i32
    %scan3A_70 = arith.constant 1 : i32
    scf.for %scan3A_77 = %scan3A_67 to %scan3A_69 step %scan3A_70  : i32 {
      %mul3A_78 = arith.constant 8 : i32
      %mul3A_79 = arith.muli %scan3A_77, %mul3A_78 : i32
      %add3A_80 = arith.constant 0 : i32
      %add3A_81 = arith.addi %mul3A_79, %add3A_80 : i32
      %dma_wait3A_82 = arith.constant 0 : i32
      %dma_wait3A_83 = tpu.memref_slice %arg7[%add3A_81, %dma_wait3A_82] : memref<80x125xi32, #tpu.memory_space<vmem>> -> memref<1x125xi32, #tpu.memory_space<vmem>>
      %dma_wait3A_84 = tpu.memref_squeeze %dma_wait3A_83 : memref<1x125xi32, #tpu.memory_space<vmem>> -> memref<125xi32, #tpu.memory_space<vmem>>
      %dma_wait3A_85 = arith.constant 0 : i32
      %dma_wait3A_86 = arith.constant 0 : i32
      %dma_wait3A_87 = tpu.memref_slice %arg2[%dma_wait3A_85, %dma_wait3A_86] : memref<20000x64xf32, #tpu.memory_space<hbm>> -> memref<20000x64xf32, #tpu.memory_space<hbm>>
      tpu.wait_indirect_dma semaphore(%arg17 : memref<!tpu.dma_semaphore, #tpu.memory_space<semaphore_mem>>) src(%dma_wait3A_87 : memref<20000x64xf32, #tpu.memory_space<hbm>>) dst(%arg9 : memref<125x64xf32, #tpu.memory_space<vmem>>)
      %dma_start3A_88 = arith.constant 0 : i32
      %dma_start3A_89 = tpu.memref_slice %arg8[%add3A_81, %dma_start3A_88] : memref<80x125xi32, #tpu.memory_space<vmem>> -> memref<1x125xi32, #tpu.memory_space<vmem>>
      %dma_start3A_90 = tpu.memref_squeeze %dma_start3A_89 : memref<1x125xi32, #tpu.memory_space<vmem>> -> memref<125xi32, #tpu.memory_space<vmem>>
      %dma_start3A_91 = arith.constant 0 : i32
      %dma_start3A_92 = arith.constant 0 : i32
      %dma_start3A_93 = tpu.memref_slice %arg33[%dma_start3A_91, %dma_start3A_92] : memref<10240x64xf32, #tpu.memory_space<vmem_shared>> -> memref<10240x64xf32, #tpu.memory_space<vmem_shared>>
      tpu.enqueue_indirect_dma source(%arg9 : memref<125x64xf32, #tpu.memory_space<vmem>>) target(%dma_start3A_93 : memref<10240x64xf32, #tpu.memory_space<vmem_shared>>) offsets(%dma_start3A_90 : memref<125xi32, #tpu.memory_space<vmem>>) semaphore(%arg25 : memref<!tpu.dma_semaphore, #tpu.memory_space<semaphore_mem>>) {add = true}
      %mul3A_94 = arith.constant 8 : i32
      %mul3A_95 = arith.muli %scan3A_77, %mul3A_94 : i32
      %add3A_96 = arith.constant 1 : i32
      %add3A_97 = arith.addi %mul3A_95, %add3A_96 : i32
      %dma_wait3A_98 = arith.constant 0 : i32
      %dma_wait3A_99 = tpu.memref_slice %arg7[%add3A_97, %dma_wait3A_98] : memref<80x125xi32, #tpu.memory_space<vmem>> -> memref<1x125xi32, #tpu.memory_space<vmem>>
      %dma_wait3A_100 = tpu.memref_squeeze %dma_wait3A_99 : memref<1x125xi32, #tpu.memory_space<vmem>> -> memref<125xi32, #tpu.memory_space<vmem>>
      %dma_wait3A_101 = arith.constant 0 : i32
      %dma_wait3A_102 = arith.constant 0 : i32
      %dma_wait3A_103 = tpu.memref_slice %arg2[%dma_wait3A_101, %dma_wait3A_102] : memref<20000x64xf32, #tpu.memory_space<hbm>> -> memref<20000x64xf32, #tpu.memory_space<hbm>>
      tpu.wait_indirect_dma semaphore(%arg18 : memref<!tpu.dma_semaphore, #tpu.memory_space<semaphore_mem>>) src(%dma_wait3A_103 : memref<20000x64xf32, #tpu.memory_space<hbm>>) dst(%arg10 : memref<125x64xf32, #tpu.memory_space<vmem>>)
      %dma_start3A_104 = arith.constant 0 : i32
      %dma_start3A_105 = tpu.memref_slice %arg8[%add3A_97, %dma_start3A_104] : memref<80x125xi32, #tpu.memory_space<vmem>> -> memref<1x125xi32, #tpu.memory_space<vmem>>
      %dma_start3A_106 = tpu.memref_squeeze %dma_start3A_105 : memref<1x125xi32, #tpu.memory_space<vmem>> -> memref<125xi32, #tpu.memory_space<vmem>>
      %dma_start3A_107 = arith.constant 0 : i32
      %dma_start3A_108 = arith.constant 0 : i32
      %dma_start3A_109 = tpu.memref_slice %arg33[%dma_start3A_107, %dma_start3A_108] : memref<10240x64xf32, #tpu.memory_space<vmem_shared>> -> memref<10240x64xf32, #tpu.memory_space<vmem_shared>>
      tpu.enqueue_indirect_dma source(%arg10 : memref<125x64xf32, #tpu.memory_space<vmem>>) target(%dma_start3A_109 : memref<10240x64xf32, #tpu.memory_space<vmem_shared>>) offsets(%dma_start3A_106 : memref<125xi32, #tpu.memory_space<vmem>>) semaphore(%arg26 : memref<!tpu.dma_semaphore, #tpu.memory_space<semaphore_mem>>) {add = true}
      %mul3A_110 = arith.constant 8 : i32
      %mul3A_111 = arith.muli %scan3A_77, %mul3A_110 : i32
      %add3A_112 = arith.constant 2 : i32
      %add3A_113 = arith.addi %mul3A_111, %add3A_112 : i32
      %dma_wait3A_114 = arith.constant 0 : i32
      %dma_wait3A_115 = tpu.memref_slice %arg7[%add3A_113, %dma_wait3A_114] : memref<80x125xi32, #tpu.memory_space<vmem>> -> memref<1x125xi32, #tpu.memory_space<vmem>>
      %dma_wait3A_116 = tpu.memref_squeeze %dma_wait3A_115 : memref<1x125xi32, #tpu.memory_space<vmem>> -> memref<125xi32, #tpu.memory_space<vmem>>
      %dma_wait3A_117 = arith.constant 0 : i32
      %dma_wait3A_118 = arith.constant 0 : i32
      %dma_wait3A_119 = tpu.memref_slice %arg2[%dma_wait3A_117, %dma_wait3A_118] : memref<20000x64xf32, #tpu.memory_space<hbm>> -> memref<20000x64xf32, #tpu.memory_space<hbm>>
      tpu.wait_indirect_dma semaphore(%arg19 : memref<!tpu.dma_semaphore, #tpu.memory_space<semaphore_mem>>) src(%dma_wait3A_119 : memref<20000x64xf32, #tpu.memory_space<hbm>>) dst(%arg11 : memref<125x64xf32, #tpu.memory_space<vmem>>)
      %dma_start3A_120 = arith.constant 0 : i32
      %dma_start3A_121 = tpu.memref_slice %arg8[%add3A_113, %dma_start3A_120] : memref<80x125xi32, #tpu.memory_space<vmem>> -> memref<1x125xi32, #tpu.memory_space<vmem>>
      %dma_start3A_122 = tpu.memref_squeeze %dma_start3A_121 : memref<1x125xi32, #tpu.memory_space<vmem>> -> memref<125xi32, #tpu.memory_space<vmem>>
      %dma_start3A_123 = arith.constant 0 : i32
      %dma_start3A_124 = arith.constant 0 : i32
      %dma_start3A_125 = tpu.memref_slice %arg33[%dma_start3A_123, %dma_start3A_124] : memref<10240x64xf32, #tpu.memory_space<vmem_shared>> -> memref<10240x64xf32, #tpu.memory_space<vmem_shared>>
      tpu.enqueue_indirect_dma source(%arg11 : memref<125x64xf32, #tpu.memory_space<vmem>>) target(%dma_start3A_125 : memref<10240x64xf32, #tpu.memory_space<vmem_shared>>) offsets(%dma_start3A_122 : memref<125xi32, #tpu.memory_space<vmem>>) semaphore(%arg27 : memref<!tpu.dma_semaphore, #tpu.memory_space<semaphore_mem>>) {add = true}
      %mul3A_126 = arith.constant 8 : i32
      %mul3A_127 = arith.muli %scan3A_77, %mul3A_126 : i32
      %add3A_128 = arith.constant 3 : i32
      %add3A_129 = arith.addi %mul3A_127, %add3A_128 : i32
      %dma_wait3A_130 = arith.constant 0 : i32
      %dma_wait3A_131 = tpu.memref_slice %arg7[%add3A_129, %dma_wait3A_130] : memref<80x125xi32, #tpu.memory_space<vmem>> -> memref<1x125xi32, #tpu.memory_space<vmem>>
      %dma_wait3A_132 = tpu.memref_squeeze %dma_wait3A_131 : memref<1x125xi32, #tpu.memory_space<vmem>> -> memref<125xi32, #tpu.memory_space<vmem>>
      %dma_wait3A_133 = arith.constant 0 : i32
      %dma_wait3A_134 = arith.constant 0 : i32
      %dma_wait3A_135 = tpu.memref_slice %arg2[%dma_wait3A_133, %dma_wait3A_134] : memref<20000x64xf32, #tpu.memory_space<hbm>> -> memref<20000x64xf32, #tpu.memory_space<hbm>>
      tpu.wait_indirect_dma semaphore(%arg20 : memref<!tpu.dma_semaphore, #tpu.memory_space<semaphore_mem>>) src(%dma_wait3A_135 : memref<20000x64xf32, #tpu.memory_space<hbm>>) dst(%arg12 : memref<125x64xf32, #tpu.memory_space<vmem>>)
      %dma_start3A_136 = arith.constant 0 : i32
      %dma_start3A_137 = tpu.memref_slice %arg8[%add3A_129, %dma_start3A_136] : memref<80x125xi32, #tpu.memory_space<vmem>> -> memref<1x125xi32, #tpu.memory_space<vmem>>
      %dma_start3A_138 = tpu.memref_squeeze %dma_start3A_137 : memref<1x125xi32, #tpu.memory_space<vmem>> -> memref<125xi32, #tpu.memory_space<vmem>>
      %dma_start3A_139 = arith.constant 0 : i32
      %dma_start3A_140 = arith.constant 0 : i32
      %dma_start3A_141 = tpu.memref_slice %arg33[%dma_start3A_139, %dma_start3A_140] : memref<10240x64xf32, #tpu.memory_space<vmem_shared>> -> memref<10240x64xf32, #tpu.memory_space<vmem_shared>>
      tpu.enqueue_indirect_dma source(%arg12 : memref<125x64xf32, #tpu.memory_space<vmem>>) target(%dma_start3A_141 : memref<10240x64xf32, #tpu.memory_space<vmem_shared>>) offsets(%dma_start3A_138 : memref<125xi32, #tpu.memory_space<vmem>>) semaphore(%arg28 : memref<!tpu.dma_semaphore, #tpu.memory_space<semaphore_mem>>) {add = true}
      %mul3A_142 = arith.constant 8 : i32
      %mul3A_143 = arith.muli %scan3A_77, %mul3A_142 : i32
      %add3A_144 = arith.constant 4 : i32
      %add3A_145 = arith.addi %mul3A_143, %add3A_144 : i32
      %dma_wait3A_146 = arith.constant 0 : i32
      %dma_wait3A_147 = tpu.memref_slice %arg7[%add3A_145, %dma_wait3A_146] : memref<80x125xi32, #tpu.memory_space<vmem>> -> memref<1x125xi32, #tpu.memory_space<vmem>>
      %dma_wait3A_148 = tpu.memref_squeeze %dma_wait3A_147 : memref<1x125xi32, #tpu.memory_space<vmem>> -> memref<125xi32, #tpu.memory_space<vmem>>
      %dma_wait3A_149 = arith.constant 0 : i32
      %dma_wait3A_150 = arith.constant 0 : i32
      %dma_wait3A_151 = tpu.memref_slice %arg2[%dma_wait3A_149, %dma_wait3A_150] : memref<20000x64xf32, #tpu.memory_space<hbm>> -> memref<20000x64xf32, #tpu.memory_space<hbm>>
      tpu.wait_indirect_dma semaphore(%arg21 : memref<!tpu.dma_semaphore, #tpu.memory_space<semaphore_mem>>) src(%dma_wait3A_151 : memref<20000x64xf32, #tpu.memory_space<hbm>>) dst(%arg13 : memref<125x64xf32, #tpu.memory_space<vmem>>)
      %dma_start3A_152 = arith.constant 0 : i32
      %dma_start3A_153 = tpu.memref_slice %arg8[%add3A_145, %dma_start3A_152] : memref<80x125xi32, #tpu.memory_space<vmem>> -> memref<1x125xi32, #tpu.memory_space<vmem>>
      %dma_start3A_154 = tpu.memref_squeeze %dma_start3A_153 : memref<1x125xi32, #tpu.memory_space<vmem>> -> memref<125xi32, #tpu.memory_space<vmem>>
      %dma_start3A_155 = arith.constant 0 : i32
      %dma_start3A_156 = arith.constant 0 : i32
      %dma_start3A_157 = tpu.memref_slice %arg33[%dma_start3A_155, %dma_start3A_156] : memref<10240x64xf32, #tpu.memory_space<vmem_shared>> -> memref<10240x64xf32, #tpu.memory_space<vmem_shared>>
      tpu.enqueue_indirect_dma source(%arg13 : memref<125x64xf32, #tpu.memory_space<vmem>>) target(%dma_start3A_157 : memref<10240x64xf32, #tpu.memory_space<vmem_shared>>) offsets(%dma_start3A_154 : memref<125xi32, #tpu.memory_space<vmem>>) semaphore(%arg29 : memref<!tpu.dma_semaphore, #tpu.memory_space<semaphore_mem>>) {add = true}
      %mul3A_158 = arith.constant 8 : i32
      %mul3A_159 = arith.muli %scan3A_77, %mul3A_158 : i32
      %add3A_160 = arith.constant 5 : i32
      %add3A_161 = arith.addi %mul3A_159, %add3A_160 : i32
      %dma_wait3A_162 = arith.constant 0 : i32
      %dma_wait3A_163 = tpu.memref_slice %arg7[%add3A_161, %dma_wait3A_162] : memref<80x125xi32, #tpu.memory_space<vmem>> -> memref<1x125xi32, #tpu.memory_space<vmem>>
      %dma_wait3A_164 = tpu.memref_squeeze %dma_wait3A_163 : memref<1x125xi32, #tpu.memory_space<vmem>> -> memref<125xi32, #tpu.memory_space<vmem>>
      %dma_wait3A_165 = arith.constant 0 : i32
      %dma_wait3A_166 = arith.constant 0 : i32
      %dma_wait3A_167 = tpu.memref_slice %arg2[%dma_wait3A_165, %dma_wait3A_166] : memref<20000x64xf32, #tpu.memory_space<hbm>> -> memref<20000x64xf32, #tpu.memory_space<hbm>>
      tpu.wait_indirect_dma semaphore(%arg22 : memref<!tpu.dma_semaphore, #tpu.memory_space<semaphore_mem>>) src(%dma_wait3A_167 : memref<20000x64xf32, #tpu.memory_space<hbm>>) dst(%arg14 : memref<125x64xf32, #tpu.memory_space<vmem>>)
      %dma_start3A_168 = arith.constant 0 : i32
      %dma_start3A_169 = tpu.memref_slice %arg8[%add3A_161, %dma_start3A_168] : memref<80x125xi32, #tpu.memory_space<vmem>> -> memref<1x125xi32, #tpu.memory_space<vmem>>
      %dma_start3A_170 = tpu.memref_squeeze %dma_start3A_169 : memref<1x125xi32, #tpu.memory_space<vmem>> -> memref<125xi32, #tpu.memory_space<vmem>>
      %dma_start3A_171 = arith.constant 0 : i32
      %dma_start3A_172 = arith.constant 0 : i32
      %dma_start3A_173 = tpu.memref_slice %arg33[%dma_start3A_171, %dma_start3A_172] : memref<10240x64xf32, #tpu.memory_space<vmem_shared>> -> memref<10240x64xf32, #tpu.memory_space<vmem_shared>>
      tpu.enqueue_indirect_dma source(%arg14 : memref<125x64xf32, #tpu.memory_space<vmem>>) target(%dma_start3A_173 : memref<10240x64xf32, #tpu.memory_space<vmem_shared>>) offsets(%dma_start3A_170 : memref<125xi32, #tpu.memory_space<vmem>>) semaphore(%arg30 : memref<!tpu.dma_semaphore, #tpu.memory_space<semaphore_mem>>) {add = true}
      %mul3A_174 = arith.constant 8 : i32
      %mul3A_175 = arith.muli %scan3A_77, %mul3A_174 : i32
      %add3A_176 = arith.constant 6 : i32
      %add3A_177 = arith.addi %mul3A_175, %add3A_176 : i32
      %dma_wait3A_178 = arith.constant 0 : i32
      %dma_wait3A_179 = tpu.memref_slice %arg7[%add3A_177, %dma_wait3A_178] : memref<80x125xi32, #tpu.memory_space<vmem>> -> memref<1x125xi32, #tpu.memory_space<vmem>>
      %dma_wait3A_180 = tpu.memref_squeeze %dma_wait3A_179 : memref<1x125xi32, #tpu.memory_space<vmem>> -> memref<125xi32, #tpu.memory_space<vmem>>
      %dma_wait3A_181 = arith.constant 0 : i32
      %dma_wait3A_182 = arith.constant 0 : i32
      %dma_wait3A_183 = tpu.memref_slice %arg2[%dma_wait3A_181, %dma_wait3A_182] : memref<20000x64xf32, #tpu.memory_space<hbm>> -> memref<20000x64xf32, #tpu.memory_space<hbm>>
      tpu.wait_indirect_dma semaphore(%arg23 : memref<!tpu.dma_semaphore, #tpu.memory_space<semaphore_mem>>) src(%dma_wait3A_183 : memref<20000x64xf32, #tpu.memory_space<hbm>>) dst(%arg15 : memref<125x64xf32, #tpu.memory_space<vmem>>)
      %dma_start3A_184 = arith.constant 0 : i32
      %dma_start3A_185 = tpu.memref_slice %arg8[%add3A_177, %dma_start3A_184] : memref<80x125xi32, #tpu.memory_space<vmem>> -> memref<1x125xi32, #tpu.memory_space<vmem>>
      %dma_start3A_186 = tpu.memref_squeeze %dma_start3A_185 : memref<1x125xi32, #tpu.memory_space<vmem>> -> memref<125xi32, #tpu.memory_space<vmem>>
      %dma_start3A_187 = arith.constant 0 : i32
      %dma_start3A_188 = arith.constant 0 : i32
      %dma_start3A_189 = tpu.memref_slice %arg33[%dma_start3A_187, %dma_start3A_188] : memref<10240x64xf32, #tpu.memory_space<vmem_shared>> -> memref<10240x64xf32, #tpu.memory_space<vmem_shared>>
      tpu.enqueue_indirect_dma source(%arg15 : memref<125x64xf32, #tpu.memory_space<vmem>>) target(%dma_start3A_189 : memref<10240x64xf32, #tpu.memory_space<vmem_shared>>) offsets(%dma_start3A_186 : memref<125xi32, #tpu.memory_space<vmem>>) semaphore(%arg31 : memref<!tpu.dma_semaphore, #tpu.memory_space<semaphore_mem>>) {add = true}
      %mul3A_190 = arith.constant 8 : i32
      %mul3A_191 = arith.muli %scan3A_77, %mul3A_190 : i32
      %add3A_192 = arith.constant 7 : i32
      %add3A_193 = arith.addi %mul3A_191, %add3A_192 : i32
      %dma_wait3A_194 = arith.constant 0 : i32
      %dma_wait3A_195 = tpu.memref_slice %arg7[%add3A_193, %dma_wait3A_194] : memref<80x125xi32, #tpu.memory_space<vmem>> -> memref<1x125xi32, #tpu.memory_space<vmem>>
      %dma_wait3A_196 = tpu.memref_squeeze %dma_wait3A_195 : memref<1x125xi32, #tpu.memory_space<vmem>> -> memref<125xi32, #tpu.memory_space<vmem>>
      %dma_wait3A_197 = arith.constant 0 : i32
      %dma_wait3A_198 = arith.constant 0 : i32
      %dma_wait3A_199 = tpu.memref_slice %arg2[%dma_wait3A_197, %dma_wait3A_198] : memref<20000x64xf32, #tpu.memory_space<hbm>> -> memref<20000x64xf32, #tpu.memory_space<hbm>>
      tpu.wait_indirect_dma semaphore(%arg24 : memref<!tpu.dma_semaphore, #tpu.memory_space<semaphore_mem>>) src(%dma_wait3A_199 : memref<20000x64xf32, #tpu.memory_space<hbm>>) dst(%arg16 : memref<125x64xf32, #tpu.memory_space<vmem>>)
      %dma_start3A_200 = arith.constant 0 : i32
      %dma_start3A_201 = tpu.memref_slice %arg8[%add3A_193, %dma_start3A_200] : memref<80x125xi32, #tpu.memory_space<vmem>> -> memref<1x125xi32, #tpu.memory_space<vmem>>
      %dma_start3A_202 = tpu.memref_squeeze %dma_start3A_201 : memref<1x125xi32, #tpu.memory_space<vmem>> -> memref<125xi32, #tpu.memory_space<vmem>>
      %dma_start3A_203 = arith.constant 0 : i32
      %dma_start3A_204 = arith.constant 0 : i32
      %dma_start3A_205 = tpu.memref_slice %arg33[%dma_start3A_203, %dma_start3A_204] : memref<10240x64xf32, #tpu.memory_space<vmem_shared>> -> memref<10240x64xf32, #tpu.memory_space<vmem_shared>>
      tpu.enqueue_indirect_dma source(%arg16 : memref<125x64xf32, #tpu.memory_space<vmem>>) target(%dma_start3A_205 : memref<10240x64xf32, #tpu.memory_space<vmem_shared>>) offsets(%dma_start3A_202 : memref<125xi32, #tpu.memory_space<vmem>>) semaphore(%arg32 : memref<!tpu.dma_semaphore, #tpu.memory_space<semaphore_mem>>) {add = true}
      %mul3A_206 = arith.constant 8 : i32
      %mul3A_207 = arith.muli %scan3A_77, %mul3A_206 : i32
      %add3A_208 = arith.constant 0 : i32
      %add3A_209 = arith.addi %mul3A_207, %add3A_208 : i32
      %dma_wait3A_210 = arith.constant 0 : i32
      %dma_wait3A_211 = tpu.memref_slice %arg8[%add3A_209, %dma_wait3A_210] : memref<80x125xi32, #tpu.memory_space<vmem>> -> memref<1x125xi32, #tpu.memory_space<vmem>>
      %dma_wait3A_212 = tpu.memref_squeeze %dma_wait3A_211 : memref<1x125xi32, #tpu.memory_space<vmem>> -> memref<125xi32, #tpu.memory_space<vmem>>
      %dma_wait3A_213 = arith.constant 0 : i32
      %dma_wait3A_214 = arith.constant 0 : i32
      %dma_wait3A_215 = tpu.memref_slice %arg33[%dma_wait3A_213, %dma_wait3A_214] : memref<10240x64xf32, #tpu.memory_space<vmem_shared>> -> memref<10240x64xf32, #tpu.memory_space<vmem_shared>>
      tpu.wait_indirect_dma semaphore(%arg25 : memref<!tpu.dma_semaphore, #tpu.memory_space<semaphore_mem>>) src(%arg9 : memref<125x64xf32, #tpu.memory_space<vmem>>) dst(%dma_wait3A_215 : memref<10240x64xf32, #tpu.memory_space<vmem_shared>>)
      %add3A_216 = arith.constant 8 : i32
      %add3A_217 = arith.addi %add3A_209, %add3A_216 : i32
      %lt3A = arith.constant 80 : i32
      %lt3A_218 = arith.cmpi slt, %add3A_217, %lt3A : i32
      %convert_element_type3A = arith.extui %lt3A_218 : i1 to i32
      %cond3A = arith.constant 0 : i32
      %cond3A_219 = arith.cmpi ne, %convert_element_type3A, %cond3A : i32
      scf.if %cond3A_219 {
        %add3A_339 = arith.constant 8 : i32
        %add3A_340 = arith.addi %add3A_209, %add3A_339 : i32
        %dma_start3A_341 = arith.constant 0 : i32
        %dma_start3A_342 = tpu.memref_slice %arg7[%add3A_340, %dma_start3A_341] : memref<80x125xi32, #tpu.memory_space<vmem>> -> memref<1x125xi32, #tpu.memory_space<vmem>>
        %dma_start3A_343 = tpu.memref_squeeze %dma_start3A_342 : memref<1x125xi32, #tpu.memory_space<vmem>> -> memref<125xi32, #tpu.memory_space<vmem>>
        %dma_start3A_344 = arith.constant 0 : i32
        %dma_start3A_345 = arith.constant 0 : i32
        %dma_start3A_346 = tpu.memref_slice %arg2[%dma_start3A_344, %dma_start3A_345] : memref<20000x64xf32, #tpu.memory_space<hbm>> -> memref<20000x64xf32, #tpu.memory_space<hbm>>
        tpu.enqueue_indirect_dma source(%dma_start3A_346 : memref<20000x64xf32, #tpu.memory_space<hbm>>) target(%arg9 : memref<125x64xf32, #tpu.memory_space<vmem>>) offsets(%dma_start3A_343 : memref<125xi32, #tpu.memory_space<vmem>>) semaphore(%arg17 : memref<!tpu.dma_semaphore, #tpu.memory_space<semaphore_mem>>)
      } else {
      }
      %mul3A_220 = arith.constant 8 : i32
      %mul3A_221 = arith.muli %scan3A_77, %mul3A_220 : i32
      %add3A_222 = arith.constant 1 : i32
      %add3A_223 = arith.addi %mul3A_221, %add3A_222 : i32
      %dma_wait3A_224 = arith.constant 0 : i32
      %dma_wait3A_225 = tpu.memref_slice %arg8[%add3A_223, %dma_wait3A_224] : memref<80x125xi32, #tpu.memory_space<vmem>> -> memref<1x125xi32, #tpu.memory_space<vmem>>
      %dma_wait3A_226 = tpu.memref_squeeze %dma_wait3A_225 : memref<1x125xi32, #tpu.memory_space<vmem>> -> memref<125xi32, #tpu.memory_space<vmem>>
      %dma_wait3A_227 = arith.constant 0 : i32
      %dma_wait3A_228 = arith.constant 0 : i32
      %dma_wait3A_229 = tpu.memref_slice %arg33[%dma_wait3A_227, %dma_wait3A_228] : memref<10240x64xf32, #tpu.memory_space<vmem_shared>> -> memref<10240x64xf32, #tpu.memory_space<vmem_shared>>
      tpu.wait_indirect_dma semaphore(%arg26 : memref<!tpu.dma_semaphore, #tpu.memory_space<semaphore_mem>>) src(%arg10 : memref<125x64xf32, #tpu.memory_space<vmem>>) dst(%dma_wait3A_229 : memref<10240x64xf32, #tpu.memory_space<vmem_shared>>)
      %add3A_230 = arith.constant 8 : i32
      %add3A_231 = arith.addi %add3A_223, %add3A_230 : i32
      %lt3A_232 = arith.constant 80 : i32
      %lt3A_233 = arith.cmpi slt, %add3A_231, %lt3A_232 : i32
      %convert_element_type3A_234 = arith.extui %lt3A_233 : i1 to i32
      %cond3A_235 = arith.constant 0 : i32
      %cond3A_236 = arith.cmpi ne, %convert_element_type3A_234, %cond3A_235 : i32
      scf.if %cond3A_236 {
        %add3A_339 = arith.constant 8 : i32
        %add3A_340 = arith.addi %add3A_223, %add3A_339 : i32
        %dma_start3A_341 = arith.constant 0 : i32
        %dma_start3A_342 = tpu.memref_slice %arg7[%add3A_340, %dma_start3A_341] : memref<80x125xi32, #tpu.memory_space<vmem>> -> memref<1x125xi32, #tpu.memory_space<vmem>>
        %dma_start3A_343 = tpu.memref_squeeze %dma_start3A_342 : memref<1x125xi32, #tpu.memory_space<vmem>> -> memref<125xi32, #tpu.memory_space<vmem>>
        %dma_start3A_344 = arith.constant 0 : i32
        %dma_start3A_345 = arith.constant 0 : i32
        %dma_start3A_346 = tpu.memref_slice %arg2[%dma_start3A_344, %dma_start3A_345] : memref<20000x64xf32, #tpu.memory_space<hbm>> -> memref<20000x64xf32, #tpu.memory_space<hbm>>
        tpu.enqueue_indirect_dma source(%dma_start3A_346 : memref<20000x64xf32, #tpu.memory_space<hbm>>) target(%arg10 : memref<125x64xf32, #tpu.memory_space<vmem>>) offsets(%dma_start3A_343 : memref<125xi32, #tpu.memory_space<vmem>>) semaphore(%arg18 : memref<!tpu.dma_semaphore, #tpu.memory_space<semaphore_mem>>)
      } else {
      }
      %mul3A_237 = arith.constant 8 : i32
      %mul3A_238 = arith.muli %scan3A_77, %mul3A_237 : i32
      %add3A_239 = arith.constant 2 : i32
      %add3A_240 = arith.addi %mul3A_238, %add3A_239 : i32
      %dma_wait3A_241 = arith.constant 0 : i32
      %dma_wait3A_242 = tpu.memref_slice %arg8[%add3A_240, %dma_wait3A_241] : memref<80x125xi32, #tpu.memory_space<vmem>> -> memref<1x125xi32, #tpu.memory_space<vmem>>
      %dma_wait3A_243 = tpu.memref_squeeze %dma_wait3A_242 : memref<1x125xi32, #tpu.memory_space<vmem>> -> memref<125xi32, #tpu.memory_space<vmem>>
      %dma_wait3A_244 = arith.constant 0 : i32
      %dma_wait3A_245 = arith.constant 0 : i32
      %dma_wait3A_246 = tpu.memref_slice %arg33[%dma_wait3A_244, %dma_wait3A_245] : memref<10240x64xf32, #tpu.memory_space<vmem_shared>> -> memref<10240x64xf32, #tpu.memory_space<vmem_shared>>
      tpu.wait_indirect_dma semaphore(%arg27 : memref<!tpu.dma_semaphore, #tpu.memory_space<semaphore_mem>>) src(%arg11 : memref<125x64xf32, #tpu.memory_space<vmem>>) dst(%dma_wait3A_246 : memref<10240x64xf32, #tpu.memory_space<vmem_shared>>)
      %add3A_247 = arith.constant 8 : i32
      %add3A_248 = arith.addi %add3A_240, %add3A_247 : i32
      %lt3A_249 = arith.constant 80 : i32
      %lt3A_250 = arith.cmpi slt, %add3A_248, %lt3A_249 : i32
      %convert_element_type3A_251 = arith.extui %lt3A_250 : i1 to i32
      %cond3A_252 = arith.constant 0 : i32
      %cond3A_253 = arith.cmpi ne, %convert_element_type3A_251, %cond3A_252 : i32
      scf.if %cond3A_253 {
        %add3A_339 = arith.constant 8 : i32
        %add3A_340 = arith.addi %add3A_240, %add3A_339 : i32
        %dma_start3A_341 = arith.constant 0 : i32
        %dma_start3A_342 = tpu.memref_slice %arg7[%add3A_340, %dma_start3A_341] : memref<80x125xi32, #tpu.memory_space<vmem>> -> memref<1x125xi32, #tpu.memory_space<vmem>>
        %dma_start3A_343 = tpu.memref_squeeze %dma_start3A_342 : memref<1x125xi32, #tpu.memory_space<vmem>> -> memref<125xi32, #tpu.memory_space<vmem>>
        %dma_start3A_344 = arith.constant 0 : i32
        %dma_start3A_345 = arith.constant 0 : i32
        %dma_start3A_346 = tpu.memref_slice %arg2[%dma_start3A_344, %dma_start3A_345] : memref<20000x64xf32, #tpu.memory_space<hbm>> -> memref<20000x64xf32, #tpu.memory_space<hbm>>
        tpu.enqueue_indirect_dma source(%dma_start3A_346 : memref<20000x64xf32, #tpu.memory_space<hbm>>) target(%arg11 : memref<125x64xf32, #tpu.memory_space<vmem>>) offsets(%dma_start3A_343 : memref<125xi32, #tpu.memory_space<vmem>>) semaphore(%arg19 : memref<!tpu.dma_semaphore, #tpu.memory_space<semaphore_mem>>)
      } else {
      }
      %mul3A_254 = arith.constant 8 : i32
      %mul3A_255 = arith.muli %scan3A_77, %mul3A_254 : i32
      %add3A_256 = arith.constant 3 : i32
      %add3A_257 = arith.addi %mul3A_255, %add3A_256 : i32
      %dma_wait3A_258 = arith.constant 0 : i32
      %dma_wait3A_259 = tpu.memref_slice %arg8[%add3A_257, %dma_wait3A_258] : memref<80x125xi32, #tpu.memory_space<vmem>> -> memref<1x125xi32, #tpu.memory_space<vmem>>
      %dma_wait3A_260 = tpu.memref_squeeze %dma_wait3A_259 : memref<1x125xi32, #tpu.memory_space<vmem>> -> memref<125xi32, #tpu.memory_space<vmem>>
      %dma_wait3A_261 = arith.constant 0 : i32
      %dma_wait3A_262 = arith.constant 0 : i32
      %dma_wait3A_263 = tpu.memref_slice %arg33[%dma_wait3A_261, %dma_wait3A_262] : memref<10240x64xf32, #tpu.memory_space<vmem_shared>> -> memref<10240x64xf32, #tpu.memory_space<vmem_shared>>
      tpu.wait_indirect_dma semaphore(%arg28 : memref<!tpu.dma_semaphore, #tpu.memory_space<semaphore_mem>>) src(%arg12 : memref<125x64xf32, #tpu.memory_space<vmem>>) dst(%dma_wait3A_263 : memref<10240x64xf32, #tpu.memory_space<vmem_shared>>)
      %add3A_264 = arith.constant 8 : i32
      %add3A_265 = arith.addi %add3A_257, %add3A_264 : i32
      %lt3A_266 = arith.constant 80 : i32
      %lt3A_267 = arith.cmpi slt, %add3A_265, %lt3A_266 : i32
      %convert_element_type3A_268 = arith.extui %lt3A_267 : i1 to i32
      %cond3A_269 = arith.constant 0 : i32
      %cond3A_270 = arith.cmpi ne, %convert_element_type3A_268, %cond3A_269 : i32
      scf.if %cond3A_270 {
        %add3A_339 = arith.constant 8 : i32
        %add3A_340 = arith.addi %add3A_257, %add3A_339 : i32
        %dma_start3A_341 = arith.constant 0 : i32
        %dma_start3A_342 = tpu.memref_slice %arg7[%add3A_340, %dma_start3A_341] : memref<80x125xi32, #tpu.memory_space<vmem>> -> memref<1x125xi32, #tpu.memory_space<vmem>>
        %dma_start3A_343 = tpu.memref_squeeze %dma_start3A_342 : memref<1x125xi32, #tpu.memory_space<vmem>> -> memref<125xi32, #tpu.memory_space<vmem>>
        %dma_start3A_344 = arith.constant 0 : i32
        %dma_start3A_345 = arith.constant 0 : i32
        %dma_start3A_346 = tpu.memref_slice %arg2[%dma_start3A_344, %dma_start3A_345] : memref<20000x64xf32, #tpu.memory_space<hbm>> -> memref<20000x64xf32, #tpu.memory_space<hbm>>
        tpu.enqueue_indirect_dma source(%dma_start3A_346 : memref<20000x64xf32, #tpu.memory_space<hbm>>) target(%arg12 : memref<125x64xf32, #tpu.memory_space<vmem>>) offsets(%dma_start3A_343 : memref<125xi32, #tpu.memory_space<vmem>>) semaphore(%arg20 : memref<!tpu.dma_semaphore, #tpu.memory_space<semaphore_mem>>)
      } else {
      }
      %mul3A_271 = arith.constant 8 : i32
      %mul3A_272 = arith.muli %scan3A_77, %mul3A_271 : i32
      %add3A_273 = arith.constant 4 : i32
      %add3A_274 = arith.addi %mul3A_272, %add3A_273 : i32
      %dma_wait3A_275 = arith.constant 0 : i32
      %dma_wait3A_276 = tpu.memref_slice %arg8[%add3A_274, %dma_wait3A_275] : memref<80x125xi32, #tpu.memory_space<vmem>> -> memref<1x125xi32, #tpu.memory_space<vmem>>
      %dma_wait3A_277 = tpu.memref_squeeze %dma_wait3A_276 : memref<1x125xi32, #tpu.memory_space<vmem>> -> memref<125xi32, #tpu.memory_space<vmem>>
      %dma_wait3A_278 = arith.constant 0 : i32
      %dma_wait3A_279 = arith.constant 0 : i32
      %dma_wait3A_280 = tpu.memref_slice %arg33[%dma_wait3A_278, %dma_wait3A_279] : memref<10240x64xf32, #tpu.memory_space<vmem_shared>> -> memref<10240x64xf32, #tpu.memory_space<vmem_shared>>
      tpu.wait_indirect_dma semaphore(%arg29 : memref<!tpu.dma_semaphore, #tpu.memory_space<semaphore_mem>>) src(%arg13 : memref<125x64xf32, #tpu.memory_space<vmem>>) dst(%dma_wait3A_280 : memref<10240x64xf32, #tpu.memory_space<vmem_shared>>)
      %add3A_281 = arith.constant 8 : i32
      %add3A_282 = arith.addi %add3A_274, %add3A_281 : i32
      %lt3A_283 = arith.constant 80 : i32
      %lt3A_284 = arith.cmpi slt, %add3A_282, %lt3A_283 : i32
      %convert_element_type3A_285 = arith.extui %lt3A_284 : i1 to i32
      %cond3A_286 = arith.constant 0 : i32
      %cond3A_287 = arith.cmpi ne, %convert_element_type3A_285, %cond3A_286 : i32
      scf.if %cond3A_287 {
        %add3A_339 = arith.constant 8 : i32
        %add3A_340 = arith.addi %add3A_274, %add3A_339 : i32
        %dma_start3A_341 = arith.constant 0 : i32
        %dma_start3A_342 = tpu.memref_slice %arg7[%add3A_340, %dma_start3A_341] : memref<80x125xi32, #tpu.memory_space<vmem>> -> memref<1x125xi32, #tpu.memory_space<vmem>>
        %dma_start3A_343 = tpu.memref_squeeze %dma_start3A_342 : memref<1x125xi32, #tpu.memory_space<vmem>> -> memref<125xi32, #tpu.memory_space<vmem>>
        %dma_start3A_344 = arith.constant 0 : i32
        %dma_start3A_345 = arith.constant 0 : i32
        %dma_start3A_346 = tpu.memref_slice %arg2[%dma_start3A_344, %dma_start3A_345] : memref<20000x64xf32, #tpu.memory_space<hbm>> -> memref<20000x64xf32, #tpu.memory_space<hbm>>
        tpu.enqueue_indirect_dma source(%dma_start3A_346 : memref<20000x64xf32, #tpu.memory_space<hbm>>) target(%arg13 : memref<125x64xf32, #tpu.memory_space<vmem>>) offsets(%dma_start3A_343 : memref<125xi32, #tpu.memory_space<vmem>>) semaphore(%arg21 : memref<!tpu.dma_semaphore, #tpu.memory_space<semaphore_mem>>)
      } else {
      }
      %mul3A_288 = arith.constant 8 : i32
      %mul3A_289 = arith.muli %scan3A_77, %mul3A_288 : i32
      %add3A_290 = arith.constant 5 : i32
      %add3A_291 = arith.addi %mul3A_289, %add3A_290 : i32
      %dma_wait3A_292 = arith.constant 0 : i32
      %dma_wait3A_293 = tpu.memref_slice %arg8[%add3A_291, %dma_wait3A_292] : memref<80x125xi32, #tpu.memory_space<vmem>> -> memref<1x125xi32, #tpu.memory_space<vmem>>
      %dma_wait3A_294 = tpu.memref_squeeze %dma_wait3A_293 : memref<1x125xi32, #tpu.memory_space<vmem>> -> memref<125xi32, #tpu.memory_space<vmem>>
      %dma_wait3A_295 = arith.constant 0 : i32
      %dma_wait3A_296 = arith.constant 0 : i32
      %dma_wait3A_297 = tpu.memref_slice %arg33[%dma_wait3A_295, %dma_wait3A_296] : memref<10240x64xf32, #tpu.memory_space<vmem_shared>> -> memref<10240x64xf32, #tpu.memory_space<vmem_shared>>
      tpu.wait_indirect_dma semaphore(%arg30 : memref<!tpu.dma_semaphore, #tpu.memory_space<semaphore_mem>>) src(%arg14 : memref<125x64xf32, #tpu.memory_space<vmem>>) dst(%dma_wait3A_297 : memref<10240x64xf32, #tpu.memory_space<vmem_shared>>)
      %add3A_298 = arith.constant 8 : i32
      %add3A_299 = arith.addi %add3A_291, %add3A_298 : i32
      %lt3A_300 = arith.constant 80 : i32
      %lt3A_301 = arith.cmpi slt, %add3A_299, %lt3A_300 : i32
      %convert_element_type3A_302 = arith.extui %lt3A_301 : i1 to i32
      %cond3A_303 = arith.constant 0 : i32
      %cond3A_304 = arith.cmpi ne, %convert_element_type3A_302, %cond3A_303 : i32
      scf.if %cond3A_304 {
        %add3A_339 = arith.constant 8 : i32
        %add3A_340 = arith.addi %add3A_291, %add3A_339 : i32
        %dma_start3A_341 = arith.constant 0 : i32
        %dma_start3A_342 = tpu.memref_slice %arg7[%add3A_340, %dma_start3A_341] : memref<80x125xi32, #tpu.memory_space<vmem>> -> memref<1x125xi32, #tpu.memory_space<vmem>>
        %dma_start3A_343 = tpu.memref_squeeze %dma_start3A_342 : memref<1x125xi32, #tpu.memory_space<vmem>> -> memref<125xi32, #tpu.memory_space<vmem>>
        %dma_start3A_344 = arith.constant 0 : i32
        %dma_start3A_345 = arith.constant 0 : i32
        %dma_start3A_346 = tpu.memref_slice %arg2[%dma_start3A_344, %dma_start3A_345] : memref<20000x64xf32, #tpu.memory_space<hbm>> -> memref<20000x64xf32, #tpu.memory_space<hbm>>
        tpu.enqueue_indirect_dma source(%dma_start3A_346 : memref<20000x64xf32, #tpu.memory_space<hbm>>) target(%arg14 : memref<125x64xf32, #tpu.memory_space<vmem>>) offsets(%dma_start3A_343 : memref<125xi32, #tpu.memory_space<vmem>>) semaphore(%arg22 : memref<!tpu.dma_semaphore, #tpu.memory_space<semaphore_mem>>)
      } else {
      }
      %mul3A_305 = arith.constant 8 : i32
      %mul3A_306 = arith.muli %scan3A_77, %mul3A_305 : i32
      %add3A_307 = arith.constant 6 : i32
      %add3A_308 = arith.addi %mul3A_306, %add3A_307 : i32
      %dma_wait3A_309 = arith.constant 0 : i32
      %dma_wait3A_310 = tpu.memref_slice %arg8[%add3A_308, %dma_wait3A_309] : memref<80x125xi32, #tpu.memory_space<vmem>> -> memref<1x125xi32, #tpu.memory_space<vmem>>
      %dma_wait3A_311 = tpu.memref_squeeze %dma_wait3A_310 : memref<1x125xi32, #tpu.memory_space<vmem>> -> memref<125xi32, #tpu.memory_space<vmem>>
      %dma_wait3A_312 = arith.constant 0 : i32
      %dma_wait3A_313 = arith.constant 0 : i32
      %dma_wait3A_314 = tpu.memref_slice %arg33[%dma_wait3A_312, %dma_wait3A_313] : memref<10240x64xf32, #tpu.memory_space<vmem_shared>> -> memref<10240x64xf32, #tpu.memory_space<vmem_shared>>
      tpu.wait_indirect_dma semaphore(%arg31 : memref<!tpu.dma_semaphore, #tpu.memory_space<semaphore_mem>>) src(%arg15 : memref<125x64xf32, #tpu.memory_space<vmem>>) dst(%dma_wait3A_314 : memref<10240x64xf32, #tpu.memory_space<vmem_shared>>)
      %add3A_315 = arith.constant 8 : i32
      %add3A_316 = arith.addi %add3A_308, %add3A_315 : i32
      %lt3A_317 = arith.constant 80 : i32
      %lt3A_318 = arith.cmpi slt, %add3A_316, %lt3A_317 : i32
      %convert_element_type3A_319 = arith.extui %lt3A_318 : i1 to i32
      %cond3A_320 = arith.constant 0 : i32
      %cond3A_321 = arith.cmpi ne, %convert_element_type3A_319, %cond3A_320 : i32
      scf.if %cond3A_321 {
        %add3A_339 = arith.constant 8 : i32
        %add3A_340 = arith.addi %add3A_308, %add3A_339 : i32
        %dma_start3A_341 = arith.constant 0 : i32
        %dma_start3A_342 = tpu.memref_slice %arg7[%add3A_340, %dma_start3A_341] : memref<80x125xi32, #tpu.memory_space<vmem>> -> memref<1x125xi32, #tpu.memory_space<vmem>>
        %dma_start3A_343 = tpu.memref_squeeze %dma_start3A_342 : memref<1x125xi32, #tpu.memory_space<vmem>> -> memref<125xi32, #tpu.memory_space<vmem>>
        %dma_start3A_344 = arith.constant 0 : i32
        %dma_start3A_345 = arith.constant 0 : i32
        %dma_start3A_346 = tpu.memref_slice %arg2[%dma_start3A_344, %dma_start3A_345] : memref<20000x64xf32, #tpu.memory_space<hbm>> -> memref<20000x64xf32, #tpu.memory_space<hbm>>
        tpu.enqueue_indirect_dma source(%dma_start3A_346 : memref<20000x64xf32, #tpu.memory_space<hbm>>) target(%arg15 : memref<125x64xf32, #tpu.memory_space<vmem>>) offsets(%dma_start3A_343 : memref<125xi32, #tpu.memory_space<vmem>>) semaphore(%arg23 : memref<!tpu.dma_semaphore, #tpu.memory_space<semaphore_mem>>)
      } else {
      }
      %mul3A_322 = arith.constant 8 : i32
      %mul3A_323 = arith.muli %scan3A_77, %mul3A_322 : i32
      %add3A_324 = arith.constant 7 : i32
      %add3A_325 = arith.addi %mul3A_323, %add3A_324 : i32
      %dma_wait3A_326 = arith.constant 0 : i32
      %dma_wait3A_327 = tpu.memref_slice %arg8[%add3A_325, %dma_wait3A_326] : memref<80x125xi32, #tpu.memory_space<vmem>> -> memref<1x125xi32, #tpu.memory_space<vmem>>
      %dma_wait3A_328 = tpu.memref_squeeze %dma_wait3A_327 : memref<1x125xi32, #tpu.memory_space<vmem>> -> memref<125xi32, #tpu.memory_space<vmem>>
      %dma_wait3A_329 = arith.constant 0 : i32
      %dma_wait3A_330 = arith.constant 0 : i32
      %dma_wait3A_331 = tpu.memref_slice %arg33[%dma_wait3A_329, %dma_wait3A_330] : memref<10240x64xf32, #tpu.memory_space<vmem_shared>> -> memref<10240x64xf32, #tpu.memory_space<vmem_shared>>
      tpu.wait_indirect_dma semaphore(%arg32 : memref<!tpu.dma_semaphore, #tpu.memory_space<semaphore_mem>>) src(%arg16 : memref<125x64xf32, #tpu.memory_space<vmem>>) dst(%dma_wait3A_331 : memref<10240x64xf32, #tpu.memory_space<vmem_shared>>)
      %add3A_332 = arith.constant 8 : i32
      %add3A_333 = arith.addi %add3A_325, %add3A_332 : i32
      %lt3A_334 = arith.constant 80 : i32
      %lt3A_335 = arith.cmpi slt, %add3A_333, %lt3A_334 : i32
      %convert_element_type3A_336 = arith.extui %lt3A_335 : i1 to i32
      %cond3A_337 = arith.constant 0 : i32
      %cond3A_338 = arith.cmpi ne, %convert_element_type3A_336, %cond3A_337 : i32
      scf.if %cond3A_338 {
        %add3A_339 = arith.constant 8 : i32
        %add3A_340 = arith.addi %add3A_325, %add3A_339 : i32
        %dma_start3A_341 = arith.constant 0 : i32
        %dma_start3A_342 = tpu.memref_slice %arg7[%add3A_340, %dma_start3A_341] : memref<80x125xi32, #tpu.memory_space<vmem>> -> memref<1x125xi32, #tpu.memory_space<vmem>>
        %dma_start3A_343 = tpu.memref_squeeze %dma_start3A_342 : memref<1x125xi32, #tpu.memory_space<vmem>> -> memref<125xi32, #tpu.memory_space<vmem>>
        %dma_start3A_344 = arith.constant 0 : i32
        %dma_start3A_345 = arith.constant 0 : i32
        %dma_start3A_346 = tpu.memref_slice %arg2[%dma_start3A_344, %dma_start3A_345] : memref<20000x64xf32, #tpu.memory_space<hbm>> -> memref<20000x64xf32, #tpu.memory_space<hbm>>
        tpu.enqueue_indirect_dma source(%dma_start3A_346 : memref<20000x64xf32, #tpu.memory_space<hbm>>) target(%arg16 : memref<125x64xf32, #tpu.memory_space<vmem>>) offsets(%dma_start3A_343 : memref<125xi32, #tpu.memory_space<vmem>>) semaphore(%arg24 : memref<!tpu.dma_semaphore, #tpu.memory_space<semaphore_mem>>)
      } else {
      }
    }
    %scan3A_71 = arith.constant 10 : i32
    %barrier3A_72 = arith.constant 0 : index
    tpu.barrier barrier_id(%barrier3A_72)
    %mul3A_73 = arith.constant 640 : i32
    %mul3A_74 = arith.muli %arg1, %mul3A_73 : i32
    %mul3A_75 = arith.constant 640 : i32
    %mul3A_76 = arith.muli %arg1, %mul3A_75 : i32
    "tpu.region"() ({
      %run_scoped3A = tpu.sem_alloc : memref<!tpu.dma_semaphore, #tpu.memory_space<semaphore_mem>>
      %dma_start3A_77 = arith.constant 0 : i32
      %dma_start3A_78 = tpu.memref_slice %arg6[%arg0, %mul3A_76, %dma_start3A_77] : memref<2x10240x128xf32, #tpu.memory_space<hbm>> -> memref<1x640x64xf32, #tpu.memory_space<hbm>>
      %dma_start3A_79 = tpu.memref_squeeze %dma_start3A_78 : memref<1x640x64xf32, #tpu.memory_space<hbm>> -> memref<640x64xf32, #tpu.memory_space<hbm>>
      %dma_start3A_80 = arith.constant 0 : i32
      %dma_start3A_81 = tpu.memref_slice %arg33[%mul3A_74, %dma_start3A_80] : memref<10240x64xf32, #tpu.memory_space<vmem_shared>> -> memref<640x64xf32, #tpu.memory_space<vmem_shared>>
      tpu.enqueue_dma source(%dma_start3A_81 : memref<640x64xf32, #tpu.memory_space<vmem_shared>>) target(%dma_start3A_79 : memref<640x64xf32, #tpu.memory_space<hbm>>) target_semaphore(%run_scoped3A : memref<!tpu.dma_semaphore, #tpu.memory_space<semaphore_mem>>)
      %dma_wait3A_82 = arith.constant 0 : i32
      %dma_wait3A_83 = tpu.memref_slice %arg6[%arg0, %mul3A_76, %dma_wait3A_82] : memref<2x10240x128xf32, #tpu.memory_space<hbm>> -> memref<1x640x64xf32, #tpu.memory_space<hbm>>
      %dma_wait3A_84 = tpu.memref_squeeze %dma_wait3A_83 : memref<1x640x64xf32, #tpu.memory_space<hbm>> -> memref<640x64xf32, #tpu.memory_space<hbm>>
      %dma_wait3A_85 = arith.constant 0 : i32
      %dma_wait3A_86 = tpu.memref_slice %arg33[%mul3A_74, %dma_wait3A_85] : memref<10240x64xf32, #tpu.memory_space<vmem_shared>> -> memref<640x64xf32, #tpu.memory_space<vmem_shared>>
      tpu.wait_dma2 semaphore(%run_scoped3A : memref<!tpu.dma_semaphore, #tpu.memory_space<semaphore_mem>>) src(%dma_wait3A_86 : memref<640x64xf32, #tpu.memory_space<vmem_shared>>) dst(%dma_wait3A_84 : memref<640x64xf32, #tpu.memory_space<hbm>>)
      tpu.yield
    }) : () -> ()
    return
  }
}

#map = affine_map<(d0, d1) -> (0, 0)>
#map1 = affine_map<(d0, d1) -> (0, 0, 0)>
module attributes {stable_mosaic.version = 14 : i64} {
  func.func @_agg_body(%arg0: i32, %arg1: i32, %arg2: memref<20000x64xf32, #tpu.memory_space<hbm>>, %arg3: memref<32x80x125xi32, #tpu.memory_space<hbm>>, %arg4: memref<32x80x125xi32, #tpu.memory_space<hbm>>, %arg5: memref<10240x64xf32, #tpu.memory_space<hbm>>, %arg6: memref<2x10240x128xf32, #tpu.memory_space<hbm>>, %arg7: memref<80x125xi32, #tpu.memory_space<vmem>>, %arg8: memref<80x125xi32, #tpu.memory_space<vmem>>, %arg9: memref<125x64xf32, #tpu.memory_space<vmem>>, %arg10: memref<125x64xf32, #tpu.memory_space<vmem>>, %arg11: memref<125x64xf32, #tpu.memory_space<vmem>>, %arg12: memref<125x64xf32, #tpu.memory_space<vmem>>, %arg13: memref<125x64xf32, #tpu.memory_space<vmem>>, %arg14: memref<125x64xf32, #tpu.memory_space<vmem>>, %arg15: memref<125x64xf32, #tpu.memory_space<vmem>>, %arg16: memref<125x64xf32, #tpu.memory_space<vmem>>, %arg17: memref<!tpu.dma_semaphore, #tpu.memory_space<semaphore_mem>>, %arg18: memref<!tpu.dma_semaphore, #tpu.memory_space<semaphore_mem>>, %arg19: memref<!tpu.dma_semaphore, #tpu.memory_space<semaphore_mem>>, %arg20: memref<!tpu.dma_semaphore, #tpu.memory_space<semaphore_mem>>, %arg21: memref<!tpu.dma_semaphore, #tpu.memory_space<semaphore_mem>>, %arg22: memref<!tpu.dma_semaphore, #tpu.memory_space<semaphore_mem>>, %arg23: memref<!tpu.dma_semaphore, #tpu.memory_space<semaphore_mem>>, %arg24: memref<!tpu.dma_semaphore, #tpu.memory_space<semaphore_mem>>, %arg25: memref<!tpu.dma_semaphore, #tpu.memory_space<semaphore_mem>>, %arg26: memref<!tpu.dma_semaphore, #tpu.memory_space<semaphore_mem>>, %arg27: memref<!tpu.dma_semaphore, #tpu.memory_space<semaphore_mem>>, %arg28: memref<!tpu.dma_semaphore, #tpu.memory_space<semaphore_mem>>, %arg29: memref<!tpu.dma_semaphore, #tpu.memory_space<semaphore_mem>>, %arg30: memref<!tpu.dma_semaphore, #tpu.memory_space<semaphore_mem>>, %arg31: memref<!tpu.dma_semaphore, #tpu.memory_space<semaphore_mem>>, %arg32: memref<!tpu.dma_semaphore, #tpu.memory_space<semaphore_mem>>, %arg33: memref<10240x64xf32, #tpu.memory_space<vmem_shared>>, %arg34: memref<!tpu.dma_semaphore, #tpu.memory_space<semaphore_mem>>) attributes {dimension_semantics = [#tpu.dimension_semantics<core_parallel>, #tpu.dimension_semantics<subcore_parallel>], iteration_bounds = array<i64: 2, 16>, scalar_prefetch = 0 : i64, scratch_operands = 28 : i64, tpu.core_type = #tpu.core_type<sc_vector_subcore>, window_params = [{transform_indices = #map}, {transform_indices = #map1}, {transform_indices = #map1}, {transform_indices = #map}, {transform_indices = #map1}]} {
    %mul3A = arith.constant 16 : i32
    %mul3A_0 = arith.muli %arg0, %mul3A : i32
    %add3A = arith.addi %mul3A_0, %arg1 : i32
    %mul3A_1 = arith.constant 640 : i32
    %mul3A_2 = arith.muli %arg1, %mul3A_1 : i32
    %mul3A_3 = arith.constant 640 : i32
    %mul3A_4 = arith.muli %arg1, %mul3A_3 : i32
    %dma_start3A = arith.constant 0 : i32
    %dma_start3A_5 = tpu.memref_slice %arg33[%mul3A_4, %dma_start3A] : memref<10240x64xf32, #tpu.memory_space<vmem_shared>> -> memref<640x64xf32, #tpu.memory_space<vmem_shared>>
    %dma_start3A_6 = arith.constant 0 : i32
    %dma_start3A_7 = tpu.memref_slice %arg5[%mul3A_2, %dma_start3A_6] : memref<10240x64xf32, #tpu.memory_space<hbm>> -> memref<640x64xf32, #tpu.memory_space<hbm>>
    tpu.enqueue_dma source(%dma_start3A_7 : memref<640x64xf32, #tpu.memory_space<hbm>>) target(%dma_start3A_5 : memref<640x64xf32, #tpu.memory_space<vmem_shared>>) target_semaphore(%arg34 : memref<!tpu.dma_semaphore, #tpu.memory_space<semaphore_mem>>)
    "tpu.region"() ({
      %run_scoped3A = tpu.sem_alloc : memref<!tpu.dma_semaphore, #tpu.memory_space<semaphore_mem>>
      %dma_start3A_77 = arith.constant 0 : i32
      %dma_start3A_78 = arith.constant 0 : i32
      %dma_start3A_79 = tpu.memref_slice %arg3[%add3A, %dma_start3A_77, %dma_start3A_78] : memref<32x80x125xi32, #tpu.memory_space<hbm>> -> memref<1x80x125xi32, #tpu.memory_space<hbm>>
      %dma_start3A_80 = tpu.memref_squeeze %dma_start3A_79 : memref<1x80x125xi32, #tpu.memory_space<hbm>> -> memref<80x125xi32, #tpu.memory_space<hbm>>
      %dma_start3A_81 = arith.constant 0 : i32
      %dma_start3A_82 = arith.constant 0 : i32
      %dma_start3A_83 = tpu.memref_slice %arg3[%add3A, %dma_start3A_81, %dma_start3A_82] : memref<32x80x125xi32, #tpu.memory_space<hbm>> -> memref<1x80x125xi32, #tpu.memory_space<hbm>>
      %dma_start3A_84 = tpu.memref_squeeze %dma_start3A_83 : memref<1x80x125xi32, #tpu.memory_space<hbm>> -> memref<80x125xi32, #tpu.memory_space<hbm>>
      tpu.enqueue_dma source(%dma_start3A_84 : memref<80x125xi32, #tpu.memory_space<hbm>>) target(%arg7 : memref<80x125xi32, #tpu.memory_space<vmem>>) target_semaphore(%run_scoped3A : memref<!tpu.dma_semaphore, #tpu.memory_space<semaphore_mem>>)
      %dma_wait3A_85 = arith.constant 0 : i32
      %dma_wait3A_86 = arith.constant 0 : i32
      %dma_wait3A_87 = tpu.memref_slice %arg3[%add3A, %dma_wait3A_85, %dma_wait3A_86] : memref<32x80x125xi32, #tpu.memory_space<hbm>> -> memref<1x80x125xi32, #tpu.memory_space<hbm>>
      %dma_wait3A_88 = tpu.memref_squeeze %dma_wait3A_87 : memref<1x80x125xi32, #tpu.memory_space<hbm>> -> memref<80x125xi32, #tpu.memory_space<hbm>>
      %dma_wait3A_89 = arith.constant 0 : i32
      %dma_wait3A_90 = arith.constant 0 : i32
      %dma_wait3A_91 = tpu.memref_slice %arg3[%add3A, %dma_wait3A_89, %dma_wait3A_90] : memref<32x80x125xi32, #tpu.memory_space<hbm>> -> memref<1x80x125xi32, #tpu.memory_space<hbm>>
      %dma_wait3A_92 = tpu.memref_squeeze %dma_wait3A_91 : memref<1x80x125xi32, #tpu.memory_space<hbm>> -> memref<80x125xi32, #tpu.memory_space<hbm>>
      tpu.wait_dma2 semaphore(%run_scoped3A : memref<!tpu.dma_semaphore, #tpu.memory_space<semaphore_mem>>) src(%dma_wait3A_92 : memref<80x125xi32, #tpu.memory_space<hbm>>) dst(%arg7 : memref<80x125xi32, #tpu.memory_space<vmem>>)
      tpu.yield
    }) : () -> ()
    "tpu.region"() ({
      %run_scoped3A = tpu.sem_alloc : memref<!tpu.dma_semaphore, #tpu.memory_space<semaphore_mem>>
      %dma_start3A_77 = arith.constant 0 : i32
      %dma_start3A_78 = arith.constant 0 : i32
      %dma_start3A_79 = tpu.memref_slice %arg4[%add3A, %dma_start3A_77, %dma_start3A_78] : memref<32x80x125xi32, #tpu.memory_space<hbm>> -> memref<1x80x125xi32, #tpu.memory_space<hbm>>
      %dma_start3A_80 = tpu.memref_squeeze %dma_start3A_79 : memref<1x80x125xi32, #tpu.memory_space<hbm>> -> memref<80x125xi32, #tpu.memory_space<hbm>>
      %dma_start3A_81 = arith.constant 0 : i32
      %dma_start3A_82 = arith.constant 0 : i32
      %dma_start3A_83 = tpu.memref_slice %arg4[%add3A, %dma_start3A_81, %dma_start3A_82] : memref<32x80x125xi32, #tpu.memory_space<hbm>> -> memref<1x80x125xi32, #tpu.memory_space<hbm>>
      %dma_start3A_84 = tpu.memref_squeeze %dma_start3A_83 : memref<1x80x125xi32, #tpu.memory_space<hbm>> -> memref<80x125xi32, #tpu.memory_space<hbm>>
      tpu.enqueue_dma source(%dma_start3A_84 : memref<80x125xi32, #tpu.memory_space<hbm>>) target(%arg8 : memref<80x125xi32, #tpu.memory_space<vmem>>) target_semaphore(%run_scoped3A : memref<!tpu.dma_semaphore, #tpu.memory_space<semaphore_mem>>)
      %dma_wait3A_85 = arith.constant 0 : i32
      %dma_wait3A_86 = arith.constant 0 : i32
      %dma_wait3A_87 = tpu.memref_slice %arg4[%add3A, %dma_wait3A_85, %dma_wait3A_86] : memref<32x80x125xi32, #tpu.memory_space<hbm>> -> memref<1x80x125xi32, #tpu.memory_space<hbm>>
      %dma_wait3A_88 = tpu.memref_squeeze %dma_wait3A_87 : memref<1x80x125xi32, #tpu.memory_space<hbm>> -> memref<80x125xi32, #tpu.memory_space<hbm>>
      %dma_wait3A_89 = arith.constant 0 : i32
      %dma_wait3A_90 = arith.constant 0 : i32
      %dma_wait3A_91 = tpu.memref_slice %arg4[%add3A, %dma_wait3A_89, %dma_wait3A_90] : memref<32x80x125xi32, #tpu.memory_space<hbm>> -> memref<1x80x125xi32, #tpu.memory_space<hbm>>
      %dma_wait3A_92 = tpu.memref_squeeze %dma_wait3A_91 : memref<1x80x125xi32, #tpu.memory_space<hbm>> -> memref<80x125xi32, #tpu.memory_space<hbm>>
      tpu.wait_dma2 semaphore(%run_scoped3A : memref<!tpu.dma_semaphore, #tpu.memory_space<semaphore_mem>>) src(%dma_wait3A_92 : memref<80x125xi32, #tpu.memory_space<hbm>>) dst(%arg8 : memref<80x125xi32, #tpu.memory_space<vmem>>)
      tpu.yield
    }) : () -> ()
    %dma_wait3A = arith.constant 0 : i32
    %dma_wait3A_8 = tpu.memref_slice %arg33[%mul3A_4, %dma_wait3A] : memref<10240x64xf32, #tpu.memory_space<vmem_shared>> -> memref<640x64xf32, #tpu.memory_space<vmem_shared>>
    %dma_wait3A_9 = arith.constant 0 : i32
    %dma_wait3A_10 = tpu.memref_slice %arg5[%mul3A_2, %dma_wait3A_9] : memref<10240x64xf32, #tpu.memory_space<hbm>> -> memref<640x64xf32, #tpu.memory_space<hbm>>
    tpu.wait_dma2 semaphore(%arg34 : memref<!tpu.dma_semaphore, #tpu.memory_space<semaphore_mem>>) src(%dma_wait3A_10 : memref<640x64xf32, #tpu.memory_space<hbm>>) dst(%dma_wait3A_8 : memref<640x64xf32, #tpu.memory_space<vmem_shared>>)
    %barrier3A = arith.constant 0 : index
    tpu.barrier barrier_id(%barrier3A)
    %dma_start3A_11 = arith.constant 0 : i32
    %dma_start3A_12 = arith.constant 0 : i32
    %dma_start3A_13 = tpu.memref_slice %arg7[%dma_start3A_11, %dma_start3A_12] : memref<80x125xi32, #tpu.memory_space<vmem>> -> memref<1x125xi32, #tpu.memory_space<vmem>>
    %dma_start3A_14 = tpu.memref_squeeze %dma_start3A_13 : memref<1x125xi32, #tpu.memory_space<vmem>> -> memref<125xi32, #tpu.memory_space<vmem>>
    %dma_start3A_15 = arith.constant 0 : i32
    %dma_start3A_16 = arith.constant 0 : i32
    %dma_start3A_17 = tpu.memref_slice %arg2[%dma_start3A_15, %dma_start3A_16] : memref<20000x64xf32, #tpu.memory_space<hbm>> -> memref<20000x64xf32, #tpu.memory_space<hbm>>
    tpu.enqueue_indirect_dma source(%dma_start3A_17 : memref<20000x64xf32, #tpu.memory_space<hbm>>) target(%arg9 : memref<125x64xf32, #tpu.memory_space<vmem>>) offsets(%dma_start3A_14 : memref<125xi32, #tpu.memory_space<vmem>>) semaphore(%arg17 : memref<!tpu.dma_semaphore, #tpu.memory_space<semaphore_mem>>)
    %dma_start3A_18 = arith.constant 1 : i32
    %dma_start3A_19 = arith.constant 0 : i32
    %dma_start3A_20 = tpu.memref_slice %arg7[%dma_start3A_18, %dma_start3A_19] : memref<80x125xi32, #tpu.memory_space<vmem>> -> memref<1x125xi32, #tpu.memory_space<vmem>>
    %dma_start3A_21 = tpu.memref_squeeze %dma_start3A_20 : memref<1x125xi32, #tpu.memory_space<vmem>> -> memref<125xi32, #tpu.memory_space<vmem>>
    %dma_start3A_22 = arith.constant 0 : i32
    %dma_start3A_23 = arith.constant 0 : i32
    %dma_start3A_24 = tpu.memref_slice %arg2[%dma_start3A_22, %dma_start3A_23] : memref<20000x64xf32, #tpu.memory_space<hbm>> -> memref<20000x64xf32, #tpu.memory_space<hbm>>
    tpu.enqueue_indirect_dma source(%dma_start3A_24 : memref<20000x64xf32, #tpu.memory_space<hbm>>) target(%arg10 : memref<125x64xf32, #tpu.memory_space<vmem>>) offsets(%dma_start3A_21 : memref<125xi32, #tpu.memory_space<vmem>>) semaphore(%arg18 : memref<!tpu.dma_semaphore, #tpu.memory_space<semaphore_mem>>)
    %dma_start3A_25 = arith.constant 2 : i32
    %dma_start3A_26 = arith.constant 0 : i32
    %dma_start3A_27 = tpu.memref_slice %arg7[%dma_start3A_25, %dma_start3A_26] : memref<80x125xi32, #tpu.memory_space<vmem>> -> memref<1x125xi32, #tpu.memory_space<vmem>>
    %dma_start3A_28 = tpu.memref_squeeze %dma_start3A_27 : memref<1x125xi32, #tpu.memory_space<vmem>> -> memref<125xi32, #tpu.memory_space<vmem>>
    %dma_start3A_29 = arith.constant 0 : i32
    %dma_start3A_30 = arith.constant 0 : i32
    %dma_start3A_31 = tpu.memref_slice %arg2[%dma_start3A_29, %dma_start3A_30] : memref<20000x64xf32, #tpu.memory_space<hbm>> -> memref<20000x64xf32, #tpu.memory_space<hbm>>
    tpu.enqueue_indirect_dma source(%dma_start3A_31 : memref<20000x64xf32, #tpu.memory_space<hbm>>) target(%arg11 : memref<125x64xf32, #tpu.memory_space<vmem>>) offsets(%dma_start3A_28 : memref<125xi32, #tpu.memory_space<vmem>>) semaphore(%arg19 : memref<!tpu.dma_semaphore, #tpu.memory_space<semaphore_mem>>)
    %dma_start3A_32 = arith.constant 3 : i32
    %dma_start3A_33 = arith.constant 0 : i32
    %dma_start3A_34 = tpu.memref_slice %arg7[%dma_start3A_32, %dma_start3A_33] : memref<80x125xi32, #tpu.memory_space<vmem>> -> memref<1x125xi32, #tpu.memory_space<vmem>>
    %dma_start3A_35 = tpu.memref_squeeze %dma_start3A_34 : memref<1x125xi32, #tpu.memory_space<vmem>> -> memref<125xi32, #tpu.memory_space<vmem>>
    %dma_start3A_36 = arith.constant 0 : i32
    %dma_start3A_37 = arith.constant 0 : i32
    %dma_start3A_38 = tpu.memref_slice %arg2[%dma_start3A_36, %dma_start3A_37] : memref<20000x64xf32, #tpu.memory_space<hbm>> -> memref<20000x64xf32, #tpu.memory_space<hbm>>
    tpu.enqueue_indirect_dma source(%dma_start3A_38 : memref<20000x64xf32, #tpu.memory_space<hbm>>) target(%arg12 : memref<125x64xf32, #tpu.memory_space<vmem>>) offsets(%dma_start3A_35 : memref<125xi32, #tpu.memory_space<vmem>>) semaphore(%arg20 : memref<!tpu.dma_semaphore, #tpu.memory_space<semaphore_mem>>)
    %dma_start3A_39 = arith.constant 4 : i32
    %dma_start3A_40 = arith.constant 0 : i32
    %dma_start3A_41 = tpu.memref_slice %arg7[%dma_start3A_39, %dma_start3A_40] : memref<80x125xi32, #tpu.memory_space<vmem>> -> memref<1x125xi32, #tpu.memory_space<vmem>>
    %dma_start3A_42 = tpu.memref_squeeze %dma_start3A_41 : memref<1x125xi32, #tpu.memory_space<vmem>> -> memref<125xi32, #tpu.memory_space<vmem>>
    %dma_start3A_43 = arith.constant 0 : i32
    %dma_start3A_44 = arith.constant 0 : i32
    %dma_start3A_45 = tpu.memref_slice %arg2[%dma_start3A_43, %dma_start3A_44] : memref<20000x64xf32, #tpu.memory_space<hbm>> -> memref<20000x64xf32, #tpu.memory_space<hbm>>
    tpu.enqueue_indirect_dma source(%dma_start3A_45 : memref<20000x64xf32, #tpu.memory_space<hbm>>) target(%arg13 : memref<125x64xf32, #tpu.memory_space<vmem>>) offsets(%dma_start3A_42 : memref<125xi32, #tpu.memory_space<vmem>>) semaphore(%arg21 : memref<!tpu.dma_semaphore, #tpu.memory_space<semaphore_mem>>)
    %dma_start3A_46 = arith.constant 5 : i32
    %dma_start3A_47 = arith.constant 0 : i32
    %dma_start3A_48 = tpu.memref_slice %arg7[%dma_start3A_46, %dma_start3A_47] : memref<80x125xi32, #tpu.memory_space<vmem>> -> memref<1x125xi32, #tpu.memory_space<vmem>>
    %dma_start3A_49 = tpu.memref_squeeze %dma_start3A_48 : memref<1x125xi32, #tpu.memory_space<vmem>> -> memref<125xi32, #tpu.memory_space<vmem>>
    %dma_start3A_50 = arith.constant 0 : i32
    %dma_start3A_51 = arith.constant 0 : i32
    %dma_start3A_52 = tpu.memref_slice %arg2[%dma_start3A_50, %dma_start3A_51] : memref<20000x64xf32, #tpu.memory_space<hbm>> -> memref<20000x64xf32, #tpu.memory_space<hbm>>
    tpu.enqueue_indirect_dma source(%dma_start3A_52 : memref<20000x64xf32, #tpu.memory_space<hbm>>) target(%arg14 : memref<125x64xf32, #tpu.memory_space<vmem>>) offsets(%dma_start3A_49 : memref<125xi32, #tpu.memory_space<vmem>>) semaphore(%arg22 : memref<!tpu.dma_semaphore, #tpu.memory_space<semaphore_mem>>)
    %dma_start3A_53 = arith.constant 6 : i32
    %dma_start3A_54 = arith.constant 0 : i32
    %dma_start3A_55 = tpu.memref_slice %arg7[%dma_start3A_53, %dma_start3A_54] : memref<80x125xi32, #tpu.memory_space<vmem>> -> memref<1x125xi32, #tpu.memory_space<vmem>>
    %dma_start3A_56 = tpu.memref_squeeze %dma_start3A_55 : memref<1x125xi32, #tpu.memory_space<vmem>> -> memref<125xi32, #tpu.memory_space<vmem>>
    %dma_start3A_57 = arith.constant 0 : i32
    %dma_start3A_58 = arith.constant 0 : i32
    %dma_start3A_59 = tpu.memref_slice %arg2[%dma_start3A_57, %dma_start3A_58] : memref<20000x64xf32, #tpu.memory_space<hbm>> -> memref<20000x64xf32, #tpu.memory_space<hbm>>
    tpu.enqueue_indirect_dma source(%dma_start3A_59 : memref<20000x64xf32, #tpu.memory_space<hbm>>) target(%arg15 : memref<125x64xf32, #tpu.memory_space<vmem>>) offsets(%dma_start3A_56 : memref<125xi32, #tpu.memory_space<vmem>>) semaphore(%arg23 : memref<!tpu.dma_semaphore, #tpu.memory_space<semaphore_mem>>)
    %dma_start3A_60 = arith.constant 7 : i32
    %dma_start3A_61 = arith.constant 0 : i32
    %dma_start3A_62 = tpu.memref_slice %arg7[%dma_start3A_60, %dma_start3A_61] : memref<80x125xi32, #tpu.memory_space<vmem>> -> memref<1x125xi32, #tpu.memory_space<vmem>>
    %dma_start3A_63 = tpu.memref_squeeze %dma_start3A_62 : memref<1x125xi32, #tpu.memory_space<vmem>> -> memref<125xi32, #tpu.memory_space<vmem>>
    %dma_start3A_64 = arith.constant 0 : i32
    %dma_start3A_65 = arith.constant 0 : i32
    %dma_start3A_66 = tpu.memref_slice %arg2[%dma_start3A_64, %dma_start3A_65] : memref<20000x64xf32, #tpu.memory_space<hbm>> -> memref<20000x64xf32, #tpu.memory_space<hbm>>
    tpu.enqueue_indirect_dma source(%dma_start3A_66 : memref<20000x64xf32, #tpu.memory_space<hbm>>) target(%arg16 : memref<125x64xf32, #tpu.memory_space<vmem>>) offsets(%dma_start3A_63 : memref<125xi32, #tpu.memory_space<vmem>>) semaphore(%arg24 : memref<!tpu.dma_semaphore, #tpu.memory_space<semaphore_mem>>)
    %scan3A = arith.constant 0 : i32
    %scan3A_67 = arith.constant 0 : i32
    %scan3A_68 = arith.constant 10 : i32
    %scan3A_69 = arith.addi %scan3A_67, %scan3A_68 : i32
    %scan3A_70 = arith.constant 1 : i32
    scf.for %scan3A_77 = %scan3A_67 to %scan3A_69 step %scan3A_70  : i32 {
      %mul3A_78 = arith.constant 8 : i32
      %mul3A_79 = arith.muli %scan3A_77, %mul3A_78 : i32
      %add3A_80 = arith.constant 0 : i32
      %add3A_81 = arith.addi %mul3A_79, %add3A_80 : i32
      %dma_wait3A_82 = arith.constant 0 : i32
      %dma_wait3A_83 = tpu.memref_slice %arg7[%add3A_81, %dma_wait3A_82] : memref<80x125xi32, #tpu.memory_space<vmem>> -> memref<1x125xi32, #tpu.memory_space<vmem>>
      %dma_wait3A_84 = tpu.memref_squeeze %dma_wait3A_83 : memref<1x125xi32, #tpu.memory_space<vmem>> -> memref<125xi32, #tpu.memory_space<vmem>>
      %dma_wait3A_85 = arith.constant 0 : i32
      %dma_wait3A_86 = arith.constant 0 : i32
      %dma_wait3A_87 = tpu.memref_slice %arg2[%dma_wait3A_85, %dma_wait3A_86] : memref<20000x64xf32, #tpu.memory_space<hbm>> -> memref<20000x64xf32, #tpu.memory_space<hbm>>
      tpu.wait_indirect_dma semaphore(%arg17 : memref<!tpu.dma_semaphore, #tpu.memory_space<semaphore_mem>>) src(%dma_wait3A_87 : memref<20000x64xf32, #tpu.memory_space<hbm>>) dst(%arg9 : memref<125x64xf32, #tpu.memory_space<vmem>>)
      %dma_start3A_88 = arith.constant 0 : i32
      %dma_start3A_89 = tpu.memref_slice %arg8[%add3A_81, %dma_start3A_88] : memref<80x125xi32, #tpu.memory_space<vmem>> -> memref<1x125xi32, #tpu.memory_space<vmem>>
      %dma_start3A_90 = tpu.memref_squeeze %dma_start3A_89 : memref<1x125xi32, #tpu.memory_space<vmem>> -> memref<125xi32, #tpu.memory_space<vmem>>
      %dma_start3A_91 = arith.constant 0 : i32
      %dma_start3A_92 = arith.constant 0 : i32
      %dma_start3A_93 = tpu.memref_slice %arg33[%dma_start3A_91, %dma_start3A_92] : memref<10240x64xf32, #tpu.memory_space<vmem_shared>> -> memref<10240x64xf32, #tpu.memory_space<vmem_shared>>
      tpu.enqueue_indirect_dma source(%arg9 : memref<125x64xf32, #tpu.memory_space<vmem>>) target(%dma_start3A_93 : memref<10240x64xf32, #tpu.memory_space<vmem_shared>>) offsets(%dma_start3A_90 : memref<125xi32, #tpu.memory_space<vmem>>) semaphore(%arg25 : memref<!tpu.dma_semaphore, #tpu.memory_space<semaphore_mem>>) {add = true}
      %mul3A_94 = arith.constant 8 : i32
      %mul3A_95 = arith.muli %scan3A_77, %mul3A_94 : i32
      %add3A_96 = arith.constant 1 : i32
      %add3A_97 = arith.addi %mul3A_95, %add3A_96 : i32
      %dma_wait3A_98 = arith.constant 0 : i32
      %dma_wait3A_99 = tpu.memref_slice %arg7[%add3A_97, %dma_wait3A_98] : memref<80x125xi32, #tpu.memory_space<vmem>> -> memref<1x125xi32, #tpu.memory_space<vmem>>
      %dma_wait3A_100 = tpu.memref_squeeze %dma_wait3A_99 : memref<1x125xi32, #tpu.memory_space<vmem>> -> memref<125xi32, #tpu.memory_space<vmem>>
      %dma_wait3A_101 = arith.constant 0 : i32
      %dma_wait3A_102 = arith.constant 0 : i32
      %dma_wait3A_103 = tpu.memref_slice %arg2[%dma_wait3A_101, %dma_wait3A_102] : memref<20000x64xf32, #tpu.memory_space<hbm>> -> memref<20000x64xf32, #tpu.memory_space<hbm>>
      tpu.wait_indirect_dma semaphore(%arg18 : memref<!tpu.dma_semaphore, #tpu.memory_space<semaphore_mem>>) src(%dma_wait3A_103 : memref<20000x64xf32, #tpu.memory_space<hbm>>) dst(%arg10 : memref<125x64xf32, #tpu.memory_space<vmem>>)
      %dma_start3A_104 = arith.constant 0 : i32
      %dma_start3A_105 = tpu.memref_slice %arg8[%add3A_97, %dma_start3A_104] : memref<80x125xi32, #tpu.memory_space<vmem>> -> memref<1x125xi32, #tpu.memory_space<vmem>>
      %dma_start3A_106 = tpu.memref_squeeze %dma_start3A_105 : memref<1x125xi32, #tpu.memory_space<vmem>> -> memref<125xi32, #tpu.memory_space<vmem>>
      %dma_start3A_107 = arith.constant 0 : i32
      %dma_start3A_108 = arith.constant 0 : i32
      %dma_start3A_109 = tpu.memref_slice %arg33[%dma_start3A_107, %dma_start3A_108] : memref<10240x64xf32, #tpu.memory_space<vmem_shared>> -> memref<10240x64xf32, #tpu.memory_space<vmem_shared>>
      tpu.enqueue_indirect_dma source(%arg10 : memref<125x64xf32, #tpu.memory_space<vmem>>) target(%dma_start3A_109 : memref<10240x64xf32, #tpu.memory_space<vmem_shared>>) offsets(%dma_start3A_106 : memref<125xi32, #tpu.memory_space<vmem>>) semaphore(%arg26 : memref<!tpu.dma_semaphore, #tpu.memory_space<semaphore_mem>>) {add = true}
      %mul3A_110 = arith.constant 8 : i32
      %mul3A_111 = arith.muli %scan3A_77, %mul3A_110 : i32
      %add3A_112 = arith.constant 2 : i32
      %add3A_113 = arith.addi %mul3A_111, %add3A_112 : i32
      %dma_wait3A_114 = arith.constant 0 : i32
      %dma_wait3A_115 = tpu.memref_slice %arg7[%add3A_113, %dma_wait3A_114] : memref<80x125xi32, #tpu.memory_space<vmem>> -> memref<1x125xi32, #tpu.memory_space<vmem>>
      %dma_wait3A_116 = tpu.memref_squeeze %dma_wait3A_115 : memref<1x125xi32, #tpu.memory_space<vmem>> -> memref<125xi32, #tpu.memory_space<vmem>>
      %dma_wait3A_117 = arith.constant 0 : i32
      %dma_wait3A_118 = arith.constant 0 : i32
      %dma_wait3A_119 = tpu.memref_slice %arg2[%dma_wait3A_117, %dma_wait3A_118] : memref<20000x64xf32, #tpu.memory_space<hbm>> -> memref<20000x64xf32, #tpu.memory_space<hbm>>
      tpu.wait_indirect_dma semaphore(%arg19 : memref<!tpu.dma_semaphore, #tpu.memory_space<semaphore_mem>>) src(%dma_wait3A_119 : memref<20000x64xf32, #tpu.memory_space<hbm>>) dst(%arg11 : memref<125x64xf32, #tpu.memory_space<vmem>>)
      %dma_start3A_120 = arith.constant 0 : i32
      %dma_start3A_121 = tpu.memref_slice %arg8[%add3A_113, %dma_start3A_120] : memref<80x125xi32, #tpu.memory_space<vmem>> -> memref<1x125xi32, #tpu.memory_space<vmem>>
      %dma_start3A_122 = tpu.memref_squeeze %dma_start3A_121 : memref<1x125xi32, #tpu.memory_space<vmem>> -> memref<125xi32, #tpu.memory_space<vmem>>
      %dma_start3A_123 = arith.constant 0 : i32
      %dma_start3A_124 = arith.constant 0 : i32
      %dma_start3A_125 = tpu.memref_slice %arg33[%dma_start3A_123, %dma_start3A_124] : memref<10240x64xf32, #tpu.memory_space<vmem_shared>> -> memref<10240x64xf32, #tpu.memory_space<vmem_shared>>
      tpu.enqueue_indirect_dma source(%arg11 : memref<125x64xf32, #tpu.memory_space<vmem>>) target(%dma_start3A_125 : memref<10240x64xf32, #tpu.memory_space<vmem_shared>>) offsets(%dma_start3A_122 : memref<125xi32, #tpu.memory_space<vmem>>) semaphore(%arg27 : memref<!tpu.dma_semaphore, #tpu.memory_space<semaphore_mem>>) {add = true}
      %mul3A_126 = arith.constant 8 : i32
      %mul3A_127 = arith.muli %scan3A_77, %mul3A_126 : i32
      %add3A_128 = arith.constant 3 : i32
      %add3A_129 = arith.addi %mul3A_127, %add3A_128 : i32
      %dma_wait3A_130 = arith.constant 0 : i32
      %dma_wait3A_131 = tpu.memref_slice %arg7[%add3A_129, %dma_wait3A_130] : memref<80x125xi32, #tpu.memory_space<vmem>> -> memref<1x125xi32, #tpu.memory_space<vmem>>
      %dma_wait3A_132 = tpu.memref_squeeze %dma_wait3A_131 : memref<1x125xi32, #tpu.memory_space<vmem>> -> memref<125xi32, #tpu.memory_space<vmem>>
      %dma_wait3A_133 = arith.constant 0 : i32
      %dma_wait3A_134 = arith.constant 0 : i32
      %dma_wait3A_135 = tpu.memref_slice %arg2[%dma_wait3A_133, %dma_wait3A_134] : memref<20000x64xf32, #tpu.memory_space<hbm>> -> memref<20000x64xf32, #tpu.memory_space<hbm>>
      tpu.wait_indirect_dma semaphore(%arg20 : memref<!tpu.dma_semaphore, #tpu.memory_space<semaphore_mem>>) src(%dma_wait3A_135 : memref<20000x64xf32, #tpu.memory_space<hbm>>) dst(%arg12 : memref<125x64xf32, #tpu.memory_space<vmem>>)
      %dma_start3A_136 = arith.constant 0 : i32
      %dma_start3A_137 = tpu.memref_slice %arg8[%add3A_129, %dma_start3A_136] : memref<80x125xi32, #tpu.memory_space<vmem>> -> memref<1x125xi32, #tpu.memory_space<vmem>>
      %dma_start3A_138 = tpu.memref_squeeze %dma_start3A_137 : memref<1x125xi32, #tpu.memory_space<vmem>> -> memref<125xi32, #tpu.memory_space<vmem>>
      %dma_start3A_139 = arith.constant 0 : i32
      %dma_start3A_140 = arith.constant 0 : i32
      %dma_start3A_141 = tpu.memref_slice %arg33[%dma_start3A_139, %dma_start3A_140] : memref<10240x64xf32, #tpu.memory_space<vmem_shared>> -> memref<10240x64xf32, #tpu.memory_space<vmem_shared>>
      tpu.enqueue_indirect_dma source(%arg12 : memref<125x64xf32, #tpu.memory_space<vmem>>) target(%dma_start3A_141 : memref<10240x64xf32, #tpu.memory_space<vmem_shared>>) offsets(%dma_start3A_138 : memref<125xi32, #tpu.memory_space<vmem>>) semaphore(%arg28 : memref<!tpu.dma_semaphore, #tpu.memory_space<semaphore_mem>>) {add = true}
      %mul3A_142 = arith.constant 8 : i32
      %mul3A_143 = arith.muli %scan3A_77, %mul3A_142 : i32
      %add3A_144 = arith.constant 4 : i32
      %add3A_145 = arith.addi %mul3A_143, %add3A_144 : i32
      %dma_wait3A_146 = arith.constant 0 : i32
      %dma_wait3A_147 = tpu.memref_slice %arg7[%add3A_145, %dma_wait3A_146] : memref<80x125xi32, #tpu.memory_space<vmem>> -> memref<1x125xi32, #tpu.memory_space<vmem>>
      %dma_wait3A_148 = tpu.memref_squeeze %dma_wait3A_147 : memref<1x125xi32, #tpu.memory_space<vmem>> -> memref<125xi32, #tpu.memory_space<vmem>>
      %dma_wait3A_149 = arith.constant 0 : i32
      %dma_wait3A_150 = arith.constant 0 : i32
      %dma_wait3A_151 = tpu.memref_slice %arg2[%dma_wait3A_149, %dma_wait3A_150] : memref<20000x64xf32, #tpu.memory_space<hbm>> -> memref<20000x64xf32, #tpu.memory_space<hbm>>
      tpu.wait_indirect_dma semaphore(%arg21 : memref<!tpu.dma_semaphore, #tpu.memory_space<semaphore_mem>>) src(%dma_wait3A_151 : memref<20000x64xf32, #tpu.memory_space<hbm>>) dst(%arg13 : memref<125x64xf32, #tpu.memory_space<vmem>>)
      %dma_start3A_152 = arith.constant 0 : i32
      %dma_start3A_153 = tpu.memref_slice %arg8[%add3A_145, %dma_start3A_152] : memref<80x125xi32, #tpu.memory_space<vmem>> -> memref<1x125xi32, #tpu.memory_space<vmem>>
      %dma_start3A_154 = tpu.memref_squeeze %dma_start3A_153 : memref<1x125xi32, #tpu.memory_space<vmem>> -> memref<125xi32, #tpu.memory_space<vmem>>
      %dma_start3A_155 = arith.constant 0 : i32
      %dma_start3A_156 = arith.constant 0 : i32
      %dma_start3A_157 = tpu.memref_slice %arg33[%dma_start3A_155, %dma_start3A_156] : memref<10240x64xf32, #tpu.memory_space<vmem_shared>> -> memref<10240x64xf32, #tpu.memory_space<vmem_shared>>
      tpu.enqueue_indirect_dma source(%arg13 : memref<125x64xf32, #tpu.memory_space<vmem>>) target(%dma_start3A_157 : memref<10240x64xf32, #tpu.memory_space<vmem_shared>>) offsets(%dma_start3A_154 : memref<125xi32, #tpu.memory_space<vmem>>) semaphore(%arg29 : memref<!tpu.dma_semaphore, #tpu.memory_space<semaphore_mem>>) {add = true}
      %mul3A_158 = arith.constant 8 : i32
      %mul3A_159 = arith.muli %scan3A_77, %mul3A_158 : i32
      %add3A_160 = arith.constant 5 : i32
      %add3A_161 = arith.addi %mul3A_159, %add3A_160 : i32
      %dma_wait3A_162 = arith.constant 0 : i32
      %dma_wait3A_163 = tpu.memref_slice %arg7[%add3A_161, %dma_wait3A_162] : memref<80x125xi32, #tpu.memory_space<vmem>> -> memref<1x125xi32, #tpu.memory_space<vmem>>
      %dma_wait3A_164 = tpu.memref_squeeze %dma_wait3A_163 : memref<1x125xi32, #tpu.memory_space<vmem>> -> memref<125xi32, #tpu.memory_space<vmem>>
      %dma_wait3A_165 = arith.constant 0 : i32
      %dma_wait3A_166 = arith.constant 0 : i32
      %dma_wait3A_167 = tpu.memref_slice %arg2[%dma_wait3A_165, %dma_wait3A_166] : memref<20000x64xf32, #tpu.memory_space<hbm>> -> memref<20000x64xf32, #tpu.memory_space<hbm>>
      tpu.wait_indirect_dma semaphore(%arg22 : memref<!tpu.dma_semaphore, #tpu.memory_space<semaphore_mem>>) src(%dma_wait3A_167 : memref<20000x64xf32, #tpu.memory_space<hbm>>) dst(%arg14 : memref<125x64xf32, #tpu.memory_space<vmem>>)
      %dma_start3A_168 = arith.constant 0 : i32
      %dma_start3A_169 = tpu.memref_slice %arg8[%add3A_161, %dma_start3A_168] : memref<80x125xi32, #tpu.memory_space<vmem>> -> memref<1x125xi32, #tpu.memory_space<vmem>>
      %dma_start3A_170 = tpu.memref_squeeze %dma_start3A_169 : memref<1x125xi32, #tpu.memory_space<vmem>> -> memref<125xi32, #tpu.memory_space<vmem>>
      %dma_start3A_171 = arith.constant 0 : i32
      %dma_start3A_172 = arith.constant 0 : i32
      %dma_start3A_173 = tpu.memref_slice %arg33[%dma_start3A_171, %dma_start3A_172] : memref<10240x64xf32, #tpu.memory_space<vmem_shared>> -> memref<10240x64xf32, #tpu.memory_space<vmem_shared>>
      tpu.enqueue_indirect_dma source(%arg14 : memref<125x64xf32, #tpu.memory_space<vmem>>) target(%dma_start3A_173 : memref<10240x64xf32, #tpu.memory_space<vmem_shared>>) offsets(%dma_start3A_170 : memref<125xi32, #tpu.memory_space<vmem>>) semaphore(%arg30 : memref<!tpu.dma_semaphore, #tpu.memory_space<semaphore_mem>>) {add = true}
      %mul3A_174 = arith.constant 8 : i32
      %mul3A_175 = arith.muli %scan3A_77, %mul3A_174 : i32
      %add3A_176 = arith.constant 6 : i32
      %add3A_177 = arith.addi %mul3A_175, %add3A_176 : i32
      %dma_wait3A_178 = arith.constant 0 : i32
      %dma_wait3A_179 = tpu.memref_slice %arg7[%add3A_177, %dma_wait3A_178] : memref<80x125xi32, #tpu.memory_space<vmem>> -> memref<1x125xi32, #tpu.memory_space<vmem>>
      %dma_wait3A_180 = tpu.memref_squeeze %dma_wait3A_179 : memref<1x125xi32, #tpu.memory_space<vmem>> -> memref<125xi32, #tpu.memory_space<vmem>>
      %dma_wait3A_181 = arith.constant 0 : i32
      %dma_wait3A_182 = arith.constant 0 : i32
      %dma_wait3A_183 = tpu.memref_slice %arg2[%dma_wait3A_181, %dma_wait3A_182] : memref<20000x64xf32, #tpu.memory_space<hbm>> -> memref<20000x64xf32, #tpu.memory_space<hbm>>
      tpu.wait_indirect_dma semaphore(%arg23 : memref<!tpu.dma_semaphore, #tpu.memory_space<semaphore_mem>>) src(%dma_wait3A_183 : memref<20000x64xf32, #tpu.memory_space<hbm>>) dst(%arg15 : memref<125x64xf32, #tpu.memory_space<vmem>>)
      %dma_start3A_184 = arith.constant 0 : i32
      %dma_start3A_185 = tpu.memref_slice %arg8[%add3A_177, %dma_start3A_184] : memref<80x125xi32, #tpu.memory_space<vmem>> -> memref<1x125xi32, #tpu.memory_space<vmem>>
      %dma_start3A_186 = tpu.memref_squeeze %dma_start3A_185 : memref<1x125xi32, #tpu.memory_space<vmem>> -> memref<125xi32, #tpu.memory_space<vmem>>
      %dma_start3A_187 = arith.constant 0 : i32
      %dma_start3A_188 = arith.constant 0 : i32
      %dma_start3A_189 = tpu.memref_slice %arg33[%dma_start3A_187, %dma_start3A_188] : memref<10240x64xf32, #tpu.memory_space<vmem_shared>> -> memref<10240x64xf32, #tpu.memory_space<vmem_shared>>
      tpu.enqueue_indirect_dma source(%arg15 : memref<125x64xf32, #tpu.memory_space<vmem>>) target(%dma_start3A_189 : memref<10240x64xf32, #tpu.memory_space<vmem_shared>>) offsets(%dma_start3A_186 : memref<125xi32, #tpu.memory_space<vmem>>) semaphore(%arg31 : memref<!tpu.dma_semaphore, #tpu.memory_space<semaphore_mem>>) {add = true}
      %mul3A_190 = arith.constant 8 : i32
      %mul3A_191 = arith.muli %scan3A_77, %mul3A_190 : i32
      %add3A_192 = arith.constant 7 : i32
      %add3A_193 = arith.addi %mul3A_191, %add3A_192 : i32
      %dma_wait3A_194 = arith.constant 0 : i32
      %dma_wait3A_195 = tpu.memref_slice %arg7[%add3A_193, %dma_wait3A_194] : memref<80x125xi32, #tpu.memory_space<vmem>> -> memref<1x125xi32, #tpu.memory_space<vmem>>
      %dma_wait3A_196 = tpu.memref_squeeze %dma_wait3A_195 : memref<1x125xi32, #tpu.memory_space<vmem>> -> memref<125xi32, #tpu.memory_space<vmem>>
      %dma_wait3A_197 = arith.constant 0 : i32
      %dma_wait3A_198 = arith.constant 0 : i32
      %dma_wait3A_199 = tpu.memref_slice %arg2[%dma_wait3A_197, %dma_wait3A_198] : memref<20000x64xf32, #tpu.memory_space<hbm>> -> memref<20000x64xf32, #tpu.memory_space<hbm>>
      tpu.wait_indirect_dma semaphore(%arg24 : memref<!tpu.dma_semaphore, #tpu.memory_space<semaphore_mem>>) src(%dma_wait3A_199 : memref<20000x64xf32, #tpu.memory_space<hbm>>) dst(%arg16 : memref<125x64xf32, #tpu.memory_space<vmem>>)
      %dma_start3A_200 = arith.constant 0 : i32
      %dma_start3A_201 = tpu.memref_slice %arg8[%add3A_193, %dma_start3A_200] : memref<80x125xi32, #tpu.memory_space<vmem>> -> memref<1x125xi32, #tpu.memory_space<vmem>>
      %dma_start3A_202 = tpu.memref_squeeze %dma_start3A_201 : memref<1x125xi32, #tpu.memory_space<vmem>> -> memref<125xi32, #tpu.memory_space<vmem>>
      %dma_start3A_203 = arith.constant 0 : i32
      %dma_start3A_204 = arith.constant 0 : i32
      %dma_start3A_205 = tpu.memref_slice %arg33[%dma_start3A_203, %dma_start3A_204] : memref<10240x64xf32, #tpu.memory_space<vmem_shared>> -> memref<10240x64xf32, #tpu.memory_space<vmem_shared>>
      tpu.enqueue_indirect_dma source(%arg16 : memref<125x64xf32, #tpu.memory_space<vmem>>) target(%dma_start3A_205 : memref<10240x64xf32, #tpu.memory_space<vmem_shared>>) offsets(%dma_start3A_202 : memref<125xi32, #tpu.memory_space<vmem>>) semaphore(%arg32 : memref<!tpu.dma_semaphore, #tpu.memory_space<semaphore_mem>>) {add = true}
      %mul3A_206 = arith.constant 8 : i32
      %mul3A_207 = arith.muli %scan3A_77, %mul3A_206 : i32
      %add3A_208 = arith.constant 0 : i32
      %add3A_209 = arith.addi %mul3A_207, %add3A_208 : i32
      %dma_wait3A_210 = arith.constant 0 : i32
      %dma_wait3A_211 = tpu.memref_slice %arg8[%add3A_209, %dma_wait3A_210] : memref<80x125xi32, #tpu.memory_space<vmem>> -> memref<1x125xi32, #tpu.memory_space<vmem>>
      %dma_wait3A_212 = tpu.memref_squeeze %dma_wait3A_211 : memref<1x125xi32, #tpu.memory_space<vmem>> -> memref<125xi32, #tpu.memory_space<vmem>>
      %dma_wait3A_213 = arith.constant 0 : i32
      %dma_wait3A_214 = arith.constant 0 : i32
      %dma_wait3A_215 = tpu.memref_slice %arg33[%dma_wait3A_213, %dma_wait3A_214] : memref<10240x64xf32, #tpu.memory_space<vmem_shared>> -> memref<10240x64xf32, #tpu.memory_space<vmem_shared>>
      tpu.wait_indirect_dma semaphore(%arg25 : memref<!tpu.dma_semaphore, #tpu.memory_space<semaphore_mem>>) src(%arg9 : memref<125x64xf32, #tpu.memory_space<vmem>>) dst(%dma_wait3A_215 : memref<10240x64xf32, #tpu.memory_space<vmem_shared>>)
      %add3A_216 = arith.constant 8 : i32
      %add3A_217 = arith.addi %add3A_209, %add3A_216 : i32
      %lt3A = arith.constant 80 : i32
      %lt3A_218 = arith.cmpi slt, %add3A_217, %lt3A : i32
      %convert_element_type3A = arith.extui %lt3A_218 : i1 to i32
      %cond3A = arith.constant 0 : i32
      %cond3A_219 = arith.cmpi ne, %convert_element_type3A, %cond3A : i32
      scf.if %cond3A_219 {
        %add3A_339 = arith.constant 8 : i32
        %add3A_340 = arith.addi %add3A_209, %add3A_339 : i32
        %dma_start3A_341 = arith.constant 0 : i32
        %dma_start3A_342 = tpu.memref_slice %arg7[%add3A_340, %dma_start3A_341] : memref<80x125xi32, #tpu.memory_space<vmem>> -> memref<1x125xi32, #tpu.memory_space<vmem>>
        %dma_start3A_343 = tpu.memref_squeeze %dma_start3A_342 : memref<1x125xi32, #tpu.memory_space<vmem>> -> memref<125xi32, #tpu.memory_space<vmem>>
        %dma_start3A_344 = arith.constant 0 : i32
        %dma_start3A_345 = arith.constant 0 : i32
        %dma_start3A_346 = tpu.memref_slice %arg2[%dma_start3A_344, %dma_start3A_345] : memref<20000x64xf32, #tpu.memory_space<hbm>> -> memref<20000x64xf32, #tpu.memory_space<hbm>>
        tpu.enqueue_indirect_dma source(%dma_start3A_346 : memref<20000x64xf32, #tpu.memory_space<hbm>>) target(%arg9 : memref<125x64xf32, #tpu.memory_space<vmem>>) offsets(%dma_start3A_343 : memref<125xi32, #tpu.memory_space<vmem>>) semaphore(%arg17 : memref<!tpu.dma_semaphore, #tpu.memory_space<semaphore_mem>>)
      } else {
      }
      %mul3A_220 = arith.constant 8 : i32
      %mul3A_221 = arith.muli %scan3A_77, %mul3A_220 : i32
      %add3A_222 = arith.constant 1 : i32
      %add3A_223 = arith.addi %mul3A_221, %add3A_222 : i32
      %dma_wait3A_224 = arith.constant 0 : i32
      %dma_wait3A_225 = tpu.memref_slice %arg8[%add3A_223, %dma_wait3A_224] : memref<80x125xi32, #tpu.memory_space<vmem>> -> memref<1x125xi32, #tpu.memory_space<vmem>>
      %dma_wait3A_226 = tpu.memref_squeeze %dma_wait3A_225 : memref<1x125xi32, #tpu.memory_space<vmem>> -> memref<125xi32, #tpu.memory_space<vmem>>
      %dma_wait3A_227 = arith.constant 0 : i32
      %dma_wait3A_228 = arith.constant 0 : i32
      %dma_wait3A_229 = tpu.memref_slice %arg33[%dma_wait3A_227, %dma_wait3A_228] : memref<10240x64xf32, #tpu.memory_space<vmem_shared>> -> memref<10240x64xf32, #tpu.memory_space<vmem_shared>>
      tpu.wait_indirect_dma semaphore(%arg26 : memref<!tpu.dma_semaphore, #tpu.memory_space<semaphore_mem>>) src(%arg10 : memref<125x64xf32, #tpu.memory_space<vmem>>) dst(%dma_wait3A_229 : memref<10240x64xf32, #tpu.memory_space<vmem_shared>>)
      %add3A_230 = arith.constant 8 : i32
      %add3A_231 = arith.addi %add3A_223, %add3A_230 : i32
      %lt3A_232 = arith.constant 80 : i32
      %lt3A_233 = arith.cmpi slt, %add3A_231, %lt3A_232 : i32
      %convert_element_type3A_234 = arith.extui %lt3A_233 : i1 to i32
      %cond3A_235 = arith.constant 0 : i32
      %cond3A_236 = arith.cmpi ne, %convert_element_type3A_234, %cond3A_235 : i32
      scf.if %cond3A_236 {
        %add3A_339 = arith.constant 8 : i32
        %add3A_340 = arith.addi %add3A_223, %add3A_339 : i32
        %dma_start3A_341 = arith.constant 0 : i32
        %dma_start3A_342 = tpu.memref_slice %arg7[%add3A_340, %dma_start3A_341] : memref<80x125xi32, #tpu.memory_space<vmem>> -> memref<1x125xi32, #tpu.memory_space<vmem>>
        %dma_start3A_343 = tpu.memref_squeeze %dma_start3A_342 : memref<1x125xi32, #tpu.memory_space<vmem>> -> memref<125xi32, #tpu.memory_space<vmem>>
        %dma_start3A_344 = arith.constant 0 : i32
        %dma_start3A_345 = arith.constant 0 : i32
        %dma_start3A_346 = tpu.memref_slice %arg2[%dma_start3A_344, %dma_start3A_345] : memref<20000x64xf32, #tpu.memory_space<hbm>> -> memref<20000x64xf32, #tpu.memory_space<hbm>>
        tpu.enqueue_indirect_dma source(%dma_start3A_346 : memref<20000x64xf32, #tpu.memory_space<hbm>>) target(%arg10 : memref<125x64xf32, #tpu.memory_space<vmem>>) offsets(%dma_start3A_343 : memref<125xi32, #tpu.memory_space<vmem>>) semaphore(%arg18 : memref<!tpu.dma_semaphore, #tpu.memory_space<semaphore_mem>>)
      } else {
      }
      %mul3A_237 = arith.constant 8 : i32
      %mul3A_238 = arith.muli %scan3A_77, %mul3A_237 : i32
      %add3A_239 = arith.constant 2 : i32
      %add3A_240 = arith.addi %mul3A_238, %add3A_239 : i32
      %dma_wait3A_241 = arith.constant 0 : i32
      %dma_wait3A_242 = tpu.memref_slice %arg8[%add3A_240, %dma_wait3A_241] : memref<80x125xi32, #tpu.memory_space<vmem>> -> memref<1x125xi32, #tpu.memory_space<vmem>>
      %dma_wait3A_243 = tpu.memref_squeeze %dma_wait3A_242 : memref<1x125xi32, #tpu.memory_space<vmem>> -> memref<125xi32, #tpu.memory_space<vmem>>
      %dma_wait3A_244 = arith.constant 0 : i32
      %dma_wait3A_245 = arith.constant 0 : i32
      %dma_wait3A_246 = tpu.memref_slice %arg33[%dma_wait3A_244, %dma_wait3A_245] : memref<10240x64xf32, #tpu.memory_space<vmem_shared>> -> memref<10240x64xf32, #tpu.memory_space<vmem_shared>>
      tpu.wait_indirect_dma semaphore(%arg27 : memref<!tpu.dma_semaphore, #tpu.memory_space<semaphore_mem>>) src(%arg11 : memref<125x64xf32, #tpu.memory_space<vmem>>) dst(%dma_wait3A_246 : memref<10240x64xf32, #tpu.memory_space<vmem_shared>>)
      %add3A_247 = arith.constant 8 : i32
      %add3A_248 = arith.addi %add3A_240, %add3A_247 : i32
      %lt3A_249 = arith.constant 80 : i32
      %lt3A_250 = arith.cmpi slt, %add3A_248, %lt3A_249 : i32
      %convert_element_type3A_251 = arith.extui %lt3A_250 : i1 to i32
      %cond3A_252 = arith.constant 0 : i32
      %cond3A_253 = arith.cmpi ne, %convert_element_type3A_251, %cond3A_252 : i32
      scf.if %cond3A_253 {
        %add3A_339 = arith.constant 8 : i32
        %add3A_340 = arith.addi %add3A_240, %add3A_339 : i32
        %dma_start3A_341 = arith.constant 0 : i32
        %dma_start3A_342 = tpu.memref_slice %arg7[%add3A_340, %dma_start3A_341] : memref<80x125xi32, #tpu.memory_space<vmem>> -> memref<1x125xi32, #tpu.memory_space<vmem>>
        %dma_start3A_343 = tpu.memref_squeeze %dma_start3A_342 : memref<1x125xi32, #tpu.memory_space<vmem>> -> memref<125xi32, #tpu.memory_space<vmem>>
        %dma_start3A_344 = arith.constant 0 : i32
        %dma_start3A_345 = arith.constant 0 : i32
        %dma_start3A_346 = tpu.memref_slice %arg2[%dma_start3A_344, %dma_start3A_345] : memref<20000x64xf32, #tpu.memory_space<hbm>> -> memref<20000x64xf32, #tpu.memory_space<hbm>>
        tpu.enqueue_indirect_dma source(%dma_start3A_346 : memref<20000x64xf32, #tpu.memory_space<hbm>>) target(%arg11 : memref<125x64xf32, #tpu.memory_space<vmem>>) offsets(%dma_start3A_343 : memref<125xi32, #tpu.memory_space<vmem>>) semaphore(%arg19 : memref<!tpu.dma_semaphore, #tpu.memory_space<semaphore_mem>>)
      } else {
      }
      %mul3A_254 = arith.constant 8 : i32
      %mul3A_255 = arith.muli %scan3A_77, %mul3A_254 : i32
      %add3A_256 = arith.constant 3 : i32
      %add3A_257 = arith.addi %mul3A_255, %add3A_256 : i32
      %dma_wait3A_258 = arith.constant 0 : i32
      %dma_wait3A_259 = tpu.memref_slice %arg8[%add3A_257, %dma_wait3A_258] : memref<80x125xi32, #tpu.memory_space<vmem>> -> memref<1x125xi32, #tpu.memory_space<vmem>>
      %dma_wait3A_260 = tpu.memref_squeeze %dma_wait3A_259 : memref<1x125xi32, #tpu.memory_space<vmem>> -> memref<125xi32, #tpu.memory_space<vmem>>
      %dma_wait3A_261 = arith.constant 0 : i32
      %dma_wait3A_262 = arith.constant 0 : i32
      %dma_wait3A_263 = tpu.memref_slice %arg33[%dma_wait3A_261, %dma_wait3A_262] : memref<10240x64xf32, #tpu.memory_space<vmem_shared>> -> memref<10240x64xf32, #tpu.memory_space<vmem_shared>>
      tpu.wait_indirect_dma semaphore(%arg28 : memref<!tpu.dma_semaphore, #tpu.memory_space<semaphore_mem>>) src(%arg12 : memref<125x64xf32, #tpu.memory_space<vmem>>) dst(%dma_wait3A_263 : memref<10240x64xf32, #tpu.memory_space<vmem_shared>>)
      %add3A_264 = arith.constant 8 : i32
      %add3A_265 = arith.addi %add3A_257, %add3A_264 : i32
      %lt3A_266 = arith.constant 80 : i32
      %lt3A_267 = arith.cmpi slt, %add3A_265, %lt3A_266 : i32
      %convert_element_type3A_268 = arith.extui %lt3A_267 : i1 to i32
      %cond3A_269 = arith.constant 0 : i32
      %cond3A_270 = arith.cmpi ne, %convert_element_type3A_268, %cond3A_269 : i32
      scf.if %cond3A_270 {
        %add3A_339 = arith.constant 8 : i32
        %add3A_340 = arith.addi %add3A_257, %add3A_339 : i32
        %dma_start3A_341 = arith.constant 0 : i32
        %dma_start3A_342 = tpu.memref_slice %arg7[%add3A_340, %dma_start3A_341] : memref<80x125xi32, #tpu.memory_space<vmem>> -> memref<1x125xi32, #tpu.memory_space<vmem>>
        %dma_start3A_343 = tpu.memref_squeeze %dma_start3A_342 : memref<1x125xi32, #tpu.memory_space<vmem>> -> memref<125xi32, #tpu.memory_space<vmem>>
        %dma_start3A_344 = arith.constant 0 : i32
        %dma_start3A_345 = arith.constant 0 : i32
        %dma_start3A_346 = tpu.memref_slice %arg2[%dma_start3A_344, %dma_start3A_345] : memref<20000x64xf32, #tpu.memory_space<hbm>> -> memref<20000x64xf32, #tpu.memory_space<hbm>>
        tpu.enqueue_indirect_dma source(%dma_start3A_346 : memref<20000x64xf32, #tpu.memory_space<hbm>>) target(%arg12 : memref<125x64xf32, #tpu.memory_space<vmem>>) offsets(%dma_start3A_343 : memref<125xi32, #tpu.memory_space<vmem>>) semaphore(%arg20 : memref<!tpu.dma_semaphore, #tpu.memory_space<semaphore_mem>>)
      } else {
      }
      %mul3A_271 = arith.constant 8 : i32
      %mul3A_272 = arith.muli %scan3A_77, %mul3A_271 : i32
      %add3A_273 = arith.constant 4 : i32
      %add3A_274 = arith.addi %mul3A_272, %add3A_273 : i32
      %dma_wait3A_275 = arith.constant 0 : i32
      %dma_wait3A_276 = tpu.memref_slice %arg8[%add3A_274, %dma_wait3A_275] : memref<80x125xi32, #tpu.memory_space<vmem>> -> memref<1x125xi32, #tpu.memory_space<vmem>>
      %dma_wait3A_277 = tpu.memref_squeeze %dma_wait3A_276 : memref<1x125xi32, #tpu.memory_space<vmem>> -> memref<125xi32, #tpu.memory_space<vmem>>
      %dma_wait3A_278 = arith.constant 0 : i32
      %dma_wait3A_279 = arith.constant 0 : i32
      %dma_wait3A_280 = tpu.memref_slice %arg33[%dma_wait3A_278, %dma_wait3A_279] : memref<10240x64xf32, #tpu.memory_space<vmem_shared>> -> memref<10240x64xf32, #tpu.memory_space<vmem_shared>>
      tpu.wait_indirect_dma semaphore(%arg29 : memref<!tpu.dma_semaphore, #tpu.memory_space<semaphore_mem>>) src(%arg13 : memref<125x64xf32, #tpu.memory_space<vmem>>) dst(%dma_wait3A_280 : memref<10240x64xf32, #tpu.memory_space<vmem_shared>>)
      %add3A_281 = arith.constant 8 : i32
      %add3A_282 = arith.addi %add3A_274, %add3A_281 : i32
      %lt3A_283 = arith.constant 80 : i32
      %lt3A_284 = arith.cmpi slt, %add3A_282, %lt3A_283 : i32
      %convert_element_type3A_285 = arith.extui %lt3A_284 : i1 to i32
      %cond3A_286 = arith.constant 0 : i32
      %cond3A_287 = arith.cmpi ne, %convert_element_type3A_285, %cond3A_286 : i32
      scf.if %cond3A_287 {
        %add3A_339 = arith.constant 8 : i32
        %add3A_340 = arith.addi %add3A_274, %add3A_339 : i32
        %dma_start3A_341 = arith.constant 0 : i32
        %dma_start3A_342 = tpu.memref_slice %arg7[%add3A_340, %dma_start3A_341] : memref<80x125xi32, #tpu.memory_space<vmem>> -> memref<1x125xi32, #tpu.memory_space<vmem>>
        %dma_start3A_343 = tpu.memref_squeeze %dma_start3A_342 : memref<1x125xi32, #tpu.memory_space<vmem>> -> memref<125xi32, #tpu.memory_space<vmem>>
        %dma_start3A_344 = arith.constant 0 : i32
        %dma_start3A_345 = arith.constant 0 : i32
        %dma_start3A_346 = tpu.memref_slice %arg2[%dma_start3A_344, %dma_start3A_345] : memref<20000x64xf32, #tpu.memory_space<hbm>> -> memref<20000x64xf32, #tpu.memory_space<hbm>>
        tpu.enqueue_indirect_dma source(%dma_start3A_346 : memref<20000x64xf32, #tpu.memory_space<hbm>>) target(%arg13 : memref<125x64xf32, #tpu.memory_space<vmem>>) offsets(%dma_start3A_343 : memref<125xi32, #tpu.memory_space<vmem>>) semaphore(%arg21 : memref<!tpu.dma_semaphore, #tpu.memory_space<semaphore_mem>>)
      } else {
      }
      %mul3A_288 = arith.constant 8 : i32
      %mul3A_289 = arith.muli %scan3A_77, %mul3A_288 : i32
      %add3A_290 = arith.constant 5 : i32
      %add3A_291 = arith.addi %mul3A_289, %add3A_290 : i32
      %dma_wait3A_292 = arith.constant 0 : i32
      %dma_wait3A_293 = tpu.memref_slice %arg8[%add3A_291, %dma_wait3A_292] : memref<80x125xi32, #tpu.memory_space<vmem>> -> memref<1x125xi32, #tpu.memory_space<vmem>>
      %dma_wait3A_294 = tpu.memref_squeeze %dma_wait3A_293 : memref<1x125xi32, #tpu.memory_space<vmem>> -> memref<125xi32, #tpu.memory_space<vmem>>
      %dma_wait3A_295 = arith.constant 0 : i32
      %dma_wait3A_296 = arith.constant 0 : i32
      %dma_wait3A_297 = tpu.memref_slice %arg33[%dma_wait3A_295, %dma_wait3A_296] : memref<10240x64xf32, #tpu.memory_space<vmem_shared>> -> memref<10240x64xf32, #tpu.memory_space<vmem_shared>>
      tpu.wait_indirect_dma semaphore(%arg30 : memref<!tpu.dma_semaphore, #tpu.memory_space<semaphore_mem>>) src(%arg14 : memref<125x64xf32, #tpu.memory_space<vmem>>) dst(%dma_wait3A_297 : memref<10240x64xf32, #tpu.memory_space<vmem_shared>>)
      %add3A_298 = arith.constant 8 : i32
      %add3A_299 = arith.addi %add3A_291, %add3A_298 : i32
      %lt3A_300 = arith.constant 80 : i32
      %lt3A_301 = arith.cmpi slt, %add3A_299, %lt3A_300 : i32
      %convert_element_type3A_302 = arith.extui %lt3A_301 : i1 to i32
      %cond3A_303 = arith.constant 0 : i32
      %cond3A_304 = arith.cmpi ne, %convert_element_type3A_302, %cond3A_303 : i32
      scf.if %cond3A_304 {
        %add3A_339 = arith.constant 8 : i32
        %add3A_340 = arith.addi %add3A_291, %add3A_339 : i32
        %dma_start3A_341 = arith.constant 0 : i32
        %dma_start3A_342 = tpu.memref_slice %arg7[%add3A_340, %dma_start3A_341] : memref<80x125xi32, #tpu.memory_space<vmem>> -> memref<1x125xi32, #tpu.memory_space<vmem>>
        %dma_start3A_343 = tpu.memref_squeeze %dma_start3A_342 : memref<1x125xi32, #tpu.memory_space<vmem>> -> memref<125xi32, #tpu.memory_space<vmem>>
        %dma_start3A_344 = arith.constant 0 : i32
        %dma_start3A_345 = arith.constant 0 : i32
        %dma_start3A_346 = tpu.memref_slice %arg2[%dma_start3A_344, %dma_start3A_345] : memref<20000x64xf32, #tpu.memory_space<hbm>> -> memref<20000x64xf32, #tpu.memory_space<hbm>>
        tpu.enqueue_indirect_dma source(%dma_start3A_346 : memref<20000x64xf32, #tpu.memory_space<hbm>>) target(%arg14 : memref<125x64xf32, #tpu.memory_space<vmem>>) offsets(%dma_start3A_343 : memref<125xi32, #tpu.memory_space<vmem>>) semaphore(%arg22 : memref<!tpu.dma_semaphore, #tpu.memory_space<semaphore_mem>>)
      } else {
      }
      %mul3A_305 = arith.constant 8 : i32
      %mul3A_306 = arith.muli %scan3A_77, %mul3A_305 : i32
      %add3A_307 = arith.constant 6 : i32
      %add3A_308 = arith.addi %mul3A_306, %add3A_307 : i32
      %dma_wait3A_309 = arith.constant 0 : i32
      %dma_wait3A_310 = tpu.memref_slice %arg8[%add3A_308, %dma_wait3A_309] : memref<80x125xi32, #tpu.memory_space<vmem>> -> memref<1x125xi32, #tpu.memory_space<vmem>>
      %dma_wait3A_311 = tpu.memref_squeeze %dma_wait3A_310 : memref<1x125xi32, #tpu.memory_space<vmem>> -> memref<125xi32, #tpu.memory_space<vmem>>
      %dma_wait3A_312 = arith.constant 0 : i32
      %dma_wait3A_313 = arith.constant 0 : i32
      %dma_wait3A_314 = tpu.memref_slice %arg33[%dma_wait3A_312, %dma_wait3A_313] : memref<10240x64xf32, #tpu.memory_space<vmem_shared>> -> memref<10240x64xf32, #tpu.memory_space<vmem_shared>>
      tpu.wait_indirect_dma semaphore(%arg31 : memref<!tpu.dma_semaphore, #tpu.memory_space<semaphore_mem>>) src(%arg15 : memref<125x64xf32, #tpu.memory_space<vmem>>) dst(%dma_wait3A_314 : memref<10240x64xf32, #tpu.memory_space<vmem_shared>>)
      %add3A_315 = arith.constant 8 : i32
      %add3A_316 = arith.addi %add3A_308, %add3A_315 : i32
      %lt3A_317 = arith.constant 80 : i32
      %lt3A_318 = arith.cmpi slt, %add3A_316, %lt3A_317 : i32
      %convert_element_type3A_319 = arith.extui %lt3A_318 : i1 to i32
      %cond3A_320 = arith.constant 0 : i32
      %cond3A_321 = arith.cmpi ne, %convert_element_type3A_319, %cond3A_320 : i32
      scf.if %cond3A_321 {
        %add3A_339 = arith.constant 8 : i32
        %add3A_340 = arith.addi %add3A_308, %add3A_339 : i32
        %dma_start3A_341 = arith.constant 0 : i32
        %dma_start3A_342 = tpu.memref_slice %arg7[%add3A_340, %dma_start3A_341] : memref<80x125xi32, #tpu.memory_space<vmem>> -> memref<1x125xi32, #tpu.memory_space<vmem>>
        %dma_start3A_343 = tpu.memref_squeeze %dma_start3A_342 : memref<1x125xi32, #tpu.memory_space<vmem>> -> memref<125xi32, #tpu.memory_space<vmem>>
        %dma_start3A_344 = arith.constant 0 : i32
        %dma_start3A_345 = arith.constant 0 : i32
        %dma_start3A_346 = tpu.memref_slice %arg2[%dma_start3A_344, %dma_start3A_345] : memref<20000x64xf32, #tpu.memory_space<hbm>> -> memref<20000x64xf32, #tpu.memory_space<hbm>>
        tpu.enqueue_indirect_dma source(%dma_start3A_346 : memref<20000x64xf32, #tpu.memory_space<hbm>>) target(%arg15 : memref<125x64xf32, #tpu.memory_space<vmem>>) offsets(%dma_start3A_343 : memref<125xi32, #tpu.memory_space<vmem>>) semaphore(%arg23 : memref<!tpu.dma_semaphore, #tpu.memory_space<semaphore_mem>>)
      } else {
      }
      %mul3A_322 = arith.constant 8 : i32
      %mul3A_323 = arith.muli %scan3A_77, %mul3A_322 : i32
      %add3A_324 = arith.constant 7 : i32
      %add3A_325 = arith.addi %mul3A_323, %add3A_324 : i32
      %dma_wait3A_326 = arith.constant 0 : i32
      %dma_wait3A_327 = tpu.memref_slice %arg8[%add3A_325, %dma_wait3A_326] : memref<80x125xi32, #tpu.memory_space<vmem>> -> memref<1x125xi32, #tpu.memory_space<vmem>>
      %dma_wait3A_328 = tpu.memref_squeeze %dma_wait3A_327 : memref<1x125xi32, #tpu.memory_space<vmem>> -> memref<125xi32, #tpu.memory_space<vmem>>
      %dma_wait3A_329 = arith.constant 0 : i32
      %dma_wait3A_330 = arith.constant 0 : i32
      %dma_wait3A_331 = tpu.memref_slice %arg33[%dma_wait3A_329, %dma_wait3A_330] : memref<10240x64xf32, #tpu.memory_space<vmem_shared>> -> memref<10240x64xf32, #tpu.memory_space<vmem_shared>>
      tpu.wait_indirect_dma semaphore(%arg32 : memref<!tpu.dma_semaphore, #tpu.memory_space<semaphore_mem>>) src(%arg16 : memref<125x64xf32, #tpu.memory_space<vmem>>) dst(%dma_wait3A_331 : memref<10240x64xf32, #tpu.memory_space<vmem_shared>>)
      %add3A_332 = arith.constant 8 : i32
      %add3A_333 = arith.addi %add3A_325, %add3A_332 : i32
      %lt3A_334 = arith.constant 80 : i32
      %lt3A_335 = arith.cmpi slt, %add3A_333, %lt3A_334 : i32
      %convert_element_type3A_336 = arith.extui %lt3A_335 : i1 to i32
      %cond3A_337 = arith.constant 0 : i32
      %cond3A_338 = arith.cmpi ne, %convert_element_type3A_336, %cond3A_337 : i32
      scf.if %cond3A_338 {
        %add3A_339 = arith.constant 8 : i32
        %add3A_340 = arith.addi %add3A_325, %add3A_339 : i32
        %dma_start3A_341 = arith.constant 0 : i32
        %dma_start3A_342 = tpu.memref_slice %arg7[%add3A_340, %dma_start3A_341] : memref<80x125xi32, #tpu.memory_space<vmem>> -> memref<1x125xi32, #tpu.memory_space<vmem>>
        %dma_start3A_343 = tpu.memref_squeeze %dma_start3A_342 : memref<1x125xi32, #tpu.memory_space<vmem>> -> memref<125xi32, #tpu.memory_space<vmem>>
        %dma_start3A_344 = arith.constant 0 : i32
        %dma_start3A_345 = arith.constant 0 : i32
        %dma_start3A_346 = tpu.memref_slice %arg2[%dma_start3A_344, %dma_start3A_345] : memref<20000x64xf32, #tpu.memory_space<hbm>> -> memref<20000x64xf32, #tpu.memory_space<hbm>>
        tpu.enqueue_indirect_dma source(%dma_start3A_346 : memref<20000x64xf32, #tpu.memory_space<hbm>>) target(%arg16 : memref<125x64xf32, #tpu.memory_space<vmem>>) offsets(%dma_start3A_343 : memref<125xi32, #tpu.memory_space<vmem>>) semaphore(%arg24 : memref<!tpu.dma_semaphore, #tpu.memory_space<semaphore_mem>>)
      } else {
      }
    }
    %scan3A_71 = arith.constant 10 : i32
    %barrier3A_72 = arith.constant 0 : index
    tpu.barrier barrier_id(%barrier3A_72)
    %mul3A_73 = arith.constant 640 : i32
    %mul3A_74 = arith.muli %arg1, %mul3A_73 : i32
    %mul3A_75 = arith.constant 640 : i32
    %mul3A_76 = arith.muli %arg1, %mul3A_75 : i32
    "tpu.region"() ({
      %run_scoped3A = tpu.sem_alloc : memref<!tpu.dma_semaphore, #tpu.memory_space<semaphore_mem>>
      %dma_start3A_77 = arith.constant 0 : i32
      %dma_start3A_78 = tpu.memref_slice %arg6[%arg0, %mul3A_76, %dma_start3A_77] : memref<2x10240x128xf32, #tpu.memory_space<hbm>> -> memref<1x640x64xf32, #tpu.memory_space<hbm>>
      %dma_start3A_79 = tpu.memref_squeeze %dma_start3A_78 : memref<1x640x64xf32, #tpu.memory_space<hbm>> -> memref<640x64xf32, #tpu.memory_space<hbm>>
      %dma_start3A_80 = arith.constant 0 : i32
      %dma_start3A_81 = tpu.memref_slice %arg33[%mul3A_74, %dma_start3A_80] : memref<10240x64xf32, #tpu.memory_space<vmem_shared>> -> memref<640x64xf32, #tpu.memory_space<vmem_shared>>
      tpu.enqueue_dma source(%dma_start3A_81 : memref<640x64xf32, #tpu.memory_space<vmem_shared>>) target(%dma_start3A_79 : memref<640x64xf32, #tpu.memory_space<hbm>>) target_semaphore(%run_scoped3A : memref<!tpu.dma_semaphore, #tpu.memory_space<semaphore_mem>>)
      %dma_wait3A_82 = arith.constant 0 : i32
      %dma_wait3A_83 = tpu.memref_slice %arg6[%arg0, %mul3A_76, %dma_wait3A_82] : memref<2x10240x128xf32, #tpu.memory_space<hbm>> -> memref<1x640x64xf32, #tpu.memory_space<hbm>>
      %dma_wait3A_84 = tpu.memref_squeeze %dma_wait3A_83 : memref<1x640x64xf32, #tpu.memory_space<hbm>> -> memref<640x64xf32, #tpu.memory_space<hbm>>
      %dma_wait3A_85 = arith.constant 0 : i32
      %dma_wait3A_86 = tpu.memref_slice %arg33[%mul3A_74, %dma_wait3A_85] : memref<10240x64xf32, #tpu.memory_space<vmem_shared>> -> memref<640x64xf32, #tpu.memory_space<vmem_shared>>
      tpu.wait_dma2 semaphore(%run_scoped3A : memref<!tpu.dma_semaphore, #tpu.memory_space<semaphore_mem>>) src(%dma_wait3A_86 : memref<640x64xf32, #tpu.memory_space<vmem_shared>>) dst(%dma_wait3A_84 : memref<640x64xf32, #tpu.memory_space<hbm>>)
      tpu.yield
    }) : () -> ()
    return
  }
}

#map = affine_map<(d0, d1) -> (0, 0)>
#map1 = affine_map<(d0, d1) -> (0, 0, 0)>
module attributes {stable_mosaic.version = 14 : i64} {
  func.func @_agg_body(%arg0: i32, %arg1: i32, %arg2: memref<20000x64xf32, #tpu.memory_space<hbm>>, %arg3: memref<32x80x125xi32, #tpu.memory_space<hbm>>, %arg4: memref<32x80x125xi32, #tpu.memory_space<hbm>>, %arg5: memref<10240x64xf32, #tpu.memory_space<hbm>>, %arg6: memref<2x10240x128xf32, #tpu.memory_space<hbm>>, %arg7: memref<80x125xi32, #tpu.memory_space<vmem>>, %arg8: memref<80x125xi32, #tpu.memory_space<vmem>>, %arg9: memref<125x64xf32, #tpu.memory_space<vmem>>, %arg10: memref<125x64xf32, #tpu.memory_space<vmem>>, %arg11: memref<125x64xf32, #tpu.memory_space<vmem>>, %arg12: memref<125x64xf32, #tpu.memory_space<vmem>>, %arg13: memref<125x64xf32, #tpu.memory_space<vmem>>, %arg14: memref<125x64xf32, #tpu.memory_space<vmem>>, %arg15: memref<125x64xf32, #tpu.memory_space<vmem>>, %arg16: memref<125x64xf32, #tpu.memory_space<vmem>>, %arg17: memref<!tpu.dma_semaphore, #tpu.memory_space<semaphore_mem>>, %arg18: memref<!tpu.dma_semaphore, #tpu.memory_space<semaphore_mem>>, %arg19: memref<!tpu.dma_semaphore, #tpu.memory_space<semaphore_mem>>, %arg20: memref<!tpu.dma_semaphore, #tpu.memory_space<semaphore_mem>>, %arg21: memref<!tpu.dma_semaphore, #tpu.memory_space<semaphore_mem>>, %arg22: memref<!tpu.dma_semaphore, #tpu.memory_space<semaphore_mem>>, %arg23: memref<!tpu.dma_semaphore, #tpu.memory_space<semaphore_mem>>, %arg24: memref<!tpu.dma_semaphore, #tpu.memory_space<semaphore_mem>>, %arg25: memref<!tpu.dma_semaphore, #tpu.memory_space<semaphore_mem>>, %arg26: memref<!tpu.dma_semaphore, #tpu.memory_space<semaphore_mem>>, %arg27: memref<!tpu.dma_semaphore, #tpu.memory_space<semaphore_mem>>, %arg28: memref<!tpu.dma_semaphore, #tpu.memory_space<semaphore_mem>>, %arg29: memref<!tpu.dma_semaphore, #tpu.memory_space<semaphore_mem>>, %arg30: memref<!tpu.dma_semaphore, #tpu.memory_space<semaphore_mem>>, %arg31: memref<!tpu.dma_semaphore, #tpu.memory_space<semaphore_mem>>, %arg32: memref<!tpu.dma_semaphore, #tpu.memory_space<semaphore_mem>>, %arg33: memref<10240x64xf32, #tpu.memory_space<vmem_shared>>, %arg34: memref<!tpu.dma_semaphore, #tpu.memory_space<semaphore_mem>>) attributes {dimension_semantics = [#tpu.dimension_semantics<core_parallel>, #tpu.dimension_semantics<subcore_parallel>], iteration_bounds = array<i64: 2, 16>, scalar_prefetch = 0 : i64, scratch_operands = 28 : i64, tpu.core_type = #tpu.core_type<sc_vector_subcore>, window_params = [{transform_indices = #map}, {transform_indices = #map1}, {transform_indices = #map1}, {transform_indices = #map}, {transform_indices = #map1}]} {
    %mul3A = arith.constant 16 : i32
    %mul3A_0 = arith.muli %arg0, %mul3A : i32
    %add3A = arith.addi %mul3A_0, %arg1 : i32
    %mul3A_1 = arith.constant 640 : i32
    %mul3A_2 = arith.muli %arg1, %mul3A_1 : i32
    %mul3A_3 = arith.constant 640 : i32
    %mul3A_4 = arith.muli %arg1, %mul3A_3 : i32
    %dma_start3A = arith.constant 0 : i32
    %dma_start3A_5 = tpu.memref_slice %arg33[%mul3A_4, %dma_start3A] : memref<10240x64xf32, #tpu.memory_space<vmem_shared>> -> memref<640x64xf32, #tpu.memory_space<vmem_shared>>
    %dma_start3A_6 = arith.constant 0 : i32
    %dma_start3A_7 = tpu.memref_slice %arg5[%mul3A_2, %dma_start3A_6] : memref<10240x64xf32, #tpu.memory_space<hbm>> -> memref<640x64xf32, #tpu.memory_space<hbm>>
    tpu.enqueue_dma source(%dma_start3A_7 : memref<640x64xf32, #tpu.memory_space<hbm>>) target(%dma_start3A_5 : memref<640x64xf32, #tpu.memory_space<vmem_shared>>) target_semaphore(%arg34 : memref<!tpu.dma_semaphore, #tpu.memory_space<semaphore_mem>>)
    "tpu.region"() ({
      %run_scoped3A = tpu.sem_alloc : memref<!tpu.dma_semaphore, #tpu.memory_space<semaphore_mem>>
      %dma_start3A_77 = arith.constant 0 : i32
      %dma_start3A_78 = arith.constant 0 : i32
      %dma_start3A_79 = tpu.memref_slice %arg3[%add3A, %dma_start3A_77, %dma_start3A_78] : memref<32x80x125xi32, #tpu.memory_space<hbm>> -> memref<1x80x125xi32, #tpu.memory_space<hbm>>
      %dma_start3A_80 = tpu.memref_squeeze %dma_start3A_79 : memref<1x80x125xi32, #tpu.memory_space<hbm>> -> memref<80x125xi32, #tpu.memory_space<hbm>>
      %dma_start3A_81 = arith.constant 0 : i32
      %dma_start3A_82 = arith.constant 0 : i32
      %dma_start3A_83 = tpu.memref_slice %arg3[%add3A, %dma_start3A_81, %dma_start3A_82] : memref<32x80x125xi32, #tpu.memory_space<hbm>> -> memref<1x80x125xi32, #tpu.memory_space<hbm>>
      %dma_start3A_84 = tpu.memref_squeeze %dma_start3A_83 : memref<1x80x125xi32, #tpu.memory_space<hbm>> -> memref<80x125xi32, #tpu.memory_space<hbm>>
      tpu.enqueue_dma source(%dma_start3A_84 : memref<80x125xi32, #tpu.memory_space<hbm>>) target(%arg7 : memref<80x125xi32, #tpu.memory_space<vmem>>) target_semaphore(%run_scoped3A : memref<!tpu.dma_semaphore, #tpu.memory_space<semaphore_mem>>)
      %dma_wait3A_85 = arith.constant 0 : i32
      %dma_wait3A_86 = arith.constant 0 : i32
      %dma_wait3A_87 = tpu.memref_slice %arg3[%add3A, %dma_wait3A_85, %dma_wait3A_86] : memref<32x80x125xi32, #tpu.memory_space<hbm>> -> memref<1x80x125xi32, #tpu.memory_space<hbm>>
      %dma_wait3A_88 = tpu.memref_squeeze %dma_wait3A_87 : memref<1x80x125xi32, #tpu.memory_space<hbm>> -> memref<80x125xi32, #tpu.memory_space<hbm>>
      %dma_wait3A_89 = arith.constant 0 : i32
      %dma_wait3A_90 = arith.constant 0 : i32
      %dma_wait3A_91 = tpu.memref_slice %arg3[%add3A, %dma_wait3A_89, %dma_wait3A_90] : memref<32x80x125xi32, #tpu.memory_space<hbm>> -> memref<1x80x125xi32, #tpu.memory_space<hbm>>
      %dma_wait3A_92 = tpu.memref_squeeze %dma_wait3A_91 : memref<1x80x125xi32, #tpu.memory_space<hbm>> -> memref<80x125xi32, #tpu.memory_space<hbm>>
      tpu.wait_dma2 semaphore(%run_scoped3A : memref<!tpu.dma_semaphore, #tpu.memory_space<semaphore_mem>>) src(%dma_wait3A_92 : memref<80x125xi32, #tpu.memory_space<hbm>>) dst(%arg7 : memref<80x125xi32, #tpu.memory_space<vmem>>)
      tpu.yield
    }) : () -> ()
    "tpu.region"() ({
      %run_scoped3A = tpu.sem_alloc : memref<!tpu.dma_semaphore, #tpu.memory_space<semaphore_mem>>
      %dma_start3A_77 = arith.constant 0 : i32
      %dma_start3A_78 = arith.constant 0 : i32
      %dma_start3A_79 = tpu.memref_slice %arg4[%add3A, %dma_start3A_77, %dma_start3A_78] : memref<32x80x125xi32, #tpu.memory_space<hbm>> -> memref<1x80x125xi32, #tpu.memory_space<hbm>>
      %dma_start3A_80 = tpu.memref_squeeze %dma_start3A_79 : memref<1x80x125xi32, #tpu.memory_space<hbm>> -> memref<80x125xi32, #tpu.memory_space<hbm>>
      %dma_start3A_81 = arith.constant 0 : i32
      %dma_start3A_82 = arith.constant 0 : i32
      %dma_start3A_83 = tpu.memref_slice %arg4[%add3A, %dma_start3A_81, %dma_start3A_82] : memref<32x80x125xi32, #tpu.memory_space<hbm>> -> memref<1x80x125xi32, #tpu.memory_space<hbm>>
      %dma_start3A_84 = tpu.memref_squeeze %dma_start3A_83 : memref<1x80x125xi32, #tpu.memory_space<hbm>> -> memref<80x125xi32, #tpu.memory_space<hbm>>
      tpu.enqueue_dma source(%dma_start3A_84 : memref<80x125xi32, #tpu.memory_space<hbm>>) target(%arg8 : memref<80x125xi32, #tpu.memory_space<vmem>>) target_semaphore(%run_scoped3A : memref<!tpu.dma_semaphore, #tpu.memory_space<semaphore_mem>>)
      %dma_wait3A_85 = arith.constant 0 : i32
      %dma_wait3A_86 = arith.constant 0 : i32
      %dma_wait3A_87 = tpu.memref_slice %arg4[%add3A, %dma_wait3A_85, %dma_wait3A_86] : memref<32x80x125xi32, #tpu.memory_space<hbm>> -> memref<1x80x125xi32, #tpu.memory_space<hbm>>
      %dma_wait3A_88 = tpu.memref_squeeze %dma_wait3A_87 : memref<1x80x125xi32, #tpu.memory_space<hbm>> -> memref<80x125xi32, #tpu.memory_space<hbm>>
      %dma_wait3A_89 = arith.constant 0 : i32
      %dma_wait3A_90 = arith.constant 0 : i32
      %dma_wait3A_91 = tpu.memref_slice %arg4[%add3A, %dma_wait3A_89, %dma_wait3A_90] : memref<32x80x125xi32, #tpu.memory_space<hbm>> -> memref<1x80x125xi32, #tpu.memory_space<hbm>>
      %dma_wait3A_92 = tpu.memref_squeeze %dma_wait3A_91 : memref<1x80x125xi32, #tpu.memory_space<hbm>> -> memref<80x125xi32, #tpu.memory_space<hbm>>
      tpu.wait_dma2 semaphore(%run_scoped3A : memref<!tpu.dma_semaphore, #tpu.memory_space<semaphore_mem>>) src(%dma_wait3A_92 : memref<80x125xi32, #tpu.memory_space<hbm>>) dst(%arg8 : memref<80x125xi32, #tpu.memory_space<vmem>>)
      tpu.yield
    }) : () -> ()
    %dma_wait3A = arith.constant 0 : i32
    %dma_wait3A_8 = tpu.memref_slice %arg33[%mul3A_4, %dma_wait3A] : memref<10240x64xf32, #tpu.memory_space<vmem_shared>> -> memref<640x64xf32, #tpu.memory_space<vmem_shared>>
    %dma_wait3A_9 = arith.constant 0 : i32
    %dma_wait3A_10 = tpu.memref_slice %arg5[%mul3A_2, %dma_wait3A_9] : memref<10240x64xf32, #tpu.memory_space<hbm>> -> memref<640x64xf32, #tpu.memory_space<hbm>>
    tpu.wait_dma2 semaphore(%arg34 : memref<!tpu.dma_semaphore, #tpu.memory_space<semaphore_mem>>) src(%dma_wait3A_10 : memref<640x64xf32, #tpu.memory_space<hbm>>) dst(%dma_wait3A_8 : memref<640x64xf32, #tpu.memory_space<vmem_shared>>)
    %barrier3A = arith.constant 0 : index
    tpu.barrier barrier_id(%barrier3A)
    %dma_start3A_11 = arith.constant 0 : i32
    %dma_start3A_12 = arith.constant 0 : i32
    %dma_start3A_13 = tpu.memref_slice %arg7[%dma_start3A_11, %dma_start3A_12] : memref<80x125xi32, #tpu.memory_space<vmem>> -> memref<1x125xi32, #tpu.memory_space<vmem>>
    %dma_start3A_14 = tpu.memref_squeeze %dma_start3A_13 : memref<1x125xi32, #tpu.memory_space<vmem>> -> memref<125xi32, #tpu.memory_space<vmem>>
    %dma_start3A_15 = arith.constant 0 : i32
    %dma_start3A_16 = arith.constant 0 : i32
    %dma_start3A_17 = tpu.memref_slice %arg2[%dma_start3A_15, %dma_start3A_16] : memref<20000x64xf32, #tpu.memory_space<hbm>> -> memref<20000x64xf32, #tpu.memory_space<hbm>>
    tpu.enqueue_indirect_dma source(%dma_start3A_17 : memref<20000x64xf32, #tpu.memory_space<hbm>>) target(%arg9 : memref<125x64xf32, #tpu.memory_space<vmem>>) offsets(%dma_start3A_14 : memref<125xi32, #tpu.memory_space<vmem>>) semaphore(%arg17 : memref<!tpu.dma_semaphore, #tpu.memory_space<semaphore_mem>>)
    %dma_start3A_18 = arith.constant 1 : i32
    %dma_start3A_19 = arith.constant 0 : i32
    %dma_start3A_20 = tpu.memref_slice %arg7[%dma_start3A_18, %dma_start3A_19] : memref<80x125xi32, #tpu.memory_space<vmem>> -> memref<1x125xi32, #tpu.memory_space<vmem>>
    %dma_start3A_21 = tpu.memref_squeeze %dma_start3A_20 : memref<1x125xi32, #tpu.memory_space<vmem>> -> memref<125xi32, #tpu.memory_space<vmem>>
    %dma_start3A_22 = arith.constant 0 : i32
    %dma_start3A_23 = arith.constant 0 : i32
    %dma_start3A_24 = tpu.memref_slice %arg2[%dma_start3A_22, %dma_start3A_23] : memref<20000x64xf32, #tpu.memory_space<hbm>> -> memref<20000x64xf32, #tpu.memory_space<hbm>>
    tpu.enqueue_indirect_dma source(%dma_start3A_24 : memref<20000x64xf32, #tpu.memory_space<hbm>>) target(%arg10 : memref<125x64xf32, #tpu.memory_space<vmem>>) offsets(%dma_start3A_21 : memref<125xi32, #tpu.memory_space<vmem>>) semaphore(%arg18 : memref<!tpu.dma_semaphore, #tpu.memory_space<semaphore_mem>>)
    %dma_start3A_25 = arith.constant 2 : i32
    %dma_start3A_26 = arith.constant 0 : i32
    %dma_start3A_27 = tpu.memref_slice %arg7[%dma_start3A_25, %dma_start3A_26] : memref<80x125xi32, #tpu.memory_space<vmem>> -> memref<1x125xi32, #tpu.memory_space<vmem>>
    %dma_start3A_28 = tpu.memref_squeeze %dma_start3A_27 : memref<1x125xi32, #tpu.memory_space<vmem>> -> memref<125xi32, #tpu.memory_space<vmem>>
    %dma_start3A_29 = arith.constant 0 : i32
    %dma_start3A_30 = arith.constant 0 : i32
    %dma_start3A_31 = tpu.memref_slice %arg2[%dma_start3A_29, %dma_start3A_30] : memref<20000x64xf32, #tpu.memory_space<hbm>> -> memref<20000x64xf32, #tpu.memory_space<hbm>>
    tpu.enqueue_indirect_dma source(%dma_start3A_31 : memref<20000x64xf32, #tpu.memory_space<hbm>>) target(%arg11 : memref<125x64xf32, #tpu.memory_space<vmem>>) offsets(%dma_start3A_28 : memref<125xi32, #tpu.memory_space<vmem>>) semaphore(%arg19 : memref<!tpu.dma_semaphore, #tpu.memory_space<semaphore_mem>>)
    %dma_start3A_32 = arith.constant 3 : i32
    %dma_start3A_33 = arith.constant 0 : i32
    %dma_start3A_34 = tpu.memref_slice %arg7[%dma_start3A_32, %dma_start3A_33] : memref<80x125xi32, #tpu.memory_space<vmem>> -> memref<1x125xi32, #tpu.memory_space<vmem>>
    %dma_start3A_35 = tpu.memref_squeeze %dma_start3A_34 : memref<1x125xi32, #tpu.memory_space<vmem>> -> memref<125xi32, #tpu.memory_space<vmem>>
    %dma_start3A_36 = arith.constant 0 : i32
    %dma_start3A_37 = arith.constant 0 : i32
    %dma_start3A_38 = tpu.memref_slice %arg2[%dma_start3A_36, %dma_start3A_37] : memref<20000x64xf32, #tpu.memory_space<hbm>> -> memref<20000x64xf32, #tpu.memory_space<hbm>>
    tpu.enqueue_indirect_dma source(%dma_start3A_38 : memref<20000x64xf32, #tpu.memory_space<hbm>>) target(%arg12 : memref<125x64xf32, #tpu.memory_space<vmem>>) offsets(%dma_start3A_35 : memref<125xi32, #tpu.memory_space<vmem>>) semaphore(%arg20 : memref<!tpu.dma_semaphore, #tpu.memory_space<semaphore_mem>>)
    %dma_start3A_39 = arith.constant 4 : i32
    %dma_start3A_40 = arith.constant 0 : i32
    %dma_start3A_41 = tpu.memref_slice %arg7[%dma_start3A_39, %dma_start3A_40] : memref<80x125xi32, #tpu.memory_space<vmem>> -> memref<1x125xi32, #tpu.memory_space<vmem>>
    %dma_start3A_42 = tpu.memref_squeeze %dma_start3A_41 : memref<1x125xi32, #tpu.memory_space<vmem>> -> memref<125xi32, #tpu.memory_space<vmem>>
    %dma_start3A_43 = arith.constant 0 : i32
    %dma_start3A_44 = arith.constant 0 : i32
    %dma_start3A_45 = tpu.memref_slice %arg2[%dma_start3A_43, %dma_start3A_44] : memref<20000x64xf32, #tpu.memory_space<hbm>> -> memref<20000x64xf32, #tpu.memory_space<hbm>>
    tpu.enqueue_indirect_dma source(%dma_start3A_45 : memref<20000x64xf32, #tpu.memory_space<hbm>>) target(%arg13 : memref<125x64xf32, #tpu.memory_space<vmem>>) offsets(%dma_start3A_42 : memref<125xi32, #tpu.memory_space<vmem>>) semaphore(%arg21 : memref<!tpu.dma_semaphore, #tpu.memory_space<semaphore_mem>>)
    %dma_start3A_46 = arith.constant 5 : i32
    %dma_start3A_47 = arith.constant 0 : i32
    %dma_start3A_48 = tpu.memref_slice %arg7[%dma_start3A_46, %dma_start3A_47] : memref<80x125xi32, #tpu.memory_space<vmem>> -> memref<1x125xi32, #tpu.memory_space<vmem>>
    %dma_start3A_49 = tpu.memref_squeeze %dma_start3A_48 : memref<1x125xi32, #tpu.memory_space<vmem>> -> memref<125xi32, #tpu.memory_space<vmem>>
    %dma_start3A_50 = arith.constant 0 : i32
    %dma_start3A_51 = arith.constant 0 : i32
    %dma_start3A_52 = tpu.memref_slice %arg2[%dma_start3A_50, %dma_start3A_51] : memref<20000x64xf32, #tpu.memory_space<hbm>> -> memref<20000x64xf32, #tpu.memory_space<hbm>>
    tpu.enqueue_indirect_dma source(%dma_start3A_52 : memref<20000x64xf32, #tpu.memory_space<hbm>>) target(%arg14 : memref<125x64xf32, #tpu.memory_space<vmem>>) offsets(%dma_start3A_49 : memref<125xi32, #tpu.memory_space<vmem>>) semaphore(%arg22 : memref<!tpu.dma_semaphore, #tpu.memory_space<semaphore_mem>>)
    %dma_start3A_53 = arith.constant 6 : i32
    %dma_start3A_54 = arith.constant 0 : i32
    %dma_start3A_55 = tpu.memref_slice %arg7[%dma_start3A_53, %dma_start3A_54] : memref<80x125xi32, #tpu.memory_space<vmem>> -> memref<1x125xi32, #tpu.memory_space<vmem>>
    %dma_start3A_56 = tpu.memref_squeeze %dma_start3A_55 : memref<1x125xi32, #tpu.memory_space<vmem>> -> memref<125xi32, #tpu.memory_space<vmem>>
    %dma_start3A_57 = arith.constant 0 : i32
    %dma_start3A_58 = arith.constant 0 : i32
    %dma_start3A_59 = tpu.memref_slice %arg2[%dma_start3A_57, %dma_start3A_58] : memref<20000x64xf32, #tpu.memory_space<hbm>> -> memref<20000x64xf32, #tpu.memory_space<hbm>>
    tpu.enqueue_indirect_dma source(%dma_start3A_59 : memref<20000x64xf32, #tpu.memory_space<hbm>>) target(%arg15 : memref<125x64xf32, #tpu.memory_space<vmem>>) offsets(%dma_start3A_56 : memref<125xi32, #tpu.memory_space<vmem>>) semaphore(%arg23 : memref<!tpu.dma_semaphore, #tpu.memory_space<semaphore_mem>>)
    %dma_start3A_60 = arith.constant 7 : i32
    %dma_start3A_61 = arith.constant 0 : i32
    %dma_start3A_62 = tpu.memref_slice %arg7[%dma_start3A_60, %dma_start3A_61] : memref<80x125xi32, #tpu.memory_space<vmem>> -> memref<1x125xi32, #tpu.memory_space<vmem>>
    %dma_start3A_63 = tpu.memref_squeeze %dma_start3A_62 : memref<1x125xi32, #tpu.memory_space<vmem>> -> memref<125xi32, #tpu.memory_space<vmem>>
    %dma_start3A_64 = arith.constant 0 : i32
    %dma_start3A_65 = arith.constant 0 : i32
    %dma_start3A_66 = tpu.memref_slice %arg2[%dma_start3A_64, %dma_start3A_65] : memref<20000x64xf32, #tpu.memory_space<hbm>> -> memref<20000x64xf32, #tpu.memory_space<hbm>>
    tpu.enqueue_indirect_dma source(%dma_start3A_66 : memref<20000x64xf32, #tpu.memory_space<hbm>>) target(%arg16 : memref<125x64xf32, #tpu.memory_space<vmem>>) offsets(%dma_start3A_63 : memref<125xi32, #tpu.memory_space<vmem>>) semaphore(%arg24 : memref<!tpu.dma_semaphore, #tpu.memory_space<semaphore_mem>>)
    %scan3A = arith.constant 0 : i32
    %scan3A_67 = arith.constant 0 : i32
    %scan3A_68 = arith.constant 10 : i32
    %scan3A_69 = arith.addi %scan3A_67, %scan3A_68 : i32
    %scan3A_70 = arith.constant 1 : i32
    scf.for %scan3A_77 = %scan3A_67 to %scan3A_69 step %scan3A_70  : i32 {
      %mul3A_78 = arith.constant 8 : i32
      %mul3A_79 = arith.muli %scan3A_77, %mul3A_78 : i32
      %add3A_80 = arith.constant 0 : i32
      %add3A_81 = arith.addi %mul3A_79, %add3A_80 : i32
      %dma_wait3A_82 = arith.constant 0 : i32
      %dma_wait3A_83 = tpu.memref_slice %arg7[%add3A_81, %dma_wait3A_82] : memref<80x125xi32, #tpu.memory_space<vmem>> -> memref<1x125xi32, #tpu.memory_space<vmem>>
      %dma_wait3A_84 = tpu.memref_squeeze %dma_wait3A_83 : memref<1x125xi32, #tpu.memory_space<vmem>> -> memref<125xi32, #tpu.memory_space<vmem>>
      %dma_wait3A_85 = arith.constant 0 : i32
      %dma_wait3A_86 = arith.constant 0 : i32
      %dma_wait3A_87 = tpu.memref_slice %arg2[%dma_wait3A_85, %dma_wait3A_86] : memref<20000x64xf32, #tpu.memory_space<hbm>> -> memref<20000x64xf32, #tpu.memory_space<hbm>>
      tpu.wait_indirect_dma semaphore(%arg17 : memref<!tpu.dma_semaphore, #tpu.memory_space<semaphore_mem>>) src(%dma_wait3A_87 : memref<20000x64xf32, #tpu.memory_space<hbm>>) dst(%arg9 : memref<125x64xf32, #tpu.memory_space<vmem>>)
      %dma_start3A_88 = arith.constant 0 : i32
      %dma_start3A_89 = tpu.memref_slice %arg8[%add3A_81, %dma_start3A_88] : memref<80x125xi32, #tpu.memory_space<vmem>> -> memref<1x125xi32, #tpu.memory_space<vmem>>
      %dma_start3A_90 = tpu.memref_squeeze %dma_start3A_89 : memref<1x125xi32, #tpu.memory_space<vmem>> -> memref<125xi32, #tpu.memory_space<vmem>>
      %dma_start3A_91 = arith.constant 0 : i32
      %dma_start3A_92 = arith.constant 0 : i32
      %dma_start3A_93 = tpu.memref_slice %arg33[%dma_start3A_91, %dma_start3A_92] : memref<10240x64xf32, #tpu.memory_space<vmem_shared>> -> memref<10240x64xf32, #tpu.memory_space<vmem_shared>>
      tpu.enqueue_indirect_dma source(%arg9 : memref<125x64xf32, #tpu.memory_space<vmem>>) target(%dma_start3A_93 : memref<10240x64xf32, #tpu.memory_space<vmem_shared>>) offsets(%dma_start3A_90 : memref<125xi32, #tpu.memory_space<vmem>>) semaphore(%arg25 : memref<!tpu.dma_semaphore, #tpu.memory_space<semaphore_mem>>) {add = true}
      %mul3A_94 = arith.constant 8 : i32
      %mul3A_95 = arith.muli %scan3A_77, %mul3A_94 : i32
      %add3A_96 = arith.constant 1 : i32
      %add3A_97 = arith.addi %mul3A_95, %add3A_96 : i32
      %dma_wait3A_98 = arith.constant 0 : i32
      %dma_wait3A_99 = tpu.memref_slice %arg7[%add3A_97, %dma_wait3A_98] : memref<80x125xi32, #tpu.memory_space<vmem>> -> memref<1x125xi32, #tpu.memory_space<vmem>>
      %dma_wait3A_100 = tpu.memref_squeeze %dma_wait3A_99 : memref<1x125xi32, #tpu.memory_space<vmem>> -> memref<125xi32, #tpu.memory_space<vmem>>
      %dma_wait3A_101 = arith.constant 0 : i32
      %dma_wait3A_102 = arith.constant 0 : i32
      %dma_wait3A_103 = tpu.memref_slice %arg2[%dma_wait3A_101, %dma_wait3A_102] : memref<20000x64xf32, #tpu.memory_space<hbm>> -> memref<20000x64xf32, #tpu.memory_space<hbm>>
      tpu.wait_indirect_dma semaphore(%arg18 : memref<!tpu.dma_semaphore, #tpu.memory_space<semaphore_mem>>) src(%dma_wait3A_103 : memref<20000x64xf32, #tpu.memory_space<hbm>>) dst(%arg10 : memref<125x64xf32, #tpu.memory_space<vmem>>)
      %dma_start3A_104 = arith.constant 0 : i32
      %dma_start3A_105 = tpu.memref_slice %arg8[%add3A_97, %dma_start3A_104] : memref<80x125xi32, #tpu.memory_space<vmem>> -> memref<1x125xi32, #tpu.memory_space<vmem>>
      %dma_start3A_106 = tpu.memref_squeeze %dma_start3A_105 : memref<1x125xi32, #tpu.memory_space<vmem>> -> memref<125xi32, #tpu.memory_space<vmem>>
      %dma_start3A_107 = arith.constant 0 : i32
      %dma_start3A_108 = arith.constant 0 : i32
      %dma_start3A_109 = tpu.memref_slice %arg33[%dma_start3A_107, %dma_start3A_108] : memref<10240x64xf32, #tpu.memory_space<vmem_shared>> -> memref<10240x64xf32, #tpu.memory_space<vmem_shared>>
      tpu.enqueue_indirect_dma source(%arg10 : memref<125x64xf32, #tpu.memory_space<vmem>>) target(%dma_start3A_109 : memref<10240x64xf32, #tpu.memory_space<vmem_shared>>) offsets(%dma_start3A_106 : memref<125xi32, #tpu.memory_space<vmem>>) semaphore(%arg26 : memref<!tpu.dma_semaphore, #tpu.memory_space<semaphore_mem>>) {add = true}
      %mul3A_110 = arith.constant 8 : i32
      %mul3A_111 = arith.muli %scan3A_77, %mul3A_110 : i32
      %add3A_112 = arith.constant 2 : i32
      %add3A_113 = arith.addi %mul3A_111, %add3A_112 : i32
      %dma_wait3A_114 = arith.constant 0 : i32
      %dma_wait3A_115 = tpu.memref_slice %arg7[%add3A_113, %dma_wait3A_114] : memref<80x125xi32, #tpu.memory_space<vmem>> -> memref<1x125xi32, #tpu.memory_space<vmem>>
      %dma_wait3A_116 = tpu.memref_squeeze %dma_wait3A_115 : memref<1x125xi32, #tpu.memory_space<vmem>> -> memref<125xi32, #tpu.memory_space<vmem>>
      %dma_wait3A_117 = arith.constant 0 : i32
      %dma_wait3A_118 = arith.constant 0 : i32
      %dma_wait3A_119 = tpu.memref_slice %arg2[%dma_wait3A_117, %dma_wait3A_118] : memref<20000x64xf32, #tpu.memory_space<hbm>> -> memref<20000x64xf32, #tpu.memory_space<hbm>>
      tpu.wait_indirect_dma semaphore(%arg19 : memref<!tpu.dma_semaphore, #tpu.memory_space<semaphore_mem>>) src(%dma_wait3A_119 : memref<20000x64xf32, #tpu.memory_space<hbm>>) dst(%arg11 : memref<125x64xf32, #tpu.memory_space<vmem>>)
      %dma_start3A_120 = arith.constant 0 : i32
      %dma_start3A_121 = tpu.memref_slice %arg8[%add3A_113, %dma_start3A_120] : memref<80x125xi32, #tpu.memory_space<vmem>> -> memref<1x125xi32, #tpu.memory_space<vmem>>
      %dma_start3A_122 = tpu.memref_squeeze %dma_start3A_121 : memref<1x125xi32, #tpu.memory_space<vmem>> -> memref<125xi32, #tpu.memory_space<vmem>>
      %dma_start3A_123 = arith.constant 0 : i32
      %dma_start3A_124 = arith.constant 0 : i32
      %dma_start3A_125 = tpu.memref_slice %arg33[%dma_start3A_123, %dma_start3A_124] : memref<10240x64xf32, #tpu.memory_space<vmem_shared>> -> memref<10240x64xf32, #tpu.memory_space<vmem_shared>>
      tpu.enqueue_indirect_dma source(%arg11 : memref<125x64xf32, #tpu.memory_space<vmem>>) target(%dma_start3A_125 : memref<10240x64xf32, #tpu.memory_space<vmem_shared>>) offsets(%dma_start3A_122 : memref<125xi32, #tpu.memory_space<vmem>>) semaphore(%arg27 : memref<!tpu.dma_semaphore, #tpu.memory_space<semaphore_mem>>) {add = true}
      %mul3A_126 = arith.constant 8 : i32
      %mul3A_127 = arith.muli %scan3A_77, %mul3A_126 : i32
      %add3A_128 = arith.constant 3 : i32
      %add3A_129 = arith.addi %mul3A_127, %add3A_128 : i32
      %dma_wait3A_130 = arith.constant 0 : i32
      %dma_wait3A_131 = tpu.memref_slice %arg7[%add3A_129, %dma_wait3A_130] : memref<80x125xi32, #tpu.memory_space<vmem>> -> memref<1x125xi32, #tpu.memory_space<vmem>>
      %dma_wait3A_132 = tpu.memref_squeeze %dma_wait3A_131 : memref<1x125xi32, #tpu.memory_space<vmem>> -> memref<125xi32, #tpu.memory_space<vmem>>
      %dma_wait3A_133 = arith.constant 0 : i32
      %dma_wait3A_134 = arith.constant 0 : i32
      %dma_wait3A_135 = tpu.memref_slice %arg2[%dma_wait3A_133, %dma_wait3A_134] : memref<20000x64xf32, #tpu.memory_space<hbm>> -> memref<20000x64xf32, #tpu.memory_space<hbm>>
      tpu.wait_indirect_dma semaphore(%arg20 : memref<!tpu.dma_semaphore, #tpu.memory_space<semaphore_mem>>) src(%dma_wait3A_135 : memref<20000x64xf32, #tpu.memory_space<hbm>>) dst(%arg12 : memref<125x64xf32, #tpu.memory_space<vmem>>)
      %dma_start3A_136 = arith.constant 0 : i32
      %dma_start3A_137 = tpu.memref_slice %arg8[%add3A_129, %dma_start3A_136] : memref<80x125xi32, #tpu.memory_space<vmem>> -> memref<1x125xi32, #tpu.memory_space<vmem>>
      %dma_start3A_138 = tpu.memref_squeeze %dma_start3A_137 : memref<1x125xi32, #tpu.memory_space<vmem>> -> memref<125xi32, #tpu.memory_space<vmem>>
      %dma_start3A_139 = arith.constant 0 : i32
      %dma_start3A_140 = arith.constant 0 : i32
      %dma_start3A_141 = tpu.memref_slice %arg33[%dma_start3A_139, %dma_start3A_140] : memref<10240x64xf32, #tpu.memory_space<vmem_shared>> -> memref<10240x64xf32, #tpu.memory_space<vmem_shared>>
      tpu.enqueue_indirect_dma source(%arg12 : memref<125x64xf32, #tpu.memory_space<vmem>>) target(%dma_start3A_141 : memref<10240x64xf32, #tpu.memory_space<vmem_shared>>) offsets(%dma_start3A_138 : memref<125xi32, #tpu.memory_space<vmem>>) semaphore(%arg28 : memref<!tpu.dma_semaphore, #tpu.memory_space<semaphore_mem>>) {add = true}
      %mul3A_142 = arith.constant 8 : i32
      %mul3A_143 = arith.muli %scan3A_77, %mul3A_142 : i32
      %add3A_144 = arith.constant 4 : i32
      %add3A_145 = arith.addi %mul3A_143, %add3A_144 : i32
      %dma_wait3A_146 = arith.constant 0 : i32
      %dma_wait3A_147 = tpu.memref_slice %arg7[%add3A_145, %dma_wait3A_146] : memref<80x125xi32, #tpu.memory_space<vmem>> -> memref<1x125xi32, #tpu.memory_space<vmem>>
      %dma_wait3A_148 = tpu.memref_squeeze %dma_wait3A_147 : memref<1x125xi32, #tpu.memory_space<vmem>> -> memref<125xi32, #tpu.memory_space<vmem>>
      %dma_wait3A_149 = arith.constant 0 : i32
      %dma_wait3A_150 = arith.constant 0 : i32
      %dma_wait3A_151 = tpu.memref_slice %arg2[%dma_wait3A_149, %dma_wait3A_150] : memref<20000x64xf32, #tpu.memory_space<hbm>> -> memref<20000x64xf32, #tpu.memory_space<hbm>>
      tpu.wait_indirect_dma semaphore(%arg21 : memref<!tpu.dma_semaphore, #tpu.memory_space<semaphore_mem>>) src(%dma_wait3A_151 : memref<20000x64xf32, #tpu.memory_space<hbm>>) dst(%arg13 : memref<125x64xf32, #tpu.memory_space<vmem>>)
      %dma_start3A_152 = arith.constant 0 : i32
      %dma_start3A_153 = tpu.memref_slice %arg8[%add3A_145, %dma_start3A_152] : memref<80x125xi32, #tpu.memory_space<vmem>> -> memref<1x125xi32, #tpu.memory_space<vmem>>
      %dma_start3A_154 = tpu.memref_squeeze %dma_start3A_153 : memref<1x125xi32, #tpu.memory_space<vmem>> -> memref<125xi32, #tpu.memory_space<vmem>>
      %dma_start3A_155 = arith.constant 0 : i32
      %dma_start3A_156 = arith.constant 0 : i32
      %dma_start3A_157 = tpu.memref_slice %arg33[%dma_start3A_155, %dma_start3A_156] : memref<10240x64xf32, #tpu.memory_space<vmem_shared>> -> memref<10240x64xf32, #tpu.memory_space<vmem_shared>>
      tpu.enqueue_indirect_dma source(%arg13 : memref<125x64xf32, #tpu.memory_space<vmem>>) target(%dma_start3A_157 : memref<10240x64xf32, #tpu.memory_space<vmem_shared>>) offsets(%dma_start3A_154 : memref<125xi32, #tpu.memory_space<vmem>>) semaphore(%arg29 : memref<!tpu.dma_semaphore, #tpu.memory_space<semaphore_mem>>) {add = true}
      %mul3A_158 = arith.constant 8 : i32
      %mul3A_159 = arith.muli %scan3A_77, %mul3A_158 : i32
      %add3A_160 = arith.constant 5 : i32
      %add3A_161 = arith.addi %mul3A_159, %add3A_160 : i32
      %dma_wait3A_162 = arith.constant 0 : i32
      %dma_wait3A_163 = tpu.memref_slice %arg7[%add3A_161, %dma_wait3A_162] : memref<80x125xi32, #tpu.memory_space<vmem>> -> memref<1x125xi32, #tpu.memory_space<vmem>>
      %dma_wait3A_164 = tpu.memref_squeeze %dma_wait3A_163 : memref<1x125xi32, #tpu.memory_space<vmem>> -> memref<125xi32, #tpu.memory_space<vmem>>
      %dma_wait3A_165 = arith.constant 0 : i32
      %dma_wait3A_166 = arith.constant 0 : i32
      %dma_wait3A_167 = tpu.memref_slice %arg2[%dma_wait3A_165, %dma_wait3A_166] : memref<20000x64xf32, #tpu.memory_space<hbm>> -> memref<20000x64xf32, #tpu.memory_space<hbm>>
      tpu.wait_indirect_dma semaphore(%arg22 : memref<!tpu.dma_semaphore, #tpu.memory_space<semaphore_mem>>) src(%dma_wait3A_167 : memref<20000x64xf32, #tpu.memory_space<hbm>>) dst(%arg14 : memref<125x64xf32, #tpu.memory_space<vmem>>)
      %dma_start3A_168 = arith.constant 0 : i32
      %dma_start3A_169 = tpu.memref_slice %arg8[%add3A_161, %dma_start3A_168] : memref<80x125xi32, #tpu.memory_space<vmem>> -> memref<1x125xi32, #tpu.memory_space<vmem>>
      %dma_start3A_170 = tpu.memref_squeeze %dma_start3A_169 : memref<1x125xi32, #tpu.memory_space<vmem>> -> memref<125xi32, #tpu.memory_space<vmem>>
      %dma_start3A_171 = arith.constant 0 : i32
      %dma_start3A_172 = arith.constant 0 : i32
      %dma_start3A_173 = tpu.memref_slice %arg33[%dma_start3A_171, %dma_start3A_172] : memref<10240x64xf32, #tpu.memory_space<vmem_shared>> -> memref<10240x64xf32, #tpu.memory_space<vmem_shared>>
      tpu.enqueue_indirect_dma source(%arg14 : memref<125x64xf32, #tpu.memory_space<vmem>>) target(%dma_start3A_173 : memref<10240x64xf32, #tpu.memory_space<vmem_shared>>) offsets(%dma_start3A_170 : memref<125xi32, #tpu.memory_space<vmem>>) semaphore(%arg30 : memref<!tpu.dma_semaphore, #tpu.memory_space<semaphore_mem>>) {add = true}
      %mul3A_174 = arith.constant 8 : i32
      %mul3A_175 = arith.muli %scan3A_77, %mul3A_174 : i32
      %add3A_176 = arith.constant 6 : i32
      %add3A_177 = arith.addi %mul3A_175, %add3A_176 : i32
      %dma_wait3A_178 = arith.constant 0 : i32
      %dma_wait3A_179 = tpu.memref_slice %arg7[%add3A_177, %dma_wait3A_178] : memref<80x125xi32, #tpu.memory_space<vmem>> -> memref<1x125xi32, #tpu.memory_space<vmem>>
      %dma_wait3A_180 = tpu.memref_squeeze %dma_wait3A_179 : memref<1x125xi32, #tpu.memory_space<vmem>> -> memref<125xi32, #tpu.memory_space<vmem>>
      %dma_wait3A_181 = arith.constant 0 : i32
      %dma_wait3A_182 = arith.constant 0 : i32
      %dma_wait3A_183 = tpu.memref_slice %arg2[%dma_wait3A_181, %dma_wait3A_182] : memref<20000x64xf32, #tpu.memory_space<hbm>> -> memref<20000x64xf32, #tpu.memory_space<hbm>>
      tpu.wait_indirect_dma semaphore(%arg23 : memref<!tpu.dma_semaphore, #tpu.memory_space<semaphore_mem>>) src(%dma_wait3A_183 : memref<20000x64xf32, #tpu.memory_space<hbm>>) dst(%arg15 : memref<125x64xf32, #tpu.memory_space<vmem>>)
      %dma_start3A_184 = arith.constant 0 : i32
      %dma_start3A_185 = tpu.memref_slice %arg8[%add3A_177, %dma_start3A_184] : memref<80x125xi32, #tpu.memory_space<vmem>> -> memref<1x125xi32, #tpu.memory_space<vmem>>
      %dma_start3A_186 = tpu.memref_squeeze %dma_start3A_185 : memref<1x125xi32, #tpu.memory_space<vmem>> -> memref<125xi32, #tpu.memory_space<vmem>>
      %dma_start3A_187 = arith.constant 0 : i32
      %dma_start3A_188 = arith.constant 0 : i32
      %dma_start3A_189 = tpu.memref_slice %arg33[%dma_start3A_187, %dma_start3A_188] : memref<10240x64xf32, #tpu.memory_space<vmem_shared>> -> memref<10240x64xf32, #tpu.memory_space<vmem_shared>>
      tpu.enqueue_indirect_dma source(%arg15 : memref<125x64xf32, #tpu.memory_space<vmem>>) target(%dma_start3A_189 : memref<10240x64xf32, #tpu.memory_space<vmem_shared>>) offsets(%dma_start3A_186 : memref<125xi32, #tpu.memory_space<vmem>>) semaphore(%arg31 : memref<!tpu.dma_semaphore, #tpu.memory_space<semaphore_mem>>) {add = true}
      %mul3A_190 = arith.constant 8 : i32
      %mul3A_191 = arith.muli %scan3A_77, %mul3A_190 : i32
      %add3A_192 = arith.constant 7 : i32
      %add3A_193 = arith.addi %mul3A_191, %add3A_192 : i32
      %dma_wait3A_194 = arith.constant 0 : i32
      %dma_wait3A_195 = tpu.memref_slice %arg7[%add3A_193, %dma_wait3A_194] : memref<80x125xi32, #tpu.memory_space<vmem>> -> memref<1x125xi32, #tpu.memory_space<vmem>>
      %dma_wait3A_196 = tpu.memref_squeeze %dma_wait3A_195 : memref<1x125xi32, #tpu.memory_space<vmem>> -> memref<125xi32, #tpu.memory_space<vmem>>
      %dma_wait3A_197 = arith.constant 0 : i32
      %dma_wait3A_198 = arith.constant 0 : i32
      %dma_wait3A_199 = tpu.memref_slice %arg2[%dma_wait3A_197, %dma_wait3A_198] : memref<20000x64xf32, #tpu.memory_space<hbm>> -> memref<20000x64xf32, #tpu.memory_space<hbm>>
      tpu.wait_indirect_dma semaphore(%arg24 : memref<!tpu.dma_semaphore, #tpu.memory_space<semaphore_mem>>) src(%dma_wait3A_199 : memref<20000x64xf32, #tpu.memory_space<hbm>>) dst(%arg16 : memref<125x64xf32, #tpu.memory_space<vmem>>)
      %dma_start3A_200 = arith.constant 0 : i32
      %dma_start3A_201 = tpu.memref_slice %arg8[%add3A_193, %dma_start3A_200] : memref<80x125xi32, #tpu.memory_space<vmem>> -> memref<1x125xi32, #tpu.memory_space<vmem>>
      %dma_start3A_202 = tpu.memref_squeeze %dma_start3A_201 : memref<1x125xi32, #tpu.memory_space<vmem>> -> memref<125xi32, #tpu.memory_space<vmem>>
      %dma_start3A_203 = arith.constant 0 : i32
      %dma_start3A_204 = arith.constant 0 : i32
      %dma_start3A_205 = tpu.memref_slice %arg33[%dma_start3A_203, %dma_start3A_204] : memref<10240x64xf32, #tpu.memory_space<vmem_shared>> -> memref<10240x64xf32, #tpu.memory_space<vmem_shared>>
      tpu.enqueue_indirect_dma source(%arg16 : memref<125x64xf32, #tpu.memory_space<vmem>>) target(%dma_start3A_205 : memref<10240x64xf32, #tpu.memory_space<vmem_shared>>) offsets(%dma_start3A_202 : memref<125xi32, #tpu.memory_space<vmem>>) semaphore(%arg32 : memref<!tpu.dma_semaphore, #tpu.memory_space<semaphore_mem>>) {add = true}
      %mul3A_206 = arith.constant 8 : i32
      %mul3A_207 = arith.muli %scan3A_77, %mul3A_206 : i32
      %add3A_208 = arith.constant 0 : i32
      %add3A_209 = arith.addi %mul3A_207, %add3A_208 : i32
      %dma_wait3A_210 = arith.constant 0 : i32
      %dma_wait3A_211 = tpu.memref_slice %arg8[%add3A_209, %dma_wait3A_210] : memref<80x125xi32, #tpu.memory_space<vmem>> -> memref<1x125xi32, #tpu.memory_space<vmem>>
      %dma_wait3A_212 = tpu.memref_squeeze %dma_wait3A_211 : memref<1x125xi32, #tpu.memory_space<vmem>> -> memref<125xi32, #tpu.memory_space<vmem>>
      %dma_wait3A_213 = arith.constant 0 : i32
      %dma_wait3A_214 = arith.constant 0 : i32
      %dma_wait3A_215 = tpu.memref_slice %arg33[%dma_wait3A_213, %dma_wait3A_214] : memref<10240x64xf32, #tpu.memory_space<vmem_shared>> -> memref<10240x64xf32, #tpu.memory_space<vmem_shared>>
      tpu.wait_indirect_dma semaphore(%arg25 : memref<!tpu.dma_semaphore, #tpu.memory_space<semaphore_mem>>) src(%arg9 : memref<125x64xf32, #tpu.memory_space<vmem>>) dst(%dma_wait3A_215 : memref<10240x64xf32, #tpu.memory_space<vmem_shared>>)
      %add3A_216 = arith.constant 8 : i32
      %add3A_217 = arith.addi %add3A_209, %add3A_216 : i32
      %lt3A = arith.constant 80 : i32
      %lt3A_218 = arith.cmpi slt, %add3A_217, %lt3A : i32
      %convert_element_type3A = arith.extui %lt3A_218 : i1 to i32
      %cond3A = arith.constant 0 : i32
      %cond3A_219 = arith.cmpi ne, %convert_element_type3A, %cond3A : i32
      scf.if %cond3A_219 {
        %add3A_339 = arith.constant 8 : i32
        %add3A_340 = arith.addi %add3A_209, %add3A_339 : i32
        %dma_start3A_341 = arith.constant 0 : i32
        %dma_start3A_342 = tpu.memref_slice %arg7[%add3A_340, %dma_start3A_341] : memref<80x125xi32, #tpu.memory_space<vmem>> -> memref<1x125xi32, #tpu.memory_space<vmem>>
        %dma_start3A_343 = tpu.memref_squeeze %dma_start3A_342 : memref<1x125xi32, #tpu.memory_space<vmem>> -> memref<125xi32, #tpu.memory_space<vmem>>
        %dma_start3A_344 = arith.constant 0 : i32
        %dma_start3A_345 = arith.constant 0 : i32
        %dma_start3A_346 = tpu.memref_slice %arg2[%dma_start3A_344, %dma_start3A_345] : memref<20000x64xf32, #tpu.memory_space<hbm>> -> memref<20000x64xf32, #tpu.memory_space<hbm>>
        tpu.enqueue_indirect_dma source(%dma_start3A_346 : memref<20000x64xf32, #tpu.memory_space<hbm>>) target(%arg9 : memref<125x64xf32, #tpu.memory_space<vmem>>) offsets(%dma_start3A_343 : memref<125xi32, #tpu.memory_space<vmem>>) semaphore(%arg17 : memref<!tpu.dma_semaphore, #tpu.memory_space<semaphore_mem>>)
      } else {
      }
      %mul3A_220 = arith.constant 8 : i32
      %mul3A_221 = arith.muli %scan3A_77, %mul3A_220 : i32
      %add3A_222 = arith.constant 1 : i32
      %add3A_223 = arith.addi %mul3A_221, %add3A_222 : i32
      %dma_wait3A_224 = arith.constant 0 : i32
      %dma_wait3A_225 = tpu.memref_slice %arg8[%add3A_223, %dma_wait3A_224] : memref<80x125xi32, #tpu.memory_space<vmem>> -> memref<1x125xi32, #tpu.memory_space<vmem>>
      %dma_wait3A_226 = tpu.memref_squeeze %dma_wait3A_225 : memref<1x125xi32, #tpu.memory_space<vmem>> -> memref<125xi32, #tpu.memory_space<vmem>>
      %dma_wait3A_227 = arith.constant 0 : i32
      %dma_wait3A_228 = arith.constant 0 : i32
      %dma_wait3A_229 = tpu.memref_slice %arg33[%dma_wait3A_227, %dma_wait3A_228] : memref<10240x64xf32, #tpu.memory_space<vmem_shared>> -> memref<10240x64xf32, #tpu.memory_space<vmem_shared>>
      tpu.wait_indirect_dma semaphore(%arg26 : memref<!tpu.dma_semaphore, #tpu.memory_space<semaphore_mem>>) src(%arg10 : memref<125x64xf32, #tpu.memory_space<vmem>>) dst(%dma_wait3A_229 : memref<10240x64xf32, #tpu.memory_space<vmem_shared>>)
      %add3A_230 = arith.constant 8 : i32
      %add3A_231 = arith.addi %add3A_223, %add3A_230 : i32
      %lt3A_232 = arith.constant 80 : i32
      %lt3A_233 = arith.cmpi slt, %add3A_231, %lt3A_232 : i32
      %convert_element_type3A_234 = arith.extui %lt3A_233 : i1 to i32
      %cond3A_235 = arith.constant 0 : i32
      %cond3A_236 = arith.cmpi ne, %convert_element_type3A_234, %cond3A_235 : i32
      scf.if %cond3A_236 {
        %add3A_339 = arith.constant 8 : i32
        %add3A_340 = arith.addi %add3A_223, %add3A_339 : i32
        %dma_start3A_341 = arith.constant 0 : i32
        %dma_start3A_342 = tpu.memref_slice %arg7[%add3A_340, %dma_start3A_341] : memref<80x125xi32, #tpu.memory_space<vmem>> -> memref<1x125xi32, #tpu.memory_space<vmem>>
        %dma_start3A_343 = tpu.memref_squeeze %dma_start3A_342 : memref<1x125xi32, #tpu.memory_space<vmem>> -> memref<125xi32, #tpu.memory_space<vmem>>
        %dma_start3A_344 = arith.constant 0 : i32
        %dma_start3A_345 = arith.constant 0 : i32
        %dma_start3A_346 = tpu.memref_slice %arg2[%dma_start3A_344, %dma_start3A_345] : memref<20000x64xf32, #tpu.memory_space<hbm>> -> memref<20000x64xf32, #tpu.memory_space<hbm>>
        tpu.enqueue_indirect_dma source(%dma_start3A_346 : memref<20000x64xf32, #tpu.memory_space<hbm>>) target(%arg10 : memref<125x64xf32, #tpu.memory_space<vmem>>) offsets(%dma_start3A_343 : memref<125xi32, #tpu.memory_space<vmem>>) semaphore(%arg18 : memref<!tpu.dma_semaphore, #tpu.memory_space<semaphore_mem>>)
      } else {
      }
      %mul3A_237 = arith.constant 8 : i32
      %mul3A_238 = arith.muli %scan3A_77, %mul3A_237 : i32
      %add3A_239 = arith.constant 2 : i32
      %add3A_240 = arith.addi %mul3A_238, %add3A_239 : i32
      %dma_wait3A_241 = arith.constant 0 : i32
      %dma_wait3A_242 = tpu.memref_slice %arg8[%add3A_240, %dma_wait3A_241] : memref<80x125xi32, #tpu.memory_space<vmem>> -> memref<1x125xi32, #tpu.memory_space<vmem>>
      %dma_wait3A_243 = tpu.memref_squeeze %dma_wait3A_242 : memref<1x125xi32, #tpu.memory_space<vmem>> -> memref<125xi32, #tpu.memory_space<vmem>>
      %dma_wait3A_244 = arith.constant 0 : i32
      %dma_wait3A_245 = arith.constant 0 : i32
      %dma_wait3A_246 = tpu.memref_slice %arg33[%dma_wait3A_244, %dma_wait3A_245] : memref<10240x64xf32, #tpu.memory_space<vmem_shared>> -> memref<10240x64xf32, #tpu.memory_space<vmem_shared>>
      tpu.wait_indirect_dma semaphore(%arg27 : memref<!tpu.dma_semaphore, #tpu.memory_space<semaphore_mem>>) src(%arg11 : memref<125x64xf32, #tpu.memory_space<vmem>>) dst(%dma_wait3A_246 : memref<10240x64xf32, #tpu.memory_space<vmem_shared>>)
      %add3A_247 = arith.constant 8 : i32
      %add3A_248 = arith.addi %add3A_240, %add3A_247 : i32
      %lt3A_249 = arith.constant 80 : i32
      %lt3A_250 = arith.cmpi slt, %add3A_248, %lt3A_249 : i32
      %convert_element_type3A_251 = arith.extui %lt3A_250 : i1 to i32
      %cond3A_252 = arith.constant 0 : i32
      %cond3A_253 = arith.cmpi ne, %convert_element_type3A_251, %cond3A_252 : i32
      scf.if %cond3A_253 {
        %add3A_339 = arith.constant 8 : i32
        %add3A_340 = arith.addi %add3A_240, %add3A_339 : i32
        %dma_start3A_341 = arith.constant 0 : i32
        %dma_start3A_342 = tpu.memref_slice %arg7[%add3A_340, %dma_start3A_341] : memref<80x125xi32, #tpu.memory_space<vmem>> -> memref<1x125xi32, #tpu.memory_space<vmem>>
        %dma_start3A_343 = tpu.memref_squeeze %dma_start3A_342 : memref<1x125xi32, #tpu.memory_space<vmem>> -> memref<125xi32, #tpu.memory_space<vmem>>
        %dma_start3A_344 = arith.constant 0 : i32
        %dma_start3A_345 = arith.constant 0 : i32
        %dma_start3A_346 = tpu.memref_slice %arg2[%dma_start3A_344, %dma_start3A_345] : memref<20000x64xf32, #tpu.memory_space<hbm>> -> memref<20000x64xf32, #tpu.memory_space<hbm>>
        tpu.enqueue_indirect_dma source(%dma_start3A_346 : memref<20000x64xf32, #tpu.memory_space<hbm>>) target(%arg11 : memref<125x64xf32, #tpu.memory_space<vmem>>) offsets(%dma_start3A_343 : memref<125xi32, #tpu.memory_space<vmem>>) semaphore(%arg19 : memref<!tpu.dma_semaphore, #tpu.memory_space<semaphore_mem>>)
      } else {
      }
      %mul3A_254 = arith.constant 8 : i32
      %mul3A_255 = arith.muli %scan3A_77, %mul3A_254 : i32
      %add3A_256 = arith.constant 3 : i32
      %add3A_257 = arith.addi %mul3A_255, %add3A_256 : i32
      %dma_wait3A_258 = arith.constant 0 : i32
      %dma_wait3A_259 = tpu.memref_slice %arg8[%add3A_257, %dma_wait3A_258] : memref<80x125xi32, #tpu.memory_space<vmem>> -> memref<1x125xi32, #tpu.memory_space<vmem>>
      %dma_wait3A_260 = tpu.memref_squeeze %dma_wait3A_259 : memref<1x125xi32, #tpu.memory_space<vmem>> -> memref<125xi32, #tpu.memory_space<vmem>>
      %dma_wait3A_261 = arith.constant 0 : i32
      %dma_wait3A_262 = arith.constant 0 : i32
      %dma_wait3A_263 = tpu.memref_slice %arg33[%dma_wait3A_261, %dma_wait3A_262] : memref<10240x64xf32, #tpu.memory_space<vmem_shared>> -> memref<10240x64xf32, #tpu.memory_space<vmem_shared>>
      tpu.wait_indirect_dma semaphore(%arg28 : memref<!tpu.dma_semaphore, #tpu.memory_space<semaphore_mem>>) src(%arg12 : memref<125x64xf32, #tpu.memory_space<vmem>>) dst(%dma_wait3A_263 : memref<10240x64xf32, #tpu.memory_space<vmem_shared>>)
      %add3A_264 = arith.constant 8 : i32
      %add3A_265 = arith.addi %add3A_257, %add3A_264 : i32
      %lt3A_266 = arith.constant 80 : i32
      %lt3A_267 = arith.cmpi slt, %add3A_265, %lt3A_266 : i32
      %convert_element_type3A_268 = arith.extui %lt3A_267 : i1 to i32
      %cond3A_269 = arith.constant 0 : i32
      %cond3A_270 = arith.cmpi ne, %convert_element_type3A_268, %cond3A_269 : i32
      scf.if %cond3A_270 {
        %add3A_339 = arith.constant 8 : i32
        %add3A_340 = arith.addi %add3A_257, %add3A_339 : i32
        %dma_start3A_341 = arith.constant 0 : i32
        %dma_start3A_342 = tpu.memref_slice %arg7[%add3A_340, %dma_start3A_341] : memref<80x125xi32, #tpu.memory_space<vmem>> -> memref<1x125xi32, #tpu.memory_space<vmem>>
        %dma_start3A_343 = tpu.memref_squeeze %dma_start3A_342 : memref<1x125xi32, #tpu.memory_space<vmem>> -> memref<125xi32, #tpu.memory_space<vmem>>
        %dma_start3A_344 = arith.constant 0 : i32
        %dma_start3A_345 = arith.constant 0 : i32
        %dma_start3A_346 = tpu.memref_slice %arg2[%dma_start3A_344, %dma_start3A_345] : memref<20000x64xf32, #tpu.memory_space<hbm>> -> memref<20000x64xf32, #tpu.memory_space<hbm>>
        tpu.enqueue_indirect_dma source(%dma_start3A_346 : memref<20000x64xf32, #tpu.memory_space<hbm>>) target(%arg12 : memref<125x64xf32, #tpu.memory_space<vmem>>) offsets(%dma_start3A_343 : memref<125xi32, #tpu.memory_space<vmem>>) semaphore(%arg20 : memref<!tpu.dma_semaphore, #tpu.memory_space<semaphore_mem>>)
      } else {
      }
      %mul3A_271 = arith.constant 8 : i32
      %mul3A_272 = arith.muli %scan3A_77, %mul3A_271 : i32
      %add3A_273 = arith.constant 4 : i32
      %add3A_274 = arith.addi %mul3A_272, %add3A_273 : i32
      %dma_wait3A_275 = arith.constant 0 : i32
      %dma_wait3A_276 = tpu.memref_slice %arg8[%add3A_274, %dma_wait3A_275] : memref<80x125xi32, #tpu.memory_space<vmem>> -> memref<1x125xi32, #tpu.memory_space<vmem>>
      %dma_wait3A_277 = tpu.memref_squeeze %dma_wait3A_276 : memref<1x125xi32, #tpu.memory_space<vmem>> -> memref<125xi32, #tpu.memory_space<vmem>>
      %dma_wait3A_278 = arith.constant 0 : i32
      %dma_wait3A_279 = arith.constant 0 : i32
      %dma_wait3A_280 = tpu.memref_slice %arg33[%dma_wait3A_278, %dma_wait3A_279] : memref<10240x64xf32, #tpu.memory_space<vmem_shared>> -> memref<10240x64xf32, #tpu.memory_space<vmem_shared>>
      tpu.wait_indirect_dma semaphore(%arg29 : memref<!tpu.dma_semaphore, #tpu.memory_space<semaphore_mem>>) src(%arg13 : memref<125x64xf32, #tpu.memory_space<vmem>>) dst(%dma_wait3A_280 : memref<10240x64xf32, #tpu.memory_space<vmem_shared>>)
      %add3A_281 = arith.constant 8 : i32
      %add3A_282 = arith.addi %add3A_274, %add3A_281 : i32
      %lt3A_283 = arith.constant 80 : i32
      %lt3A_284 = arith.cmpi slt, %add3A_282, %lt3A_283 : i32
      %convert_element_type3A_285 = arith.extui %lt3A_284 : i1 to i32
      %cond3A_286 = arith.constant 0 : i32
      %cond3A_287 = arith.cmpi ne, %convert_element_type3A_285, %cond3A_286 : i32
      scf.if %cond3A_287 {
        %add3A_339 = arith.constant 8 : i32
        %add3A_340 = arith.addi %add3A_274, %add3A_339 : i32
        %dma_start3A_341 = arith.constant 0 : i32
        %dma_start3A_342 = tpu.memref_slice %arg7[%add3A_340, %dma_start3A_341] : memref<80x125xi32, #tpu.memory_space<vmem>> -> memref<1x125xi32, #tpu.memory_space<vmem>>
        %dma_start3A_343 = tpu.memref_squeeze %dma_start3A_342 : memref<1x125xi32, #tpu.memory_space<vmem>> -> memref<125xi32, #tpu.memory_space<vmem>>
        %dma_start3A_344 = arith.constant 0 : i32
        %dma_start3A_345 = arith.constant 0 : i32
        %dma_start3A_346 = tpu.memref_slice %arg2[%dma_start3A_344, %dma_start3A_345] : memref<20000x64xf32, #tpu.memory_space<hbm>> -> memref<20000x64xf32, #tpu.memory_space<hbm>>
        tpu.enqueue_indirect_dma source(%dma_start3A_346 : memref<20000x64xf32, #tpu.memory_space<hbm>>) target(%arg13 : memref<125x64xf32, #tpu.memory_space<vmem>>) offsets(%dma_start3A_343 : memref<125xi32, #tpu.memory_space<vmem>>) semaphore(%arg21 : memref<!tpu.dma_semaphore, #tpu.memory_space<semaphore_mem>>)
      } else {
      }
      %mul3A_288 = arith.constant 8 : i32
      %mul3A_289 = arith.muli %scan3A_77, %mul3A_288 : i32
      %add3A_290 = arith.constant 5 : i32
      %add3A_291 = arith.addi %mul3A_289, %add3A_290 : i32
      %dma_wait3A_292 = arith.constant 0 : i32
      %dma_wait3A_293 = tpu.memref_slice %arg8[%add3A_291, %dma_wait3A_292] : memref<80x125xi32, #tpu.memory_space<vmem>> -> memref<1x125xi32, #tpu.memory_space<vmem>>
      %dma_wait3A_294 = tpu.memref_squeeze %dma_wait3A_293 : memref<1x125xi32, #tpu.memory_space<vmem>> -> memref<125xi32, #tpu.memory_space<vmem>>
      %dma_wait3A_295 = arith.constant 0 : i32
      %dma_wait3A_296 = arith.constant 0 : i32
      %dma_wait3A_297 = tpu.memref_slice %arg33[%dma_wait3A_295, %dma_wait3A_296] : memref<10240x64xf32, #tpu.memory_space<vmem_shared>> -> memref<10240x64xf32, #tpu.memory_space<vmem_shared>>
      tpu.wait_indirect_dma semaphore(%arg30 : memref<!tpu.dma_semaphore, #tpu.memory_space<semaphore_mem>>) src(%arg14 : memref<125x64xf32, #tpu.memory_space<vmem>>) dst(%dma_wait3A_297 : memref<10240x64xf32, #tpu.memory_space<vmem_shared>>)
      %add3A_298 = arith.constant 8 : i32
      %add3A_299 = arith.addi %add3A_291, %add3A_298 : i32
      %lt3A_300 = arith.constant 80 : i32
      %lt3A_301 = arith.cmpi slt, %add3A_299, %lt3A_300 : i32
      %convert_element_type3A_302 = arith.extui %lt3A_301 : i1 to i32
      %cond3A_303 = arith.constant 0 : i32
      %cond3A_304 = arith.cmpi ne, %convert_element_type3A_302, %cond3A_303 : i32
      scf.if %cond3A_304 {
        %add3A_339 = arith.constant 8 : i32
        %add3A_340 = arith.addi %add3A_291, %add3A_339 : i32
        %dma_start3A_341 = arith.constant 0 : i32
        %dma_start3A_342 = tpu.memref_slice %arg7[%add3A_340, %dma_start3A_341] : memref<80x125xi32, #tpu.memory_space<vmem>> -> memref<1x125xi32, #tpu.memory_space<vmem>>
        %dma_start3A_343 = tpu.memref_squeeze %dma_start3A_342 : memref<1x125xi32, #tpu.memory_space<vmem>> -> memref<125xi32, #tpu.memory_space<vmem>>
        %dma_start3A_344 = arith.constant 0 : i32
        %dma_start3A_345 = arith.constant 0 : i32
        %dma_start3A_346 = tpu.memref_slice %arg2[%dma_start3A_344, %dma_start3A_345] : memref<20000x64xf32, #tpu.memory_space<hbm>> -> memref<20000x64xf32, #tpu.memory_space<hbm>>
        tpu.enqueue_indirect_dma source(%dma_start3A_346 : memref<20000x64xf32, #tpu.memory_space<hbm>>) target(%arg14 : memref<125x64xf32, #tpu.memory_space<vmem>>) offsets(%dma_start3A_343 : memref<125xi32, #tpu.memory_space<vmem>>) semaphore(%arg22 : memref<!tpu.dma_semaphore, #tpu.memory_space<semaphore_mem>>)
      } else {
      }
      %mul3A_305 = arith.constant 8 : i32
      %mul3A_306 = arith.muli %scan3A_77, %mul3A_305 : i32
      %add3A_307 = arith.constant 6 : i32
      %add3A_308 = arith.addi %mul3A_306, %add3A_307 : i32
      %dma_wait3A_309 = arith.constant 0 : i32
      %dma_wait3A_310 = tpu.memref_slice %arg8[%add3A_308, %dma_wait3A_309] : memref<80x125xi32, #tpu.memory_space<vmem>> -> memref<1x125xi32, #tpu.memory_space<vmem>>
      %dma_wait3A_311 = tpu.memref_squeeze %dma_wait3A_310 : memref<1x125xi32, #tpu.memory_space<vmem>> -> memref<125xi32, #tpu.memory_space<vmem>>
      %dma_wait3A_312 = arith.constant 0 : i32
      %dma_wait3A_313 = arith.constant 0 : i32
      %dma_wait3A_314 = tpu.memref_slice %arg33[%dma_wait3A_312, %dma_wait3A_313] : memref<10240x64xf32, #tpu.memory_space<vmem_shared>> -> memref<10240x64xf32, #tpu.memory_space<vmem_shared>>
      tpu.wait_indirect_dma semaphore(%arg31 : memref<!tpu.dma_semaphore, #tpu.memory_space<semaphore_mem>>) src(%arg15 : memref<125x64xf32, #tpu.memory_space<vmem>>) dst(%dma_wait3A_314 : memref<10240x64xf32, #tpu.memory_space<vmem_shared>>)
      %add3A_315 = arith.constant 8 : i32
      %add3A_316 = arith.addi %add3A_308, %add3A_315 : i32
      %lt3A_317 = arith.constant 80 : i32
      %lt3A_318 = arith.cmpi slt, %add3A_316, %lt3A_317 : i32
      %convert_element_type3A_319 = arith.extui %lt3A_318 : i1 to i32
      %cond3A_320 = arith.constant 0 : i32
      %cond3A_321 = arith.cmpi ne, %convert_element_type3A_319, %cond3A_320 : i32
      scf.if %cond3A_321 {
        %add3A_339 = arith.constant 8 : i32
        %add3A_340 = arith.addi %add3A_308, %add3A_339 : i32
        %dma_start3A_341 = arith.constant 0 : i32
        %dma_start3A_342 = tpu.memref_slice %arg7[%add3A_340, %dma_start3A_341] : memref<80x125xi32, #tpu.memory_space<vmem>> -> memref<1x125xi32, #tpu.memory_space<vmem>>
        %dma_start3A_343 = tpu.memref_squeeze %dma_start3A_342 : memref<1x125xi32, #tpu.memory_space<vmem>> -> memref<125xi32, #tpu.memory_space<vmem>>
        %dma_start3A_344 = arith.constant 0 : i32
        %dma_start3A_345 = arith.constant 0 : i32
        %dma_start3A_346 = tpu.memref_slice %arg2[%dma_start3A_344, %dma_start3A_345] : memref<20000x64xf32, #tpu.memory_space<hbm>> -> memref<20000x64xf32, #tpu.memory_space<hbm>>
        tpu.enqueue_indirect_dma source(%dma_start3A_346 : memref<20000x64xf32, #tpu.memory_space<hbm>>) target(%arg15 : memref<125x64xf32, #tpu.memory_space<vmem>>) offsets(%dma_start3A_343 : memref<125xi32, #tpu.memory_space<vmem>>) semaphore(%arg23 : memref<!tpu.dma_semaphore, #tpu.memory_space<semaphore_mem>>)
      } else {
      }
      %mul3A_322 = arith.constant 8 : i32
      %mul3A_323 = arith.muli %scan3A_77, %mul3A_322 : i32
      %add3A_324 = arith.constant 7 : i32
      %add3A_325 = arith.addi %mul3A_323, %add3A_324 : i32
      %dma_wait3A_326 = arith.constant 0 : i32
      %dma_wait3A_327 = tpu.memref_slice %arg8[%add3A_325, %dma_wait3A_326] : memref<80x125xi32, #tpu.memory_space<vmem>> -> memref<1x125xi32, #tpu.memory_space<vmem>>
      %dma_wait3A_328 = tpu.memref_squeeze %dma_wait3A_327 : memref<1x125xi32, #tpu.memory_space<vmem>> -> memref<125xi32, #tpu.memory_space<vmem>>
      %dma_wait3A_329 = arith.constant 0 : i32
      %dma_wait3A_330 = arith.constant 0 : i32
      %dma_wait3A_331 = tpu.memref_slice %arg33[%dma_wait3A_329, %dma_wait3A_330] : memref<10240x64xf32, #tpu.memory_space<vmem_shared>> -> memref<10240x64xf32, #tpu.memory_space<vmem_shared>>
      tpu.wait_indirect_dma semaphore(%arg32 : memref<!tpu.dma_semaphore, #tpu.memory_space<semaphore_mem>>) src(%arg16 : memref<125x64xf32, #tpu.memory_space<vmem>>) dst(%dma_wait3A_331 : memref<10240x64xf32, #tpu.memory_space<vmem_shared>>)
      %add3A_332 = arith.constant 8 : i32
      %add3A_333 = arith.addi %add3A_325, %add3A_332 : i32
      %lt3A_334 = arith.constant 80 : i32
      %lt3A_335 = arith.cmpi slt, %add3A_333, %lt3A_334 : i32
      %convert_element_type3A_336 = arith.extui %lt3A_335 : i1 to i32
      %cond3A_337 = arith.constant 0 : i32
      %cond3A_338 = arith.cmpi ne, %convert_element_type3A_336, %cond3A_337 : i32
      scf.if %cond3A_338 {
        %add3A_339 = arith.constant 8 : i32
        %add3A_340 = arith.addi %add3A_325, %add3A_339 : i32
        %dma_start3A_341 = arith.constant 0 : i32
        %dma_start3A_342 = tpu.memref_slice %arg7[%add3A_340, %dma_start3A_341] : memref<80x125xi32, #tpu.memory_space<vmem>> -> memref<1x125xi32, #tpu.memory_space<vmem>>
        %dma_start3A_343 = tpu.memref_squeeze %dma_start3A_342 : memref<1x125xi32, #tpu.memory_space<vmem>> -> memref<125xi32, #tpu.memory_space<vmem>>
        %dma_start3A_344 = arith.constant 0 : i32
        %dma_start3A_345 = arith.constant 0 : i32
        %dma_start3A_346 = tpu.memref_slice %arg2[%dma_start3A_344, %dma_start3A_345] : memref<20000x64xf32, #tpu.memory_space<hbm>> -> memref<20000x64xf32, #tpu.memory_space<hbm>>
        tpu.enqueue_indirect_dma source(%dma_start3A_346 : memref<20000x64xf32, #tpu.memory_space<hbm>>) target(%arg16 : memref<125x64xf32, #tpu.memory_space<vmem>>) offsets(%dma_start3A_343 : memref<125xi32, #tpu.memory_space<vmem>>) semaphore(%arg24 : memref<!tpu.dma_semaphore, #tpu.memory_space<semaphore_mem>>)
      } else {
      }
    }
    %scan3A_71 = arith.constant 10 : i32
    %barrier3A_72 = arith.constant 0 : index
    tpu.barrier barrier_id(%barrier3A_72)
    %mul3A_73 = arith.constant 640 : i32
    %mul3A_74 = arith.muli %arg1, %mul3A_73 : i32
    %mul3A_75 = arith.constant 640 : i32
    %mul3A_76 = arith.muli %arg1, %mul3A_75 : i32
    "tpu.region"() ({
      %run_scoped3A = tpu.sem_alloc : memref<!tpu.dma_semaphore, #tpu.memory_space<semaphore_mem>>
      %dma_start3A_77 = arith.constant 0 : i32
      %dma_start3A_78 = tpu.memref_slice %arg6[%arg0, %mul3A_76, %dma_start3A_77] : memref<2x10240x128xf32, #tpu.memory_space<hbm>> -> memref<1x640x64xf32, #tpu.memory_space<hbm>>
      %dma_start3A_79 = tpu.memref_squeeze %dma_start3A_78 : memref<1x640x64xf32, #tpu.memory_space<hbm>> -> memref<640x64xf32, #tpu.memory_space<hbm>>
      %dma_start3A_80 = arith.constant 0 : i32
      %dma_start3A_81 = tpu.memref_slice %arg33[%mul3A_74, %dma_start3A_80] : memref<10240x64xf32, #tpu.memory_space<vmem_shared>> -> memref<640x64xf32, #tpu.memory_space<vmem_shared>>
      tpu.enqueue_dma source(%dma_start3A_81 : memref<640x64xf32, #tpu.memory_space<vmem_shared>>) target(%dma_start3A_79 : memref<640x64xf32, #tpu.memory_space<hbm>>) target_semaphore(%run_scoped3A : memref<!tpu.dma_semaphore, #tpu.memory_space<semaphore_mem>>)
      %dma_wait3A_82 = arith.constant 0 : i32
      %dma_wait3A_83 = tpu.memref_slice %arg6[%arg0, %mul3A_76, %dma_wait3A_82] : memref<2x10240x128xf32, #tpu.memory_space<hbm>> -> memref<1x640x64xf32, #tpu.memory_space<hbm>>
      %dma_wait3A_84 = tpu.memref_squeeze %dma_wait3A_83 : memref<1x640x64xf32, #tpu.memory_space<hbm>> -> memref<640x64xf32, #tpu.memory_space<hbm>>
      %dma_wait3A_85 = arith.constant 0 : i32
      %dma_wait3A_86 = tpu.memref_slice %arg33[%mul3A_74, %dma_wait3A_85] : memref<10240x64xf32, #tpu.memory_space<vmem_shared>> -> memref<640x64xf32, #tpu.memory_space<vmem_shared>>
      tpu.wait_dma2 semaphore(%run_scoped3A : memref<!tpu.dma_semaphore, #tpu.memory_space<semaphore_mem>>) src(%dma_wait3A_86 : memref<640x64xf32, #tpu.memory_space<vmem_shared>>) dst(%dma_wait3A_84 : memref<640x64xf32, #tpu.memory_space<hbm>>)
      tpu.yield
    }) : () -> ()
    return
  }
}

module attributes {stable_mosaic.version = 14 : i64} {
  func.func @_mm_scale_body(%arg0: memref<10000x128xf32, #tpu.memory_space<vmem>>, %arg1: memref<128x64xf32, #tpu.memory_space<vmem>>, %arg2: memref<2x10240x8xf32, #tpu.memory_space<vmem>>, %arg3: memref<10000x128xf32, #tpu.memory_space<vmem>>, %arg4: memref<10000x128xf32, #tpu.memory_space<vmem>>) attributes {dimension_semantics = [], scalar_prefetch = 0 : i64, scratch_operands = 0 : i64, tpu.core_type = #tpu.core_type<tc>} {
    %get3A = arith.constant 0 : index
    %get3A_0 = arith.constant 0 : index
    %get3A_1 = arith.constant 0 : index
    %get3A_2 = vector.load %arg2[%get3A, %get3A_0, %get3A_1] : memref<2x10240x8xf32, #tpu.memory_space<vmem>>, vector<2x10240x8xf32>
    %slice3A = vector.extract_strided_slice %get3A_2 {offsets = [0, 0, 0], sizes = [1, 10000, 1], strides = [1, 1, 1]} : vector<2x10240x8xf32> to vector<1x10000x1xf32>
    %squeeze3A = vector.shape_cast %slice3A : vector<1x10000x1xf32> to vector<10000x1xf32>
    %slice3A_3 = vector.extract_strided_slice %get3A_2 {offsets = [1, 0, 0], sizes = [1, 10000, 1], strides = [1, 1, 1]} : vector<2x10240x8xf32> to vector<1x10000x1xf32>
    %squeeze3A_4 = vector.shape_cast %slice3A_3 : vector<1x10000x1xf32> to vector<10000x1xf32>
    %add3A = arith.addf %squeeze3A, %squeeze3A_4 : vector<10000x1xf32>
    %add3A_5 = arith.constant 1.000000e+00 : f32
    %add3A_6 = vector.broadcast %add3A_5 : f32 to vector<10000x1xf32>
    %add3A_7 = arith.addf %add3A, %add3A_6 : vector<10000x1xf32>
    %rsqrt3A = math.rsqrt %add3A_7 : vector<10000x1xf32>
    %get3A_8 = arith.constant 0 : index
    %get3A_9 = arith.constant 0 : index
    %get3A_10 = vector.load %arg0[%get3A_8, %get3A_9] : memref<10000x128xf32, #tpu.memory_space<vmem>>, vector<10000x128xf32>
    %get3A_11 = arith.constant 0 : index
    %get3A_12 = arith.constant 0 : index
    %get3A_13 = vector.load %arg1[%get3A_11, %get3A_12] : memref<128x64xf32, #tpu.memory_space<vmem>>, vector<128x64xf32>
    %dot_general3A = arith.constant dense<0.000000e+00> : vector<10000x64xf32>
    %dot_general3A_14 = tpu.matmul %get3A_10, %get3A_13, %dot_general3A {dimension_numbers = #tpu.dot_dimension_numbers<[1], [0], [0], [1], [0, 0, 1, 1], [], []>, transpose_lhs_hint = false} : vector<10000x128xf32>, vector<128x64xf32>, vector<10000x64xf32> -> vector<10000x64xf32>
    %mul3A = vector.broadcast %rsqrt3A : vector<10000x1xf32> to vector<10000x64xf32>
    %mul3A_15 = arith.mulf %dot_general3A_14, %mul3A : vector<10000x64xf32>
    %broadcast_in_dim3A = arith.constant 0.000000e+00 : f32
    %broadcast_in_dim3A_16 = vector.broadcast %broadcast_in_dim3A : f32 to vector<10000x64xf32>
    %concatenate3A = tpu.concatenate %mul3A_15, %broadcast_in_dim3A_16 in 1 : vector<10000x64xf32>, vector<10000x64xf32> -> vector<10000x128xf32>
    %swap3A = arith.constant 0 : index
    %swap3A_17 = arith.constant 0 : index
    %swap3A_18 = vector.load %arg3[%swap3A, %swap3A_17] : memref<10000x128xf32, #tpu.memory_space<vmem>>, vector<10000x128xf32>
    tpu.vector_store %arg3[%swap3A, %swap3A_17], %concatenate3A {strides = array<i32>} : memref<10000x128xf32, #tpu.memory_space<vmem>>, vector<10000x128xf32>,
    %broadcast_in_dim3A_19 = vector.shape_cast %rsqrt3A : vector<10000x1xf32> to vector<10000x1xf32>
    %broadcast_in_dim3A_20 = vector.broadcast %broadcast_in_dim3A_19 : vector<10000x1xf32> to vector<10000x128xf32>
    %swap3A_21 = arith.constant 0 : index
    %swap3A_22 = arith.constant 0 : index
    %swap3A_23 = vector.load %arg4[%swap3A_21, %swap3A_22] : memref<10000x128xf32, #tpu.memory_space<vmem>>, vector<10000x128xf32>
    tpu.vector_store %arg4[%swap3A_21, %swap3A_22], %broadcast_in_dim3A_20 {strides = array<i32>} : memref<10000x128xf32, #tpu.memory_space<vmem>>, vector<10000x128xf32>,
    return
  }
}

module attributes {stable_mosaic.version = 14 : i64} {
  func.func @_mid_body(%arg0: memref<2x10240x128xf32, #tpu.memory_space<vmem>>, %arg1: memref<10000x128xf32, #tpu.memory_space<vmem>>, %arg2: memref<10000x128xf32, #tpu.memory_space<vmem>>, %arg3: memref<1x64xf32, #tpu.memory_space<vmem>>, %arg4: memref<1x64xf32, #tpu.memory_space<vmem>>, %arg5: memref<1x64xf32, #tpu.memory_space<vmem>>, %arg6: memref<64x128xf32, #tpu.memory_space<vmem>>, %arg7: memref<10000x128xf32, #tpu.memory_space<vmem>>) attributes {dimension_semantics = [], scalar_prefetch = 0 : i64, scratch_operands = 0 : i64, tpu.core_type = #tpu.core_type<tc>} {
    %get3A = arith.constant 0 : index
    %get3A_0 = arith.constant 0 : index
    %get3A_1 = vector.load %arg2[%get3A, %get3A_0] : memref<10000x128xf32, #tpu.memory_space<vmem>>, vector<10000x1xf32>
    %get3A_2 = arith.constant 0 : index
    %get3A_3 = arith.constant 0 : index
    %get3A_4 = arith.constant 0 : index
    %get3A_5 = vector.load %arg0[%get3A_2, %get3A_3, %get3A_4] : memref<2x10240x128xf32, #tpu.memory_space<vmem>>, vector<2x10240x128xf32>
    %slice3A = vector.extract_strided_slice %get3A_5 {offsets = [0, 0, 0], sizes = [1, 10000, 64], strides = [1, 1, 1]} : vector<2x10240x128xf32> to vector<1x10000x64xf32>
    %squeeze3A = vector.shape_cast %slice3A : vector<1x10000x64xf32> to vector<10000x64xf32>
    %slice3A_6 = vector.extract_strided_slice %get3A_5 {offsets = [1, 0, 0], sizes = [1, 10000, 64], strides = [1, 1, 1]} : vector<2x10240x128xf32> to vector<1x10000x64xf32>
    %squeeze3A_7 = vector.shape_cast %slice3A_6 : vector<1x10000x64xf32> to vector<10000x64xf32>
    %add3A = arith.addf %squeeze3A, %squeeze3A_7 : vector<10000x64xf32>
    %get3A_8 = arith.constant 0 : index
    %get3A_9 = arith.constant 0 : index
    %get3A_10 = vector.load %arg1[%get3A_8, %get3A_9] : memref<10000x128xf32, #tpu.memory_space<vmem>>, vector<10000x64xf32>
    %add3A_11 = arith.addf %add3A, %get3A_10 : vector<10000x64xf32>
    %mul3A = vector.broadcast %get3A_1 : vector<10000x1xf32> to vector<10000x64xf32>
    %mul3A_12 = arith.mulf %add3A_11, %mul3A : vector<10000x64xf32>
    %get3A_13 = arith.constant 0 : index
    %get3A_14 = arith.constant 0 : index
    %get3A_15 = vector.load %arg3[%get3A_13, %get3A_14] : memref<1x64xf32, #tpu.memory_space<vmem>>, vector<1x64xf32>
    %add3A_16 = vector.broadcast %get3A_15 : vector<1x64xf32> to vector<10000x64xf32>
    %add3A_17 = arith.addf %mul3A_12, %add3A_16 : vector<10000x64xf32>
    %reduce_sum3A = arith.constant dense<0.000000e+00> : vector<64xf32>
    %reduce_sum3A_18 = vector.multi_reduction <add>, %add3A_17, %reduce_sum3A [0] : vector<10000x64xf32> to vector<64xf32>
    %broadcast_in_dim3A = vector.shape_cast %reduce_sum3A_18 : vector<64xf32> to vector<1x64xf32>
    %div3A = arith.constant 1.000000e+04 : f32
    %div3A_19 = vector.broadcast %div3A : f32 to vector<1x64xf32>
    %div3A_20 = arith.divf %broadcast_in_dim3A, %div3A_19 : vector<1x64xf32>
    %sub3A = vector.broadcast %div3A_20 : vector<1x64xf32> to vector<10000x64xf32>
    %sub3A_21 = arith.subf %add3A_17, %sub3A : vector<10000x64xf32>
    %integer_pow3A = arith.mulf %sub3A_21, %sub3A_21 : vector<10000x64xf32>
    %reduce_sum3A_22 = arith.constant dense<0.000000e+00> : vector<64xf32>
    %reduce_sum3A_23 = vector.multi_reduction <add>, %integer_pow3A, %reduce_sum3A_22 [0] : vector<10000x64xf32> to vector<64xf32>
    %broadcast_in_dim3A_24 = vector.shape_cast %reduce_sum3A_23 : vector<64xf32> to vector<1x64xf32>
    %div3A_25 = arith.constant 1.000000e+04 : f32
    %div3A_26 = vector.broadcast %div3A_25 : f32 to vector<1x64xf32>
    %div3A_27 = arith.divf %broadcast_in_dim3A_24, %div3A_26 : vector<1x64xf32>
    %sub3A_28 = vector.broadcast %div3A_20 : vector<1x64xf32> to vector<10000x64xf32>
    %sub3A_29 = arith.subf %add3A_17, %sub3A_28 : vector<10000x64xf32>
    %add3A_30 = arith.constant 9.99999974E-6 : f32
    %add3A_31 = vector.broadcast %add3A_30 : f32 to vector<1x64xf32>
    %add3A_32 = arith.addf %div3A_27, %add3A_31 : vector<1x64xf32>
    %rsqrt3A = math.rsqrt %add3A_32 : vector<1x64xf32>
    %mul3A_33 = vector.broadcast %rsqrt3A : vector<1x64xf32> to vector<10000x64xf32>
    %mul3A_34 = arith.mulf %sub3A_29, %mul3A_33 : vector<10000x64xf32>
    %get3A_35 = arith.constant 0 : index
    %get3A_36 = arith.constant 0 : index
    %get3A_37 = vector.load %arg4[%get3A_35, %get3A_36] : memref<1x64xf32, #tpu.memory_space<vmem>>, vector<1x64xf32>
    %mul3A_38 = vector.broadcast %get3A_37 : vector<1x64xf32> to vector<10000x64xf32>
    %mul3A_39 = arith.mulf %mul3A_34, %mul3A_38 : vector<10000x64xf32>
    %get3A_40 = arith.constant 0 : index
    %get3A_41 = arith.constant 0 : index
    %get3A_42 = vector.load %arg5[%get3A_40, %get3A_41] : memref<1x64xf32, #tpu.memory_space<vmem>>, vector<1x64xf32>
    %add3A_43 = vector.broadcast %get3A_42 : vector<1x64xf32> to vector<10000x64xf32>
    %add3A_44 = arith.addf %mul3A_39, %add3A_43 : vector<10000x64xf32>
    %max3A = arith.constant 0.000000e+00 : f32
    %max3A_45 = vector.broadcast %max3A : f32 to vector<10000x64xf32>
    %max3A_46 = arith.maximumf %add3A_44, %max3A_45 : vector<10000x64xf32>
    %get3A_47 = arith.constant 0 : index
    %get3A_48 = arith.constant 0 : index
    %get3A_49 = vector.load %arg6[%get3A_47, %get3A_48] : memref<64x128xf32, #tpu.memory_space<vmem>>, vector<64x128xf32>
    %dot_general3A = arith.constant dense<0.000000e+00> : vector<10000x128xf32>
    %dot_general3A_50 = tpu.matmul %max3A_46, %get3A_49, %dot_general3A {dimension_numbers = #tpu.dot_dimension_numbers<[1], [0], [0], [1], [0, 0, 1, 1], [], []>, transpose_lhs_hint = false} : vector<10000x64xf32>, vector<64x128xf32>, vector<10000x128xf32> -> vector<10000x128xf32>
    %mul3A_51 = vector.broadcast %get3A_1 : vector<10000x1xf32> to vector<10000x128xf32>
    %mul3A_52 = arith.mulf %dot_general3A_50, %mul3A_51 : vector<10000x128xf32>
    %swap3A = arith.constant 0 : index
    %swap3A_53 = arith.constant 0 : index
    %swap3A_54 = vector.load %arg7[%swap3A, %swap3A_53] : memref<10000x128xf32, #tpu.memory_space<vmem>>, vector<10000x128xf32>
    tpu.vector_store %arg7[%swap3A, %swap3A_53], %mul3A_52 {strides = array<i32>} : memref<10000x128xf32, #tpu.memory_space<vmem>>, vector<10000x128xf32>,
    return
  }
}

module attributes {stable_mosaic.version = 14 : i64} {
  func.func @_final_body(%arg0: memref<2x10240x128xf32, #tpu.memory_space<vmem>>, %arg1: memref<2x10240x128xf32, #tpu.memory_space<vmem>>, %arg2: memref<10000x128xf32, #tpu.memory_space<vmem>>, %arg3: memref<10000x128xf32, #tpu.memory_space<vmem>>, %arg4: memref<1x128xf32, #tpu.memory_space<vmem>>, %arg5: memref<1x128xf32, #tpu.memory_space<vmem>>, %arg6: memref<1x128xf32, #tpu.memory_space<vmem>>, %arg7: memref<10000x128xf32, #tpu.memory_space<vmem>>) attributes {dimension_semantics = [], scalar_prefetch = 0 : i64, scratch_operands = 0 : i64, tpu.core_type = #tpu.core_type<tc>} {
    %get3A = arith.constant 0 : index
    %get3A_0 = arith.constant 0 : index
    %get3A_1 = vector.load %arg3[%get3A, %get3A_0] : memref<10000x128xf32, #tpu.memory_space<vmem>>, vector<10000x1xf32>
    %get3A_2 = arith.constant 0 : index
    %get3A_3 = arith.constant 0 : index
    %get3A_4 = arith.constant 0 : index
    %get3A_5 = vector.load %arg0[%get3A_2, %get3A_3, %get3A_4] : memref<2x10240x128xf32, #tpu.memory_space<vmem>>, vector<1x10000x64xf32>
    %get3A_6 = vector.shape_cast %get3A_5 : vector<1x10000x64xf32> to vector<10000x64xf32>
    %get3A_7 = arith.constant 1 : index
    %get3A_8 = arith.constant 0 : index
    %get3A_9 = arith.constant 0 : index
    %get3A_10 = vector.load %arg0[%get3A_7, %get3A_8, %get3A_9] : memref<2x10240x128xf32, #tpu.memory_space<vmem>>, vector<1x10000x64xf32>
    %get3A_11 = vector.shape_cast %get3A_10 : vector<1x10000x64xf32> to vector<10000x64xf32>
    %add3A = arith.addf %get3A_6, %get3A_11 : vector<10000x64xf32>
    %get3A_12 = arith.constant 0 : index
    %get3A_13 = arith.constant 0 : index
    %get3A_14 = arith.constant 0 : index
    %get3A_15 = vector.load %arg1[%get3A_12, %get3A_13, %get3A_14] : memref<2x10240x128xf32, #tpu.memory_space<vmem>>, vector<1x10000x64xf32>
    %get3A_16 = vector.shape_cast %get3A_15 : vector<1x10000x64xf32> to vector<10000x64xf32>
    %get3A_17 = arith.constant 1 : index
    %get3A_18 = arith.constant 0 : index
    %get3A_19 = arith.constant 0 : index
    %get3A_20 = vector.load %arg1[%get3A_17, %get3A_18, %get3A_19] : memref<2x10240x128xf32, #tpu.memory_space<vmem>>, vector<1x10000x64xf32>
    %get3A_21 = vector.shape_cast %get3A_20 : vector<1x10000x64xf32> to vector<10000x64xf32>
    %add3A_22 = arith.addf %get3A_16, %get3A_21 : vector<10000x64xf32>
    %concatenate3A = tpu.concatenate %add3A, %add3A_22 in 1 : vector<10000x64xf32>, vector<10000x64xf32> -> vector<10000x128xf32>
    %get3A_23 = arith.constant 0 : index
    %get3A_24 = arith.constant 0 : index
    %get3A_25 = vector.load %arg2[%get3A_23, %get3A_24] : memref<10000x128xf32, #tpu.memory_space<vmem>>, vector<10000x128xf32>
    %add3A_26 = arith.addf %concatenate3A, %get3A_25 : vector<10000x128xf32>
    %mul3A = vector.broadcast %get3A_1 : vector<10000x1xf32> to vector<10000x128xf32>
    %mul3A_27 = arith.mulf %add3A_26, %mul3A : vector<10000x128xf32>
    %get3A_28 = arith.constant 0 : index
    %get3A_29 = arith.constant 0 : index
    %get3A_30 = vector.load %arg4[%get3A_28, %get3A_29] : memref<1x128xf32, #tpu.memory_space<vmem>>, vector<1x128xf32>
    %add3A_31 = vector.broadcast %get3A_30 : vector<1x128xf32> to vector<10000x128xf32>
    %add3A_32 = arith.addf %mul3A_27, %add3A_31 : vector<10000x128xf32>
    %reduce_sum3A = arith.constant dense<0.000000e+00> : vector<128xf32>
    %reduce_sum3A_33 = vector.multi_reduction <add>, %add3A_32, %reduce_sum3A [0] : vector<10000x128xf32> to vector<128xf32>
    %broadcast_in_dim3A = vector.shape_cast %reduce_sum3A_33 : vector<128xf32> to vector<1x128xf32>
    %div3A = arith.constant 1.000000e+04 : f32
    %div3A_34 = vector.broadcast %div3A : f32 to vector<1x128xf32>
    %div3A_35 = arith.divf %broadcast_in_dim3A, %div3A_34 : vector<1x128xf32>
    %sub3A = vector.broadcast %div3A_35 : vector<1x128xf32> to vector<10000x128xf32>
    %sub3A_36 = arith.subf %add3A_32, %sub3A : vector<10000x128xf32>
    %integer_pow3A = arith.mulf %sub3A_36, %sub3A_36 : vector<10000x128xf32>
    %reduce_sum3A_37 = arith.constant dense<0.000000e+00> : vector<128xf32>
    %reduce_sum3A_38 = vector.multi_reduction <add>, %integer_pow3A, %reduce_sum3A_37 [0] : vector<10000x128xf32> to vector<128xf32>
    %broadcast_in_dim3A_39 = vector.shape_cast %reduce_sum3A_38 : vector<128xf32> to vector<1x128xf32>
    %div3A_40 = arith.constant 1.000000e+04 : f32
    %div3A_41 = vector.broadcast %div3A_40 : f32 to vector<1x128xf32>
    %div3A_42 = arith.divf %broadcast_in_dim3A_39, %div3A_41 : vector<1x128xf32>
    %sub3A_43 = vector.broadcast %div3A_35 : vector<1x128xf32> to vector<10000x128xf32>
    %sub3A_44 = arith.subf %add3A_32, %sub3A_43 : vector<10000x128xf32>
    %add3A_45 = arith.constant 9.99999974E-6 : f32
    %add3A_46 = vector.broadcast %add3A_45 : f32 to vector<1x128xf32>
    %add3A_47 = arith.addf %div3A_42, %add3A_46 : vector<1x128xf32>
    %rsqrt3A = math.rsqrt %add3A_47 : vector<1x128xf32>
    %mul3A_48 = vector.broadcast %rsqrt3A : vector<1x128xf32> to vector<10000x128xf32>
    %mul3A_49 = arith.mulf %sub3A_44, %mul3A_48 : vector<10000x128xf32>
    %get3A_50 = arith.constant 0 : index
    %get3A_51 = arith.constant 0 : index
    %get3A_52 = vector.load %arg5[%get3A_50, %get3A_51] : memref<1x128xf32, #tpu.memory_space<vmem>>, vector<1x128xf32>
    %mul3A_53 = vector.broadcast %get3A_52 : vector<1x128xf32> to vector<10000x128xf32>
    %mul3A_54 = arith.mulf %mul3A_49, %mul3A_53 : vector<10000x128xf32>
    %get3A_55 = arith.constant 0 : index
    %get3A_56 = arith.constant 0 : index
    %get3A_57 = vector.load %arg6[%get3A_55, %get3A_56] : memref<1x128xf32, #tpu.memory_space<vmem>>, vector<1x128xf32>
    %add3A_58 = vector.broadcast %get3A_57 : vector<1x128xf32> to vector<10000x128xf32>
    %add3A_59 = arith.addf %mul3A_54, %add3A_58 : vector<10000x128xf32>
    %swap3A = arith.constant 0 : index
    %swap3A_60 = arith.constant 0 : index
    %swap3A_61 = vector.load %arg7[%swap3A, %swap3A_60] : memref<10000x128xf32, #tpu.memory_space<vmem>>, vector<10000x128xf32>
    tpu.vector_store %arg7[%swap3A, %swap3A_60], %add3A_59 {strides = array<i32>} : memref<10000x128xf32, #tpu.memory_space<vmem>>, vector<10000x128xf32>,
    return
  }
}

</mosaic_0001>

<sc_bundles>
// kernel: kernel.12.cloned.1.call-start
scs
__scs_entry_jumppad:
0x0: {  	(pc) =	sbr.rel $0x88, $3  }
0x1: {  	(tag) =	ssettag $0x0;
	lr =	simm.s32 $0x1  }
0x2: {  	[smem:$0x3F97] =	sst lr;
	_ =	strace $0xD0000000  }
0x3: {  	_ = 	snop  }
0x4: {  	_ = 	snop  }
0x5: {  	_ = 	snop  }
0x6: {  	_ = 	snop  }
0x7: {  	_ = 	snop  }
__scs_overlays_trampoline_lowered:
0x8: {  	[smem:$0x3FA6] =	sst s0  }
0x9: {  	[smem:$0x3FA7] =	sst s1  }
0xa: {  	[smem:$0x3FA8] =	sst s2  }
0xb: {  	[smem:$0x3FA9] =	sst s3  }
0xc: {  	[smem:$0x3FAA] =	sst s4  }
0xd: {  	[smem:$0x3FAB] =	sst s5  }
0xe: {  	[smem:$0x3FAC] =	sst s6  }
0xf: {  	[smem:$0x3FAD] =	sst s7  }
0x10: {  	[smem:$0x3FAE] =	sst s8  }
0x11: {  	[smem:$0x3FAF] =	sst s9;
	s0 =	simm.s32 @!p0 $0x0  }
0x12: {  	s1 =	sld [smem:$0x3F95];
	s0 =	simm.s32 @p0 $0x1  }
0x13: {  	[smem:$0x3FB0] =	sst s0;
	s0 =	simm.s32 @!p1 $0x0  }
0x14: {  	s2 =	sld [smem:$0x3F94];
	s0 =	simm.s32 @p1 $0x1  }
0x15: {  	[smem:$0x3FB1] =	sst s0;
	s0 =	simm.s32 @!p2 $0x0  }
0x16: {  	s3 =	sld [smem:$0x3FDB];
	s0 =	simm.s32 @p2 $0x1  }
0x17: {  	s4 =	simm.s32 $0x1BF5;
	[smem:$0x3FB3] =	sst s0  }
0x18: {  	s0 =	sld [smem:$0x3F96];
	_ =	swait.ge [sflag:s4], $0x0  }
0x19: {  	s7 =	sld [smem:$0x3F97]  }
0x1a: {  	s8 =	sadd.s32 $0xFFFFE003, lr  }
0x1b: {  	s9 =	sadd.s32 $0xFFFFFEF7, lr;
	s5 =	simm.s32 $0xFFFFFFFF;
	p2 =	slt.u32 s8, $0xFFFFF086  }
0x1c: {  	p1 =	slt.u32 s9, $0xF7A;
	s5 =	simm.s32 @!p2 $0x0  }
0x1d: {  	s5 =	simm.s32 @p1 $0x1;
	p0 =	seq.s32 s7, s2  }
0x1e: {  	s7 =	smul.u32 @!p0 $0xF7A, s2;
	p2 =	seq.s32 @!p0 s5, $0x0  }
0x1f: {  	s9 =	smul.u32 $0xF7A, s1;
	s8 =	simm.s32 @!p0 $0x1BF5;
	p2 =	por !p2, p0  }
0x20: {  	[sflag:s8] =	ssyncset.s32 @!p0 $0xFFFFF086;
	s6 =	sadd.s32 @!p0 s3, s7;
	s7 =	simm.s32 @!p0 $0x108  }
0x21: {  	s3 =	sadd.s32 s3, s9;
	s6 =	sadd.s32 @!p0 $0x88, s6;
	s7 =	simm.s32 @p2 $0x1082  }
0x22: {  	[simem:s7], [sflag:s8] =	dma.local @!p0 [hbm:s6], $0xF7A  }
0x23: {  	s9 =	sor.u32 $0xD0000000, s2;
	s6 =	simm.s32 $0x108;
	_ =	swait.ge @!p0 [sflag:s8], $0x0  }
0x24: {  	s3 =	sadd.s32 $0x88, s3;
	s6 =	simm.s32 @!p1 $0x1082;
	[sflag:s4] =	ssyncset.s32 $0xFFFFF086  }
0x25: {  	[simem:s6], [sflag:s4] =	dma.local [hbm:s3], $0xF7A  }
0x26: {  	[smem:$0x3F97] =	sst s1;
	(tag) =	ssettag s2;
	_ =	strace s9  }
0x27: {  	s1 =	sld [smem:$0x3FA7]  }
0x28: {  	s2 =	sld [smem:$0x3FA8]  }
0x29: {  	s4 =	sld [smem:$0x3FAA]  }
0x2a: {  	p0 =	seq.s32 s5, $0x0;
	s5 =	sld [smem:$0x3FAB]  }
0x2b: {  	s6 =	sld [smem:$0x3FAC]  }
0x2c: {  	s7 =	sld [smem:$0x3FAD]  }
0x2d: {  	s3 =	simm.s32 $0x108;
	s8 =	sld [smem:$0x3FAE]  }
0x2e: {  	s3 =	simm.s32 @!p0 $0x1082;
	s9 =	sld [smem:$0x3FAF]  }
0x2f: {  	lr =	sadd.s32 s0, s3;
	s0 =	sld [smem:$0x3FA6]  }
0x30: {  	s3 =	sld [smem:$0x3FA9]  }
0x31: {  	[smem:$0x3FB2] =	sst s10  }
0x32: {  	s10 =	sld [smem:$0x3FB0];
	_ =	sdelay $0x3  }
0x33: {  	p0 =	seq.s32 s10, $0x1;
	s10 =	sld [smem:$0x3FB2];
	_ =	sdelay $0x3  }
0x34: {  	[smem:$0x3FB2] =	sst s10  }
0x35: {  	s10 =	sld [smem:$0x3FB1];
	_ =	sdelay $0x3  }
0x36: {  	p1 =	seq.s32 s10, $0x1;
	s10 =	sld [smem:$0x3FB2];
	_ =	sdelay $0x3  }
0x37: {  	[smem:$0x3FB2] =	sst s10  }
0x38: {  	s10 =	sld [smem:$0x3FB3]  }
0x39: {  	_ = 	snop;
	(pc) =	sbr.ind lr, $3  }
0x3a: {  	_ = 	snop  }
0x3b: {  	_ = 	snop  }
0x3c: {  	p2 =	seq.s32 s10, $0x1;
	s10 =	sld [smem:$0x3FB2]  }
0x3d: {  	_ =	shalt  }
0x3e: {  	_ =	shalt  }
0x3f: {  	_ =	shalt  }
0x40: {  	_ =	shalt  }
0x41: {  	_ =	shalt  }
0x42: {  	_ =	shalt  }
0x43: {  	_ =	shalt  }
0x44: {  	_ =	shalt  }
0x45: {  	_ =	shalt  }
0x46: {  	_ =	shalt  }
0x47: {  	_ =	shalt  }
0x48: {  	_ =	shalt  }
0x49: {  	_ =	shalt  }
0x4a: {  	_ =	shalt  }
0x4b: {  	_ =	shalt  }
0x4c: {  	_ =	shalt  }
0x4d: {  	_ =	shalt  }
0x4e: {  	_ =	shalt  }
0x4f: {  	_ =	shalt  }
0x50: {  	_ =	shalt  }
0x51: {  	_ =	shalt  }
0x52: {  	_ =	shalt  }
0x53: {  	_ =	shalt  }
0x54: {  	_ =	shalt  }
0x55: {  	_ =	shalt  }
0x56: {  	_ =	shalt  }
0x57: {  	_ =	shalt  }
0x58: {  	_ =	shalt  }
0x59: {  	_ =	shalt  }
0x5a: {  	_ =	shalt  }
0x5b: {  	_ =	shalt  }
0x5c: {  	_ =	shalt  }
0x5d: {  	_ =	shalt  }
0x5e: {  	_ =	shalt  }
0x5f: {  	_ =	shalt  }
0x60: {  	_ =	shalt  }
0x61: {  	_ =	shalt  }
0x62: {  	_ =	shalt  }
0x63: {  	_ =	shalt  }
0x64: {  	_ =	shalt  }
0x65: {  	_ =	shalt  }
0x66: {  	_ =	shalt  }
0x67: {  	_ =	shalt  }
0x68: {  	_ =	shalt  }
0x69: {  	_ =	shalt  }
0x6a: {  	_ =	shalt  }
0x6b: {  	_ =	shalt  }
0x6c: {  	_ =	shalt  }
0x6d: {  	_ =	shalt  }
0x6e: {  	_ =	shalt  }
0x6f: {  	_ =	shalt  }
0x70: {  	_ =	shalt  }
0x71: {  	_ =	shalt  }
0x72: {  	_ =	shalt  }
0x73: {  	_ =	shalt  }
0x74: {  	_ =	shalt  }
0x75: {  	_ =	shalt  }
0x76: {  	_ =	shalt  }
0x77: {  	_ =	shalt  }
0x78: {  	_ =	shalt  }
0x79: {  	_ =	shalt  }
0x7a: {  	_ =	shalt  }
0x7b: {  	_ =	shalt  }
0x7c: {  	_ =	shalt  }
0x7d: {  	_ =	shalt  }
0x7e: {  	_ =	shalt  }
0x7f: {  	_ =	shalt  }
0x80: {  	_ =	shalt  }
0x81: {  	_ =	shalt  }
0x82: {  	_ =	shalt  }
0x83: {  	_ =	shalt  }
0x84: {  	_ =	shalt  }
0x85: {  	_ =	shalt  }
0x86: {  	_ =	shalt  }
0x87: {  	_ =	shalt  }
.Lfunc_end0:
.L_simem_size_0:
called_computation.1_lowered:
.L_overlay_start_0:
0x88: {  	s2 =	sld [smem:$0x3FD9]  }
0x89: {  	s3 =	sld [smem:$0x3FFE];
	_ =	sdelay $0x1  }
0x8a: {  	s1 =	srdreg.scid  }
0x8b: {  	s0 =	sand.u32 $0x1, s1  }
0x8c: {  	s17 =	sshll.u32 s0, $0xA;
	s2 =	sadd.s32 s3, s2  }
0x8d: {  	s2 =	sadd.s32 s2, s17  }
0x8e: {  	[smem:$0x3FBE] =	sst s2  }
0x8f: {  	_ = 	snop  }
0x90: {  	s2 =	sld [smem:$0x3FD0];
	(tm) =	ssettm $0x1  }
0x91: {  	s18 =	sld [smem:$0x3FFB];
	_ =	sdelay $0x3  }
0x92: {  	_ =	strace s18  }
0x93: {  	s3 =	sld [smem:$0x3FFC];
	_ =	sdelay $0x3  }
0x94: {  	_ =	strace s3  }
0x95: {  	s3 =	sld [smem:$0x3FFD];
	_ =	sdelay $0x3  }
0x96: {  	_ =	strace s3  }
0x97: {  	_ =	strace $0x8FFFFFFF  }
0x98: {  	s19 =	sld [smem:$0x3FDB];
	_ =	sdelay $0x1  }
0x99: {  	s4 =	simm.s32 $_scs_section_size  }
0x9a: {  	s5 =	simm.s32 $_size__tile_overlayer_lowered;
	s6 =	simm.s32 $_tile_overlayer_lowered  }
0x9b: {  	s22 =	simm.s32 $0x1BFF;
	s21 =	sshll.u32 s6, $0x1;
	s3 =	sadd.s32 s4, s19  }
0x9c: {  	s7 =	simm.s32 $0x0;
	s20 =	sshll.u32 s5, $0x1;
	s5 =	sadd.s32 s21, s3  }
0x9d: {  	[timem:s7], [sflag:s22] =	dma.local [hbm:s5], s20  }
0x9e: {  	_ =	swait.ge [sflag:s22], s20  }
0x9f: {  	s4 =	ssub.s32 $0x0, s20;
	[sflag:s22] =	ssyncset.done $0x0  }
0xa0: {  	[sflag:s22] =	ssyncadd.s32 s4;
	_ =	sdelay $0x1  }
0xa1: {  	s23 =	simm.s32 $0x1B8B  }
0xa2: {  	_ =	swait.ge [sflag:s23], $0x1  }
0xa3: {  	[sflag:s23] =	ssyncset.done $0x0  }
0xa4: {  	s25 =	simm.s32 $0x1B8E;
	s24 =	sld [smem:$0x3FFE];
	[sflag:s23] =	ssyncadd.s32 $0xFFFFFFFF  }
0xa5: {  	s26 =	simm.s32 $execute0_lowered;
	[smem:$0x3FD2] =	sst s25  }
0xa6: {  	s5 =	sshll.u32 s26, $0x1;
	_ =	strace $0x80000049;
	[dreg:$0x1] =	wrdreg $0xFFFFFFFF  }
0xa7: {  	s28 =	simm.s32 $_size_execute0_lowered;
	s3 =	sadd.s32 s3, s5;
	[dreg:$0x0] =	wrdreg $0x0  }
0xa8: {  	s5 =	sshll.u32 s28, $0x1;
	[dreg:$0x2] =	wrdreg s3  }
0xa9: {  	[dreg:$0x3] =	wrdreg s5  }
0xaa: {  	[dreg:$0x4] =	wrdreg $0xC0  }
0xab: {  	_ =	task [dreg:s7], $0x5FFFF  }
0xac: {  	[dreg:$0x1] =	wrdreg $0xFFFFFFFF  }
0xad: {  	[dreg:$0x0] =	wrdreg $0x60  }
0xae: {  	[dreg:$0x2] =	wrdreg s2  }
0xaf: {  	[dreg:$0x3] =	wrdreg s24  }
0xb0: {  	[dreg:$0x4] =	wrdreg $0x14A000  }
0xb1: {  	[dreg:$0x5] =	wrdreg $0x9  }
0xb2: {  	_ =	task.clear_ibuf [dreg:s7], $0x6FFFF;
	_ =	strace $0x90000049  }
0xb3: {  	s29 =	simm.s32 $0x9;
	_ =	strace $0x8000004B  }
0xb4: {  	_ =	swait.ge [sflag:s29], $0x1  }
0xb5: {  	[sflag:s29] =	ssyncadd.s32 $0xFFFFFFFF  }
0xb6: {  	_ =	strace $0x9000004B  }
0xb7: {  	_ =	sfence  }
0xb8: {  	s30 =	sld [smem:$0x0];
	_ =	sdelay $0x2  }
0xb9: {  	s31 =	sshll.u32 s1, $0xD;
	s1 =	sshrl.u32 s1, $0x2  }
0xba: {  	s3 =	sand.u32 $0x4000, s31;
	s1 =	sadd.s32 s1, s30  }
0xbb: {  	s0 =	sor.u32 s3, s0;
	s1 =	sshll.u32 s1, $0x11  }
0xbc: {  	s0 =	sor.u32 s1, s0  }
0xbd: {  	s0 =	sadd.s32 $0x8F2B, s0  }
0xbe: {  	[sflag:s0] =	ssyncadd.remote.s32 $0x1  }
0xbf: {  	_ =	sfence.sel $0xFFFF  }
0xc0: {  	[dreg:$0x0] =	wrdreg $0xFFFFFFFF;
	(pc) =	sbr.abs _section_cstart, $3  }
0xc1: {  	[dreg:$0x1] =	wrdreg $0xFFFFFFFF  }
0xc2: {  	_ =	task.clear_ibuf [dreg:s7], $0x2FFFF;
	_ =	strace $0x9FFFFFFF  }
0xc3: {  	(tm) =	ssettm $0x7FFFFFFF  }
tec
execute0_lowered:
.L_overlay_start_1:
0x0: {  	(tag) =	ssettag $0x1  }
0x1: {  	s1 =	rddreg [dreg:$0x0]  }
0x2: {  	s0 =	srdreg.scid;
	s4 =	rddreg [dreg:$0x1]  }
0x3: {  	s9 =	stileid.u32;
	s3 =	rddreg [dreg:$0x2]  }
0x4: {  	s6 =	simm.s32 $0x0;
	s16 =	simm.s32 $0x7D;
	s17 =	simm.s32 $0x5000  }
0x5: {  	s19 =	simm.s32 $0x6F40;
	s28 =	simm.s32 $0xEC40;
	s30 =	simm.s32 $0x10B80  }
0x6: {  	s14 =	simm.s32 $0x2;
	s18 =	simm.s32 $0x3;
	s20 =	simm.s32 $0x4  }
0x7: {  	s29 =	simm.s32 $0x8;
	s31 =	simm.s32 $0x9;
	s10 =	simm.s32 $0xE  }
0x8: {  	s11 =	simm.s32 $0xF;
	s13 =	simm.s32 $0x0;
	s21 =	smul.u32 $0x14000, s9  }
0x9: {  	s0 =	sand.u32 $0x1, s0;
	[smem:$0x7FF] =	sst s6;
	s7 =	smul.u32 $0xA000, s9  }
0xa: {  	s24 =	sshll.u32 s9, $0x6;
	s2 =	sshll.u32 s0, $0x4;
	s5 =	smul.u32 $0x140000, s0  }
0xb: {  	_ =	strace $0x8000004A;
	s0 =	ssub.s32 $0x2, s0;
	[dreg:$0x5] =	wrdreg s24  }
0xc: {  	s2 =	sor.u32 s9, s2;
	s22 =	sshrl.u32 s7, $0x3;
	s8 =	sshrl.u32 s0, $0x1  }
0xd: {  	s23 =	sadd.s32 s7, s3;
	s7 =	simm.s32 $0xB;
	s9 =	simm.s32 $0xD  }
0xe: {  	s2 =	smul.u32 $0x500, s2;
	s5 =	sadd.s32 s21, s5;
	s6 =	sadd.s32 s22, s4  }
0xf: {  	s0 =	ssub.s32 s0, s8;
	s15 =	sshrl.u32 s23, $0x3;
	s21 =	simm.s32 $0x8E80  }
0x10: {  	s23 =	simm.s32 $0xADC0;
	s22 =	simm.s32 $0x5;
	s8 =	simm.s32 $0xC  }
0x11: {  	s5 =	sshrl.u32 s5, $0x3;
	s6 =	sadd.s32 $0x1A200, s6;
	[dreg:$0xb] =	wrdreg s15  }
0x12: {  	s0 =	smax.u32 s0, $0x1;
	s2 =	sadd.s32 s2, s4;
	[dreg:$0x4] =	wrdreg s6  }
0x13: {  	s4 =	sadd.s32 s5, s4;
	s6 =	sor.u32 $0x1C11, s24;
	[dreg:$0xa] =	wrdreg s0  }
.Ltmp0:
0x14: {  	[dreg:$0x6] =	wrdreg s6;
	s25 =	sadd.s32 $0x10200, s2;
	(pc) =	sbr.rel .LBB2_1-.Ltmp0, $4  }
0x15: {  	s0 =	simm.s32 $0x1;
	s2 =	sadd.s32 $0x3800, s2;
	[dreg:$0x7] =	wrdreg s25  }
0x16: {  	s24 =	simm.s32 $0x6;
	s26 =	sadd.s32 $0x2E200, s4;
	[dreg:$0x8] =	wrdreg s2  }
0x17: {  	s5 =	simm.s32 $0xA;
	s6 =	simm.s32 $0x10;
	[dreg:$0x9] =	wrdreg s26  }
0x18: {  	s25 =	simm.s32 $0xCD00;
	s2 =	simm.s32 $0x12AC0;
	s26 =	simm.s32 $0x7  }
.LBB2_4:
0x19: {  	_ =	swait.ge [sflag:s5], $0x1F40  }
0x1a: {  	[sflag:s5] =	ssyncset.done $0x0  }
0x1b: {  	[sflag:s5] =	ssyncadd.s32 $0xFFFFE0C0  }
0x1c: {  	_ =	swait.ge [sflag:s7], $0x1F40  }
0x1d: {  	[sflag:s7] =	ssyncset.done $0x0  }
0x1e: {  	[sflag:s7] =	ssyncadd.s32 $0xFFFFE0C0  }
0x1f: {  	_ =	swait.ge [sflag:s8], $0x1F40  }
0x20: {  	[sflag:s8] =	ssyncset.done $0x0  }
0x21: {  	[sflag:s8] =	ssyncadd.s32 $0xFFFFE0C0  }
0x22: {  	_ =	swait.ge [sflag:s9], $0x1F40  }
0x23: {  	[sflag:s9] =	ssyncset.done $0x0  }
0x24: {  	[sflag:s9] =	ssyncadd.s32 $0xFFFFE0C0  }
0x25: {  	_ =	swait.ge [sflag:s10], $0x1F40  }
0x26: {  	[sflag:s10] =	ssyncset.done $0x0  }
0x27: {  	[sflag:s10] =	ssyncadd.s32 $0xFFFFE0C0  }
0x28: {  	_ =	swait.ge [sflag:s11], $0x1F40  }
0x29: {  	[sflag:s11] =	ssyncset.done $0x0  }
0x2a: {  	[sflag:s11] =	ssyncadd.s32 $0xFFFFE0C0  }
0x2b: {  	_ =	swait.ge [sflag:s6], $0x1F40  }
0x2c: {  	[sflag:s6] =	ssyncset.done $0x0  }
0x2d: {  	[sflag:s6] =	ssyncadd.s32 $0xFFFFE0C0  }
0x2e: {  	[bflag:$0x0] =	sbarrier.arrive $0xFFFF  }
0x2f: {  	s12 =	rddreg [dreg:$0x5]  }
0x30: {  	s13 =	rddreg [dreg:$0x9]  }
0x31: {  	s4 =	simm.s32 $0x12;
	s15 =	rddreg [dreg:$0xb];
	s12 =	sor.u32 $0x1C12, s12  }
0x32: {  	[hbm:s13@s6], [sflag:s12] =	dma.strided [spmem:s15@s29], $0x1400, s0, $0x8   }
0x33: {  	_ =	swait.ge [sflag:s4], $0x1400  }
0x34: {  	s12 =	rddreg [dreg:$0xc]  }
0x35: {  	[sflag:s4] =	ssyncset.done $0x0;
	s4 =	rddreg [dreg:$0xa];
	s13 =	sadd.s32 $0x1, s12  }
0x36: {  	p0 =	sne.s32 s13, s4  }
.Ltmp1:
0x37: {  	_ = 	snop;
	(pc) =	sbr.rel @!p0 .LBB2_5-.Ltmp1, $3  }
0x38: {  	_ =	sdelay $0x1  }
0x39: {  	s12 =	simm.s32 $0x12  }
0x3a: {  	[sflag:s12] =	ssyncadd.s32 $0xFFFFEC00  }
.LBB2_1:
0x3b: {  	[dreg:$0xc] =	wrdreg s13  }
0x3c: {  	s12 =	rddreg [dreg:$0x4]  }
0x3d: {  	s13 =	rddreg [dreg:$0x6]  }
0x3e: {  	[spmem:s15], [sflag:s13] =	dma.local [hbm:s12], $0x1400  }
0x3f: {  	s4 =	simm.s32 $0x12;
	s12 =	simm.s32 $0x0;
	s13 =	rddreg [dreg:$0x7]  }
0x40: {  	[tilespmem:s12], [sflag:$0x12] =	stream.linear.gather [hbm4b:s13+s12], $0x2800, $0x38;
	[tilespmem:$0x1EA00] =	vst v63  }
0x41: {  	_ =	swait.ge [sflag:s4], $0x2800  }
0x42: {  	[sflag:s4] =	ssyncset.done $0x0  }
0x43: {  	s15 =	simm.s32 $0x2800;
	s13 =	rddreg [dreg:$0x8];
	[sflag:s4] =	ssyncadd.s32 $0xFFFFD800  }
0x44: {  	[tilespmem:s15], [sflag:$0x12] =	stream.linear.gather [hbm4b:s13+s12], $0x2800, $0x38;
	[tilespmem:$0x1EA00] =	vst v63  }
0x45: {  	_ =	swait.ge [sflag:s4], $0x2800  }
0x46: {  	[sflag:s4] =	ssyncset.done $0x0  }
0x47: {  	s13 =	simm.s32 $0x11;
	[sflag:s4] =	ssyncadd.s32 $0xFFFFD800  }
0x48: {  	_ =	swait.ge [sflag:s13], $0x1400  }
0x49: {  	[sflag:s13] =	ssyncset.done $0x0  }
0x4a: {  	[sflag:s13] =	ssyncadd.s32 $0xFFFFEC00  }
0x4b: {  	[bflag:$0x0] =	sbarrier.arrive $0xFFFF  }
0x4c: {  	[tilespmem:s17], [sflag:$0x1] =	stream.indirect.gather [hbm4b:s1+s16], $0x40, s12, s16, $0xb8;
	[tilespmem:$0x1EA00] =	vst v63  }
0x4d: {  	s15 =	simm.s32 $0x80  }
0x4e: {  	[tilespmem:s19], [sflag:$0x2] =	stream.indirect.gather [hbm4b:s1+s16], $0x40, s15, s16, $0xb8;
	[tilespmem:$0x1EA00] =	vst v63  }
0x4f: {  	s12 =	simm.s32 $0x100  }
0x50: {  	[tilespmem:s21], [sflag:$0x3] =	stream.indirect.gather [hbm4b:s1+s16], $0x40, s12, s16, $0xb8;
	[tilespmem:$0x1EA00] =	vst v63  }
0x51: {  	s13 =	simm.s32 $0x180  }
0x52: {  	[tilespmem:s23], [sflag:$0x4] =	stream.indirect.gather [hbm4b:s1+s16], $0x40, s13, s16, $0xb8;
	[tilespmem:$0x1EA00] =	vst v63  }
0x53: {  	s15 =	simm.s32 $0x200  }
0x54: {  	[tilespmem:s25], [sflag:$0x5] =	stream.indirect.gather [hbm4b:s1+s16], $0x40, s15, s16, $0xb8;
	[tilespmem:$0x1EA00] =	vst v63  }
0x55: {  	s12 =	simm.s32 $0x280  }
0x56: {  	[tilespmem:s28], [sflag:$0x6] =	stream.indirect.gather [hbm4b:s1+s16], $0x40, s12, s16, $0xb8;
	[tilespmem:$0x1EA00] =	vst v63  }
0x57: {  	s13 =	simm.s32 $0x300  }
0x58: {  	[tilespmem:s30], [sflag:$0x7] =	stream.indirect.gather [hbm4b:s1+s16], $0x40, s13, s16, $0xb8;
	[tilespmem:$0x1EA00] =	vst v63  }
0x59: {  	s15 =	simm.s32 $0x380  }
0x5a: {  	[tilespmem:s2], [sflag:$0x8] =	stream.indirect.gather [hbm4b:s1+s16], $0x40, s15, s16, $0xb8;
	[tilespmem:$0x1EA00] =	vst v63  }
0x5b: {  	s15 =	simm.s32 $0x0  }
.LBB2_2:
0x5c: {  	_ =	swait.ge [sflag:s0], $0x1F40  }
0x5d: {  	s12 =	sshra.s32 s15, $0x2;
	[sflag:s0] =	ssyncset.done $0x0  }
0x5e: {  	s13 =	sadd.s32 $0x2800, s12;
	[sflag:s0] =	ssyncadd.s32 $0xFFFFE0C0  }
0x5f: {  	[spmem:s3] =	stream.indirect.scatter.add.f32 [tilespmem:s17], [sflag:$0x9], $0x40, s13, s16, $0xb8;
	[tilespmem:$0x1EA00] =	vst v63  }
0x60: {  	_ =	swait.ge [sflag:s14], $0x1F40  }
0x61: {  	[sflag:s14] =	ssyncset.done $0x0  }
0x62: {  	s4 =	sadd.s32 $0x2880, s12;
	[sflag:s14] =	ssyncadd.s32 $0xFFFFE0C0  }
0x63: {  	[spmem:s3] =	stream.indirect.scatter.add.f32 [tilespmem:s19], [sflag:$0xA], $0x40, s4, s16, $0xb8;
	[tilespmem:$0x1EA00] =	vst v63  }
0x64: {  	_ =	swait.ge [sflag:s18], $0x1F40  }
0x65: {  	[sflag:s18] =	ssyncset.done $0x0  }
0x66: {  	s4 =	sadd.s32 $0x2900, s12;
	[sflag:s18] =	ssyncadd.s32 $0xFFFFE0C0  }
0x67: {  	[spmem:s3] =	stream.indirect.scatter.add.f32 [tilespmem:s21], [sflag:$0xB], $0x40, s4, s16, $0xb8;
	[tilespmem:$0x1EA00] =	vst v63  }
0x68: {  	_ =	swait.ge [sflag:s20], $0x1F40  }
0x69: {  	[sflag:s20] =	ssyncset.done $0x0  }
0x6a: {  	s4 =	sadd.s32 $0x2980, s12;
	[sflag:s20] =	ssyncadd.s32 $0xFFFFE0C0  }
0x6b: {  	[spmem:s3] =	stream.indirect.scatter.add.f32 [tilespmem:s23], [sflag:$0xC], $0x40, s4, s16, $0xb8;
	[tilespmem:$0x1EA00] =	vst v63  }
0x6c: {  	_ =	swait.ge [sflag:s22], $0x1F40  }
0x6d: {  	[sflag:s22] =	ssyncset.done $0x0  }
0x6e: {  	s4 =	sadd.s32 $0x2A00, s12;
	[sflag:s22] =	ssyncadd.s32 $0xFFFFE0C0  }
0x6f: {  	[spmem:s3] =	stream.indirect.scatter.add.f32 [tilespmem:s25], [sflag:$0xD], $0x40, s4, s16, $0xb8;
	[tilespmem:$0x1EA00] =	vst v63  }
0x70: {  	_ =	swait.ge [sflag:s24], $0x1F40  }
0x71: {  	[sflag:s24] =	ssyncset.done $0x0  }
0x72: {  	s4 =	sadd.s32 $0x2A80, s12;
	[sflag:s24] =	ssyncadd.s32 $0xFFFFE0C0  }
0x73: {  	[spmem:s3] =	stream.indirect.scatter.add.f32 [tilespmem:s28], [sflag:$0xE], $0x40, s4, s16, $0xb8;
	[tilespmem:$0x1EA00] =	vst v63  }
0x74: {  	_ =	swait.ge [sflag:s26], $0x1F40  }
0x75: {  	[sflag:s26] =	ssyncset.done $0x0  }
0x76: {  	s4 =	sadd.s32 $0x2B00, s12;
	[sflag:s26] =	ssyncadd.s32 $0xFFFFE0C0  }
0x77: {  	[spmem:s3] =	stream.indirect.scatter.add.f32 [tilespmem:s30], [sflag:$0xF], $0x40, s4, s16, $0xb8;
	[tilespmem:$0x1EA00] =	vst v63  }
0x78: {  	_ =	swait.ge [sflag:s29], $0x1F40  }
0x79: {  	p0 =	seq.s32 s15, $0x9000;
	[sflag:s29] =	ssyncset.done $0x0  }
.Ltmp2:
0x7a: {  	s4 =	sadd.s32 $0x2B80, s12;
	[sflag:s29] =	ssyncadd.s32 $0xFFFFE0C0;
	(pc) =	sbr.rel @p0 .LBB2_4-.Ltmp2, $4  }
0x7b: {  	[spmem:s3] =	stream.indirect.scatter.add.f32 [tilespmem:s2], [sflag:$0x10], $0x40, s4, s16, $0xb8;
	[tilespmem:$0x1EA00] =	vst v63  }
0x7c: {  	_ =	swait.ge [sflag:s31], $0x1F40  }
0x7d: {  	[sflag:s31] =	ssyncset.done $0x0  }
0x7e: {  	[sflag:s31] =	ssyncadd.s32 $0xFFFFE0C0  }
0x7f: {  	s13 =	sadd.s32 $0x400, s12  }
0x80: {  	[tilespmem:s17], [sflag:$0x1] =	stream.indirect.gather [hbm4b:s1+s16], $0x40, s13, s16, $0xb8;
	[tilespmem:$0x1EA00] =	vst v63  }
0x81: {  	_ =	swait.ge [sflag:s5], $0x1F40  }
0x82: {  	[sflag:s5] =	ssyncset.done $0x0  }
0x83: {  	s4 =	sadd.s32 $0x480, s12;
	[sflag:s5] =	ssyncadd.s32 $0xFFFFE0C0  }
0x84: {  	[tilespmem:s19], [sflag:$0x2] =	stream.indirect.gather [hbm4b:s1+s16], $0x40, s4, s16, $0xb8;
	[tilespmem:$0x1EA00] =	vst v63  }
0x85: {  	_ =	swait.ge [sflag:s7], $0x1F40  }
0x86: {  	[sflag:s7] =	ssyncset.done $0x0  }
0x87: {  	s4 =	sadd.s32 $0x500, s12;
	[sflag:s7] =	ssyncadd.s32 $0xFFFFE0C0  }
0x88: {  	[tilespmem:s21], [sflag:$0x3] =	stream.indirect.gather [hbm4b:s1+s16], $0x40, s4, s16, $0xb8;
	[tilespmem:$0x1EA00] =	vst v63  }
0x89: {  	_ =	swait.ge [sflag:s8], $0x1F40  }
0x8a: {  	[sflag:s8] =	ssyncset.done $0x0  }
0x8b: {  	s4 =	sadd.s32 $0x580, s12;
	[sflag:s8] =	ssyncadd.s32 $0xFFFFE0C0  }
0x8c: {  	[tilespmem:s23], [sflag:$0x4] =	stream.indirect.gather [hbm4b:s1+s16], $0x40, s4, s16, $0xb8;
	[tilespmem:$0x1EA00] =	vst v63  }
0x8d: {  	_ =	swait.ge [sflag:s9], $0x1F40  }
0x8e: {  	[sflag:s9] =	ssyncset.done $0x0  }
0x8f: {  	s4 =	sadd.s32 $0x600, s12;
	[sflag:s9] =	ssyncadd.s32 $0xFFFFE0C0  }
0x90: {  	[tilespmem:s25], [sflag:$0x5] =	stream.indirect.gather [hbm4b:s1+s16], $0x40, s4, s16, $0xb8;
	[tilespmem:$0x1EA00] =	vst v63  }
0x91: {  	_ =	swait.ge [sflag:s10], $0x1F40  }
0x92: {  	[sflag:s10] =	ssyncset.done $0x0  }
0x93: {  	s4 =	sadd.s32 $0x680, s12;
	[sflag:s10] =	ssyncadd.s32 $0xFFFFE0C0  }
0x94: {  	[tilespmem:s28], [sflag:$0x6] =	stream.indirect.gather [hbm4b:s1+s16], $0x40, s4, s16, $0xb8;
	[tilespmem:$0x1EA00] =	vst v63  }
0x95: {  	_ =	swait.ge [sflag:s11], $0x1F40  }
0x96: {  	[sflag:s11] =	ssyncset.done $0x0  }
0x97: {  	s4 =	sadd.s32 $0x700, s12;
	[sflag:s11] =	ssyncadd.s32 $0xFFFFE0C0  }
0x98: {  	[tilespmem:s30], [sflag:$0x7] =	stream.indirect.gather [hbm4b:s1+s16], $0x40, s4, s16, $0xb8;
	[tilespmem:$0x1EA00] =	vst v63  }
.Ltmp3:
0x99: {  	_ = 	snop;
	(pc) =	sbr.rel .LBB2_2-.Ltmp3, $4  }
0x9a: {  	_ =	swait.ge [sflag:s6], $0x1F40  }
0x9b: {  	[sflag:s6] =	ssyncset.done $0x0  }
0x9c: {  	s15 =	sadd.s32 $0x1000, s15;
	s13 =	sadd.s32 $0x780, s12;
	[sflag:s6] =	ssyncadd.s32 $0xFFFFE0C0  }
0x9d: {  	[tilespmem:s2], [sflag:$0x8] =	stream.indirect.gather [hbm4b:s1+s16], $0x40, s13, s16, $0xb8;
	[tilespmem:$0x1EA00] =	vst v63  }
.LBB2_5:
0x9e: {  	_ =	sfence.sel $0x180000  }
0x9f: {  	[bflag:$0x0] =	sbarrier.arrive $0xFFFF  }
0xa0: {  	_ =	strace $0x9000004A  }
0xa1: {  	s0 =	stileid.u32;
	[bflag:$0x2] =	sbarrier.arrive $0xFFFF  }
0xa2: {  	p0 =	sne.s32 s0, $0x0;
	s0 =	rddreg [dreg:$0x3]  }
0xa3: {  	s0 =	sadd.s32 @!p0 $0x100000, s0  }
0xa4: {  	[sflag:s0] =	ssyncadd.tile.s32 @!p0 $0x1;
	_ =	shalt  }
.Lfunc_end2:
_tile_overlayer_lowered:
.L_overlay_start_2:
0xa5: {  	(tag) =	ssettag $0x2  }
0xa6: {  	s0 =	rddreg [dreg:$0x0];
	s2 =	stileid.u32  }
0xa7: {  	s1 =	rddreg [dreg:$0x1];
	p0 =	sne.s32 s2, $0x0  }
0xa8: {  	s3 =	rddreg [dreg:$0x2];
	[bflag:$0x3] =	sbarrier.arrive $0xFFFF;
	s2 =	simm.s32 @!p0 $0x1C12  }
0xa9: {  	[timem:s3], [sflag:s2] =	dma.local @!p0 [hbm:s0], s1  }
0xaa: {  	s0 =	simm.s32 @!p0 $0x12  }
0xab: {  	_ =	swait.ge @!p0 [sflag:s0], s1  }
0xac: {  	s1 =	ssub.s32 @!p0 $0x0, s1;
	[sflag:s0] =	ssyncset.done @!p0 $0x0  }
0xad: {  	[sflag:s0] =	ssyncadd.s32 @!p0 s1  }
0xae: {  	[bflag:$0x3] =	sbarrier.arrive $0xFFFF  }
0xaf: {  	_ =	shalt  }

// kernel: kernel.15.cloned.1.call-start
scs
__scs_entry_jumppad:
0x0: {  	(pc) =	sbr.rel $0x88, $3  }
0x1: {  	(tag) =	ssettag $0x0;
	lr =	simm.s32 $0x1  }
0x2: {  	[smem:$0x3F97] =	sst lr;
	_ =	strace $0xD0000000  }
0x3: {  	_ = 	snop  }
0x4: {  	_ = 	snop  }
0x5: {  	_ = 	snop  }
0x6: {  	_ = 	snop  }
0x7: {  	_ = 	snop  }
__scs_overlays_trampoline_lowered:
0x8: {  	[smem:$0x3FA6] =	sst s0  }
0x9: {  	[smem:$0x3FA7] =	sst s1  }
0xa: {  	[smem:$0x3FA8] =	sst s2  }
0xb: {  	[smem:$0x3FA9] =	sst s3  }
0xc: {  	[smem:$0x3FAA] =	sst s4  }
0xd: {  	[smem:$0x3FAB] =	sst s5  }
0xe: {  	[smem:$0x3FAC] =	sst s6  }
0xf: {  	[smem:$0x3FAD] =	sst s7  }
0x10: {  	[smem:$0x3FAE] =	sst s8  }
0x11: {  	[smem:$0x3FAF] =	sst s9;
	s0 =	simm.s32 @!p0 $0x0  }
0x12: {  	s1 =	sld [smem:$0x3F95];
	s0 =	simm.s32 @p0 $0x1  }
0x13: {  	[smem:$0x3FB0] =	sst s0;
	s0 =	simm.s32 @!p1 $0x0  }
0x14: {  	s2 =	sld [smem:$0x3F94];
	s0 =	simm.s32 @p1 $0x1  }
0x15: {  	[smem:$0x3FB1] =	sst s0;
	s0 =	simm.s32 @!p2 $0x0  }
0x16: {  	s3 =	sld [smem:$0x3FDB];
	s0 =	simm.s32 @p2 $0x1  }
0x17: {  	s4 =	simm.s32 $0x1BF5;
	[smem:$0x3FB3] =	sst s0  }
0x18: {  	s0 =	sld [smem:$0x3F96];
	_ =	swait.ge [sflag:s4], $0x0  }
0x19: {  	s7 =	sld [smem:$0x3F97]  }
0x1a: {  	s8 =	sadd.s32 $0xFFFFE003, lr  }
0x1b: {  	s9 =	sadd.s32 $0xFFFFFEF7, lr;
	s5 =	simm.s32 $0xFFFFFFFF;
	p2 =	slt.u32 s8, $0xFFFFF086  }
0x1c: {  	p1 =	slt.u32 s9, $0xF7A;
	s5 =	simm.s32 @!p2 $0x0  }
0x1d: {  	s5 =	simm.s32 @p1 $0x1;
	p0 =	seq.s32 s7, s2  }
0x1e: {  	s7 =	smul.u32 @!p0 $0xF7A, s2;
	p2 =	seq.s32 @!p0 s5, $0x0  }
0x1f: {  	s9 =	smul.u32 $0xF7A, s1;
	s8 =	simm.s32 @!p0 $0x1BF5;
	p2 =	por !p2, p0  }
0x20: {  	[sflag:s8] =	ssyncset.s32 @!p0 $0xFFFFF086;
	s6 =	sadd.s32 @!p0 s3, s7;
	s7 =	simm.s32 @!p0 $0x108  }
0x21: {  	s3 =	sadd.s32 s3, s9;
	s6 =	sadd.s32 @!p0 $0x88, s6;
	s7 =	simm.s32 @p2 $0x1082  }
0x22: {  	[simem:s7], [sflag:s8] =	dma.local @!p0 [hbm:s6], $0xF7A  }
0x23: {  	s9 =	sor.u32 $0xD0000000, s2;
	s6 =	simm.s32 $0x108;
	_ =	swait.ge @!p0 [sflag:s8], $0x0  }
0x24: {  	s3 =	sadd.s32 $0x88, s3;
	s6 =	simm.s32 @!p1 $0x1082;
	[sflag:s4] =	ssyncset.s32 $0xFFFFF086  }
0x25: {  	[simem:s6], [sflag:s4] =	dma.local [hbm:s3], $0xF7A  }
0x26: {  	[smem:$0x3F97] =	sst s1;
	(tag) =	ssettag s2;
	_ =	strace s9  }
0x27: {  	s1 =	sld [smem:$0x3FA7]  }
0x28: {  	s2 =	sld [smem:$0x3FA8]  }
0x29: {  	s4 =	sld [smem:$0x3FAA]  }
0x2a: {  	p0 =	seq.s32 s5, $0x0;
	s5 =	sld [smem:$0x3FAB]  }
0x2b: {  	s6 =	sld [smem:$0x3FAC]  }
0x2c: {  	s7 =	sld [smem:$0x3FAD]  }
0x2d: {  	s3 =	simm.s32 $0x108;
	s8 =	sld [smem:$0x3FAE]  }
0x2e: {  	s3 =	simm.s32 @!p0 $0x1082;
	s9 =	sld [smem:$0x3FAF]  }
0x2f: {  	lr =	sadd.s32 s0, s3;
	s0 =	sld [smem:$0x3FA6]  }
0x30: {  	s3 =	sld [smem:$0x3FA9]  }
0x31: {  	[smem:$0x3FB2] =	sst s10  }
0x32: {  	s10 =	sld [smem:$0x3FB0];
	_ =	sdelay $0x3  }
0x33: {  	p0 =	seq.s32 s10, $0x1;
	s10 =	sld [smem:$0x3FB2];
	_ =	sdelay $0x3  }
0x34: {  	[smem:$0x3FB2] =	sst s10  }
0x35: {  	s10 =	sld [smem:$0x3FB1];
	_ =	sdelay $0x3  }
0x36: {  	p1 =	seq.s32 s10, $0x1;
	s10 =	sld [smem:$0x3FB2];
	_ =	sdelay $0x3  }
0x37: {  	[smem:$0x3FB2] =	sst s10  }
0x38: {  	s10 =	sld [smem:$0x3FB3]  }
0x39: {  	_ = 	snop;
	(pc) =	sbr.ind lr, $3  }
0x3a: {  	_ = 	snop  }
0x3b: {  	_ = 	snop  }
0x3c: {  	p2 =	seq.s32 s10, $0x1;
	s10 =	sld [smem:$0x3FB2]  }
0x3d: {  	_ =	shalt  }
0x3e: {  	_ =	shalt  }
0x3f: {  	_ =	shalt  }
0x40: {  	_ =	shalt  }
0x41: {  	_ =	shalt  }
0x42: {  	_ =	shalt  }
0x43: {  	_ =	shalt  }
0x44: {  	_ =	shalt  }
0x45: {  	_ =	shalt  }
0x46: {  	_ =	shalt  }
0x47: {  	_ =	shalt  }
0x48: {  	_ =	shalt  }
0x49: {  	_ =	shalt  }
0x4a: {  	_ =	shalt  }
0x4b: {  	_ =	shalt  }
0x4c: {  	_ =	shalt  }
0x4d: {  	_ =	shalt  }
0x4e: {  	_ =	shalt  }
0x4f: {  	_ =	shalt  }
0x50: {  	_ =	shalt  }
0x51: {  	_ =	shalt  }
0x52: {  	_ =	shalt  }
0x53: {  	_ =	shalt  }
0x54: {  	_ =	shalt  }
0x55: {  	_ =	shalt  }
0x56: {  	_ =	shalt  }
0x57: {  	_ =	shalt  }
0x58: {  	_ =	shalt  }
0x59: {  	_ =	shalt  }
0x5a: {  	_ =	shalt  }
0x5b: {  	_ =	shalt  }
0x5c: {  	_ =	shalt  }
0x5d: {  	_ =	shalt  }
0x5e: {  	_ =	shalt  }
0x5f: {  	_ =	shalt  }
0x60: {  	_ =	shalt  }
0x61: {  	_ =	shalt  }
0x62: {  	_ =	shalt  }
0x63: {  	_ =	shalt  }
0x64: {  	_ =	shalt  }
0x65: {  	_ =	shalt  }
0x66: {  	_ =	shalt  }
0x67: {  	_ =	shalt  }
0x68: {  	_ =	shalt  }
0x69: {  	_ =	shalt  }
0x6a: {  	_ =	shalt  }
0x6b: {  	_ =	shalt  }
0x6c: {  	_ =	shalt  }
0x6d: {  	_ =	shalt  }
0x6e: {  	_ =	shalt  }
0x6f: {  	_ =	shalt  }
0x70: {  	_ =	shalt  }
0x71: {  	_ =	shalt  }
0x72: {  	_ =	shalt  }
0x73: {  	_ =	shalt  }
0x74: {  	_ =	shalt  }
0x75: {  	_ =	shalt  }
0x76: {  	_ =	shalt  }
0x77: {  	_ =	shalt  }
0x78: {  	_ =	shalt  }
0x79: {  	_ =	shalt  }
0x7a: {  	_ =	shalt  }
0x7b: {  	_ =	shalt  }
0x7c: {  	_ =	shalt  }
0x7d: {  	_ =	shalt  }
0x7e: {  	_ =	shalt  }
0x7f: {  	_ =	shalt  }
0x80: {  	_ =	shalt  }
0x81: {  	_ =	shalt  }
0x82: {  	_ =	shalt  }
0x83: {  	_ =	shalt  }
0x84: {  	_ =	shalt  }
0x85: {  	_ =	shalt  }
0x86: {  	_ =	shalt  }
0x87: {  	_ =	shalt  }
.Lfunc_end0:
.L_simem_size_0:
called_computation.2_lowered:
.L_overlay_start_0:
0x88: {  	s2 =	sld [smem:$0x3FD9]  }
0x89: {  	s3 =	sld [smem:$0x3FFE];
	_ =	sdelay $0x1  }
0x8a: {  	s1 =	srdreg.scid  }
0x8b: {  	s0 =	sand.u32 $0x1, s1  }
0x8c: {  	s17 =	sshll.u32 s0, $0xA;
	s2 =	sadd.s32 s3, s2  }
0x8d: {  	s2 =	sadd.s32 s2, s17  }
0x8e: {  	[smem:$0x3FBE] =	sst s2  }
0x8f: {  	_ = 	snop  }
0x90: {  	s18 =	sld [smem:$0x3FD0];
	(tm) =	ssettm $0x1  }
0x91: {  	s19 =	sld [smem:$0x3FFB];
	_ =	sdelay $0x3  }
0x92: {  	_ =	strace s19  }
0x93: {  	s2 =	sld [smem:$0x3FFC];
	_ =	sdelay $0x3  }
0x94: {  	_ =	strace s2  }
0x95: {  	s2 =	sld [smem:$0x3FFD];
	_ =	sdelay $0x3  }
0x96: {  	_ =	strace s2  }
0x97: {  	_ =	strace $0x8FFFFFFF  }
0x98: {  	s20 =	sld [smem:$0x3FDB];
	_ =	sdelay $0x1  }
0x99: {  	s4 =	simm.s32 $_scs_section_size  }
0x9a: {  	s5 =	simm.s32 $_size__tile_overlayer_lowered;
	s6 =	simm.s32 $_tile_overlayer_lowered  }
0x9b: {  	s7 =	simm.s32 $0x1BFF;
	s21 =	sshll.u32 s6, $0x1;
	s4 =	sadd.s32 s4, s20  }
0x9c: {  	s22 =	simm.s32 $0x0;
	s5 =	sshll.u32 s5, $0x1;
	s6 =	sadd.s32 s21, s4  }
0x9d: {  	[timem:s22], [sflag:s7] =	dma.local [hbm:s6], s5  }
0x9e: {  	_ =	swait.ge [sflag:s7], s5  }
0x9f: {  	s5 =	ssub.s32 $0x0, s5;
	[sflag:s7] =	ssyncset.done $0x0  }
0xa0: {  	[sflag:s7] =	ssyncadd.s32 s5;
	_ =	sdelay $0x1  }
0xa1: {  	s23 =	simm.s32 $0x1B8B  }
0xa2: {  	_ =	swait.ge [sflag:s23], $0x1  }
0xa3: {  	[sflag:s23] =	ssyncset.done $0x0  }
0xa4: {  	[sflag:s23] =	ssyncadd.s32 $0xFFFFFFFF  }
0xa5: {  	s5 =	sld [smem:$0x0]  }
0xa6: {  	s6 =	sand.u32 $0xFFFFFFFE, s1  }
0xa7: {  	p0 =	sne.s32 s1, s6  }
0xa8: {  	s6 =	sshll.u32 @p0 s6, $0xE  }
0xa9: {  	s6 =	sadd.s32 @p0 $0x11B8D, s6;
	s7 =	sshll.u32 @p0 s5, $0x11  }
0xaa: {  	s6 =	sor.u32 @p0 s7, s6  }
0xab: {  	[sflag:s6] =	ssyncadd.remote.s32 @p0 $0x1;
	_ =	sdelay $0x1  }
0xac: {  	s6 =	simm.s32 @p0 $0x1B8D  }
0xad: {  	_ =	swait.eq @p0 [sflag:s6], $0x1  }
0xae: {  	[sflag:s6] =	ssyncadd.s32 @p0 $0xFFFFFFFF  }
0xaf: {  	s7 =	sshll.u32 @!p0 s1, $0xE  }
0xb0: {  	s7 =	sor.u32 @!p0 $0x4000, s7;
	s6 =	simm.s32 @!p0 $0x1B8D  }
0xb1: {  	s5 =	sshll.u32 @!p0 s5, $0x11;
	s7 =	sadd.s32 @!p0 $0x11B8D, s7;
	_ =	swait.eq @!p0 [sflag:s6], $0x1  }
0xb2: {  	s5 =	sor.u32 @!p0 s5, s7;
	[sflag:s6] =	ssyncadd.s32 @!p0 $0xFFFFFFFF  }
0xb3: {  	s25 =	simm.s32 $0x1B8E;
	s24 =	sld [smem:$0x3FFE];
	[sflag:s5] =	ssyncadd.remote.s32 @!p0 $0x1  }
0xb4: {  	s26 =	simm.s32 $execute0_lowered;
	[smem:$0x3FD2] =	sst s25  }
0xb5: {  	s6 =	sshll.u32 s26, $0x1;
	_ =	strace $0x8000004F;
	[dreg:$0x1] =	wrdreg $0xFFFFFFFF  }
0xb6: {  	s28 =	simm.s32 $_size_execute0_lowered;
	s4 =	sadd.s32 s4, s6;
	[dreg:$0x0] =	wrdreg $0x0  }
0xb7: {  	s6 =	sshll.u32 s28, $0x1;
	[dreg:$0x2] =	wrdreg s4  }
0xb8: {  	[dreg:$0x3] =	wrdreg s6  }
0xb9: {  	[dreg:$0x4] =	wrdreg $0xC0  }
0xba: {  	_ =	task [dreg:s22], $0x5FFFF  }
0xbb: {  	[dreg:$0x1] =	wrdreg $0xFFFFFFFF  }
0xbc: {  	[dreg:$0x0] =	wrdreg $0x60  }
0xbd: {  	[dreg:$0x2] =	wrdreg s18  }
0xbe: {  	[dreg:$0x3] =	wrdreg s24  }
0xbf: {  	[dreg:$0x4] =	wrdreg $0x14A000  }
0xc0: {  	[dreg:$0x5] =	wrdreg $0x9  }
0xc1: {  	_ =	task.clear_ibuf [dreg:s22], $0x6FFFF;
	_ =	strace $0x9000004F  }
0xc2: {  	s29 =	simm.s32 $0x9;
	_ =	strace $0x80000051  }
0xc3: {  	_ =	swait.ge [sflag:s29], $0x1  }
0xc4: {  	[sflag:s29] =	ssyncadd.s32 $0xFFFFFFFF  }
0xc5: {  	_ =	strace $0x90000051  }
0xc6: {  	_ =	sfence  }
0xc7: {  	s30 =	sld [smem:$0x0];
	_ =	sdelay $0x2  }
0xc8: {  	s31 =	sshll.u32 s1, $0xD;
	s1 =	sshrl.u32 s1, $0x2  }
0xc9: {  	s4 =	sand.u32 $0x4000, s31;
	s1 =	sadd.s32 s1, s30  }
0xca: {  	s0 =	sor.u32 s4, s0;
	s1 =	sshll.u32 s1, $0x11  }
0xcb: {  	s0 =	sor.u32 s1, s0  }
0xcc: {  	s0 =	sadd.s32 $0x8F2B, s0  }
0xcd: {  	[sflag:s0] =	ssyncadd.remote.s32 $0x1  }
0xce: {  	_ =	sfence.sel $0xFFFF  }
0xcf: {  	[dreg:$0x0] =	wrdreg $0xFFFFFFFF;
	(pc) =	sbr.abs _section_cstart, $3  }
0xd0: {  	[dreg:$0x1] =	wrdreg $0xFFFFFFFF  }
0xd1: {  	_ =	task.clear_ibuf [dreg:s22], $0x2FFFF;
	_ =	strace $0x9FFFFFFF  }
0xd2: {  	(tm) =	ssettm $0x7FFFFFFF  }
0xd3: {  	_ =	shalt  }
tec
execute0_lowered:
.L_overlay_start_1:
0x0: {  	(tag) =	ssettag $0x1  }
0x1: {  	s1 =	rddreg [dreg:$0x0]  }
0x2: {  	s0 =	srdreg.scid;
	s4 =	rddreg [dreg:$0x1]  }
0x3: {  	s9 =	stileid.u32;
	s3 =	rddreg [dreg:$0x2]  }
0x4: {  	s6 =	simm.s32 $0x0;
	s16 =	simm.s32 $0x7D;
	s17 =	simm.s32 $0x5000  }
0x5: {  	s19 =	simm.s32 $0x6F40;
	s28 =	simm.s32 $0xEC40;
	s30 =	simm.s32 $0x10B80  }
0x6: {  	s14 =	simm.s32 $0x2;
	s18 =	simm.s32 $0x3;
	s20 =	simm.s32 $0x4  }
0x7: {  	s29 =	simm.s32 $0x8;
	s31 =	simm.s32 $0x9;
	s10 =	simm.s32 $0xE  }
0x8: {  	s11 =	simm.s32 $0xF;
	s13 =	simm.s32 $0x0;
	s21 =	smul.u32 $0x14000, s9  }
0x9: {  	s0 =	sand.u32 $0x1, s0;
	[smem:$0x7FF] =	sst s6;
	s7 =	smul.u32 $0xA000, s9  }
0xa: {  	s24 =	sshll.u32 s9, $0x6;
	s2 =	sshll.u32 s0, $0x4;
	s5 =	smul.u32 $0x140000, s0  }
0xb: {  	_ =	strace $0x80000050;
	s0 =	ssub.s32 $0x2, s0;
	[dreg:$0x5] =	wrdreg s24  }
0xc: {  	s2 =	sor.u32 s9, s2;
	s22 =	sshrl.u32 s7, $0x3;
	s8 =	sshrl.u32 s0, $0x1  }
0xd: {  	s23 =	sadd.s32 s7, s3;
	s7 =	simm.s32 $0xB;
	s9 =	simm.s32 $0xD  }
0xe: {  	s2 =	smul.u32 $0x500, s2;
	s5 =	sadd.s32 s21, s5;
	s6 =	sadd.s32 s22, s4  }
0xf: {  	s0 =	ssub.s32 s0, s8;
	s15 =	sshrl.u32 s23, $0x3;
	s21 =	simm.s32 $0x8E80  }
0x10: {  	s23 =	simm.s32 $0xADC0;
	s22 =	simm.s32 $0x5;
	s8 =	simm.s32 $0xC  }
0x11: {  	s5 =	sshrl.u32 s5, $0x3;
	s6 =	sadd.s32 $0x1A200, s6;
	[dreg:$0xb] =	wrdreg s15  }
0x12: {  	s0 =	smax.u32 s0, $0x1;
	s2 =	sadd.s32 s2, s4;
	[dreg:$0x4] =	wrdreg s6  }
0x13: {  	s4 =	sadd.s32 s5, s4;
	s6 =	sor.u32 $0x1C11, s24;
	[dreg:$0xa] =	wrdreg s0  }
.Ltmp0:
0x14: {  	[dreg:$0x6] =	wrdreg s6;
	s25 =	sadd.s32 $0x10200, s2;
	(pc) =	sbr.rel .LBB2_1-.Ltmp0, $4  }
0x15: {  	s0 =	simm.s32 $0x1;
	s2 =	sadd.s32 $0x3800, s2;
	[dreg:$0x7] =	wrdreg s25  }
0x16: {  	s24 =	simm.s32 $0x6;
	s26 =	sadd.s32 $0x88200, s4;
	[dreg:$0x8] =	wrdreg s2  }
0x17: {  	s5 =	simm.s32 $0xA;
	s6 =	simm.s32 $0x10;
	[dreg:$0x9] =	wrdreg s26  }
0x18: {  	s25 =	simm.s32 $0xCD00;
	s2 =	simm.s32 $0x12AC0;
	s26 =	simm.s32 $0x7  }
.LBB2_4:
0x19: {  	_ =	swait.ge [sflag:s5], $0x1F40  }
0x1a: {  	[sflag:s5] =	ssyncset.done $0x0  }
0x1b: {  	[sflag:s5] =	ssyncadd.s32 $0xFFFFE0C0  }
0x1c: {  	_ =	swait.ge [sflag:s7], $0x1F40  }
0x1d: {  	[sflag:s7] =	ssyncset.done $0x0  }
0x1e: {  	[sflag:s7] =	ssyncadd.s32 $0xFFFFE0C0  }
0x1f: {  	_ =	swait.ge [sflag:s8], $0x1F40  }
0x20: {  	[sflag:s8] =	ssyncset.done $0x0  }
0x21: {  	[sflag:s8] =	ssyncadd.s32 $0xFFFFE0C0  }
0x22: {  	_ =	swait.ge [sflag:s9], $0x1F40  }
0x23: {  	[sflag:s9] =	ssyncset.done $0x0  }
0x24: {  	[sflag:s9] =	ssyncadd.s32 $0xFFFFE0C0  }
0x25: {  	_ =	swait.ge [sflag:s10], $0x1F40  }
0x26: {  	[sflag:s10] =	ssyncset.done $0x0  }
0x27: {  	[sflag:s10] =	ssyncadd.s32 $0xFFFFE0C0  }
0x28: {  	_ =	swait.ge [sflag:s11], $0x1F40  }
0x29: {  	[sflag:s11] =	ssyncset.done $0x0  }
0x2a: {  	[sflag:s11] =	ssyncadd.s32 $0xFFFFE0C0  }
0x2b: {  	_ =	swait.ge [sflag:s6], $0x1F40  }
0x2c: {  	[sflag:s6] =	ssyncset.done $0x0  }
0x2d: {  	[sflag:s6] =	ssyncadd.s32 $0xFFFFE0C0  }
0x2e: {  	[bflag:$0x0] =	sbarrier.arrive $0xFFFF  }
0x2f: {  	s12 =	rddreg [dreg:$0x5]  }
0x30: {  	s13 =	rddreg [dreg:$0x9]  }
0x31: {  	s4 =	simm.s32 $0x12;
	s15 =	rddreg [dreg:$0xb];
	s12 =	sor.u32 $0x1C12, s12  }
0x32: {  	[hbm:s13@s6], [sflag:s12] =	dma.strided [spmem:s15@s29], $0x1400, s0, $0x8   }
0x33: {  	_ =	swait.ge [sflag:s4], $0x1400  }
0x34: {  	s12 =	rddreg [dreg:$0xc]  }
0x35: {  	[sflag:s4] =	ssyncset.done $0x0;
	s4 =	rddreg [dreg:$0xa];
	s13 =	sadd.s32 $0x1, s12  }
0x36: {  	p0 =	sne.s32 s13, s4  }
.Ltmp1:
0x37: {  	_ = 	snop;
	(pc) =	sbr.rel @!p0 .LBB2_5-.Ltmp1, $3  }
0x38: {  	_ =	sdelay $0x1  }
0x39: {  	s12 =	simm.s32 $0x12  }
0x3a: {  	[sflag:s12] =	ssyncadd.s32 $0xFFFFEC00  }
.LBB2_1:
0x3b: {  	[dreg:$0xc] =	wrdreg s13  }
0x3c: {  	s12 =	rddreg [dreg:$0x4]  }
0x3d: {  	s13 =	rddreg [dreg:$0x6]  }
0x3e: {  	[spmem:s15], [sflag:s13] =	dma.local [hbm:s12], $0x1400  }
0x3f: {  	s4 =	simm.s32 $0x12;
	s12 =	simm.s32 $0x0;
	s13 =	rddreg [dreg:$0x7]  }
0x40: {  	[tilespmem:s12], [sflag:$0x12] =	stream.linear.gather [hbm4b:s13+s12], $0x2800, $0x38;
	[tilespmem:$0x1EA00] =	vst v63  }
0x41: {  	_ =	swait.ge [sflag:s4], $0x2800  }
0x42: {  	[sflag:s4] =	ssyncset.done $0x0  }
0x43: {  	s15 =	simm.s32 $0x2800;
	s13 =	rddreg [dreg:$0x8];
	[sflag:s4] =	ssyncadd.s32 $0xFFFFD800  }
0x44: {  	[tilespmem:s15], [sflag:$0x12] =	stream.linear.gather [hbm4b:s13+s12], $0x2800, $0x38;
	[tilespmem:$0x1EA00] =	vst v63  }
0x45: {  	_ =	swait.ge [sflag:s4], $0x2800  }
0x46: {  	[sflag:s4] =	ssyncset.done $0x0  }
0x47: {  	s13 =	simm.s32 $0x11;
	[sflag:s4] =	ssyncadd.s32 $0xFFFFD800  }
0x48: {  	_ =	swait.ge [sflag:s13], $0x1400  }
0x49: {  	[sflag:s13] =	ssyncset.done $0x0  }
0x4a: {  	[sflag:s13] =	ssyncadd.s32 $0xFFFFEC00  }
0x4b: {  	[bflag:$0x0] =	sbarrier.arrive $0xFFFF  }
0x4c: {  	[tilespmem:s17], [sflag:$0x1] =	stream.indirect.gather [hbm4b:s1+s16], $0x40, s12, s16, $0xb8;
	[tilespmem:$0x1EA00] =	vst v63  }
0x4d: {  	s15 =	simm.s32 $0x80  }
0x4e: {  	[tilespmem:s19], [sflag:$0x2] =	stream.indirect.gather [hbm4b:s1+s16], $0x40, s15, s16, $0xb8;
	[tilespmem:$0x1EA00] =	vst v63  }
0x4f: {  	s12 =	simm.s32 $0x100  }
0x50: {  	[tilespmem:s21], [sflag:$0x3] =	stream.indirect.gather [hbm4b:s1+s16], $0x40, s12, s16, $0xb8;
	[tilespmem:$0x1EA00] =	vst v63  }
0x51: {  	s13 =	simm.s32 $0x180  }
0x52: {  	[tilespmem:s23], [sflag:$0x4] =	stream.indirect.gather [hbm4b:s1+s16], $0x40, s13, s16, $0xb8;
	[tilespmem:$0x1EA00] =	vst v63  }
0x53: {  	s15 =	simm.s32 $0x200  }
0x54: {  	[tilespmem:s25], [sflag:$0x5] =	stream.indirect.gather [hbm4b:s1+s16], $0x40, s15, s16, $0xb8;
	[tilespmem:$0x1EA00] =	vst v63  }
0x55: {  	s12 =	simm.s32 $0x280  }
0x56: {  	[tilespmem:s28], [sflag:$0x6] =	stream.indirect.gather [hbm4b:s1+s16], $0x40, s12, s16, $0xb8;
	[tilespmem:$0x1EA00] =	vst v63  }
0x57: {  	s13 =	simm.s32 $0x300  }
0x58: {  	[tilespmem:s30], [sflag:$0x7] =	stream.indirect.gather [hbm4b:s1+s16], $0x40, s13, s16, $0xb8;
	[tilespmem:$0x1EA00] =	vst v63  }
0x59: {  	s15 =	simm.s32 $0x380  }
0x5a: {  	[tilespmem:s2], [sflag:$0x8] =	stream.indirect.gather [hbm4b:s1+s16], $0x40, s15, s16, $0xb8;
	[tilespmem:$0x1EA00] =	vst v63  }
0x5b: {  	s15 =	simm.s32 $0x0  }
.LBB2_2:
0x5c: {  	_ =	swait.ge [sflag:s0], $0x1F40  }
0x5d: {  	s12 =	sshra.s32 s15, $0x2;
	[sflag:s0] =	ssyncset.done $0x0  }
0x5e: {  	s13 =	sadd.s32 $0x2800, s12;
	[sflag:s0] =	ssyncadd.s32 $0xFFFFE0C0  }
0x5f: {  	[spmem:s3] =	stream.indirect.scatter.add.f32 [tilespmem:s17], [sflag:$0x9], $0x40, s13, s16, $0xb8;
	[tilespmem:$0x1EA00] =	vst v63  }
0x60: {  	_ =	swait.ge [sflag:s14], $0x1F40  }
0x61: {  	[sflag:s14] =	ssyncset.done $0x0  }
0x62: {  	s4 =	sadd.s32 $0x2880, s12;
	[sflag:s14] =	ssyncadd.s32 $0xFFFFE0C0  }
0x63: {  	[spmem:s3] =	stream.indirect.scatter.add.f32 [tilespmem:s19], [sflag:$0xA], $0x40, s4, s16, $0xb8;
	[tilespmem:$0x1EA00] =	vst v63  }
0x64: {  	_ =	swait.ge [sflag:s18], $0x1F40  }
0x65: {  	[sflag:s18] =	ssyncset.done $0x0  }
0x66: {  	s4 =	sadd.s32 $0x2900, s12;
	[sflag:s18] =	ssyncadd.s32 $0xFFFFE0C0  }
0x67: {  	[spmem:s3] =	stream.indirect.scatter.add.f32 [tilespmem:s21], [sflag:$0xB], $0x40, s4, s16, $0xb8;
	[tilespmem:$0x1EA00] =	vst v63  }
0x68: {  	_ =	swait.ge [sflag:s20], $0x1F40  }
0x69: {  	[sflag:s20] =	ssyncset.done $0x0  }
0x6a: {  	s4 =	sadd.s32 $0x2980, s12;
	[sflag:s20] =	ssyncadd.s32 $0xFFFFE0C0  }
0x6b: {  	[spmem:s3] =	stream.indirect.scatter.add.f32 [tilespmem:s23], [sflag:$0xC], $0x40, s4, s16, $0xb8;
	[tilespmem:$0x1EA00] =	vst v63  }
0x6c: {  	_ =	swait.ge [sflag:s22], $0x1F40  }
0x6d: {  	[sflag:s22] =	ssyncset.done $0x0  }
0x6e: {  	s4 =	sadd.s32 $0x2A00, s12;
	[sflag:s22] =	ssyncadd.s32 $0xFFFFE0C0  }
0x6f: {  	[spmem:s3] =	stream.indirect.scatter.add.f32 [tilespmem:s25], [sflag:$0xD], $0x40, s4, s16, $0xb8;
	[tilespmem:$0x1EA00] =	vst v63  }
0x70: {  	_ =	swait.ge [sflag:s24], $0x1F40  }
0x71: {  	[sflag:s24] =	ssyncset.done $0x0  }
0x72: {  	s4 =	sadd.s32 $0x2A80, s12;
	[sflag:s24] =	ssyncadd.s32 $0xFFFFE0C0  }
0x73: {  	[spmem:s3] =	stream.indirect.scatter.add.f32 [tilespmem:s28], [sflag:$0xE], $0x40, s4, s16, $0xb8;
	[tilespmem:$0x1EA00] =	vst v63  }
0x74: {  	_ =	swait.ge [sflag:s26], $0x1F40  }
0x75: {  	[sflag:s26] =	ssyncset.done $0x0  }
0x76: {  	s4 =	sadd.s32 $0x2B00, s12;
	[sflag:s26] =	ssyncadd.s32 $0xFFFFE0C0  }
0x77: {  	[spmem:s3] =	stream.indirect.scatter.add.f32 [tilespmem:s30], [sflag:$0xF], $0x40, s4, s16, $0xb8;
	[tilespmem:$0x1EA00] =	vst v63  }
0x78: {  	_ =	swait.ge [sflag:s29], $0x1F40  }
0x79: {  	p0 =	seq.s32 s15, $0x9000;
	[sflag:s29] =	ssyncset.done $0x0  }
.Ltmp2:
0x7a: {  	s4 =	sadd.s32 $0x2B80, s12;
	[sflag:s29] =	ssyncadd.s32 $0xFFFFE0C0;
	(pc) =	sbr.rel @p0 .LBB2_4-.Ltmp2, $4  }
0x7b: {  	[spmem:s3] =	stream.indirect.scatter.add.f32 [tilespmem:s2], [sflag:$0x10], $0x40, s4, s16, $0xb8;
	[tilespmem:$0x1EA00] =	vst v63  }
0x7c: {  	_ =	swait.ge [sflag:s31], $0x1F40  }
0x7d: {  	[sflag:s31] =	ssyncset.done $0x0  }
0x7e: {  	[sflag:s31] =	ssyncadd.s32 $0xFFFFE0C0  }
0x7f: {  	s13 =	sadd.s32 $0x400, s12  }
0x80: {  	[tilespmem:s17], [sflag:$0x1] =	stream.indirect.gather [hbm4b:s1+s16], $0x40, s13, s16, $0xb8;
	[tilespmem:$0x1EA00] =	vst v63  }
0x81: {  	_ =	swait.ge [sflag:s5], $0x1F40  }
0x82: {  	[sflag:s5] =	ssyncset.done $0x0  }
0x83: {  	s4 =	sadd.s32 $0x480, s12;
	[sflag:s5] =	ssyncadd.s32 $0xFFFFE0C0  }
0x84: {  	[tilespmem:s19], [sflag:$0x2] =	stream.indirect.gather [hbm4b:s1+s16], $0x40, s4, s16, $0xb8;
	[tilespmem:$0x1EA00] =	vst v63  }
0x85: {  	_ =	swait.ge [sflag:s7], $0x1F40  }
0x86: {  	[sflag:s7] =	ssyncset.done $0x0  }
0x87: {  	s4 =	sadd.s32 $0x500, s12;
	[sflag:s7] =	ssyncadd.s32 $0xFFFFE0C0  }
0x88: {  	[tilespmem:s21], [sflag:$0x3] =	stream.indirect.gather [hbm4b:s1+s16], $0x40, s4, s16, $0xb8;
	[tilespmem:$0x1EA00] =	vst v63  }
0x89: {  	_ =	swait.ge [sflag:s8], $0x1F40  }
0x8a: {  	[sflag:s8] =	ssyncset.done $0x0  }
0x8b: {  	s4 =	sadd.s32 $0x580, s12;
	[sflag:s8] =	ssyncadd.s32 $0xFFFFE0C0  }
0x8c: {  	[tilespmem:s23], [sflag:$0x4] =	stream.indirect.gather [hbm4b:s1+s16], $0x40, s4, s16, $0xb8;
	[tilespmem:$0x1EA00] =	vst v63  }
0x8d: {  	_ =	swait.ge [sflag:s9], $0x1F40  }
0x8e: {  	[sflag:s9] =	ssyncset.done $0x0  }
0x8f: {  	s4 =	sadd.s32 $0x600, s12;
	[sflag:s9] =	ssyncadd.s32 $0xFFFFE0C0  }
0x90: {  	[tilespmem:s25], [sflag:$0x5] =	stream.indirect.gather [hbm4b:s1+s16], $0x40, s4, s16, $0xb8;
	[tilespmem:$0x1EA00] =	vst v63  }
0x91: {  	_ =	swait.ge [sflag:s10], $0x1F40  }
0x92: {  	[sflag:s10] =	ssyncset.done $0x0  }
0x93: {  	s4 =	sadd.s32 $0x680, s12;
	[sflag:s10] =	ssyncadd.s32 $0xFFFFE0C0  }
0x94: {  	[tilespmem:s28], [sflag:$0x6] =	stream.indirect.gather [hbm4b:s1+s16], $0x40, s4, s16, $0xb8;
	[tilespmem:$0x1EA00] =	vst v63  }
0x95: {  	_ =	swait.ge [sflag:s11], $0x1F40  }
0x96: {  	[sflag:s11] =	ssyncset.done $0x0  }
0x97: {  	s4 =	sadd.s32 $0x700, s12;
	[sflag:s11] =	ssyncadd.s32 $0xFFFFE0C0  }
0x98: {  	[tilespmem:s30], [sflag:$0x7] =	stream.indirect.gather [hbm4b:s1+s16], $0x40, s4, s16, $0xb8;
	[tilespmem:$0x1EA00] =	vst v63  }
.Ltmp3:
0x99: {  	_ = 	snop;
	(pc) =	sbr.rel .LBB2_2-.Ltmp3, $4  }
0x9a: {  	_ =	swait.ge [sflag:s6], $0x1F40  }
0x9b: {  	[sflag:s6] =	ssyncset.done $0x0  }
0x9c: {  	s15 =	sadd.s32 $0x1000, s15;
	s13 =	sadd.s32 $0x780, s12;
	[sflag:s6] =	ssyncadd.s32 $0xFFFFE0C0  }
0x9d: {  	[tilespmem:s2], [sflag:$0x8] =	stream.indirect.gather [hbm4b:s1+s16], $0x40, s13, s16, $0xb8;
	[tilespmem:$0x1EA00] =	vst v63  }
.LBB2_5:
0x9e: {  	_ =	sfence.sel $0x180000  }
0x9f: {  	[bflag:$0x0] =	sbarrier.arrive $0xFFFF  }
0xa0: {  	_ =	strace $0x90000050  }
0xa1: {  	s0 =	stileid.u32;
	[bflag:$0x2] =	sbarrier.arrive $0xFFFF  }
0xa2: {  	p0 =	sne.s32 s0, $0x0;
	s0 =	rddreg [dreg:$0x3]  }
0xa3: {  	s0 =	sadd.s32 @!p0 $0x100000, s0  }
0xa4: {  	[sflag:s0] =	ssyncadd.tile.s32 @!p0 $0x1;
	_ =	shalt  }
.Lfunc_end2:
_tile_overlayer_lowered:
.L_overlay_start_2:
0xa5: {  	(tag) =	ssettag $0x2  }
0xa6: {  	s0 =	rddreg [dreg:$0x0];
	s2 =	stileid.u32  }
0xa7: {  	s1 =	rddreg [dreg:$0x1];
	p0 =	sne.s32 s2, $0x0  }
0xa8: {  	s3 =	rddreg [dreg:$0x2];
	[bflag:$0x3] =	sbarrier.arrive $0xFFFF;
	s2 =	simm.s32 @!p0 $0x1C12  }
0xa9: {  	[timem:s3], [sflag:s2] =	dma.local @!p0 [hbm:s0], s1  }
0xaa: {  	s0 =	simm.s32 @!p0 $0x12  }
0xab: {  	_ =	swait.ge @!p0 [sflag:s0], s1  }
0xac: {  	s1 =	ssub.s32 @!p0 $0x0, s1;
	[sflag:s0] =	ssyncset.done @!p0 $0x0  }
0xad: {  	[sflag:s0] =	ssyncadd.s32 @!p0 s1  }
0xae: {  	[bflag:$0x3] =	sbarrier.arrive $0xFFFF  }
0xaf: {  	_ =	shalt  }

// kernel: kernel.18.cloned.1.call-start
scs
__scs_entry_jumppad:
0x0: {  	(pc) =	sbr.rel $0x88, $3  }
0x1: {  	(tag) =	ssettag $0x0;
	lr =	simm.s32 $0x1  }
0x2: {  	[smem:$0x3F97] =	sst lr;
	_ =	strace $0xD0000000  }
0x3: {  	_ = 	snop  }
0x4: {  	_ = 	snop  }
0x5: {  	_ = 	snop  }
0x6: {  	_ = 	snop  }
0x7: {  	_ = 	snop  }
__scs_overlays_trampoline_lowered:
0x8: {  	[smem:$0x3FA6] =	sst s0  }
0x9: {  	[smem:$0x3FA7] =	sst s1  }
0xa: {  	[smem:$0x3FA8] =	sst s2  }
0xb: {  	[smem:$0x3FA9] =	sst s3  }
0xc: {  	[smem:$0x3FAA] =	sst s4  }
0xd: {  	[smem:$0x3FAB] =	sst s5  }
0xe: {  	[smem:$0x3FAC] =	sst s6  }
0xf: {  	[smem:$0x3FAD] =	sst s7  }
0x10: {  	[smem:$0x3FAE] =	sst s8  }
0x11: {  	[smem:$0x3FAF] =	sst s9;
	s0 =	simm.s32 @!p0 $0x0  }
0x12: {  	s1 =	sld [smem:$0x3F95];
	s0 =	simm.s32 @p0 $0x1  }
0x13: {  	[smem:$0x3FB0] =	sst s0;
	s0 =	simm.s32 @!p1 $0x0  }
0x14: {  	s2 =	sld [smem:$0x3F94];
	s0 =	simm.s32 @p1 $0x1  }
0x15: {  	[smem:$0x3FB1] =	sst s0;
	s0 =	simm.s32 @!p2 $0x0  }
0x16: {  	s3 =	sld [smem:$0x3FDB];
	s0 =	simm.s32 @p2 $0x1  }
0x17: {  	s4 =	simm.s32 $0x1BF5;
	[smem:$0x3FB3] =	sst s0  }
0x18: {  	s0 =	sld [smem:$0x3F96];
	_ =	swait.ge [sflag:s4], $0x0  }
0x19: {  	s7 =	sld [smem:$0x3F97]  }
0x1a: {  	s8 =	sadd.s32 $0xFFFFE003, lr  }
0x1b: {  	s9 =	sadd.s32 $0xFFFFFEF7, lr;
	s5 =	simm.s32 $0xFFFFFFFF;
	p2 =	slt.u32 s8, $0xFFFFF086  }
0x1c: {  	p1 =	slt.u32 s9, $0xF7A;
	s5 =	simm.s32 @!p2 $0x0  }
0x1d: {  	s5 =	simm.s32 @p1 $0x1;
	p0 =	seq.s32 s7, s2  }
0x1e: {  	s7 =	smul.u32 @!p0 $0xF7A, s2;
	p2 =	seq.s32 @!p0 s5, $0x0  }
0x1f: {  	s9 =	smul.u32 $0xF7A, s1;
	s8 =	simm.s32 @!p0 $0x1BF5;
	p2 =	por !p2, p0  }
0x20: {  	[sflag:s8] =	ssyncset.s32 @!p0 $0xFFFFF086;
	s6 =	sadd.s32 @!p0 s3, s7;
	s7 =	simm.s32 @!p0 $0x108  }
0x21: {  	s3 =	sadd.s32 s3, s9;
	s6 =	sadd.s32 @!p0 $0x88, s6;
	s7 =	simm.s32 @p2 $0x1082  }
0x22: {  	[simem:s7], [sflag:s8] =	dma.local @!p0 [hbm:s6], $0xF7A  }
0x23: {  	s9 =	sor.u32 $0xD0000000, s2;
	s6 =	simm.s32 $0x108;
	_ =	swait.ge @!p0 [sflag:s8], $0x0  }
0x24: {  	s3 =	sadd.s32 $0x88, s3;
	s6 =	simm.s32 @!p1 $0x1082;
	[sflag:s4] =	ssyncset.s32 $0xFFFFF086  }
0x25: {  	[simem:s6], [sflag:s4] =	dma.local [hbm:s3], $0xF7A  }
0x26: {  	[smem:$0x3F97] =	sst s1;
	(tag) =	ssettag s2;
	_ =	strace s9  }
0x27: {  	s1 =	sld [smem:$0x3FA7]  }
0x28: {  	s2 =	sld [smem:$0x3FA8]  }
0x29: {  	s4 =	sld [smem:$0x3FAA]  }
0x2a: {  	p0 =	seq.s32 s5, $0x0;
	s5 =	sld [smem:$0x3FAB]  }
0x2b: {  	s6 =	sld [smem:$0x3FAC]  }
0x2c: {  	s7 =	sld [smem:$0x3FAD]  }
0x2d: {  	s3 =	simm.s32 $0x108;
	s8 =	sld [smem:$0x3FAE]  }
0x2e: {  	s3 =	simm.s32 @!p0 $0x1082;
	s9 =	sld [smem:$0x3FAF]  }
0x2f: {  	lr =	sadd.s32 s0, s3;
	s0 =	sld [smem:$0x3FA6]  }
0x30: {  	s3 =	sld [smem:$0x3FA9]  }
0x31: {  	[smem:$0x3FB2] =	sst s10  }
0x32: {  	s10 =	sld [smem:$0x3FB0];
	_ =	sdelay $0x3  }
0x33: {  	p0 =	seq.s32 s10, $0x1;
	s10 =	sld [smem:$0x3FB2];
	_ =	sdelay $0x3  }
0x34: {  	[smem:$0x3FB2] =	sst s10  }
0x35: {  	s10 =	sld [smem:$0x3FB1];
	_ =	sdelay $0x3  }
0x36: {  	p1 =	seq.s32 s10, $0x1;
	s10 =	sld [smem:$0x3FB2];
	_ =	sdelay $0x3  }
0x37: {  	[smem:$0x3FB2] =	sst s10  }
0x38: {  	s10 =	sld [smem:$0x3FB3]  }
0x39: {  	_ = 	snop;
	(pc) =	sbr.ind lr, $3  }
0x3a: {  	_ = 	snop  }
0x3b: {  	_ = 	snop  }
0x3c: {  	p2 =	seq.s32 s10, $0x1;
	s10 =	sld [smem:$0x3FB2]  }
0x3d: {  	_ =	shalt  }
0x3e: {  	_ =	shalt  }
0x3f: {  	_ =	shalt  }
0x40: {  	_ =	shalt  }
0x41: {  	_ =	shalt  }
0x42: {  	_ =	shalt  }
0x43: {  	_ =	shalt  }
0x44: {  	_ =	shalt  }
0x45: {  	_ =	shalt  }
0x46: {  	_ =	shalt  }
0x47: {  	_ =	shalt  }
0x48: {  	_ =	shalt  }
0x49: {  	_ =	shalt  }
0x4a: {  	_ =	shalt  }
0x4b: {  	_ =	shalt  }
0x4c: {  	_ =	shalt  }
0x4d: {  	_ =	shalt  }
0x4e: {  	_ =	shalt  }
0x4f: {  	_ =	shalt  }
0x50: {  	_ =	shalt  }
0x51: {  	_ =	shalt  }
0x52: {  	_ =	shalt  }
0x53: {  	_ =	shalt  }
0x54: {  	_ =	shalt  }
0x55: {  	_ =	shalt  }
0x56: {  	_ =	shalt  }
0x57: {  	_ =	shalt  }
0x58: {  	_ =	shalt  }
0x59: {  	_ =	shalt  }
0x5a: {  	_ =	shalt  }
0x5b: {  	_ =	shalt  }
0x5c: {  	_ =	shalt  }
0x5d: {  	_ =	shalt  }
0x5e: {  	_ =	shalt  }
0x5f: {  	_ =	shalt  }
0x60: {  	_ =	shalt  }
0x61: {  	_ =	shalt  }
0x62: {  	_ =	shalt  }
0x63: {  	_ =	shalt  }
0x64: {  	_ =	shalt  }
0x65: {  	_ =	shalt  }
0x66: {  	_ =	shalt  }
0x67: {  	_ =	shalt  }
0x68: {  	_ =	shalt  }
0x69: {  	_ =	shalt  }
0x6a: {  	_ =	shalt  }
0x6b: {  	_ =	shalt  }
0x6c: {  	_ =	shalt  }
0x6d: {  	_ =	shalt  }
0x6e: {  	_ =	shalt  }
0x6f: {  	_ =	shalt  }
0x70: {  	_ =	shalt  }
0x71: {  	_ =	shalt  }
0x72: {  	_ =	shalt  }
0x73: {  	_ =	shalt  }
0x74: {  	_ =	shalt  }
0x75: {  	_ =	shalt  }
0x76: {  	_ =	shalt  }
0x77: {  	_ =	shalt  }
0x78: {  	_ =	shalt  }
0x79: {  	_ =	shalt  }
0x7a: {  	_ =	shalt  }
0x7b: {  	_ =	shalt  }
0x7c: {  	_ =	shalt  }
0x7d: {  	_ =	shalt  }
0x7e: {  	_ =	shalt  }
0x7f: {  	_ =	shalt  }
0x80: {  	_ =	shalt  }
0x81: {  	_ =	shalt  }
0x82: {  	_ =	shalt  }
0x83: {  	_ =	shalt  }
0x84: {  	_ =	shalt  }
0x85: {  	_ =	shalt  }
0x86: {  	_ =	shalt  }
0x87: {  	_ =	shalt  }
.Lfunc_end0:
.L_simem_size_0:
called_computation.3_lowered:
.L_overlay_start_0:
0x88: {  	s2 =	sld [smem:$0x3FD9]  }
0x89: {  	s3 =	sld [smem:$0x3FFE];
	_ =	sdelay $0x1  }
0x8a: {  	s1 =	srdreg.scid  }
0x8b: {  	s0 =	sand.u32 $0x1, s1  }
0x8c: {  	s17 =	sshll.u32 s0, $0xA;
	s2 =	sadd.s32 s3, s2  }
0x8d: {  	s2 =	sadd.s32 s2, s17  }
0x8e: {  	[smem:$0x3FBE] =	sst s2  }
0x8f: {  	_ = 	snop  }
0x90: {  	s2 =	sld [smem:$0x3FD0];
	(tm) =	ssettm $0x1  }
0x91: {  	s18 =	sld [smem:$0x3FFB];
	_ =	sdelay $0x3  }
0x92: {  	_ =	strace s18  }
0x93: {  	s3 =	sld [smem:$0x3FFC];
	_ =	sdelay $0x3  }
0x94: {  	_ =	strace s3  }
0x95: {  	s3 =	sld [smem:$0x3FFD];
	_ =	sdelay $0x3  }
0x96: {  	_ =	strace s3  }
0x97: {  	_ =	strace $0x8FFFFFFF  }
0x98: {  	s19 =	sld [smem:$0x3FDB];
	_ =	sdelay $0x1  }
0x99: {  	s4 =	simm.s32 $_scs_section_size  }
0x9a: {  	s5 =	simm.s32 $_size__tile_overlayer_lowered;
	s6 =	simm.s32 $_tile_overlayer_lowered  }
0x9b: {  	s22 =	simm.s32 $0x1BFF;
	s21 =	sshll.u32 s6, $0x1;
	s3 =	sadd.s32 s4, s19  }
0x9c: {  	s7 =	simm.s32 $0x0;
	s20 =	sshll.u32 s5, $0x1;
	s5 =	sadd.s32 s21, s3  }
0x9d: {  	[timem:s7], [sflag:s22] =	dma.local [hbm:s5], s20  }
0x9e: {  	_ =	swait.ge [sflag:s22], s20  }
0x9f: {  	s4 =	ssub.s32 $0x0, s20;
	[sflag:s22] =	ssyncset.done $0x0  }
0xa0: {  	[sflag:s22] =	ssyncadd.s32 s4;
	_ =	sdelay $0x1  }
0xa1: {  	s23 =	simm.s32 $0x1B8B  }
0xa2: {  	_ =	swait.ge [sflag:s23], $0x1  }
0xa3: {  	[sflag:s23] =	ssyncset.done $0x0  }
0xa4: {  	s25 =	simm.s32 $0x1B8E;
	s24 =	sld [smem:$0x3FFE];
	[sflag:s23] =	ssyncadd.s32 $0xFFFFFFFF  }
0xa5: {  	s26 =	simm.s32 $execute0_lowered;
	[smem:$0x3FD2] =	sst s25  }
0xa6: {  	s5 =	sshll.u32 s26, $0x1;
	_ =	strace $0x8000004C;
	[dreg:$0x1] =	wrdreg $0xFFFFFFFF  }
0xa7: {  	s28 =	simm.s32 $_size_execute0_lowered;
	s3 =	sadd.s32 s3, s5;
	[dreg:$0x0] =	wrdreg $0x0  }
0xa8: {  	s5 =	sshll.u32 s28, $0x1;
	[dreg:$0x2] =	wrdreg s3  }
0xa9: {  	[dreg:$0x3] =	wrdreg s5  }
0xaa: {  	[dreg:$0x4] =	wrdreg $0xC0  }
0xab: {  	_ =	task [dreg:s7], $0x5FFFF  }
0xac: {  	[dreg:$0x1] =	wrdreg $0xFFFFFFFF  }
0xad: {  	[dreg:$0x0] =	wrdreg $0x60  }
0xae: {  	[dreg:$0x2] =	wrdreg s2  }
0xaf: {  	[dreg:$0x3] =	wrdreg s24  }
0xb0: {  	[dreg:$0x4] =	wrdreg $0x14A000  }
0xb1: {  	[dreg:$0x5] =	wrdreg $0xA  }
0xb2: {  	_ =	task.clear_ibuf [dreg:s7], $0x6FFFF;
	_ =	strace $0x9000004C  }
0xb3: {  	s29 =	simm.s32 $0xA;
	_ =	strace $0x8000004E  }
0xb4: {  	_ =	swait.ge [sflag:s29], $0x1  }
0xb5: {  	[sflag:s29] =	ssyncadd.s32 $0xFFFFFFFF  }
0xb6: {  	_ =	strace $0x9000004E  }
0xb7: {  	_ =	sfence  }
0xb8: {  	s30 =	sld [smem:$0x0];
	_ =	sdelay $0x2  }
0xb9: {  	s31 =	sshll.u32 s1, $0xD;
	s1 =	sshrl.u32 s1, $0x2  }
0xba: {  	s3 =	sand.u32 $0x4000, s31;
	s1 =	sadd.s32 s1, s30  }
0xbb: {  	s0 =	sor.u32 s3, s0;
	s1 =	sshll.u32 s1, $0x11  }
0xbc: {  	s0 =	sor.u32 s1, s0  }
0xbd: {  	s0 =	sadd.s32 $0x8F2B, s0  }
0xbe: {  	[sflag:s0] =	ssyncadd.remote.s32 $0x1  }
0xbf: {  	_ =	sfence.sel $0xFFFF  }
0xc0: {  	[dreg:$0x0] =	wrdreg $0xFFFFFFFF;
	(pc) =	sbr.abs _section_cstart, $3  }
0xc1: {  	[dreg:$0x1] =	wrdreg $0xFFFFFFFF  }
0xc2: {  	_ =	task.clear_ibuf [dreg:s7], $0x2FFFF;
	_ =	strace $0x9FFFFFFF  }
0xc3: {  	(tm) =	ssettm $0x7FFFFFFF  }
tec
execute0_lowered:
.L_overlay_start_1:
0x0: {  	(tag) =	ssettag $0x1  }
0x1: {  	s1 =	rddreg [dreg:$0x0]  }
0x2: {  	s0 =	srdreg.scid;
	s4 =	rddreg [dreg:$0x1]  }
0x3: {  	s9 =	stileid.u32;
	s3 =	rddreg [dreg:$0x2]  }
0x4: {  	s6 =	simm.s32 $0x0;
	s16 =	simm.s32 $0x7D;
	s17 =	simm.s32 $0x5000  }
0x5: {  	s19 =	simm.s32 $0x6F40;
	s28 =	simm.s32 $0xEC40;
	s30 =	simm.s32 $0x10B80  }
0x6: {  	s14 =	simm.s32 $0x2;
	s18 =	simm.s32 $0x3;
	s20 =	simm.s32 $0x4  }
0x7: {  	s29 =	simm.s32 $0x8;
	s31 =	simm.s32 $0x9;
	s10 =	simm.s32 $0xE  }
0x8: {  	s11 =	simm.s32 $0xF;
	s13 =	simm.s32 $0x0;
	s21 =	smul.u32 $0x14000, s9  }
0x9: {  	s0 =	sand.u32 $0x1, s0;
	[smem:$0x7FF] =	sst s6;
	s7 =	smul.u32 $0xA000, s9  }
0xa: {  	s24 =	sshll.u32 s9, $0x6;
	s2 =	sshll.u32 s0, $0x4;
	s5 =	smul.u32 $0x140000, s0  }
0xb: {  	_ =	strace $0x8000004D;
	s0 =	ssub.s32 $0x2, s0;
	[dreg:$0x5] =	wrdreg s24  }
0xc: {  	s2 =	sor.u32 s9, s2;
	s22 =	sshrl.u32 s7, $0x3;
	s8 =	sshrl.u32 s0, $0x1  }
0xd: {  	s23 =	sadd.s32 s7, s3;
	s7 =	simm.s32 $0xB;
	s9 =	simm.s32 $0xD  }
0xe: {  	s2 =	smul.u32 $0x500, s2;
	s5 =	sadd.s32 s21, s5;
	s6 =	sadd.s32 s22, s4  }
0xf: {  	s0 =	ssub.s32 s0, s8;
	s15 =	sshrl.u32 s23, $0x3;
	s21 =	simm.s32 $0x8E80  }
0x10: {  	s23 =	simm.s32 $0xADC0;
	s22 =	simm.s32 $0x5;
	s8 =	simm.s32 $0xC  }
0x11: {  	s5 =	sshrl.u32 s5, $0x3;
	s6 =	sadd.s32 $0x1A200, s6;
	[dreg:$0xb] =	wrdreg s15  }
0x12: {  	s0 =	smax.u32 s0, $0x1;
	s2 =	sadd.s32 s2, s4;
	[dreg:$0x4] =	wrdreg s6  }
0x13: {  	s4 =	sadd.s32 s5, s4;
	s6 =	sor.u32 $0x1C11, s24;
	[dreg:$0xa] =	wrdreg s0  }
.Ltmp0:
0x14: {  	[dreg:$0x6] =	wrdreg s6;
	s25 =	sadd.s32 $0x7E200, s2;
	(pc) =	sbr.rel .LBB2_1-.Ltmp0, $4  }
0x15: {  	s0 =	simm.s32 $0x1;
	s2 =	sadd.s32 $0x3800, s2;
	[dreg:$0x7] =	wrdreg s25  }
0x16: {  	s24 =	simm.s32 $0x6;
	s26 =	sadd.s32 $0x2E200, s4;
	[dreg:$0x8] =	wrdreg s2  }
0x17: {  	s5 =	simm.s32 $0xA;
	s6 =	simm.s32 $0x10;
	[dreg:$0x9] =	wrdreg s26  }
0x18: {  	s25 =	simm.s32 $0xCD00;
	s2 =	simm.s32 $0x12AC0;
	s26 =	simm.s32 $0x7  }
.LBB2_4:
0x19: {  	_ =	swait.ge [sflag:s5], $0x1F40  }
0x1a: {  	[sflag:s5] =	ssyncset.done $0x0  }
0x1b: {  	[sflag:s5] =	ssyncadd.s32 $0xFFFFE0C0  }
0x1c: {  	_ =	swait.ge [sflag:s7], $0x1F40  }
0x1d: {  	[sflag:s7] =	ssyncset.done $0x0  }
0x1e: {  	[sflag:s7] =	ssyncadd.s32 $0xFFFFE0C0  }
0x1f: {  	_ =	swait.ge [sflag:s8], $0x1F40  }
0x20: {  	[sflag:s8] =	ssyncset.done $0x0  }
0x21: {  	[sflag:s8] =	ssyncadd.s32 $0xFFFFE0C0  }
0x22: {  	_ =	swait.ge [sflag:s9], $0x1F40  }
0x23: {  	[sflag:s9] =	ssyncset.done $0x0  }
0x24: {  	[sflag:s9] =	ssyncadd.s32 $0xFFFFE0C0  }
0x25: {  	_ =	swait.ge [sflag:s10], $0x1F40  }
0x26: {  	[sflag:s10] =	ssyncset.done $0x0  }
0x27: {  	[sflag:s10] =	ssyncadd.s32 $0xFFFFE0C0  }
0x28: {  	_ =	swait.ge [sflag:s11], $0x1F40  }
0x29: {  	[sflag:s11] =	ssyncset.done $0x0  }
0x2a: {  	[sflag:s11] =	ssyncadd.s32 $0xFFFFE0C0  }
0x2b: {  	_ =	swait.ge [sflag:s6], $0x1F40  }
0x2c: {  	[sflag:s6] =	ssyncset.done $0x0  }
0x2d: {  	[sflag:s6] =	ssyncadd.s32 $0xFFFFE0C0  }
0x2e: {  	[bflag:$0x0] =	sbarrier.arrive $0xFFFF  }
0x2f: {  	s12 =	rddreg [dreg:$0x5]  }
0x30: {  	s13 =	rddreg [dreg:$0x9]  }
0x31: {  	s4 =	simm.s32 $0x12;
	s15 =	rddreg [dreg:$0xb];
	s12 =	sor.u32 $0x1C12, s12  }
0x32: {  	[hbm:s13@s6], [sflag:s12] =	dma.strided [spmem:s15@s29], $0x1400, s0, $0x8   }
0x33: {  	_ =	swait.ge [sflag:s4], $0x1400  }
0x34: {  	s12 =	rddreg [dreg:$0xc]  }
0x35: {  	[sflag:s4] =	ssyncset.done $0x0;
	s4 =	rddreg [dreg:$0xa];
	s13 =	sadd.s32 $0x1, s12  }
0x36: {  	p0 =	sne.s32 s13, s4  }
.Ltmp1:
0x37: {  	_ = 	snop;
	(pc) =	sbr.rel @!p0 .LBB2_5-.Ltmp1, $3  }
0x38: {  	_ =	sdelay $0x1  }
0x39: {  	s12 =	simm.s32 $0x12  }
0x3a: {  	[sflag:s12] =	ssyncadd.s32 $0xFFFFEC00  }
.LBB2_1:
0x3b: {  	[dreg:$0xc] =	wrdreg s13  }
0x3c: {  	s12 =	rddreg [dreg:$0x4]  }
0x3d: {  	s13 =	rddreg [dreg:$0x6]  }
0x3e: {  	[spmem:s15], [sflag:s13] =	dma.local [hbm:s12], $0x1400  }
0x3f: {  	s4 =	simm.s32 $0x12;
	s12 =	simm.s32 $0x0;
	s13 =	rddreg [dreg:$0x7]  }
0x40: {  	[tilespmem:s12], [sflag:$0x12] =	stream.linear.gather [hbm4b:s13+s12], $0x2800, $0x38;
	[tilespmem:$0x1EA00] =	vst v63  }
0x41: {  	_ =	swait.ge [sflag:s4], $0x2800  }
0x42: {  	[sflag:s4] =	ssyncset.done $0x0  }
0x43: {  	s15 =	simm.s32 $0x2800;
	s13 =	rddreg [dreg:$0x8];
	[sflag:s4] =	ssyncadd.s32 $0xFFFFD800  }
0x44: {  	[tilespmem:s15], [sflag:$0x12] =	stream.linear.gather [hbm4b:s13+s12], $0x2800, $0x38;
	[tilespmem:$0x1EA00] =	vst v63  }
0x45: {  	_ =	swait.ge [sflag:s4], $0x2800  }
0x46: {  	[sflag:s4] =	ssyncset.done $0x0  }
0x47: {  	s13 =	simm.s32 $0x11;
	[sflag:s4] =	ssyncadd.s32 $0xFFFFD800  }
0x48: {  	_ =	swait.ge [sflag:s13], $0x1400  }
0x49: {  	[sflag:s13] =	ssyncset.done $0x0  }
0x4a: {  	[sflag:s13] =	ssyncadd.s32 $0xFFFFEC00  }
0x4b: {  	[bflag:$0x0] =	sbarrier.arrive $0xFFFF  }
0x4c: {  	[tilespmem:s17], [sflag:$0x1] =	stream.indirect.gather [hbm4b:s1+s16], $0x40, s12, s16, $0xb8;
	[tilespmem:$0x1EA00] =	vst v63  }
0x4d: {  	s15 =	simm.s32 $0x80  }
0x4e: {  	[tilespmem:s19], [sflag:$0x2] =	stream.indirect.gather [hbm4b:s1+s16], $0x40, s15, s16, $0xb8;
	[tilespmem:$0x1EA00] =	vst v63  }
0x4f: {  	s12 =	simm.s32 $0x100  }
0x50: {  	[tilespmem:s21], [sflag:$0x3] =	stream.indirect.gather [hbm4b:s1+s16], $0x40, s12, s16, $0xb8;
	[tilespmem:$0x1EA00] =	vst v63  }
0x51: {  	s13 =	simm.s32 $0x180  }
0x52: {  	[tilespmem:s23], [sflag:$0x4] =	stream.indirect.gather [hbm4b:s1+s16], $0x40, s13, s16, $0xb8;
	[tilespmem:$0x1EA00] =	vst v63  }
0x53: {  	s15 =	simm.s32 $0x200  }
0x54: {  	[tilespmem:s25], [sflag:$0x5] =	stream.indirect.gather [hbm4b:s1+s16], $0x40, s15, s16, $0xb8;
	[tilespmem:$0x1EA00] =	vst v63  }
0x55: {  	s12 =	simm.s32 $0x280  }
0x56: {  	[tilespmem:s28], [sflag:$0x6] =	stream.indirect.gather [hbm4b:s1+s16], $0x40, s12, s16, $0xb8;
	[tilespmem:$0x1EA00] =	vst v63  }
0x57: {  	s13 =	simm.s32 $0x300  }
0x58: {  	[tilespmem:s30], [sflag:$0x7] =	stream.indirect.gather [hbm4b:s1+s16], $0x40, s13, s16, $0xb8;
	[tilespmem:$0x1EA00] =	vst v63  }
0x59: {  	s15 =	simm.s32 $0x380  }
0x5a: {  	[tilespmem:s2], [sflag:$0x8] =	stream.indirect.gather [hbm4b:s1+s16], $0x40, s15, s16, $0xb8;
	[tilespmem:$0x1EA00] =	vst v63  }
0x5b: {  	s15 =	simm.s32 $0x0  }
.LBB2_2:
0x5c: {  	_ =	swait.ge [sflag:s0], $0x1F40  }
0x5d: {  	s12 =	sshra.s32 s15, $0x2;
	[sflag:s0] =	ssyncset.done $0x0  }
0x5e: {  	s13 =	sadd.s32 $0x2800, s12;
	[sflag:s0] =	ssyncadd.s32 $0xFFFFE0C0  }
0x5f: {  	[spmem:s3] =	stream.indirect.scatter.add.f32 [tilespmem:s17], [sflag:$0x9], $0x40, s13, s16, $0xb8;
	[tilespmem:$0x1EA00] =	vst v63  }
0x60: {  	_ =	swait.ge [sflag:s14], $0x1F40  }
0x61: {  	[sflag:s14] =	ssyncset.done $0x0  }
0x62: {  	s4 =	sadd.s32 $0x2880, s12;
	[sflag:s14] =	ssyncadd.s32 $0xFFFFE0C0  }
0x63: {  	[spmem:s3] =	stream.indirect.scatter.add.f32 [tilespmem:s19], [sflag:$0xA], $0x40, s4, s16, $0xb8;
	[tilespmem:$0x1EA00] =	vst v63  }
0x64: {  	_ =	swait.ge [sflag:s18], $0x1F40  }
0x65: {  	[sflag:s18] =	ssyncset.done $0x0  }
0x66: {  	s4 =	sadd.s32 $0x2900, s12;
	[sflag:s18] =	ssyncadd.s32 $0xFFFFE0C0  }
0x67: {  	[spmem:s3] =	stream.indirect.scatter.add.f32 [tilespmem:s21], [sflag:$0xB], $0x40, s4, s16, $0xb8;
	[tilespmem:$0x1EA00] =	vst v63  }
0x68: {  	_ =	swait.ge [sflag:s20], $0x1F40  }
0x69: {  	[sflag:s20] =	ssyncset.done $0x0  }
0x6a: {  	s4 =	sadd.s32 $0x2980, s12;
	[sflag:s20] =	ssyncadd.s32 $0xFFFFE0C0  }
0x6b: {  	[spmem:s3] =	stream.indirect.scatter.add.f32 [tilespmem:s23], [sflag:$0xC], $0x40, s4, s16, $0xb8;
	[tilespmem:$0x1EA00] =	vst v63  }
0x6c: {  	_ =	swait.ge [sflag:s22], $0x1F40  }
0x6d: {  	[sflag:s22] =	ssyncset.done $0x0  }
0x6e: {  	s4 =	sadd.s32 $0x2A00, s12;
	[sflag:s22] =	ssyncadd.s32 $0xFFFFE0C0  }
0x6f: {  	[spmem:s3] =	stream.indirect.scatter.add.f32 [tilespmem:s25], [sflag:$0xD], $0x40, s4, s16, $0xb8;
	[tilespmem:$0x1EA00] =	vst v63  }
0x70: {  	_ =	swait.ge [sflag:s24], $0x1F40  }
0x71: {  	[sflag:s24] =	ssyncset.done $0x0  }
0x72: {  	s4 =	sadd.s32 $0x2A80, s12;
	[sflag:s24] =	ssyncadd.s32 $0xFFFFE0C0  }
0x73: {  	[spmem:s3] =	stream.indirect.scatter.add.f32 [tilespmem:s28], [sflag:$0xE], $0x40, s4, s16, $0xb8;
	[tilespmem:$0x1EA00] =	vst v63  }
0x74: {  	_ =	swait.ge [sflag:s26], $0x1F40  }
0x75: {  	[sflag:s26] =	ssyncset.done $0x0  }
0x76: {  	s4 =	sadd.s32 $0x2B00, s12;
	[sflag:s26] =	ssyncadd.s32 $0xFFFFE0C0  }
0x77: {  	[spmem:s3] =	stream.indirect.scatter.add.f32 [tilespmem:s30], [sflag:$0xF], $0x40, s4, s16, $0xb8;
	[tilespmem:$0x1EA00] =	vst v63  }
0x78: {  	_ =	swait.ge [sflag:s29], $0x1F40  }
0x79: {  	p0 =	seq.s32 s15, $0x9000;
	[sflag:s29] =	ssyncset.done $0x0  }
.Ltmp2:
0x7a: {  	s4 =	sadd.s32 $0x2B80, s12;
	[sflag:s29] =	ssyncadd.s32 $0xFFFFE0C0;
	(pc) =	sbr.rel @p0 .LBB2_4-.Ltmp2, $4  }
0x7b: {  	[spmem:s3] =	stream.indirect.scatter.add.f32 [tilespmem:s2], [sflag:$0x10], $0x40, s4, s16, $0xb8;
	[tilespmem:$0x1EA00] =	vst v63  }
0x7c: {  	_ =	swait.ge [sflag:s31], $0x1F40  }
0x7d: {  	[sflag:s31] =	ssyncset.done $0x0  }
0x7e: {  	[sflag:s31] =	ssyncadd.s32 $0xFFFFE0C0  }
0x7f: {  	s13 =	sadd.s32 $0x400, s12  }
0x80: {  	[tilespmem:s17], [sflag:$0x1] =	stream.indirect.gather [hbm4b:s1+s16], $0x40, s13, s16, $0xb8;
	[tilespmem:$0x1EA00] =	vst v63  }
0x81: {  	_ =	swait.ge [sflag:s5], $0x1F40  }
0x82: {  	[sflag:s5] =	ssyncset.done $0x0  }
0x83: {  	s4 =	sadd.s32 $0x480, s12;
	[sflag:s5] =	ssyncadd.s32 $0xFFFFE0C0  }
0x84: {  	[tilespmem:s19], [sflag:$0x2] =	stream.indirect.gather [hbm4b:s1+s16], $0x40, s4, s16, $0xb8;
	[tilespmem:$0x1EA00] =	vst v63  }
0x85: {  	_ =	swait.ge [sflag:s7], $0x1F40  }
0x86: {  	[sflag:s7] =	ssyncset.done $0x0  }
0x87: {  	s4 =	sadd.s32 $0x500, s12;
	[sflag:s7] =	ssyncadd.s32 $0xFFFFE0C0  }
0x88: {  	[tilespmem:s21], [sflag:$0x3] =	stream.indirect.gather [hbm4b:s1+s16], $0x40, s4, s16, $0xb8;
	[tilespmem:$0x1EA00] =	vst v63  }
0x89: {  	_ =	swait.ge [sflag:s8], $0x1F40  }
0x8a: {  	[sflag:s8] =	ssyncset.done $0x0  }
0x8b: {  	s4 =	sadd.s32 $0x580, s12;
	[sflag:s8] =	ssyncadd.s32 $0xFFFFE0C0  }
0x8c: {  	[tilespmem:s23], [sflag:$0x4] =	stream.indirect.gather [hbm4b:s1+s16], $0x40, s4, s16, $0xb8;
	[tilespmem:$0x1EA00] =	vst v63  }
0x8d: {  	_ =	swait.ge [sflag:s9], $0x1F40  }
0x8e: {  	[sflag:s9] =	ssyncset.done $0x0  }
0x8f: {  	s4 =	sadd.s32 $0x600, s12;
	[sflag:s9] =	ssyncadd.s32 $0xFFFFE0C0  }
0x90: {  	[tilespmem:s25], [sflag:$0x5] =	stream.indirect.gather [hbm4b:s1+s16], $0x40, s4, s16, $0xb8;
	[tilespmem:$0x1EA00] =	vst v63  }
0x91: {  	_ =	swait.ge [sflag:s10], $0x1F40  }
0x92: {  	[sflag:s10] =	ssyncset.done $0x0  }
0x93: {  	s4 =	sadd.s32 $0x680, s12;
	[sflag:s10] =	ssyncadd.s32 $0xFFFFE0C0  }
0x94: {  	[tilespmem:s28], [sflag:$0x6] =	stream.indirect.gather [hbm4b:s1+s16], $0x40, s4, s16, $0xb8;
	[tilespmem:$0x1EA00] =	vst v63  }
0x95: {  	_ =	swait.ge [sflag:s11], $0x1F40  }
0x96: {  	[sflag:s11] =	ssyncset.done $0x0  }
0x97: {  	s4 =	sadd.s32 $0x700, s12;
	[sflag:s11] =	ssyncadd.s32 $0xFFFFE0C0  }
0x98: {  	[tilespmem:s30], [sflag:$0x7] =	stream.indirect.gather [hbm4b:s1+s16], $0x40, s4, s16, $0xb8;
	[tilespmem:$0x1EA00] =	vst v63  }
.Ltmp3:
0x99: {  	_ = 	snop;
	(pc) =	sbr.rel .LBB2_2-.Ltmp3, $4  }
0x9a: {  	_ =	swait.ge [sflag:s6], $0x1F40  }
0x9b: {  	[sflag:s6] =	ssyncset.done $0x0  }
0x9c: {  	s15 =	sadd.s32 $0x1000, s15;
	s13 =	sadd.s32 $0x780, s12;
	[sflag:s6] =	ssyncadd.s32 $0xFFFFE0C0  }
0x9d: {  	[tilespmem:s2], [sflag:$0x8] =	stream.indirect.gather [hbm4b:s1+s16], $0x40, s13, s16, $0xb8;
	[tilespmem:$0x1EA00] =	vst v63  }
.LBB2_5:
0x9e: {  	_ =	sfence.sel $0x180000  }
0x9f: {  	[bflag:$0x0] =	sbarrier.arrive $0xFFFF  }
0xa0: {  	_ =	strace $0x9000004D  }
0xa1: {  	s0 =	stileid.u32;
	[bflag:$0x2] =	sbarrier.arrive $0xFFFF  }
0xa2: {  	p0 =	sne.s32 s0, $0x0;
	s0 =	rddreg [dreg:$0x3]  }
0xa3: {  	s0 =	sadd.s32 @!p0 $0x100000, s0  }
0xa4: {  	[sflag:s0] =	ssyncadd.tile.s32 @!p0 $0x1;
	_ =	shalt  }
.Lfunc_end2:
_tile_overlayer_lowered:
.L_overlay_start_2:
0xa5: {  	(tag) =	ssettag $0x2  }
0xa6: {  	s0 =	rddreg [dreg:$0x0];
	s2 =	stileid.u32  }
0xa7: {  	s1 =	rddreg [dreg:$0x1];
	p0 =	sne.s32 s2, $0x0  }
0xa8: {  	s3 =	rddreg [dreg:$0x2];
	[bflag:$0x3] =	sbarrier.arrive $0xFFFF;
	s2 =	simm.s32 @!p0 $0x1C12  }
0xa9: {  	[timem:s3], [sflag:s2] =	dma.local @!p0 [hbm:s0], s1  }
0xaa: {  	s0 =	simm.s32 @!p0 $0x12  }
0xab: {  	_ =	swait.ge @!p0 [sflag:s0], s1  }
0xac: {  	s1 =	ssub.s32 @!p0 $0x0, s1;
	[sflag:s0] =	ssyncset.done @!p0 $0x0  }
0xad: {  	[sflag:s0] =	ssyncadd.s32 @!p0 s1  }
0xae: {  	[bflag:$0x3] =	sbarrier.arrive $0xFFFF  }
0xaf: {  	_ =	shalt  }

// kernel: kernel.9.cloned.1.call-start
scs
__scs_entry_jumppad:
0x0: {  	(pc) =	sbr.rel $0x88, $3  }
0x1: {  	(tag) =	ssettag $0x0;
	lr =	simm.s32 $0x1  }
0x2: {  	[smem:$0x3F97] =	sst lr;
	_ =	strace $0xD0000000  }
0x3: {  	_ = 	snop  }
0x4: {  	_ = 	snop  }
0x5: {  	_ = 	snop  }
0x6: {  	_ = 	snop  }
0x7: {  	_ = 	snop  }
__scs_overlays_trampoline_lowered:
0x8: {  	[smem:$0x3FA6] =	sst s0  }
0x9: {  	[smem:$0x3FA7] =	sst s1  }
0xa: {  	[smem:$0x3FA8] =	sst s2  }
0xb: {  	[smem:$0x3FA9] =	sst s3  }
0xc: {  	[smem:$0x3FAA] =	sst s4  }
0xd: {  	[smem:$0x3FAB] =	sst s5  }
0xe: {  	[smem:$0x3FAC] =	sst s6  }
0xf: {  	[smem:$0x3FAD] =	sst s7  }
0x10: {  	[smem:$0x3FAE] =	sst s8  }
0x11: {  	[smem:$0x3FAF] =	sst s9;
	s0 =	simm.s32 @!p0 $0x0  }
0x12: {  	s1 =	sld [smem:$0x3F95];
	s0 =	simm.s32 @p0 $0x1  }
0x13: {  	[smem:$0x3FB0] =	sst s0;
	s0 =	simm.s32 @!p1 $0x0  }
0x14: {  	s2 =	sld [smem:$0x3F94];
	s0 =	simm.s32 @p1 $0x1  }
0x15: {  	[smem:$0x3FB1] =	sst s0;
	s0 =	simm.s32 @!p2 $0x0  }
0x16: {  	s3 =	sld [smem:$0x3FDB];
	s0 =	simm.s32 @p2 $0x1  }
0x17: {  	s4 =	simm.s32 $0x1BF5;
	[smem:$0x3FB3] =	sst s0  }
0x18: {  	s0 =	sld [smem:$0x3F96];
	_ =	swait.ge [sflag:s4], $0x0  }
0x19: {  	s7 =	sld [smem:$0x3F97]  }
0x1a: {  	s8 =	sadd.s32 $0xFFFFE003, lr  }
0x1b: {  	s9 =	sadd.s32 $0xFFFFFEF7, lr;
	s5 =	simm.s32 $0xFFFFFFFF;
	p2 =	slt.u32 s8, $0xFFFFF086  }
0x1c: {  	p1 =	slt.u32 s9, $0xF7A;
	s5 =	simm.s32 @!p2 $0x0  }
0x1d: {  	s5 =	simm.s32 @p1 $0x1;
	p0 =	seq.s32 s7, s2  }
0x1e: {  	s7 =	smul.u32 @!p0 $0xF7A, s2;
	p2 =	seq.s32 @!p0 s5, $0x0  }
0x1f: {  	s9 =	smul.u32 $0xF7A, s1;
	s8 =	simm.s32 @!p0 $0x1BF5;
	p2 =	por !p2, p0  }
0x20: {  	[sflag:s8] =	ssyncset.s32 @!p0 $0xFFFFF086;
	s6 =	sadd.s32 @!p0 s3, s7;
	s7 =	simm.s32 @!p0 $0x108  }
0x21: {  	s3 =	sadd.s32 s3, s9;
	s6 =	sadd.s32 @!p0 $0x88, s6;
	s7 =	simm.s32 @p2 $0x1082  }
0x22: {  	[simem:s7], [sflag:s8] =	dma.local @!p0 [hbm:s6], $0xF7A  }
0x23: {  	s9 =	sor.u32 $0xD0000000, s2;
	s6 =	simm.s32 $0x108;
	_ =	swait.ge @!p0 [sflag:s8], $0x0  }
0x24: {  	s3 =	sadd.s32 $0x88, s3;
	s6 =	simm.s32 @!p1 $0x1082;
	[sflag:s4] =	ssyncset.s32 $0xFFFFF086  }
0x25: {  	[simem:s6], [sflag:s4] =	dma.local [hbm:s3], $0xF7A  }
0x26: {  	[smem:$0x3F97] =	sst s1;
	(tag) =	ssettag s2;
	_ =	strace s9  }
0x27: {  	s1 =	sld [smem:$0x3FA7]  }
0x28: {  	s2 =	sld [smem:$0x3FA8]  }
0x29: {  	s4 =	sld [smem:$0x3FAA]  }
0x2a: {  	p0 =	seq.s32 s5, $0x0;
	s5 =	sld [smem:$0x3FAB]  }
0x2b: {  	s6 =	sld [smem:$0x3FAC]  }
0x2c: {  	s7 =	sld [smem:$0x3FAD]  }
0x2d: {  	s3 =	simm.s32 $0x108;
	s8 =	sld [smem:$0x3FAE]  }
0x2e: {  	s3 =	simm.s32 @!p0 $0x1082;
	s9 =	sld [smem:$0x3FAF]  }
0x2f: {  	lr =	sadd.s32 s0, s3;
	s0 =	sld [smem:$0x3FA6]  }
0x30: {  	s3 =	sld [smem:$0x3FA9]  }
0x31: {  	[smem:$0x3FB2] =	sst s10  }
0x32: {  	s10 =	sld [smem:$0x3FB0];
	_ =	sdelay $0x3  }
0x33: {  	p0 =	seq.s32 s10, $0x1;
	s10 =	sld [smem:$0x3FB2];
	_ =	sdelay $0x3  }
0x34: {  	[smem:$0x3FB2] =	sst s10  }
0x35: {  	s10 =	sld [smem:$0x3FB1];
	_ =	sdelay $0x3  }
0x36: {  	p1 =	seq.s32 s10, $0x1;
	s10 =	sld [smem:$0x3FB2];
	_ =	sdelay $0x3  }
0x37: {  	[smem:$0x3FB2] =	sst s10  }
0x38: {  	s10 =	sld [smem:$0x3FB3]  }
0x39: {  	_ = 	snop;
	(pc) =	sbr.ind lr, $3  }
0x3a: {  	_ = 	snop  }
0x3b: {  	_ = 	snop  }
0x3c: {  	p2 =	seq.s32 s10, $0x1;
	s10 =	sld [smem:$0x3FB2]  }
0x3d: {  	_ =	shalt  }
0x3e: {  	_ =	shalt  }
0x3f: {  	_ =	shalt  }
0x40: {  	_ =	shalt  }
0x41: {  	_ =	shalt  }
0x42: {  	_ =	shalt  }
0x43: {  	_ =	shalt  }
0x44: {  	_ =	shalt  }
0x45: {  	_ =	shalt  }
0x46: {  	_ =	shalt  }
0x47: {  	_ =	shalt  }
0x48: {  	_ =	shalt  }
0x49: {  	_ =	shalt  }
0x4a: {  	_ =	shalt  }
0x4b: {  	_ =	shalt  }
0x4c: {  	_ =	shalt  }
0x4d: {  	_ =	shalt  }
0x4e: {  	_ =	shalt  }
0x4f: {  	_ =	shalt  }
0x50: {  	_ =	shalt  }
0x51: {  	_ =	shalt  }
0x52: {  	_ =	shalt  }
0x53: {  	_ =	shalt  }
0x54: {  	_ =	shalt  }
0x55: {  	_ =	shalt  }
0x56: {  	_ =	shalt  }
0x57: {  	_ =	shalt  }
0x58: {  	_ =	shalt  }
0x59: {  	_ =	shalt  }
0x5a: {  	_ =	shalt  }
0x5b: {  	_ =	shalt  }
0x5c: {  	_ =	shalt  }
0x5d: {  	_ =	shalt  }
0x5e: {  	_ =	shalt  }
0x5f: {  	_ =	shalt  }
0x60: {  	_ =	shalt  }
0x61: {  	_ =	shalt  }
0x62: {  	_ =	shalt  }
0x63: {  	_ =	shalt  }
0x64: {  	_ =	shalt  }
0x65: {  	_ =	shalt  }
0x66: {  	_ =	shalt  }
0x67: {  	_ =	shalt  }
0x68: {  	_ =	shalt  }
0x69: {  	_ =	shalt  }
0x6a: {  	_ =	shalt  }
0x6b: {  	_ =	shalt  }
0x6c: {  	_ =	shalt  }
0x6d: {  	_ =	shalt  }
0x6e: {  	_ =	shalt  }
0x6f: {  	_ =	shalt  }
0x70: {  	_ =	shalt  }
0x71: {  	_ =	shalt  }
0x72: {  	_ =	shalt  }
0x73: {  	_ =	shalt  }
0x74: {  	_ =	shalt  }
0x75: {  	_ =	shalt  }
0x76: {  	_ =	shalt  }
0x77: {  	_ =	shalt  }
0x78: {  	_ =	shalt  }
0x79: {  	_ =	shalt  }
0x7a: {  	_ =	shalt  }
0x7b: {  	_ =	shalt  }
0x7c: {  	_ =	shalt  }
0x7d: {  	_ =	shalt  }
0x7e: {  	_ =	shalt  }
0x7f: {  	_ =	shalt  }
0x80: {  	_ =	shalt  }
0x81: {  	_ =	shalt  }
0x82: {  	_ =	shalt  }
0x83: {  	_ =	shalt  }
0x84: {  	_ =	shalt  }
0x85: {  	_ =	shalt  }
0x86: {  	_ =	shalt  }
0x87: {  	_ =	shalt  }
.Lfunc_end0:
.L_simem_size_0:
called_computation_lowered:
.L_overlay_start_0:
0x88: {  	s2 =	sld [smem:$0x3FD9]  }
0x89: {  	s3 =	sld [smem:$0x3FFE];
	_ =	sdelay $0x1  }
0x8a: {  	s1 =	srdreg.scid  }
0x8b: {  	s0 =	sand.u32 $0x1, s1  }
0x8c: {  	s17 =	sshll.u32 s0, $0xA;
	s2 =	sadd.s32 s3, s2  }
0x8d: {  	s2 =	sadd.s32 s2, s17  }
0x8e: {  	[smem:$0x3FBE] =	sst s2  }
0x8f: {  	_ = 	snop  }
0x90: {  	s2 =	sld [smem:$0x3FD0];
	(tm) =	ssettm $0x1  }
0x91: {  	s18 =	sld [smem:$0x3FFB];
	_ =	sdelay $0x3  }
0x92: {  	_ =	strace s18  }
0x93: {  	s3 =	sld [smem:$0x3FFC];
	_ =	sdelay $0x3  }
0x94: {  	_ =	strace s3  }
0x95: {  	s3 =	sld [smem:$0x3FFD];
	_ =	sdelay $0x3  }
0x96: {  	_ =	strace s3  }
0x97: {  	_ =	strace $0x8FFFFFFF  }
0x98: {  	s19 =	sld [smem:$0x3FDB];
	_ =	sdelay $0x1  }
0x99: {  	s4 =	simm.s32 $_scs_section_size  }
0x9a: {  	s5 =	simm.s32 $_size__tile_overlayer_lowered;
	s6 =	simm.s32 $_tile_overlayer_lowered  }
0x9b: {  	s22 =	simm.s32 $0x1BFF;
	s21 =	sshll.u32 s6, $0x1;
	s3 =	sadd.s32 s4, s19  }
0x9c: {  	s7 =	simm.s32 $0x0;
	s20 =	sshll.u32 s5, $0x1;
	s5 =	sadd.s32 s21, s3  }
0x9d: {  	[timem:s7], [sflag:s22] =	dma.local [hbm:s5], s20  }
0x9e: {  	_ =	swait.ge [sflag:s22], s20  }
0x9f: {  	s4 =	ssub.s32 $0x0, s20;
	[sflag:s22] =	ssyncset.done $0x0  }
0xa0: {  	[sflag:s22] =	ssyncadd.s32 s4;
	_ =	sdelay $0x1  }
0xa1: {  	s23 =	simm.s32 $0x1B8B  }
0xa2: {  	_ =	swait.ge [sflag:s23], $0x1  }
0xa3: {  	[sflag:s23] =	ssyncset.done $0x0  }
0xa4: {  	s25 =	simm.s32 $0x1B8E;
	s24 =	sld [smem:$0x3FFE];
	[sflag:s23] =	ssyncadd.s32 $0xFFFFFFFF  }
0xa5: {  	s26 =	simm.s32 $execute0_lowered;
	[smem:$0x3FD2] =	sst s25  }
0xa6: {  	s5 =	sshll.u32 s26, $0x1;
	_ =	strace $0x80000046;
	[dreg:$0x1] =	wrdreg $0xFFFFFFFF  }
0xa7: {  	s28 =	simm.s32 $_size_execute0_lowered;
	s3 =	sadd.s32 s3, s5;
	[dreg:$0x0] =	wrdreg $0x0  }
0xa8: {  	s5 =	sshll.u32 s28, $0x1;
	[dreg:$0x2] =	wrdreg s3  }
0xa9: {  	[dreg:$0x3] =	wrdreg s5  }
0xaa: {  	[dreg:$0x4] =	wrdreg $0xC0  }
0xab: {  	_ =	task [dreg:s7], $0x5FFFF  }
0xac: {  	[dreg:$0x1] =	wrdreg $0xFFFFFFFF  }
0xad: {  	[dreg:$0x0] =	wrdreg $0x60  }
0xae: {  	[dreg:$0x2] =	wrdreg s24  }
0xaf: {  	[dreg:$0x3] =	wrdreg s2  }
0xb0: {  	[dreg:$0x4] =	wrdreg $0x2BE80  }
0xb1: {  	[dreg:$0x5] =	wrdreg $0x9  }
0xb2: {  	_ =	task.clear_ibuf [dreg:s7], $0x6FFFF;
	_ =	strace $0x90000046  }
0xb3: {  	s29 =	simm.s32 $0x9;
	_ =	strace $0x80000048  }
0xb4: {  	_ =	swait.ge [sflag:s29], $0x1  }
0xb5: {  	[sflag:s29] =	ssyncadd.s32 $0xFFFFFFFF  }
0xb6: {  	_ =	strace $0x90000048  }
0xb7: {  	_ =	sfence  }
0xb8: {  	s30 =	sld [smem:$0x0];
	_ =	sdelay $0x2  }
0xb9: {  	s31 =	sshll.u32 s1, $0xD;
	s1 =	sshrl.u32 s1, $0x2  }
0xba: {  	s3 =	sand.u32 $0x4000, s31;
	s1 =	sadd.s32 s1, s30  }
0xbb: {  	s0 =	sor.u32 s3, s0;
	s1 =	sshll.u32 s1, $0x11  }
0xbc: {  	s0 =	sor.u32 s1, s0  }
0xbd: {  	s0 =	sadd.s32 $0x8F2B, s0  }
0xbe: {  	[sflag:s0] =	ssyncadd.remote.s32 $0x1  }
0xbf: {  	_ =	sfence.sel $0xFFFF  }
0xc0: {  	[dreg:$0x0] =	wrdreg $0xFFFFFFFF;
	(pc) =	sbr.abs _section_cstart, $3  }
0xc1: {  	[dreg:$0x1] =	wrdreg $0xFFFFFFFF  }
0xc2: {  	_ =	task.clear_ibuf [dreg:s7], $0x2FFFF;
	_ =	strace $0x9FFFFFFF  }
0xc3: {  	(tm) =	ssettm $0x7FFFFFFF  }
tec
execute0_lowered:
.L_overlay_start_1:
0x0: {  	(tag) =	ssettag $0x1  }
0x1: {  	s0 =	srdreg.scid;
	s1 =	rddreg [dreg:$0x0]  }
0x2: {  	s9 =	rddreg [dreg:$0x1];
	s12 =	stileid.u32  }
0x3: {  	s2 =	rddreg [dreg:$0x2];
	s13 =	simm.s32 $0x2800;
	s14 =	simm.s32 $0x9  }
0x4: {  	s15 =	simm.s32 $0x7D;
	s18 =	simm.s32 $0x180;
	s19 =	simm.s32 $0x200  }
0x5: {  	s20 =	simm.s32 $0x280;
	s21 =	simm.s32 $0x300;
	s22 =	simm.s32 $0x380  }
0x6: {  	s23 =	simm.s32 $0x1;
	s24 =	simm.s32 $0x2;
	s25 =	simm.s32 $0x3  }
0x7: {  	s26 =	simm.s32 $0x4;
	s28 =	simm.s32 $0x5;
	s29 =	simm.s32 $0x6  }
0x8: {  	s30 =	simm.s32 $0x7;
	s31 =	simm.s32 $0x8;
	s0 =	sand.u32 $0x1, s0  }
0x9: {  	s6 =	smul.u32 $0x1400, s12;
	s3 =	sshll.u32 s0, $0x4;
	s5 =	ssub.s32 $0x2, s0  }
0xa: {  	s0 =	smul.u32 $0x14000, s0;
	s4 =	sor.u32 s12, s3;
	s3 =	simm.s32 $0x0  }
0xb: {  	s7 =	sshrl.u32 s6, $0x3;
	s10 =	sshrl.u32 s5, $0x1;
	s11 =	sadd.s32 s6, s2  }
0xc: {  	s4 =	smul.u32 $0x500, s4;
	[smem:$0x7FF] =	sst s3;
	s10 =	ssub.s32 s5, s10  }
0xd: {  	s5 =	sshll.u32 s12, $0x6;
	s0 =	sadd.s32 s6, s0;
	s11 =	sshrl.u32 s11, $0x3  }
0xe: {  	s12 =	simm.s32 $0xA;
	_ =	strace $0x80000047;
	s0 =	sshrl.u32 s0, $0x3  }
0xf: {  	s10 =	smax.u32 s10, $0x1;
	s8 =	sadd.s32 s4, s1;
	s4 =	sadd.s32 $0xD800, s1  }
0x10: {  	s1 =	sadd.s32 s7, s1;
	s7 =	sor.u32 $0x1C09, s5;
	s9 =	sadd.s32 s9, s0  }
0x11: {  	s6 =	sadd.s32 $0xDA00, s1;
	s8 =	sadd.s32 $0x3800, s8;
	s1 =	simm.s32 $0x0  }
.LBB2_1:
0x12: {  	[spmem:s11], [sflag:s7] =	dma.local [hbm:s6], $0x280  }
0x13: {  	[tilespmem:s3], [sflag:$0xA] =	stream.linear.gather [hbm4b:s8+s3], $0x2800, $0x38;
	[tilespmem:$0x3FE8] =	vst v63  }
0x14: {  	_ =	swait.ge [sflag:s12], $0x2800  }
0x15: {  	[sflag:s12] =	ssyncset.done $0x0  }
0x16: {  	[sflag:s12] =	ssyncadd.s32 $0xFFFFD800  }
0x17: {  	[tilespmem:s13], [sflag:$0xA] =	stream.linear.gather [hbm4b:s4+s3], $0x3E8, $0x38;
	[tilespmem:$0x3FE8] =	vst v63  }
0x18: {  	_ =	swait.ge [sflag:s12], $0x3E8  }
0x19: {  	[sflag:s12] =	ssyncset.done $0x0  }
0x1a: {  	[sflag:s12] =	ssyncadd.s32 $0xFFFFFC18  }
0x1b: {  	_ =	swait.ge [sflag:s14], $0x280  }
0x1c: {  	[sflag:s14] =	ssyncset.done $0x0  }
0x1d: {  	[sflag:s14] =	ssyncadd.s32 $0xFFFFFD80  }
0x1e: {  	[bflag:$0x0] =	sbarrier.arrive $0xFFFF  }
0x1f: {  	[spmem:s2] =	stream.indirect.scatter.add.f32 [tilespmem:s13], [sflag:$0x1], $0x8, s3, s15, $0xb8;
	[tilespmem:$0x3FE8] =	vst v63  }
0x20: {  	s0 =	simm.s32 $0x80  }
0x21: {  	[spmem:s2] =	stream.indirect.scatter.add.f32 [tilespmem:s13], [sflag:$0x2], $0x8, s0, s15, $0xb8;
	[tilespmem:$0x3FE8] =	vst v63  }
0x22: {  	s16 =	simm.s32 $0x100  }
0x23: {  	[spmem:s2] =	stream.indirect.scatter.add.f32 [tilespmem:s13], [sflag:$0x3], $0x8, s16, s15, $0xb8;
	[tilespmem:$0x3FE8] =	vst v63  }
0x24: {  	_ = 	snop  }
0x25: {  	[spmem:s2] =	stream.indirect.scatter.add.f32 [tilespmem:s13], [sflag:$0x4], $0x8, s18, s15, $0xb8;
	[tilespmem:$0x3FE8] =	vst v63  }
0x26: {  	_ = 	snop  }
0x27: {  	[spmem:s2] =	stream.indirect.scatter.add.f32 [tilespmem:s13], [sflag:$0x5], $0x8, s19, s15, $0xb8;
	[tilespmem:$0x3FE8] =	vst v63  }
0x28: {  	_ = 	snop  }
0x29: {  	[spmem:s2] =	stream.indirect.scatter.add.f32 [tilespmem:s13], [sflag:$0x6], $0x8, s20, s15, $0xb8;
	[tilespmem:$0x3FE8] =	vst v63  }
0x2a: {  	_ = 	snop  }
0x2b: {  	[spmem:s2] =	stream.indirect.scatter.add.f32 [tilespmem:s13], [sflag:$0x7], $0x8, s21, s15, $0xb8;
	[tilespmem:$0x3FE8] =	vst v63  }
0x2c: {  	_ = 	snop  }
0x2d: {  	[spmem:s2] =	stream.indirect.scatter.add.f32 [tilespmem:s13], [sflag:$0x8], $0x8, s22, s15, $0xb8;
	[tilespmem:$0x3FE8] =	vst v63  }
0x2e: {  	_ =	swait.ge [sflag:s23], $0x3E8  }
0x2f: {  	[sflag:s23] =	ssyncset.done $0x0  }
0x30: {  	s17 =	simm.s32 $0x400;
	[sflag:s23] =	ssyncadd.s32 $0xFFFFFC18  }
0x31: {  	[spmem:s2] =	stream.indirect.scatter.add.f32 [tilespmem:s13], [sflag:$0x1], $0x8, s17, s15, $0xb8;
	[tilespmem:$0x3FE8] =	vst v63  }
0x32: {  	_ =	swait.ge [sflag:s24], $0x3E8  }
0x33: {  	[sflag:s24] =	ssyncset.done $0x0  }
0x34: {  	s16 =	simm.s32 $0x480;
	[sflag:s24] =	ssyncadd.s32 $0xFFFFFC18  }
0x35: {  	[spmem:s2] =	stream.indirect.scatter.add.f32 [tilespmem:s13], [sflag:$0x2], $0x8, s16, s15, $0xb8;
	[tilespmem:$0x3FE8] =	vst v63  }
0x36: {  	_ =	swait.ge [sflag:s25], $0x3E8  }
0x37: {  	[sflag:s25] =	ssyncset.done $0x0  }
0x38: {  	s17 =	simm.s32 $0x500;
	[sflag:s25] =	ssyncadd.s32 $0xFFFFFC18  }
0x39: {  	[spmem:s2] =	stream.indirect.scatter.add.f32 [tilespmem:s13], [sflag:$0x3], $0x8, s17, s15, $0xb8;
	[tilespmem:$0x3FE8] =	vst v63  }
0x3a: {  	_ =	swait.ge [sflag:s26], $0x3E8  }
0x3b: {  	[sflag:s26] =	ssyncset.done $0x0  }
0x3c: {  	s16 =	simm.s32 $0x580;
	[sflag:s26] =	ssyncadd.s32 $0xFFFFFC18  }
0x3d: {  	[spmem:s2] =	stream.indirect.scatter.add.f32 [tilespmem:s13], [sflag:$0x4], $0x8, s16, s15, $0xb8;
	[tilespmem:$0x3FE8] =	vst v63  }
0x3e: {  	_ =	swait.ge [sflag:s28], $0x3E8  }
0x3f: {  	[sflag:s28] =	ssyncset.done $0x0  }
0x40: {  	s17 =	simm.s32 $0x600;
	[sflag:s28] =	ssyncadd.s32 $0xFFFFFC18  }
0x41: {  	[spmem:s2] =	stream.indirect.scatter.add.f32 [tilespmem:s13], [sflag:$0x5], $0x8, s17, s15, $0xb8;
	[tilespmem:$0x3FE8] =	vst v63  }
0x42: {  	_ =	swait.ge [sflag:s29], $0x3E8  }
0x43: {  	[sflag:s29] =	ssyncset.done $0x0  }
0x44: {  	s16 =	simm.s32 $0x680;
	[sflag:s29] =	ssyncadd.s32 $0xFFFFFC18  }
0x45: {  	[spmem:s2] =	stream.indirect.scatter.add.f32 [tilespmem:s13], [sflag:$0x6], $0x8, s16, s15, $0xb8;
	[tilespmem:$0x3FE8] =	vst v63  }
0x46: {  	_ =	swait.ge [sflag:s30], $0x3E8  }
0x47: {  	[sflag:s30] =	ssyncset.done $0x0  }
0x48: {  	s17 =	simm.s32 $0x700;
	[sflag:s30] =	ssyncadd.s32 $0xFFFFFC18  }
0x49: {  	[spmem:s2] =	stream.indirect.scatter.add.f32 [tilespmem:s13], [sflag:$0x7], $0x8, s17, s15, $0xb8;
	[tilespmem:$0x3FE8] =	vst v63  }
0x4a: {  	_ =	swait.ge [sflag:s31], $0x3E8  }
0x4b: {  	[sflag:s31] =	ssyncset.done $0x0  }
0x4c: {  	s0 =	simm.s32 $0x1000;
	s16 =	simm.s32 $0x780;
	[sflag:s31] =	ssyncadd.s32 $0xFFFFFC18  }
.LBB2_2:
0x4d: {  	[spmem:s2] =	stream.indirect.scatter.add.f32 [tilespmem:s13], [sflag:$0x8], $0x8, s16, s15, $0xb8;
	[tilespmem:$0x3FE8] =	vst v63  }
0x4e: {  	s16 =	smov.u32 s0  }
0x4f: {  	p0 =	sne.s32 s0, $0x8000;
	s0 =	sadd.s32 $0x1000, s0;
	_ =	swait.ge [sflag:s23], $0x3E8  }
0x50: {  	s16 =	sshra.s32 s16, $0x2;
	[sflag:s23] =	ssyncset.done $0x0  }
0x51: {  	s17 =	sadd.s32 $0x400, s16;
	[sflag:s23] =	ssyncadd.s32 $0xFFFFFC18  }
0x52: {  	[spmem:s2] =	stream.indirect.scatter.add.f32 [tilespmem:s13], [sflag:$0x1], $0x8, s17, s15, $0xb8;
	[tilespmem:$0x3FE8] =	vst v63  }
0x53: {  	_ =	swait.ge [sflag:s24], $0x3E8  }
0x54: {  	[sflag:s24] =	ssyncset.done $0x0  }
0x55: {  	s17 =	sadd.s32 $0x480, s16;
	[sflag:s24] =	ssyncadd.s32 $0xFFFFFC18  }
0x56: {  	[spmem:s2] =	stream.indirect.scatter.add.f32 [tilespmem:s13], [sflag:$0x2], $0x8, s17, s15, $0xb8;
	[tilespmem:$0x3FE8] =	vst v63  }
0x57: {  	_ =	swait.ge [sflag:s25], $0x3E8  }
0x58: {  	[sflag:s25] =	ssyncset.done $0x0  }
0x59: {  	s17 =	sadd.s32 $0x500, s16;
	[sflag:s25] =	ssyncadd.s32 $0xFFFFFC18  }
0x5a: {  	[spmem:s2] =	stream.indirect.scatter.add.f32 [tilespmem:s13], [sflag:$0x3], $0x8, s17, s15, $0xb8;
	[tilespmem:$0x3FE8] =	vst v63  }
0x5b: {  	_ =	swait.ge [sflag:s26], $0x3E8  }
0x5c: {  	[sflag:s26] =	ssyncset.done $0x0  }
0x5d: {  	s17 =	sadd.s32 $0x580, s16;
	[sflag:s26] =	ssyncadd.s32 $0xFFFFFC18  }
0x5e: {  	[spmem:s2] =	stream.indirect.scatter.add.f32 [tilespmem:s13], [sflag:$0x4], $0x8, s17, s15, $0xb8;
	[tilespmem:$0x3FE8] =	vst v63  }
0x5f: {  	_ =	swait.ge [sflag:s28], $0x3E8  }
0x60: {  	[sflag:s28] =	ssyncset.done $0x0  }
0x61: {  	s17 =	sadd.s32 $0x600, s16;
	[sflag:s28] =	ssyncadd.s32 $0xFFFFFC18  }
0x62: {  	[spmem:s2] =	stream.indirect.scatter.add.f32 [tilespmem:s13], [sflag:$0x5], $0x8, s17, s15, $0xb8;
	[tilespmem:$0x3FE8] =	vst v63  }
0x63: {  	_ =	swait.ge [sflag:s29], $0x3E8  }
0x64: {  	[sflag:s29] =	ssyncset.done $0x0  }
0x65: {  	s17 =	sadd.s32 $0x680, s16;
	[sflag:s29] =	ssyncadd.s32 $0xFFFFFC18  }
0x66: {  	[spmem:s2] =	stream.indirect.scatter.add.f32 [tilespmem:s13], [sflag:$0x6], $0x8, s17, s15, $0xb8;
	[tilespmem:$0x3FE8] =	vst v63  }
0x67: {  	_ =	swait.ge [sflag:s30], $0x3E8  }
0x68: {  	[sflag:s30] =	ssyncset.done $0x0  }
.Ltmp0:
0x69: {  	s17 =	sadd.s32 $0x700, s16;
	[sflag:s30] =	ssyncadd.s32 $0xFFFFFC18;
	(pc) =	sbr.rel @p0 .LBB2_2-.Ltmp0, $4  }
0x6a: {  	[spmem:s2] =	stream.indirect.scatter.add.f32 [tilespmem:s13], [sflag:$0x7], $0x8, s17, s15, $0xb8;
	[tilespmem:$0x3FE8] =	vst v63  }
0x6b: {  	_ =	swait.ge [sflag:s31], $0x3E8  }
0x6c: {  	[sflag:s31] =	ssyncset.done $0x0  }
0x6d: {  	s16 =	sadd.s32 $0x780, s16;
	[sflag:s31] =	ssyncadd.s32 $0xFFFFFC18  }
0x6e: {  	[spmem:s2] =	stream.indirect.scatter.add.f32 [tilespmem:s13], [sflag:$0x8], $0x8, s16, s15, $0xb8;
	[tilespmem:$0x3FE8] =	vst v63  }
0x6f: {  	_ =	swait.ge [sflag:s23], $0x3E8  }
0x70: {  	[sflag:s23] =	ssyncset.done $0x0  }
0x71: {  	[sflag:s23] =	ssyncadd.s32 $0xFFFFFC18  }
0x72: {  	_ =	swait.ge [sflag:s24], $0x3E8  }
0x73: {  	[sflag:s24] =	ssyncset.done $0x0  }
0x74: {  	[sflag:s24] =	ssyncadd.s32 $0xFFFFFC18  }
0x75: {  	_ =	swait.ge [sflag:s25], $0x3E8  }
0x76: {  	[sflag:s25] =	ssyncset.done $0x0  }
0x77: {  	[sflag:s25] =	ssyncadd.s32 $0xFFFFFC18  }
0x78: {  	_ =	swait.ge [sflag:s26], $0x3E8  }
0x79: {  	[sflag:s26] =	ssyncset.done $0x0  }
0x7a: {  	[sflag:s26] =	ssyncadd.s32 $0xFFFFFC18  }
0x7b: {  	_ =	swait.ge [sflag:s28], $0x3E8  }
0x7c: {  	[sflag:s28] =	ssyncset.done $0x0  }
0x7d: {  	[sflag:s28] =	ssyncadd.s32 $0xFFFFFC18  }
0x7e: {  	_ =	swait.ge [sflag:s29], $0x3E8  }
0x7f: {  	[sflag:s29] =	ssyncset.done $0x0  }
0x80: {  	[sflag:s29] =	ssyncadd.s32 $0xFFFFFC18  }
0x81: {  	_ =	swait.ge [sflag:s30], $0x3E8  }
0x82: {  	[sflag:s30] =	ssyncset.done $0x0  }
0x83: {  	[sflag:s30] =	ssyncadd.s32 $0xFFFFFC18  }
0x84: {  	_ =	swait.ge [sflag:s31], $0x3E8  }
0x85: {  	s1 =	sadd.s32 $0x1, s1;
	[sflag:s31] =	ssyncset.done $0x0  }
0x86: {  	p0 =	sne.s32 s1, s10;
	[sflag:s31] =	ssyncadd.s32 $0xFFFFFC18  }
.Ltmp1:
0x87: {  	s0 =	sor.u32 $0x1C0A, s5;
	[bflag:$0x0] =	sbarrier.arrive $0xFFFF;
	(pc) =	sbr.rel @p0 .LBB2_1-.Ltmp1, $4  }
0x88: {  	[hbm:s9], [sflag:s0] =	dma.local [spmem:s11], $0x280  }
0x89: {  	_ =	swait.ge [sflag:s12], $0x280  }
0x8a: {  	[sflag:s12] =	ssyncset.done $0x0  }
0x8b: {  	[sflag:s12] =	ssyncadd.s32 $0xFFFFFD80  }
0x8c: {  	_ =	sfence.sel $0x180000  }
0x8d: {  	[bflag:$0x0] =	sbarrier.arrive $0xFFFF  }
0x8e: {  	_ =	strace $0x90000047  }
0x8f: {  	s0 =	stileid.u32;
	[bflag:$0x2] =	sbarrier.arrive $0xFFFF  }
0x90: {  	p0 =	sne.s32 s0, $0x0;
	s0 =	rddreg [dreg:$0x3]  }
0x91: {  	s0 =	sadd.s32 @!p0 $0x100000, s0  }
0x92: {  	[sflag:s0] =	ssyncadd.tile.s32 @!p0 $0x1;
	_ =	shalt  }
.Lfunc_end2:
_tile_overlayer_lowered:
.L_overlay_start_2:
0x93: {  	(tag) =	ssettag $0x2  }
0x94: {  	s0 =	rddreg [dreg:$0x0];
	s2 =	stileid.u32  }
0x95: {  	s1 =	rddreg [dreg:$0x1];
	p0 =	sne.s32 s2, $0x0  }
0x96: {  	s3 =	rddreg [dreg:$0x2];
	[bflag:$0x3] =	sbarrier.arrive $0xFFFF;
	s2 =	simm.s32 @!p0 $0x1C0A  }
0x97: {  	[timem:s3], [sflag:s2] =	dma.local @!p0 [hbm:s0], s1  }
0x98: {  	s0 =	simm.s32 @!p0 $0xA  }
0x99: {  	_ =	swait.ge @!p0 [sflag:s0], s1  }
0x9a: {  	s1 =	ssub.s32 @!p0 $0x0, s1;
	[sflag:s0] =	ssyncset.done @!p0 $0x0  }
0x9b: {  	[sflag:s0] =	ssyncadd.s32 @!p0 s1  }
0x9c: {  	[bflag:$0x3] =	sbarrier.arrive $0xFFFF  }
0x9d: {  	_ =	shalt  }

</sc_bundles>
